<compile_context>
chip_gen: v7x
topology: tpu7x:2x2x1
jax: 0.10.2.dev20260603
libtpu: 0.0.44.dev20260713+nightly
codegen_flags: <defaults>
</compile_context>

<pallas_src>
import functools

import jax
import jax.numpy as jnp
from jax import lax
from jax.experimental import pallas as pl
from jax.experimental.pallas import tpu as pltpu
from jax.experimental.pallas import tpu_sc as plsc

B, L, D = 4096, 50, 64
NC, NS = 2, 16
NW = NC * NS
CB = B // NW
SUB = 4
NSUB = CB // SUB
ROWS = SUB * L
LANES = 16


def _scores(sidx, uidx, pidx, nidx, dpos, dneg, ui_table, item_table):
    mesh = plsc.VectorSubcoreMesh(core_axis_name="c", subcore_axis_name="s")

    @functools.partial(
        pl.kernel,
        out_type=(
            jax.ShapeDtypeStruct((B,), jnp.float32),
            jax.ShapeDtypeStruct((B,), jnp.float32),
        ),
        mesh=mesh,
        compiler_params=pltpu.CompilerParams(needs_layout_passes=False,
                                             use_tc_tiling_on_sc=False),
        scratch_types=[
            pltpu.VMEM((CB * L,), jnp.int32),
            pltpu.VMEM((CB,), jnp.int32),
            pltpu.VMEM((CB,), jnp.int32),
            pltpu.VMEM((CB,), jnp.int32),
            pltpu.VMEM((CB,), jnp.float32),
            pltpu.VMEM((CB,), jnp.float32),
            pltpu.VMEM((ROWS, D), jnp.float32),
            pltpu.VMEM((ROWS, D), jnp.float32),
            pltpu.VMEM((ROWS, D), jnp.float32),
            pltpu.VMEM((CB, D), jnp.float32),
            pltpu.VMEM((CB, D), jnp.float32),
            pltpu.VMEM((CB, D), jnp.float32),
            pltpu.VMEM((CB, D), jnp.float32),
            pltpu.VMEM((CB,), jnp.float32),
            pltpu.VMEM((CB,), jnp.float32),
            pltpu.VMEM((1, D), jnp.float32),
            pltpu.SemaphoreType.DMA,
            pltpu.SemaphoreType.DMA,
            pltpu.SemaphoreType.DMA,
            pltpu.SemaphoreType.DMA,
            pltpu.SemaphoreType.DMA,
            pltpu.SemaphoreType.DMA,
        ],
    )
    def k(sidx_hbm, uidx_hbm, pidx_hbm, nidx_hbm, dpos_hbm, dneg_hbm,
          ui_hbm, item_hbm, opos_hbm, oneg_hbm,
          sidx_v, uidx_v, pidx_v, nidx_v, dpos_v, dneg_v,
          stage0, stage1, stage2, ui_rows, pos_rows, neg_rows, acc_v,
          opos_v, oneg_v, t0_v, sem_u, sem_p, sem_n,
          sem_s0, sem_s1, sem_s2):
        wid = lax.axis_index("s") * NC + lax.axis_index("c")
        base = wid * CB

        pltpu.sync_copy(sidx_hbm.at[pl.ds(base * L, CB * L)], sidx_v)
        pltpu.sync_copy(uidx_hbm.at[pl.ds(base, CB)], uidx_v)
        pltpu.sync_copy(pidx_hbm.at[pl.ds(base, CB)], pidx_v)
        pltpu.sync_copy(nidx_hbm.at[pl.ds(base, CB)], nidx_v)
        pltpu.sync_copy(dpos_hbm.at[pl.ds(base, CB)], dpos_v)
        pltpu.sync_copy(dneg_hbm.at[pl.ds(base, CB)], dneg_v)
        pltpu.sync_copy(item_hbm.at[pl.ds(0, 1)], t0_v)

        cu = pltpu.async_copy(ui_hbm.at[uidx_v], ui_rows, sem_u)
        cp = pltpu.async_copy(item_hbm.at[pidx_v], pos_rows, sem_p)
        cn = pltpu.async_copy(item_hbm.at[nidx_v], neg_rows, sem_n)

        stages = (stage0, stage1, stage2)
        sems = (sem_s0, sem_s1, sem_s2)
        handles = [
            pltpu.async_copy(item_hbm.at[sidx_v.at[pl.ds(0, ROWS)]],
                             stage0, sem_s0),
            pltpu.async_copy(item_hbm.at[sidx_v.at[pl.ds(ROWS, ROWS)]],
                             stage1, sem_s1),
            None,
        ]
        for s in range(NSUB):
            buf = s % 3
            if s + 2 < NSUB:
                nb = (s + 2) % 3
                handles[nb] = pltpu.async_copy(
                    item_hbm.at[sidx_v.at[pl.ds((s + 2) * ROWS, ROWS)]],
                    stages[nb], sems[nb])
            handles[buf].wait()
            st = stages[buf]

            def outer(bl, _, s=s, st=st):
                b = s * SUB + bl

                def inner(l, carry, bl=bl, st=st):
                    a0, a1, a2, a3 = carry
                    r = bl * L + l
                    return (a0 + st[r, pl.ds(0, LANES)],
                            a1 + st[r, pl.ds(LANES, LANES)],
                            a2 + st[r, pl.ds(2 * LANES, LANES)],
                            a3 + st[r, pl.ds(3 * LANES, LANES)])

                z = jnp.zeros((LANES,), jnp.float32)
                a0, a1, a2, a3 = lax.fori_loop(0, L, inner, (z, z, z, z))
                acc_v[b, pl.ds(0, LANES)] = a0
                acc_v[b, pl.ds(LANES, LANES)] = a1
                acc_v[b, pl.ds(2 * LANES, LANES)] = a2
                acc_v[b, pl.ds(3 * LANES, LANES)] = a3
                return 0

            lax.fori_loop(0, SUB, outer, 0)

        cu.wait()
        cp.wait()
        cn.wait()

        iota = lax.iota(jnp.int32, LANES)
        for g in range(CB // LANES):
            rbase = g * LANES
            rows_idx = iota + rbase

            def cbody(l, n0):
                sv = plsc.load_gather(sidx_v, [rbase * L + iota * L + l])
                return n0 + jnp.where(sv == 0, jnp.float32(1), jnp.float32(0))

            n0 = lax.fori_loop(0, L, cbody, jnp.zeros((LANES,), jnp.float32))
            inv = jnp.float32(1) / (jnp.float32(L) - n0 + jnp.float32(1e-9))

            zrow = jnp.zeros((LANES,), jnp.int32)

            def dbody(d, carry):
                ps, ns = carry
                dcol = jnp.full((LANES,), d, jnp.int32)
                t0c = plsc.load_gather(t0_v, [zrow, dcol])
                a = plsc.load_gather(acc_v, [rows_idx, dcol]) - n0 * t0c
                u = plsc.load_gather(ui_rows, [rows_idx, dcol]) + a * inv
                p = plsc.load_gather(pos_rows, [rows_idx, dcol])
                nn = plsc.load_gather(neg_rows, [rows_idx, dcol])
                return (ps + u * p, ns + u * nn)

            z = jnp.zeros((LANES,), jnp.float32)
            ps, ns = lax.fori_loop(0, D, dbody, (z, z))
            opos_v[pl.ds(rbase, LANES)] = ps - dpos_v[pl.ds(rbase, LANES)]
            oneg_v[pl.ds(rbase, LANES)] = ns - dneg_v[pl.ds(rbase, LANES)]

        pltpu.sync_copy(opos_v, opos_hbm.at[pl.ds(base, CB)])
        pltpu.sync_copy(oneg_v, oneg_hbm.at[pl.ds(base, CB)])

    return k(sidx, uidx, pidx, nidx, dpos, dneg, ui_table, item_table)


def kernel(user_inputs, seq_inputs, pos_inputs, neg_inputs, distance_pos,
           distance_neg, ui_table, item_table):
    sidx = seq_inputs.reshape(-1).astype(jnp.int32)
    uidx = user_inputs.reshape(-1).astype(jnp.int32)
    pidx = pos_inputs.reshape(-1).astype(jnp.int32)
    nidx = neg_inputs.reshape(-1).astype(jnp.int32)
    dpos = distance_pos.reshape(-1).astype(jnp.float32)
    dneg = distance_neg.reshape(-1).astype(jnp.float32)
    pos_s, neg_s = _scores(sidx, uidx, pidx, nidx, dpos, dneg,
                           ui_table, item_table)
    return (pos_s.reshape(B, 1), neg_s.reshape(B, 1))

# --- scband reference (transcript-rebuilt; emitter-appended) ---
"""Pipeline reference for scband-linear-model-71262097375960 (READ-ONLY COPY).

The authoritative reference and input builder live on the scoring server;
editing this copy changes nothing except your own understanding.
"""

import jax, jax.numpy as jnp
import numpy as np

B, L, D = 4096, 50, 64
U_VOCAB, I_VOCAB = 100000, 1000000


def setup_inputs(seed: int = 0) -> dict:
    key = jax.random.key(seed)
    ks = jax.random.split(key, 8)
    user_inputs = jax.random.randint(ks[0], (B, 1), 0, U_VOCAB)
    seq_inputs = jax.random.randint(ks[1], (B, L), 0, I_VOCAB)
    pos_inputs = jax.random.randint(ks[2], (B, 1), 0, I_VOCAB)
    neg_inputs = jax.random.randint(ks[3], (B, 1), 0, I_VOCAB)
    distance_pos = jax.random.uniform(ks[4], (B, 1), dtype=jnp.float32)
    distance_neg = jax.random.uniform(ks[5], (B, 1), dtype=jnp.float32)
    ui_table = jax.random.normal(ks[6], (U_VOCAB, D), dtype=jnp.float32) * 0.05
    item_table = jax.random.normal(ks[7], (I_VOCAB, D), dtype=jnp.float32) * 0.05
    return {
        'user_inputs': user_inputs,
        'seq_inputs': seq_inputs,
        'pos_inputs': pos_inputs,
        'neg_inputs': neg_inputs,
        'distance_pos': distance_pos,
        'distance_neg': distance_neg,
        'ui_table': ui_table,
        'item_table': item_table,
    }


def _pmfc(ui_embed, seq_embed, item_embed, mask, distance):
    # masked mean pooling of the item history sequence
    seq_sum = jnp.sum(seq_embed * mask[..., None], axis=1)
    seq_mean = seq_sum / (jnp.sum(mask, axis=1, keepdims=True) + 1e-9)
    u = ui_embed[:, 0, :] + seq_mean
    # mode == 'inner': inner-product score shifted by spatial distance
    score = jnp.sum(u * item_embed[:, 0, :], axis=-1, keepdims=True) - distance
    return score


def reference(user_inputs, seq_inputs, pos_inputs, neg_inputs, distance_pos, distance_neg, ui_table, item_table):
    mask = (seq_inputs != 0).astype(jnp.float32)
    ui_embed = jnp.take(ui_table, user_inputs, axis=0)      # [B, 1, D]
    seq_embed = jnp.take(item_table, seq_inputs, axis=0)    # [B, L, D]
    pos_embed = jnp.take(item_table, pos_inputs, axis=0)    # [B, 1, D]
    neg_embed = jnp.take(item_table, neg_inputs, axis=0)    # [B, 1, D]
    pos_score = _pmfc(ui_embed, seq_embed, pos_embed, mask, distance_pos)
    neg_score = _pmfc(ui_embed, seq_embed, neg_embed, mask, distance_neg)
    return (pos_score, neg_score)

if __name__ == "__main__":
    import jax
    _d = setup_inputs()
    print(jax.jit(kernel)(*tuple(_d.values())))

</pallas_src>

<mosaic_0001>
#map = affine_map<(d0, d1) -> (0)>
#map1 = affine_map<(d0, d1) -> (0, 0)>
module attributes {stable_mosaic.version = 14 : i64} {
  func.func @k(%arg0: i32, %arg1: i32, %arg2: memref<204800xi32, #tpu.memory_space<hbm>>, %arg3: memref<4096xi32, #tpu.memory_space<hbm>>, %arg4: memref<4096xi32, #tpu.memory_space<hbm>>, %arg5: memref<4096xi32, #tpu.memory_space<hbm>>, %arg6: memref<4096xf32, #tpu.memory_space<hbm>>, %arg7: memref<4096xf32, #tpu.memory_space<hbm>>, %arg8: memref<100000x64xf32, #tpu.memory_space<hbm>>, %arg9: memref<1000000x64xf32, #tpu.memory_space<hbm>>, %arg10: memref<4096xf32, #tpu.memory_space<hbm>>, %arg11: memref<4096xf32, #tpu.memory_space<hbm>>, %arg12: memref<6400xi32, #tpu.memory_space<vmem>>, %arg13: memref<128xi32, #tpu.memory_space<vmem>>, %arg14: memref<128xi32, #tpu.memory_space<vmem>>, %arg15: memref<128xi32, #tpu.memory_space<vmem>>, %arg16: memref<128xf32, #tpu.memory_space<vmem>>, %arg17: memref<128xf32, #tpu.memory_space<vmem>>, %arg18: memref<200x64xf32, #tpu.memory_space<vmem>>, %arg19: memref<200x64xf32, #tpu.memory_space<vmem>>, %arg20: memref<200x64xf32, #tpu.memory_space<vmem>>, %arg21: memref<128x64xf32, #tpu.memory_space<vmem>>, %arg22: memref<128x64xf32, #tpu.memory_space<vmem>>, %arg23: memref<128x64xf32, #tpu.memory_space<vmem>>, %arg24: memref<128x64xf32, #tpu.memory_space<vmem>>, %arg25: memref<128xf32, #tpu.memory_space<vmem>>, %arg26: memref<128xf32, #tpu.memory_space<vmem>>, %arg27: memref<1x64xf32, #tpu.memory_space<vmem>>, %arg28: memref<!tpu.dma_semaphore, #tpu.memory_space<semaphore_mem>>, %arg29: memref<!tpu.dma_semaphore, #tpu.memory_space<semaphore_mem>>, %arg30: memref<!tpu.dma_semaphore, #tpu.memory_space<semaphore_mem>>, %arg31: memref<!tpu.dma_semaphore, #tpu.memory_space<semaphore_mem>>, %arg32: memref<!tpu.dma_semaphore, #tpu.memory_space<semaphore_mem>>, %arg33: memref<!tpu.dma_semaphore, #tpu.memory_space<semaphore_mem>>) attributes {dimension_semantics = [#tpu.dimension_semantics<core_parallel>, #tpu.dimension_semantics<subcore_parallel>], iteration_bounds = array<i64: 2, 16>, scalar_prefetch = 0 : i64, scratch_operands = 22 : i64, tpu.core_type = #tpu.core_type<sc_vector_subcore>, window_params = [{transform_indices = #map}, {transform_indices = #map}, {transform_indices = #map}, {transform_indices = #map}, {transform_indices = #map}, {transform_indices = #map}, {transform_indices = #map1}, {transform_indices = #map1}, {transform_indices = #map}, {transform_indices = #map}]} {
    %mul3A = arith.constant 2 : i32
    %mul3A_0 = arith.muli %arg1, %mul3A : i32
    %add3A = arith.addi %mul3A_0, %arg0 : i32
    %mul3A_1 = arith.constant 128 : i32
    %mul3A_2 = arith.muli %add3A, %mul3A_1 : i32
    %mul3A_3 = arith.constant 50 : i32
    %mul3A_4 = arith.muli %mul3A_2, %mul3A_3 : i32
    "tpu.region"() ({
      %run_scoped3A = tpu.sem_alloc : memref<!tpu.dma_semaphore, #tpu.memory_space<semaphore_mem>>
      %dma_start3A_879 = tpu.memref_slice %arg2[%mul3A_4] : memref<204800xi32, #tpu.memory_space<hbm>> -> memref<6400xi32, #tpu.memory_space<hbm>>
      %dma_start3A_880 = tpu.memref_slice %arg2[%mul3A_4] : memref<204800xi32, #tpu.memory_space<hbm>> -> memref<6400xi32, #tpu.memory_space<hbm>>
      tpu.enqueue_dma source(%dma_start3A_880 : memref<6400xi32, #tpu.memory_space<hbm>>) target(%arg12 : memref<6400xi32, #tpu.memory_space<vmem>>) target_semaphore(%run_scoped3A : memref<!tpu.dma_semaphore, #tpu.memory_space<semaphore_mem>>)
      %dma_wait3A_881 = tpu.memref_slice %arg2[%mul3A_4] : memref<204800xi32, #tpu.memory_space<hbm>> -> memref<6400xi32, #tpu.memory_space<hbm>>
      %dma_wait3A_882 = tpu.memref_slice %arg2[%mul3A_4] : memref<204800xi32, #tpu.memory_space<hbm>> -> memref<6400xi32, #tpu.memory_space<hbm>>
      tpu.wait_dma2 semaphore(%run_scoped3A : memref<!tpu.dma_semaphore, #tpu.memory_space<semaphore_mem>>) src(%dma_wait3A_882 : memref<6400xi32, #tpu.memory_space<hbm>>) dst(%arg12 : memref<6400xi32, #tpu.memory_space<vmem>>)
      tpu.yield
    }) : () -> ()
    "tpu.region"() ({
      %run_scoped3A = tpu.sem_alloc : memref<!tpu.dma_semaphore, #tpu.memory_space<semaphore_mem>>
      %dma_start3A_879 = tpu.memref_slice %arg3[%mul3A_2] : memref<4096xi32, #tpu.memory_space<hbm>> -> memref<128xi32, #tpu.memory_space<hbm>>
      %dma_start3A_880 = tpu.memref_slice %arg3[%mul3A_2] : memref<4096xi32, #tpu.memory_space<hbm>> -> memref<128xi32, #tpu.memory_space<hbm>>
      tpu.enqueue_dma source(%dma_start3A_880 : memref<128xi32, #tpu.memory_space<hbm>>) target(%arg13 : memref<128xi32, #tpu.memory_space<vmem>>) target_semaphore(%run_scoped3A : memref<!tpu.dma_semaphore, #tpu.memory_space<semaphore_mem>>)
      %dma_wait3A_881 = tpu.memref_slice %arg3[%mul3A_2] : memref<4096xi32, #tpu.memory_space<hbm>> -> memref<128xi32, #tpu.memory_space<hbm>>
      %dma_wait3A_882 = tpu.memref_slice %arg3[%mul3A_2] : memref<4096xi32, #tpu.memory_space<hbm>> -> memref<128xi32, #tpu.memory_space<hbm>>
      tpu.wait_dma2 semaphore(%run_scoped3A : memref<!tpu.dma_semaphore, #tpu.memory_space<semaphore_mem>>) src(%dma_wait3A_882 : memref<128xi32, #tpu.memory_space<hbm>>) dst(%arg13 : memref<128xi32, #tpu.memory_space<vmem>>)
      tpu.yield
    }) : () -> ()
    "tpu.region"() ({
      %run_scoped3A = tpu.sem_alloc : memref<!tpu.dma_semaphore, #tpu.memory_space<semaphore_mem>>
      %dma_start3A_879 = tpu.memref_slice %arg4[%mul3A_2] : memref<4096xi32, #tpu.memory_space<hbm>> -> memref<128xi32, #tpu.memory_space<hbm>>
      %dma_start3A_880 = tpu.memref_slice %arg4[%mul3A_2] : memref<4096xi32, #tpu.memory_space<hbm>> -> memref<128xi32, #tpu.memory_space<hbm>>
      tpu.enqueue_dma source(%dma_start3A_880 : memref<128xi32, #tpu.memory_space<hbm>>) target(%arg14 : memref<128xi32, #tpu.memory_space<vmem>>) target_semaphore(%run_scoped3A : memref<!tpu.dma_semaphore, #tpu.memory_space<semaphore_mem>>)
      %dma_wait3A_881 = tpu.memref_slice %arg4[%mul3A_2] : memref<4096xi32, #tpu.memory_space<hbm>> -> memref<128xi32, #tpu.memory_space<hbm>>
      %dma_wait3A_882 = tpu.memref_slice %arg4[%mul3A_2] : memref<4096xi32, #tpu.memory_space<hbm>> -> memref<128xi32, #tpu.memory_space<hbm>>
      tpu.wait_dma2 semaphore(%run_scoped3A : memref<!tpu.dma_semaphore, #tpu.memory_space<semaphore_mem>>) src(%dma_wait3A_882 : memref<128xi32, #tpu.memory_space<hbm>>) dst(%arg14 : memref<128xi32, #tpu.memory_space<vmem>>)
      tpu.yield
    }) : () -> ()
    "tpu.region"() ({
      %run_scoped3A = tpu.sem_alloc : memref<!tpu.dma_semaphore, #tpu.memory_space<semaphore_mem>>
      %dma_start3A_879 = tpu.memref_slice %arg5[%mul3A_2] : memref<4096xi32, #tpu.memory_space<hbm>> -> memref<128xi32, #tpu.memory_space<hbm>>
      %dma_start3A_880 = tpu.memref_slice %arg5[%mul3A_2] : memref<4096xi32, #tpu.memory_space<hbm>> -> memref<128xi32, #tpu.memory_space<hbm>>
      tpu.enqueue_dma source(%dma_start3A_880 : memref<128xi32, #tpu.memory_space<hbm>>) target(%arg15 : memref<128xi32, #tpu.memory_space<vmem>>) target_semaphore(%run_scoped3A : memref<!tpu.dma_semaphore, #tpu.memory_space<semaphore_mem>>)
      %dma_wait3A_881 = tpu.memref_slice %arg5[%mul3A_2] : memref<4096xi32, #tpu.memory_space<hbm>> -> memref<128xi32, #tpu.memory_space<hbm>>
      %dma_wait3A_882 = tpu.memref_slice %arg5[%mul3A_2] : memref<4096xi32, #tpu.memory_space<hbm>> -> memref<128xi32, #tpu.memory_space<hbm>>
      tpu.wait_dma2 semaphore(%run_scoped3A : memref<!tpu.dma_semaphore, #tpu.memory_space<semaphore_mem>>) src(%dma_wait3A_882 : memref<128xi32, #tpu.memory_space<hbm>>) dst(%arg15 : memref<128xi32, #tpu.memory_space<vmem>>)
      tpu.yield
    }) : () -> ()
    "tpu.region"() ({
      %run_scoped3A = tpu.sem_alloc : memref<!tpu.dma_semaphore, #tpu.memory_space<semaphore_mem>>
      %dma_start3A_879 = tpu.memref_slice %arg6[%mul3A_2] : memref<4096xf32, #tpu.memory_space<hbm>> -> memref<128xf32, #tpu.memory_space<hbm>>
      %dma_start3A_880 = tpu.memref_slice %arg6[%mul3A_2] : memref<4096xf32, #tpu.memory_space<hbm>> -> memref<128xf32, #tpu.memory_space<hbm>>
      tpu.enqueue_dma source(%dma_start3A_880 : memref<128xf32, #tpu.memory_space<hbm>>) target(%arg16 : memref<128xf32, #tpu.memory_space<vmem>>) target_semaphore(%run_scoped3A : memref<!tpu.dma_semaphore, #tpu.memory_space<semaphore_mem>>)
      %dma_wait3A_881 = tpu.memref_slice %arg6[%mul3A_2] : memref<4096xf32, #tpu.memory_space<hbm>> -> memref<128xf32, #tpu.memory_space<hbm>>
      %dma_wait3A_882 = tpu.memref_slice %arg6[%mul3A_2] : memref<4096xf32, #tpu.memory_space<hbm>> -> memref<128xf32, #tpu.memory_space<hbm>>
      tpu.wait_dma2 semaphore(%run_scoped3A : memref<!tpu.dma_semaphore, #tpu.memory_space<semaphore_mem>>) src(%dma_wait3A_882 : memref<128xf32, #tpu.memory_space<hbm>>) dst(%arg16 : memref<128xf32, #tpu.memory_space<vmem>>)
      tpu.yield
    }) : () -> ()
    "tpu.region"() ({
      %run_scoped3A = tpu.sem_alloc : memref<!tpu.dma_semaphore, #tpu.memory_space<semaphore_mem>>
      %dma_start3A_879 = tpu.memref_slice %arg7[%mul3A_2] : memref<4096xf32, #tpu.memory_space<hbm>> -> memref<128xf32, #tpu.memory_space<hbm>>
      %dma_start3A_880 = tpu.memref_slice %arg7[%mul3A_2] : memref<4096xf32, #tpu.memory_space<hbm>> -> memref<128xf32, #tpu.memory_space<hbm>>
      tpu.enqueue_dma source(%dma_start3A_880 : memref<128xf32, #tpu.memory_space<hbm>>) target(%arg17 : memref<128xf32, #tpu.memory_space<vmem>>) target_semaphore(%run_scoped3A : memref<!tpu.dma_semaphore, #tpu.memory_space<semaphore_mem>>)
      %dma_wait3A_881 = tpu.memref_slice %arg7[%mul3A_2] : memref<4096xf32, #tpu.memory_space<hbm>> -> memref<128xf32, #tpu.memory_space<hbm>>
      %dma_wait3A_882 = tpu.memref_slice %arg7[%mul3A_2] : memref<4096xf32, #tpu.memory_space<hbm>> -> memref<128xf32, #tpu.memory_space<hbm>>
      tpu.wait_dma2 semaphore(%run_scoped3A : memref<!tpu.dma_semaphore, #tpu.memory_space<semaphore_mem>>) src(%dma_wait3A_882 : memref<128xf32, #tpu.memory_space<hbm>>) dst(%arg17 : memref<128xf32, #tpu.memory_space<vmem>>)
      tpu.yield
    }) : () -> ()
    "tpu.region"() ({
      %run_scoped3A = tpu.sem_alloc : memref<!tpu.dma_semaphore, #tpu.memory_space<semaphore_mem>>
      %dma_start3A_879 = arith.constant 0 : i32
      %dma_start3A_880 = arith.constant 0 : i32
      %dma_start3A_881 = tpu.memref_slice %arg9[%dma_start3A_879, %dma_start3A_880] : memref<1000000x64xf32, #tpu.memory_space<hbm>> -> memref<1x64xf32, #tpu.memory_space<hbm>>
      %dma_start3A_882 = arith.constant 0 : i32
      %dma_start3A_883 = arith.constant 0 : i32
      %dma_start3A_884 = tpu.memref_slice %arg9[%dma_start3A_882, %dma_start3A_883] : memref<1000000x64xf32, #tpu.memory_space<hbm>> -> memref<1x64xf32, #tpu.memory_space<hbm>>
      tpu.enqueue_dma source(%dma_start3A_884 : memref<1x64xf32, #tpu.memory_space<hbm>>) target(%arg27 : memref<1x64xf32, #tpu.memory_space<vmem>>) target_semaphore(%run_scoped3A : memref<!tpu.dma_semaphore, #tpu.memory_space<semaphore_mem>>)
      %dma_wait3A_885 = arith.constant 0 : i32
      %dma_wait3A_886 = arith.constant 0 : i32
      %dma_wait3A_887 = tpu.memref_slice %arg9[%dma_wait3A_885, %dma_wait3A_886] : memref<1000000x64xf32, #tpu.memory_space<hbm>> -> memref<1x64xf32, #tpu.memory_space<hbm>>
      %dma_wait3A_888 = arith.constant 0 : i32
      %dma_wait3A_889 = arith.constant 0 : i32
      %dma_wait3A_890 = tpu.memref_slice %arg9[%dma_wait3A_888, %dma_wait3A_889] : memref<1000000x64xf32, #tpu.memory_space<hbm>> -> memref<1x64xf32, #tpu.memory_space<hbm>>
      tpu.wait_dma2 semaphore(%run_scoped3A : memref<!tpu.dma_semaphore, #tpu.memory_space<semaphore_mem>>) src(%dma_wait3A_890 : memref<1x64xf32, #tpu.memory_space<hbm>>) dst(%arg27 : memref<1x64xf32, #tpu.memory_space<vmem>>)
      tpu.yield
    }) : () -> ()
    %dma_start3A = arith.constant 0 : i32
    %dma_start3A_5 = arith.constant 0 : i32
    %dma_start3A_6 = tpu.memref_slice %arg8[%dma_start3A, %dma_start3A_5] : memref<100000x64xf32, #tpu.memory_space<hbm>> -> memref<100000x64xf32, #tpu.memory_space<hbm>>
    tpu.enqueue_indirect_dma source(%dma_start3A_6 : memref<100000x64xf32, #tpu.memory_space<hbm>>) target(%arg21 : memref<128x64xf32, #tpu.memory_space<vmem>>) offsets(%arg13 : memref<128xi32, #tpu.memory_space<vmem>>) semaphore(%arg28 : memref<!tpu.dma_semaphore, #tpu.memory_space<semaphore_mem>>)
    %dma_start3A_7 = arith.constant 0 : i32
    %dma_start3A_8 = arith.constant 0 : i32
    %dma_start3A_9 = tpu.memref_slice %arg9[%dma_start3A_7, %dma_start3A_8] : memref<1000000x64xf32, #tpu.memory_space<hbm>> -> memref<1000000x64xf32, #tpu.memory_space<hbm>>
    tpu.enqueue_indirect_dma source(%dma_start3A_9 : memref<1000000x64xf32, #tpu.memory_space<hbm>>) target(%arg22 : memref<128x64xf32, #tpu.memory_space<vmem>>) offsets(%arg14 : memref<128xi32, #tpu.memory_space<vmem>>) semaphore(%arg29 : memref<!tpu.dma_semaphore, #tpu.memory_space<semaphore_mem>>)
    %dma_start3A_10 = arith.constant 0 : i32
    %dma_start3A_11 = arith.constant 0 : i32
    %dma_start3A_12 = tpu.memref_slice %arg9[%dma_start3A_10, %dma_start3A_11] : memref<1000000x64xf32, #tpu.memory_space<hbm>> -> memref<1000000x64xf32, #tpu.memory_space<hbm>>
    tpu.enqueue_indirect_dma source(%dma_start3A_12 : memref<1000000x64xf32, #tpu.memory_space<hbm>>) target(%arg23 : memref<128x64xf32, #tpu.memory_space<vmem>>) offsets(%arg15 : memref<128xi32, #tpu.memory_space<vmem>>) semaphore(%arg30 : memref<!tpu.dma_semaphore, #tpu.memory_space<semaphore_mem>>)
    %dma_start3A_13 = arith.constant 0 : i32
    %dma_start3A_14 = tpu.memref_slice %arg12[%dma_start3A_13] : memref<6400xi32, #tpu.memory_space<vmem>> -> memref<200xi32, #tpu.memory_space<vmem>>
    %dma_start3A_15 = arith.constant 0 : i32
    %dma_start3A_16 = arith.constant 0 : i32
    %dma_start3A_17 = tpu.memref_slice %arg9[%dma_start3A_15, %dma_start3A_16] : memref<1000000x64xf32, #tpu.memory_space<hbm>> -> memref<1000000x64xf32, #tpu.memory_space<hbm>>
    tpu.enqueue_indirect_dma source(%dma_start3A_17 : memref<1000000x64xf32, #tpu.memory_space<hbm>>) target(%arg18 : memref<200x64xf32, #tpu.memory_space<vmem>>) offsets(%dma_start3A_14 : memref<200xi32, #tpu.memory_space<vmem>>) semaphore(%arg31 : memref<!tpu.dma_semaphore, #tpu.memory_space<semaphore_mem>>)
    %dma_start3A_18 = arith.constant 200 : i32
    %dma_start3A_19 = tpu.memref_slice %arg12[%dma_start3A_18] : memref<6400xi32, #tpu.memory_space<vmem>> -> memref<200xi32, #tpu.memory_space<vmem>>
    %dma_start3A_20 = arith.constant 0 : i32
    %dma_start3A_21 = arith.constant 0 : i32
    %dma_start3A_22 = tpu.memref_slice %arg9[%dma_start3A_20, %dma_start3A_21] : memref<1000000x64xf32, #tpu.memory_space<hbm>> -> memref<1000000x64xf32, #tpu.memory_space<hbm>>
    tpu.enqueue_indirect_dma source(%dma_start3A_22 : memref<1000000x64xf32, #tpu.memory_space<hbm>>) target(%arg19 : memref<200x64xf32, #tpu.memory_space<vmem>>) offsets(%dma_start3A_19 : memref<200xi32, #tpu.memory_space<vmem>>) semaphore(%arg32 : memref<!tpu.dma_semaphore, #tpu.memory_space<semaphore_mem>>)
    %dma_start3A_23 = arith.constant 400 : i32
    %dma_start3A_24 = tpu.memref_slice %arg12[%dma_start3A_23] : memref<6400xi32, #tpu.memory_space<vmem>> -> memref<200xi32, #tpu.memory_space<vmem>>
    %dma_start3A_25 = arith.constant 0 : i32
    %dma_start3A_26 = arith.constant 0 : i32
    %dma_start3A_27 = tpu.memref_slice %arg9[%dma_start3A_25, %dma_start3A_26] : memref<1000000x64xf32, #tpu.memory_space<hbm>> -> memref<1000000x64xf32, #tpu.memory_space<hbm>>
    tpu.enqueue_indirect_dma source(%dma_start3A_27 : memref<1000000x64xf32, #tpu.memory_space<hbm>>) target(%arg20 : memref<200x64xf32, #tpu.memory_space<vmem>>) offsets(%dma_start3A_24 : memref<200xi32, #tpu.memory_space<vmem>>) semaphore(%arg33 : memref<!tpu.dma_semaphore, #tpu.memory_space<semaphore_mem>>)
    %dma_wait3A = arith.constant 0 : i32
    %dma_wait3A_28 = tpu.memref_slice %arg12[%dma_wait3A] : memref<6400xi32, #tpu.memory_space<vmem>> -> memref<200xi32, #tpu.memory_space<vmem>>
    %dma_wait3A_29 = arith.constant 0 : i32
    %dma_wait3A_30 = arith.constant 0 : i32
    %dma_wait3A_31 = tpu.memref_slice %arg9[%dma_wait3A_29, %dma_wait3A_30] : memref<1000000x64xf32, #tpu.memory_space<hbm>> -> memref<1000000x64xf32, #tpu.memory_space<hbm>>
    tpu.wait_indirect_dma semaphore(%arg31 : memref<!tpu.dma_semaphore, #tpu.memory_space<semaphore_mem>>) src(%dma_wait3A_31 : memref<1000000x64xf32, #tpu.memory_space<hbm>>) dst(%arg18 : memref<200x64xf32, #tpu.memory_space<vmem>>)
    %scan3A = arith.constant 0 : i32
    %scan3A_32 = arith.constant 0 : i32
    %scan3A_33 = arith.constant 4 : i32
    %scan3A_34 = arith.addi %scan3A_32, %scan3A_33 : i32
    %scan3A_35 = arith.constant 1 : i32
    %scan3A_36 = scf.for %scan3A_879 = %scan3A_32 to %scan3A_34 step %scan3A_35 iter_args(%scan3A_880 = %scan3A) -> (i32)  : i32 {
      %add3A_881 = arith.constant 0 : i32
      %add3A_882 = arith.addi %add3A_881, %scan3A_879 : i32
      %broadcast_in_dim3A_883 = arith.constant 0.000000e+00 : f32
      %broadcast_in_dim3A_884 = vector.broadcast %broadcast_in_dim3A_883 : f32 to vector<16xf32>
      %scan3A_885 = arith.constant 0 : i32
      %scan3A_886 = arith.constant 50 : i32
      %scan3A_887 = arith.addi %scan3A_885, %scan3A_886 : i32
      %scan3A_888 = arith.constant 1 : i32
      %scan3A_889:4 = scf.for %scan3A_904 = %scan3A_885 to %scan3A_887 step %scan3A_888 iter_args(%scan3A_905 = %broadcast_in_dim3A_884, %scan3A_906 = %broadcast_in_dim3A_884, %scan3A_907 = %broadcast_in_dim3A_884, %scan3A_908 = %broadcast_in_dim3A_884) -> (vector<16xf32>, vector<16xf32>, vector<16xf32>, vector<16xf32>)  : i32 {
        %mul3A_909 = arith.constant 50 : i32
        %mul3A_910 = arith.muli %scan3A_879, %mul3A_909 : i32
        %add3A_911 = arith.addi %mul3A_910, %scan3A_904 : i32
        %get3A_912 = arith.index_cast %add3A_911 : i32 to index
        %get3A_913 = arith.constant 0 : index
        %get3A_914 = tpu.vector_load %arg18[%get3A_912, %get3A_913] {strides = array<i32>} : memref<200x64xf32, #tpu.memory_space<vmem>>, vector<16xf32>,
        %add3A_915 = arith.addf %scan3A_905, %get3A_914 : vector<16xf32>
        %get3A_916 = arith.index_cast %add3A_911 : i32 to index
        %get3A_917 = arith.constant 16 : index
        %get3A_918 = tpu.vector_load %arg18[%get3A_916, %get3A_917] {strides = array<i32>} : memref<200x64xf32, #tpu.memory_space<vmem>>, vector<16xf32>,
        %add3A_919 = arith.addf %scan3A_906, %get3A_918 : vector<16xf32>
        %get3A_920 = arith.index_cast %add3A_911 : i32 to index
        %get3A_921 = arith.constant 32 : index
        %get3A_922 = tpu.vector_load %arg18[%get3A_920, %get3A_921] {strides = array<i32>} : memref<200x64xf32, #tpu.memory_space<vmem>>, vector<16xf32>,
        %add3A_923 = arith.addf %scan3A_907, %get3A_922 : vector<16xf32>
        %get3A_924 = arith.index_cast %add3A_911 : i32 to index
        %get3A_925 = arith.constant 48 : index
        %get3A_926 = tpu.vector_load %arg18[%get3A_924, %get3A_925] {strides = array<i32>} : memref<200x64xf32, #tpu.memory_space<vmem>>, vector<16xf32>,
        %add3A_927 = arith.addf %scan3A_908, %get3A_926 : vector<16xf32>
        scf.yield %add3A_915, %add3A_919, %add3A_923, %add3A_927 : vector<16xf32>, vector<16xf32>, vector<16xf32>, vector<16xf32>
      }
      %scan3A_890 = arith.constant 50 : i32
      %swap3A_891 = arith.index_cast %add3A_882 : i32 to index
      %swap3A_892 = arith.constant 0 : index
      %swap3A_893 = tpu.vector_load %arg24[%swap3A_891, %swap3A_892] {strides = array<i32>} : memref<128x64xf32, #tpu.memory_space<vmem>>, vector<16xf32>,
      tpu.vector_store %arg24[%swap3A_891, %swap3A_892], %scan3A_889#0 {strides = array<i32>} : memref<128x64xf32, #tpu.memory_space<vmem>>, vector<16xf32>,
      %swap3A_894 = arith.index_cast %add3A_882 : i32 to index
      %swap3A_895 = arith.constant 16 : index
      %swap3A_896 = tpu.vector_load %arg24[%swap3A_894, %swap3A_895] {strides = array<i32>} : memref<128x64xf32, #tpu.memory_space<vmem>>, vector<16xf32>,
      tpu.vector_store %arg24[%swap3A_894, %swap3A_895], %scan3A_889#1 {strides = array<i32>} : memref<128x64xf32, #tpu.memory_space<vmem>>, vector<16xf32>,
      %swap3A_897 = arith.index_cast %add3A_882 : i32 to index
      %swap3A_898 = arith.constant 32 : index
      %swap3A_899 = tpu.vector_load %arg24[%swap3A_897, %swap3A_898] {strides = array<i32>} : memref<128x64xf32, #tpu.memory_space<vmem>>, vector<16xf32>,
      tpu.vector_store %arg24[%swap3A_897, %swap3A_898], %scan3A_889#2 {strides = array<i32>} : memref<128x64xf32, #tpu.memory_space<vmem>>, vector<16xf32>,
      %swap3A_900 = arith.index_cast %add3A_882 : i32 to index
      %swap3A_901 = arith.constant 48 : index
      %swap3A_902 = tpu.vector_load %arg24[%swap3A_900, %swap3A_901] {strides = array<i32>} : memref<128x64xf32, #tpu.memory_space<vmem>>, vector<16xf32>,
      tpu.vector_store %arg24[%swap3A_900, %swap3A_901], %scan3A_889#3 {strides = array<i32>} : memref<128x64xf32, #tpu.memory_space<vmem>>, vector<16xf32>,
      %scan3A_903 = arith.constant 0 : i32
      scf.yield %scan3A_903 : i32
    }
    %scan3A_37 = arith.constant 4 : i32
    %dma_start3A_38 = arith.constant 600 : i32
    %dma_start3A_39 = tpu.memref_slice %arg12[%dma_start3A_38] : memref<6400xi32, #tpu.memory_space<vmem>> -> memref<200xi32, #tpu.memory_space<vmem>>
    %dma_start3A_40 = arith.constant 0 : i32
    %dma_start3A_41 = arith.constant 0 : i32
    %dma_start3A_42 = tpu.memref_slice %arg9[%dma_start3A_40, %dma_start3A_41] : memref<1000000x64xf32, #tpu.memory_space<hbm>> -> memref<1000000x64xf32, #tpu.memory_space<hbm>>
    tpu.enqueue_indirect_dma source(%dma_start3A_42 : memref<1000000x64xf32, #tpu.memory_space<hbm>>) target(%arg18 : memref<200x64xf32, #tpu.memory_space<vmem>>) offsets(%dma_start3A_39 : memref<200xi32, #tpu.memory_space<vmem>>) semaphore(%arg31 : memref<!tpu.dma_semaphore, #tpu.memory_space<semaphore_mem>>)
    %dma_wait3A_43 = arith.constant 200 : i32
    %dma_wait3A_44 = tpu.memref_slice %arg12[%dma_wait3A_43] : memref<6400xi32, #tpu.memory_space<vmem>> -> memref<200xi32, #tpu.memory_space<vmem>>
    %dma_wait3A_45 = arith.constant 0 : i32
    %dma_wait3A_46 = arith.constant 0 : i32
    %dma_wait3A_47 = tpu.memref_slice %arg9[%dma_wait3A_45, %dma_wait3A_46] : memref<1000000x64xf32, #tpu.memory_space<hbm>> -> memref<1000000x64xf32, #tpu.memory_space<hbm>>
    tpu.wait_indirect_dma semaphore(%arg32 : memref<!tpu.dma_semaphore, #tpu.memory_space<semaphore_mem>>) src(%dma_wait3A_47 : memref<1000000x64xf32, #tpu.memory_space<hbm>>) dst(%arg19 : memref<200x64xf32, #tpu.memory_space<vmem>>)
    %scan3A_48 = arith.constant 0 : i32
    %scan3A_49 = arith.constant 0 : i32
    %scan3A_50 = arith.constant 4 : i32
    %scan3A_51 = arith.addi %scan3A_49, %scan3A_50 : i32
    %scan3A_52 = arith.constant 1 : i32
    %scan3A_53 = scf.for %scan3A_879 = %scan3A_49 to %scan3A_51 step %scan3A_52 iter_args(%scan3A_880 = %scan3A_48) -> (i32)  : i32 {
      %add3A_881 = arith.constant 4 : i32
      %add3A_882 = arith.addi %add3A_881, %scan3A_879 : i32
      %broadcast_in_dim3A_883 = arith.constant 0.000000e+00 : f32
      %broadcast_in_dim3A_884 = vector.broadcast %broadcast_in_dim3A_883 : f32 to vector<16xf32>
      %scan3A_885 = arith.constant 0 : i32
      %scan3A_886 = arith.constant 50 : i32
      %scan3A_887 = arith.addi %scan3A_885, %scan3A_886 : i32
      %scan3A_888 = arith.constant 1 : i32
      %scan3A_889:4 = scf.for %scan3A_904 = %scan3A_885 to %scan3A_887 step %scan3A_888 iter_args(%scan3A_905 = %broadcast_in_dim3A_884, %scan3A_906 = %broadcast_in_dim3A_884, %scan3A_907 = %broadcast_in_dim3A_884, %scan3A_908 = %broadcast_in_dim3A_884) -> (vector<16xf32>, vector<16xf32>, vector<16xf32>, vector<16xf32>)  : i32 {
        %mul3A_909 = arith.constant 50 : i32
        %mul3A_910 = arith.muli %scan3A_879, %mul3A_909 : i32
        %add3A_911 = arith.addi %mul3A_910, %scan3A_904 : i32
        %get3A_912 = arith.index_cast %add3A_911 : i32 to index
        %get3A_913 = arith.constant 0 : index
        %get3A_914 = tpu.vector_load %arg19[%get3A_912, %get3A_913] {strides = array<i32>} : memref<200x64xf32, #tpu.memory_space<vmem>>, vector<16xf32>,
        %add3A_915 = arith.addf %scan3A_905, %get3A_914 : vector<16xf32>
        %get3A_916 = arith.index_cast %add3A_911 : i32 to index
        %get3A_917 = arith.constant 16 : index
        %get3A_918 = tpu.vector_load %arg19[%get3A_916, %get3A_917] {strides = array<i32>} : memref<200x64xf32, #tpu.memory_space<vmem>>, vector<16xf32>,
        %add3A_919 = arith.addf %scan3A_906, %get3A_918 : vector<16xf32>
        %get3A_920 = arith.index_cast %add3A_911 : i32 to index
        %get3A_921 = arith.constant 32 : index
        %get3A_922 = tpu.vector_load %arg19[%get3A_920, %get3A_921] {strides = array<i32>} : memref<200x64xf32, #tpu.memory_space<vmem>>, vector<16xf32>,
        %add3A_923 = arith.addf %scan3A_907, %get3A_922 : vector<16xf32>
        %get3A_924 = arith.index_cast %add3A_911 : i32 to index
        %get3A_925 = arith.constant 48 : index
        %get3A_926 = tpu.vector_load %arg19[%get3A_924, %get3A_925] {strides = array<i32>} : memref<200x64xf32, #tpu.memory_space<vmem>>, vector<16xf32>,
        %add3A_927 = arith.addf %scan3A_908, %get3A_926 : vector<16xf32>
        scf.yield %add3A_915, %add3A_919, %add3A_923, %add3A_927 : vector<16xf32>, vector<16xf32>, vector<16xf32>, vector<16xf32>
      }
      %scan3A_890 = arith.constant 50 : i32
      %swap3A_891 = arith.index_cast %add3A_882 : i32 to index
      %swap3A_892 = arith.constant 0 : index
      %swap3A_893 = tpu.vector_load %arg24[%swap3A_891, %swap3A_892] {strides = array<i32>} : memref<128x64xf32, #tpu.memory_space<vmem>>, vector<16xf32>,
      tpu.vector_store %arg24[%swap3A_891, %swap3A_892], %scan3A_889#0 {strides = array<i32>} : memref<128x64xf32, #tpu.memory_space<vmem>>, vector<16xf32>,
      %swap3A_894 = arith.index_cast %add3A_882 : i32 to index
      %swap3A_895 = arith.constant 16 : index
      %swap3A_896 = tpu.vector_load %arg24[%swap3A_894, %swap3A_895] {strides = array<i32>} : memref<128x64xf32, #tpu.memory_space<vmem>>, vector<16xf32>,
      tpu.vector_store %arg24[%swap3A_894, %swap3A_895], %scan3A_889#1 {strides = array<i32>} : memref<128x64xf32, #tpu.memory_space<vmem>>, vector<16xf32>,
      %swap3A_897 = arith.index_cast %add3A_882 : i32 to index
      %swap3A_898 = arith.constant 32 : index
      %swap3A_899 = tpu.vector_load %arg24[%swap3A_897, %swap3A_898] {strides = array<i32>} : memref<128x64xf32, #tpu.memory_space<vmem>>, vector<16xf32>,
      tpu.vector_store %arg24[%swap3A_897, %swap3A_898], %scan3A_889#2 {strides = array<i32>} : memref<128x64xf32, #tpu.memory_space<vmem>>, vector<16xf32>,
      %swap3A_900 = arith.index_cast %add3A_882 : i32 to index
      %swap3A_901 = arith.constant 48 : index
      %swap3A_902 = tpu.vector_load %arg24[%swap3A_900, %swap3A_901] {strides = array<i32>} : memref<128x64xf32, #tpu.memory_space<vmem>>, vector<16xf32>,
      tpu.vector_store %arg24[%swap3A_900, %swap3A_901], %scan3A_889#3 {strides = array<i32>} : memref<128x64xf32, #tpu.memory_space<vmem>>, vector<16xf32>,
      %scan3A_903 = arith.constant 0 : i32
      scf.yield %scan3A_903 : i32
    }
    %scan3A_54 = arith.constant 4 : i32
    %dma_start3A_55 = arith.constant 800 : i32
    %dma_start3A_56 = tpu.memref_slice %arg12[%dma_start3A_55] : memref<6400xi32, #tpu.memory_space<vmem>> -> memref<200xi32, #tpu.memory_space<vmem>>
    %dma_start3A_57 = arith.constant 0 : i32
    %dma_start3A_58 = arith.constant 0 : i32
    %dma_start3A_59 = tpu.memref_slice %arg9[%dma_start3A_57, %dma_start3A_58] : memref<1000000x64xf32, #tpu.memory_space<hbm>> -> memref<1000000x64xf32, #tpu.memory_space<hbm>>
    tpu.enqueue_indirect_dma source(%dma_start3A_59 : memref<1000000x64xf32, #tpu.memory_space<hbm>>) target(%arg19 : memref<200x64xf32, #tpu.memory_space<vmem>>) offsets(%dma_start3A_56 : memref<200xi32, #tpu.memory_space<vmem>>) semaphore(%arg32 : memref<!tpu.dma_semaphore, #tpu.memory_space<semaphore_mem>>)
    %dma_wait3A_60 = arith.constant 400 : i32
    %dma_wait3A_61 = tpu.memref_slice %arg12[%dma_wait3A_60] : memref<6400xi32, #tpu.memory_space<vmem>> -> memref<200xi32, #tpu.memory_space<vmem>>
    %dma_wait3A_62 = arith.constant 0 : i32
    %dma_wait3A_63 = arith.constant 0 : i32
    %dma_wait3A_64 = tpu.memref_slice %arg9[%dma_wait3A_62, %dma_wait3A_63] : memref<1000000x64xf32, #tpu.memory_space<hbm>> -> memref<1000000x64xf32, #tpu.memory_space<hbm>>
    tpu.wait_indirect_dma semaphore(%arg33 : memref<!tpu.dma_semaphore, #tpu.memory_space<semaphore_mem>>) src(%dma_wait3A_64 : memref<1000000x64xf32, #tpu.memory_space<hbm>>) dst(%arg20 : memref<200x64xf32, #tpu.memory_space<vmem>>)
    %scan3A_65 = arith.constant 0 : i32
    %scan3A_66 = arith.constant 0 : i32
    %scan3A_67 = arith.constant 4 : i32
    %scan3A_68 = arith.addi %scan3A_66, %scan3A_67 : i32
    %scan3A_69 = arith.constant 1 : i32
    %scan3A_70 = scf.for %scan3A_879 = %scan3A_66 to %scan3A_68 step %scan3A_69 iter_args(%scan3A_880 = %scan3A_65) -> (i32)  : i32 {
      %add3A_881 = arith.constant 8 : i32
      %add3A_882 = arith.addi %add3A_881, %scan3A_879 : i32
      %broadcast_in_dim3A_883 = arith.constant 0.000000e+00 : f32
      %broadcast_in_dim3A_884 = vector.broadcast %broadcast_in_dim3A_883 : f32 to vector<16xf32>
      %scan3A_885 = arith.constant 0 : i32
      %scan3A_886 = arith.constant 50 : i32
      %scan3A_887 = arith.addi %scan3A_885, %scan3A_886 : i32
      %scan3A_888 = arith.constant 1 : i32
      %scan3A_889:4 = scf.for %scan3A_904 = %scan3A_885 to %scan3A_887 step %scan3A_888 iter_args(%scan3A_905 = %broadcast_in_dim3A_884, %scan3A_906 = %broadcast_in_dim3A_884, %scan3A_907 = %broadcast_in_dim3A_884, %scan3A_908 = %broadcast_in_dim3A_884) -> (vector<16xf32>, vector<16xf32>, vector<16xf32>, vector<16xf32>)  : i32 {
        %mul3A_909 = arith.constant 50 : i32
        %mul3A_910 = arith.muli %scan3A_879, %mul3A_909 : i32
        %add3A_911 = arith.addi %mul3A_910, %scan3A_904 : i32
        %get3A_912 = arith.index_cast %add3A_911 : i32 to index
        %get3A_913 = arith.constant 0 : index
        %get3A_914 = tpu.vector_load %arg20[%get3A_912, %get3A_913] {strides = array<i32>} : memref<200x64xf32, #tpu.memory_space<vmem>>, vector<16xf32>,
        %add3A_915 = arith.addf %scan3A_905, %get3A_914 : vector<16xf32>
        %get3A_916 = arith.index_cast %add3A_911 : i32 to index
        %get3A_917 = arith.constant 16 : index
        %get3A_918 = tpu.vector_load %arg20[%get3A_916, %get3A_917] {strides = array<i32>} : memref<200x64xf32, #tpu.memory_space<vmem>>, vector<16xf32>,
        %add3A_919 = arith.addf %scan3A_906, %get3A_918 : vector<16xf32>
        %get3A_920 = arith.index_cast %add3A_911 : i32 to index
        %get3A_921 = arith.constant 32 : index
        %get3A_922 = tpu.vector_load %arg20[%get3A_920, %get3A_921] {strides = array<i32>} : memref<200x64xf32, #tpu.memory_space<vmem>>, vector<16xf32>,
        %add3A_923 = arith.addf %scan3A_907, %get3A_922 : vector<16xf32>
        %get3A_924 = arith.index_cast %add3A_911 : i32 to index
        %get3A_925 = arith.constant 48 : index
        %get3A_926 = tpu.vector_load %arg20[%get3A_924, %get3A_925] {strides = array<i32>} : memref<200x64xf32, #tpu.memory_space<vmem>>, vector<16xf32>,
        %add3A_927 = arith.addf %scan3A_908, %get3A_926 : vector<16xf32>
        scf.yield %add3A_915, %add3A_919, %add3A_923, %add3A_927 : vector<16xf32>, vector<16xf32>, vector<16xf32>, vector<16xf32>
      }
      %scan3A_890 = arith.constant 50 : i32
      %swap3A_891 = arith.index_cast %add3A_882 : i32 to index
      %swap3A_892 = arith.constant 0 : index
      %swap3A_893 = tpu.vector_load %arg24[%swap3A_891, %swap3A_892] {strides = array<i32>} : memref<128x64xf32, #tpu.memory_space<vmem>>, vector<16xf32>,
      tpu.vector_store %arg24[%swap3A_891, %swap3A_892], %scan3A_889#0 {strides = array<i32>} : memref<128x64xf32, #tpu.memory_space<vmem>>, vector<16xf32>,
      %swap3A_894 = arith.index_cast %add3A_882 : i32 to index
      %swap3A_895 = arith.constant 16 : index
      %swap3A_896 = tpu.vector_load %arg24[%swap3A_894, %swap3A_895] {strides = array<i32>} : memref<128x64xf32, #tpu.memory_space<vmem>>, vector<16xf32>,
      tpu.vector_store %arg24[%swap3A_894, %swap3A_895], %scan3A_889#1 {strides = array<i32>} : memref<128x64xf32, #tpu.memory_space<vmem>>, vector<16xf32>,
      %swap3A_897 = arith.index_cast %add3A_882 : i32 to index
      %swap3A_898 = arith.constant 32 : index
      %swap3A_899 = tpu.vector_load %arg24[%swap3A_897, %swap3A_898] {strides = array<i32>} : memref<128x64xf32, #tpu.memory_space<vmem>>, vector<16xf32>,
      tpu.vector_store %arg24[%swap3A_897, %swap3A_898], %scan3A_889#2 {strides = array<i32>} : memref<128x64xf32, #tpu.memory_space<vmem>>, vector<16xf32>,
      %swap3A_900 = arith.index_cast %add3A_882 : i32 to index
      %swap3A_901 = arith.constant 48 : index
      %swap3A_902 = tpu.vector_load %arg24[%swap3A_900, %swap3A_901] {strides = array<i32>} : memref<128x64xf32, #tpu.memory_space<vmem>>, vector<16xf32>,
      tpu.vector_store %arg24[%swap3A_900, %swap3A_901], %scan3A_889#3 {strides = array<i32>} : memref<128x64xf32, #tpu.memory_space<vmem>>, vector<16xf32>,
      %scan3A_903 = arith.constant 0 : i32
      scf.yield %scan3A_903 : i32
    }
    %scan3A_71 = arith.constant 4 : i32
    %dma_start3A_72 = arith.constant 1000 : i32
    %dma_start3A_73 = tpu.memref_slice %arg12[%dma_start3A_72] : memref<6400xi32, #tpu.memory_space<vmem>> -> memref<200xi32, #tpu.memory_space<vmem>>
    %dma_start3A_74 = arith.constant 0 : i32
    %dma_start3A_75 = arith.constant 0 : i32
    %dma_start3A_76 = tpu.memref_slice %arg9[%dma_start3A_74, %dma_start3A_75] : memref<1000000x64xf32, #tpu.memory_space<hbm>> -> memref<1000000x64xf32, #tpu.memory_space<hbm>>
    tpu.enqueue_indirect_dma source(%dma_start3A_76 : memref<1000000x64xf32, #tpu.memory_space<hbm>>) target(%arg20 : memref<200x64xf32, #tpu.memory_space<vmem>>) offsets(%dma_start3A_73 : memref<200xi32, #tpu.memory_space<vmem>>) semaphore(%arg33 : memref<!tpu.dma_semaphore, #tpu.memory_space<semaphore_mem>>)
    %dma_wait3A_77 = arith.constant 600 : i32
    %dma_wait3A_78 = tpu.memref_slice %arg12[%dma_wait3A_77] : memref<6400xi32, #tpu.memory_space<vmem>> -> memref<200xi32, #tpu.memory_space<vmem>>
    %dma_wait3A_79 = arith.constant 0 : i32
    %dma_wait3A_80 = arith.constant 0 : i32
    %dma_wait3A_81 = tpu.memref_slice %arg9[%dma_wait3A_79, %dma_wait3A_80] : memref<1000000x64xf32, #tpu.memory_space<hbm>> -> memref<1000000x64xf32, #tpu.memory_space<hbm>>
    tpu.wait_indirect_dma semaphore(%arg31 : memref<!tpu.dma_semaphore, #tpu.memory_space<semaphore_mem>>) src(%dma_wait3A_81 : memref<1000000x64xf32, #tpu.memory_space<hbm>>) dst(%arg18 : memref<200x64xf32, #tpu.memory_space<vmem>>)
    %scan3A_82 = arith.constant 0 : i32
    %scan3A_83 = arith.constant 0 : i32
    %scan3A_84 = arith.constant 4 : i32
    %scan3A_85 = arith.addi %scan3A_83, %scan3A_84 : i32
    %scan3A_86 = arith.constant 1 : i32
    %scan3A_87 = scf.for %scan3A_879 = %scan3A_83 to %scan3A_85 step %scan3A_86 iter_args(%scan3A_880 = %scan3A_82) -> (i32)  : i32 {
      %add3A_881 = arith.constant 12 : i32
      %add3A_882 = arith.addi %add3A_881, %scan3A_879 : i32
      %broadcast_in_dim3A_883 = arith.constant 0.000000e+00 : f32
      %broadcast_in_dim3A_884 = vector.broadcast %broadcast_in_dim3A_883 : f32 to vector<16xf32>
      %scan3A_885 = arith.constant 0 : i32
      %scan3A_886 = arith.constant 50 : i32
      %scan3A_887 = arith.addi %scan3A_885, %scan3A_886 : i32
      %scan3A_888 = arith.constant 1 : i32
      %scan3A_889:4 = scf.for %scan3A_904 = %scan3A_885 to %scan3A_887 step %scan3A_888 iter_args(%scan3A_905 = %broadcast_in_dim3A_884, %scan3A_906 = %broadcast_in_dim3A_884, %scan3A_907 = %broadcast_in_dim3A_884, %scan3A_908 = %broadcast_in_dim3A_884) -> (vector<16xf32>, vector<16xf32>, vector<16xf32>, vector<16xf32>)  : i32 {
        %mul3A_909 = arith.constant 50 : i32
        %mul3A_910 = arith.muli %scan3A_879, %mul3A_909 : i32
        %add3A_911 = arith.addi %mul3A_910, %scan3A_904 : i32
        %get3A_912 = arith.index_cast %add3A_911 : i32 to index
        %get3A_913 = arith.constant 0 : index
        %get3A_914 = tpu.vector_load %arg18[%get3A_912, %get3A_913] {strides = array<i32>} : memref<200x64xf32, #tpu.memory_space<vmem>>, vector<16xf32>,
        %add3A_915 = arith.addf %scan3A_905, %get3A_914 : vector<16xf32>
        %get3A_916 = arith.index_cast %add3A_911 : i32 to index
        %get3A_917 = arith.constant 16 : index
        %get3A_918 = tpu.vector_load %arg18[%get3A_916, %get3A_917] {strides = array<i32>} : memref<200x64xf32, #tpu.memory_space<vmem>>, vector<16xf32>,
        %add3A_919 = arith.addf %scan3A_906, %get3A_918 : vector<16xf32>
        %get3A_920 = arith.index_cast %add3A_911 : i32 to index
        %get3A_921 = arith.constant 32 : index
        %get3A_922 = tpu.vector_load %arg18[%get3A_920, %get3A_921] {strides = array<i32>} : memref<200x64xf32, #tpu.memory_space<vmem>>, vector<16xf32>,
        %add3A_923 = arith.addf %scan3A_907, %get3A_922 : vector<16xf32>
        %get3A_924 = arith.index_cast %add3A_911 : i32 to index
        %get3A_925 = arith.constant 48 : index
        %get3A_926 = tpu.vector_load %arg18[%get3A_924, %get3A_925] {strides = array<i32>} : memref<200x64xf32, #tpu.memory_space<vmem>>, vector<16xf32>,
        %add3A_927 = arith.addf %scan3A_908, %get3A_926 : vector<16xf32>
        scf.yield %add3A_915, %add3A_919, %add3A_923, %add3A_927 : vector<16xf32>, vector<16xf32>, vector<16xf32>, vector<16xf32>
      }
      %scan3A_890 = arith.constant 50 : i32
      %swap3A_891 = arith.index_cast %add3A_882 : i32 to index
      %swap3A_892 = arith.constant 0 : index
      %swap3A_893 = tpu.vector_load %arg24[%swap3A_891, %swap3A_892] {strides = array<i32>} : memref<128x64xf32, #tpu.memory_space<vmem>>, vector<16xf32>,
      tpu.vector_store %arg24[%swap3A_891, %swap3A_892], %scan3A_889#0 {strides = array<i32>} : memref<128x64xf32, #tpu.memory_space<vmem>>, vector<16xf32>,
      %swap3A_894 = arith.index_cast %add3A_882 : i32 to index
      %swap3A_895 = arith.constant 16 : index
      %swap3A_896 = tpu.vector_load %arg24[%swap3A_894, %swap3A_895] {strides = array<i32>} : memref<128x64xf32, #tpu.memory_space<vmem>>, vector<16xf32>,
      tpu.vector_store %arg24[%swap3A_894, %swap3A_895], %scan3A_889#1 {strides = array<i32>} : memref<128x64xf32, #tpu.memory_space<vmem>>, vector<16xf32>,
      %swap3A_897 = arith.index_cast %add3A_882 : i32 to index
      %swap3A_898 = arith.constant 32 : index
      %swap3A_899 = tpu.vector_load %arg24[%swap3A_897, %swap3A_898] {strides = array<i32>} : memref<128x64xf32, #tpu.memory_space<vmem>>, vector<16xf32>,
      tpu.vector_store %arg24[%swap3A_897, %swap3A_898], %scan3A_889#2 {strides = array<i32>} : memref<128x64xf32, #tpu.memory_space<vmem>>, vector<16xf32>,
      %swap3A_900 = arith.index_cast %add3A_882 : i32 to index
      %swap3A_901 = arith.constant 48 : index
      %swap3A_902 = tpu.vector_load %arg24[%swap3A_900, %swap3A_901] {strides = array<i32>} : memref<128x64xf32, #tpu.memory_space<vmem>>, vector<16xf32>,
      tpu.vector_store %arg24[%swap3A_900, %swap3A_901], %scan3A_889#3 {strides = array<i32>} : memref<128x64xf32, #tpu.memory_space<vmem>>, vector<16xf32>,
      %scan3A_903 = arith.constant 0 : i32
      scf.yield %scan3A_903 : i32
    }
    %scan3A_88 = arith.constant 4 : i32
    %dma_start3A_89 = arith.constant 1200 : i32
    %dma_start3A_90 = tpu.memref_slice %arg12[%dma_start3A_89] : memref<6400xi32, #tpu.memory_space<vmem>> -> memref<200xi32, #tpu.memory_space<vmem>>
    %dma_start3A_91 = arith.constant 0 : i32
    %dma_start3A_92 = arith.constant 0 : i32
    %dma_start3A_93 = tpu.memref_slice %arg9[%dma_start3A_91, %dma_start3A_92] : memref<1000000x64xf32, #tpu.memory_space<hbm>> -> memref<1000000x64xf32, #tpu.memory_space<hbm>>
    tpu.enqueue_indirect_dma source(%dma_start3A_93 : memref<1000000x64xf32, #tpu.memory_space<hbm>>) target(%arg18 : memref<200x64xf32, #tpu.memory_space<vmem>>) offsets(%dma_start3A_90 : memref<200xi32, #tpu.memory_space<vmem>>) semaphore(%arg31 : memref<!tpu.dma_semaphore, #tpu.memory_space<semaphore_mem>>)
    %dma_wait3A_94 = arith.constant 800 : i32
    %dma_wait3A_95 = tpu.memref_slice %arg12[%dma_wait3A_94] : memref<6400xi32, #tpu.memory_space<vmem>> -> memref<200xi32, #tpu.memory_space<vmem>>
    %dma_wait3A_96 = arith.constant 0 : i32
    %dma_wait3A_97 = arith.constant 0 : i32
    %dma_wait3A_98 = tpu.memref_slice %arg9[%dma_wait3A_96, %dma_wait3A_97] : memref<1000000x64xf32, #tpu.memory_space<hbm>> -> memref<1000000x64xf32, #tpu.memory_space<hbm>>
    tpu.wait_indirect_dma semaphore(%arg32 : memref<!tpu.dma_semaphore, #tpu.memory_space<semaphore_mem>>) src(%dma_wait3A_98 : memref<1000000x64xf32, #tpu.memory_space<hbm>>) dst(%arg19 : memref<200x64xf32, #tpu.memory_space<vmem>>)
    %scan3A_99 = arith.constant 0 : i32
    %scan3A_100 = arith.constant 0 : i32
    %scan3A_101 = arith.constant 4 : i32
    %scan3A_102 = arith.addi %scan3A_100, %scan3A_101 : i32
    %scan3A_103 = arith.constant 1 : i32
    %scan3A_104 = scf.for %scan3A_879 = %scan3A_100 to %scan3A_102 step %scan3A_103 iter_args(%scan3A_880 = %scan3A_99) -> (i32)  : i32 {
      %add3A_881 = arith.constant 16 : i32
      %add3A_882 = arith.addi %add3A_881, %scan3A_879 : i32
      %broadcast_in_dim3A_883 = arith.constant 0.000000e+00 : f32
      %broadcast_in_dim3A_884 = vector.broadcast %broadcast_in_dim3A_883 : f32 to vector<16xf32>
      %scan3A_885 = arith.constant 0 : i32
      %scan3A_886 = arith.constant 50 : i32
      %scan3A_887 = arith.addi %scan3A_885, %scan3A_886 : i32
      %scan3A_888 = arith.constant 1 : i32
      %scan3A_889:4 = scf.for %scan3A_904 = %scan3A_885 to %scan3A_887 step %scan3A_888 iter_args(%scan3A_905 = %broadcast_in_dim3A_884, %scan3A_906 = %broadcast_in_dim3A_884, %scan3A_907 = %broadcast_in_dim3A_884, %scan3A_908 = %broadcast_in_dim3A_884) -> (vector<16xf32>, vector<16xf32>, vector<16xf32>, vector<16xf32>)  : i32 {
        %mul3A_909 = arith.constant 50 : i32
        %mul3A_910 = arith.muli %scan3A_879, %mul3A_909 : i32
        %add3A_911 = arith.addi %mul3A_910, %scan3A_904 : i32
        %get3A_912 = arith.index_cast %add3A_911 : i32 to index
        %get3A_913 = arith.constant 0 : index
        %get3A_914 = tpu.vector_load %arg19[%get3A_912, %get3A_913] {strides = array<i32>} : memref<200x64xf32, #tpu.memory_space<vmem>>, vector<16xf32>,
        %add3A_915 = arith.addf %scan3A_905, %get3A_914 : vector<16xf32>
        %get3A_916 = arith.index_cast %add3A_911 : i32 to index
        %get3A_917 = arith.constant 16 : index
        %get3A_918 = tpu.vector_load %arg19[%get3A_916, %get3A_917] {strides = array<i32>} : memref<200x64xf32, #tpu.memory_space<vmem>>, vector<16xf32>,
        %add3A_919 = arith.addf %scan3A_906, %get3A_918 : vector<16xf32>
        %get3A_920 = arith.index_cast %add3A_911 : i32 to index
        %get3A_921 = arith.constant 32 : index
        %get3A_922 = tpu.vector_load %arg19[%get3A_920, %get3A_921] {strides = array<i32>} : memref<200x64xf32, #tpu.memory_space<vmem>>, vector<16xf32>,
        %add3A_923 = arith.addf %scan3A_907, %get3A_922 : vector<16xf32>
        %get3A_924 = arith.index_cast %add3A_911 : i32 to index
        %get3A_925 = arith.constant 48 : index
        %get3A_926 = tpu.vector_load %arg19[%get3A_924, %get3A_925] {strides = array<i32>} : memref<200x64xf32, #tpu.memory_space<vmem>>, vector<16xf32>,
        %add3A_927 = arith.addf %scan3A_908, %get3A_926 : vector<16xf32>
        scf.yield %add3A_915, %add3A_919, %add3A_923, %add3A_927 : vector<16xf32>, vector<16xf32>, vector<16xf32>, vector<16xf32>
      }
      %scan3A_890 = arith.constant 50 : i32
      %swap3A_891 = arith.index_cast %add3A_882 : i32 to index
      %swap3A_892 = arith.constant 0 : index
      %swap3A_893 = tpu.vector_load %arg24[%swap3A_891, %swap3A_892] {strides = array<i32>} : memref<128x64xf32, #tpu.memory_space<vmem>>, vector<16xf32>,
      tpu.vector_store %arg24[%swap3A_891, %swap3A_892], %scan3A_889#0 {strides = array<i32>} : memref<128x64xf32, #tpu.memory_space<vmem>>, vector<16xf32>,
      %swap3A_894 = arith.index_cast %add3A_882 : i32 to index
      %swap3A_895 = arith.constant 16 : index
      %swap3A_896 = tpu.vector_load %arg24[%swap3A_894, %swap3A_895] {strides = array<i32>} : memref<128x64xf32, #tpu.memory_space<vmem>>, vector<16xf32>,
      tpu.vector_store %arg24[%swap3A_894, %swap3A_895], %scan3A_889#1 {strides = array<i32>} : memref<128x64xf32, #tpu.memory_space<vmem>>, vector<16xf32>,
      %swap3A_897 = arith.index_cast %add3A_882 : i32 to index
      %swap3A_898 = arith.constant 32 : index
      %swap3A_899 = tpu.vector_load %arg24[%swap3A_897, %swap3A_898] {strides = array<i32>} : memref<128x64xf32, #tpu.memory_space<vmem>>, vector<16xf32>,
      tpu.vector_store %arg24[%swap3A_897, %swap3A_898], %scan3A_889#2 {strides = array<i32>} : memref<128x64xf32, #tpu.memory_space<vmem>>, vector<16xf32>,
      %swap3A_900 = arith.index_cast %add3A_882 : i32 to index
      %swap3A_901 = arith.constant 48 : index
      %swap3A_902 = tpu.vector_load %arg24[%swap3A_900, %swap3A_901] {strides = array<i32>} : memref<128x64xf32, #tpu.memory_space<vmem>>, vector<16xf32>,
      tpu.vector_store %arg24[%swap3A_900, %swap3A_901], %scan3A_889#3 {strides = array<i32>} : memref<128x64xf32, #tpu.memory_space<vmem>>, vector<16xf32>,
      %scan3A_903 = arith.constant 0 : i32
      scf.yield %scan3A_903 : i32
    }
    %scan3A_105 = arith.constant 4 : i32
    %dma_start3A_106 = arith.constant 1400 : i32
    %dma_start3A_107 = tpu.memref_slice %arg12[%dma_start3A_106] : memref<6400xi32, #tpu.memory_space<vmem>> -> memref<200xi32, #tpu.memory_space<vmem>>
    %dma_start3A_108 = arith.constant 0 : i32
    %dma_start3A_109 = arith.constant 0 : i32
    %dma_start3A_110 = tpu.memref_slice %arg9[%dma_start3A_108, %dma_start3A_109] : memref<1000000x64xf32, #tpu.memory_space<hbm>> -> memref<1000000x64xf32, #tpu.memory_space<hbm>>
    tpu.enqueue_indirect_dma source(%dma_start3A_110 : memref<1000000x64xf32, #tpu.memory_space<hbm>>) target(%arg19 : memref<200x64xf32, #tpu.memory_space<vmem>>) offsets(%dma_start3A_107 : memref<200xi32, #tpu.memory_space<vmem>>) semaphore(%arg32 : memref<!tpu.dma_semaphore, #tpu.memory_space<semaphore_mem>>)
    %dma_wait3A_111 = arith.constant 1000 : i32
    %dma_wait3A_112 = tpu.memref_slice %arg12[%dma_wait3A_111] : memref<6400xi32, #tpu.memory_space<vmem>> -> memref<200xi32, #tpu.memory_space<vmem>>
    %dma_wait3A_113 = arith.constant 0 : i32
    %dma_wait3A_114 = arith.constant 0 : i32
    %dma_wait3A_115 = tpu.memref_slice %arg9[%dma_wait3A_113, %dma_wait3A_114] : memref<1000000x64xf32, #tpu.memory_space<hbm>> -> memref<1000000x64xf32, #tpu.memory_space<hbm>>
    tpu.wait_indirect_dma semaphore(%arg33 : memref<!tpu.dma_semaphore, #tpu.memory_space<semaphore_mem>>) src(%dma_wait3A_115 : memref<1000000x64xf32, #tpu.memory_space<hbm>>) dst(%arg20 : memref<200x64xf32, #tpu.memory_space<vmem>>)
    %scan3A_116 = arith.constant 0 : i32
    %scan3A_117 = arith.constant 0 : i32
    %scan3A_118 = arith.constant 4 : i32
    %scan3A_119 = arith.addi %scan3A_117, %scan3A_118 : i32
    %scan3A_120 = arith.constant 1 : i32
    %scan3A_121 = scf.for %scan3A_879 = %scan3A_117 to %scan3A_119 step %scan3A_120 iter_args(%scan3A_880 = %scan3A_116) -> (i32)  : i32 {
      %add3A_881 = arith.constant 20 : i32
      %add3A_882 = arith.addi %add3A_881, %scan3A_879 : i32
      %broadcast_in_dim3A_883 = arith.constant 0.000000e+00 : f32
      %broadcast_in_dim3A_884 = vector.broadcast %broadcast_in_dim3A_883 : f32 to vector<16xf32>
      %scan3A_885 = arith.constant 0 : i32
      %scan3A_886 = arith.constant 50 : i32
      %scan3A_887 = arith.addi %scan3A_885, %scan3A_886 : i32
      %scan3A_888 = arith.constant 1 : i32
      %scan3A_889:4 = scf.for %scan3A_904 = %scan3A_885 to %scan3A_887 step %scan3A_888 iter_args(%scan3A_905 = %broadcast_in_dim3A_884, %scan3A_906 = %broadcast_in_dim3A_884, %scan3A_907 = %broadcast_in_dim3A_884, %scan3A_908 = %broadcast_in_dim3A_884) -> (vector<16xf32>, vector<16xf32>, vector<16xf32>, vector<16xf32>)  : i32 {
        %mul3A_909 = arith.constant 50 : i32
        %mul3A_910 = arith.muli %scan3A_879, %mul3A_909 : i32
        %add3A_911 = arith.addi %mul3A_910, %scan3A_904 : i32
        %get3A_912 = arith.index_cast %add3A_911 : i32 to index
        %get3A_913 = arith.constant 0 : index
        %get3A_914 = tpu.vector_load %arg20[%get3A_912, %get3A_913] {strides = array<i32>} : memref<200x64xf32, #tpu.memory_space<vmem>>, vector<16xf32>,
        %add3A_915 = arith.addf %scan3A_905, %get3A_914 : vector<16xf32>
        %get3A_916 = arith.index_cast %add3A_911 : i32 to index
        %get3A_917 = arith.constant 16 : index
        %get3A_918 = tpu.vector_load %arg20[%get3A_916, %get3A_917] {strides = array<i32>} : memref<200x64xf32, #tpu.memory_space<vmem>>, vector<16xf32>,
        %add3A_919 = arith.addf %scan3A_906, %get3A_918 : vector<16xf32>
        %get3A_920 = arith.index_cast %add3A_911 : i32 to index
        %get3A_921 = arith.constant 32 : index
        %get3A_922 = tpu.vector_load %arg20[%get3A_920, %get3A_921] {strides = array<i32>} : memref<200x64xf32, #tpu.memory_space<vmem>>, vector<16xf32>,
        %add3A_923 = arith.addf %scan3A_907, %get3A_922 : vector<16xf32>
        %get3A_924 = arith.index_cast %add3A_911 : i32 to index
        %get3A_925 = arith.constant 48 : index
        %get3A_926 = tpu.vector_load %arg20[%get3A_924, %get3A_925] {strides = array<i32>} : memref<200x64xf32, #tpu.memory_space<vmem>>, vector<16xf32>,
        %add3A_927 = arith.addf %scan3A_908, %get3A_926 : vector<16xf32>
        scf.yield %add3A_915, %add3A_919, %add3A_923, %add3A_927 : vector<16xf32>, vector<16xf32>, vector<16xf32>, vector<16xf32>
      }
      %scan3A_890 = arith.constant 50 : i32
      %swap3A_891 = arith.index_cast %add3A_882 : i32 to index
      %swap3A_892 = arith.constant 0 : index
      %swap3A_893 = tpu.vector_load %arg24[%swap3A_891, %swap3A_892] {strides = array<i32>} : memref<128x64xf32, #tpu.memory_space<vmem>>, vector<16xf32>,
      tpu.vector_store %arg24[%swap3A_891, %swap3A_892], %scan3A_889#0 {strides = array<i32>} : memref<128x64xf32, #tpu.memory_space<vmem>>, vector<16xf32>,
      %swap3A_894 = arith.index_cast %add3A_882 : i32 to index
      %swap3A_895 = arith.constant 16 : index
      %swap3A_896 = tpu.vector_load %arg24[%swap3A_894, %swap3A_895] {strides = array<i32>} : memref<128x64xf32, #tpu.memory_space<vmem>>, vector<16xf32>,
      tpu.vector_store %arg24[%swap3A_894, %swap3A_895], %scan3A_889#1 {strides = array<i32>} : memref<128x64xf32, #tpu.memory_space<vmem>>, vector<16xf32>,
      %swap3A_897 = arith.index_cast %add3A_882 : i32 to index
      %swap3A_898 = arith.constant 32 : index
      %swap3A_899 = tpu.vector_load %arg24[%swap3A_897, %swap3A_898] {strides = array<i32>} : memref<128x64xf32, #tpu.memory_space<vmem>>, vector<16xf32>,
      tpu.vector_store %arg24[%swap3A_897, %swap3A_898], %scan3A_889#2 {strides = array<i32>} : memref<128x64xf32, #tpu.memory_space<vmem>>, vector<16xf32>,
      %swap3A_900 = arith.index_cast %add3A_882 : i32 to index
      %swap3A_901 = arith.constant 48 : index
      %swap3A_902 = tpu.vector_load %arg24[%swap3A_900, %swap3A_901] {strides = array<i32>} : memref<128x64xf32, #tpu.memory_space<vmem>>, vector<16xf32>,
      tpu.vector_store %arg24[%swap3A_900, %swap3A_901], %scan3A_889#3 {strides = array<i32>} : memref<128x64xf32, #tpu.memory_space<vmem>>, vector<16xf32>,
      %scan3A_903 = arith.constant 0 : i32
      scf.yield %scan3A_903 : i32
    }
    %scan3A_122 = arith.constant 4 : i32
    %dma_start3A_123 = arith.constant 1600 : i32
    %dma_start3A_124 = tpu.memref_slice %arg12[%dma_start3A_123] : memref<6400xi32, #tpu.memory_space<vmem>> -> memref<200xi32, #tpu.memory_space<vmem>>
    %dma_start3A_125 = arith.constant 0 : i32
    %dma_start3A_126 = arith.constant 0 : i32
    %dma_start3A_127 = tpu.memref_slice %arg9[%dma_start3A_125, %dma_start3A_126] : memref<1000000x64xf32, #tpu.memory_space<hbm>> -> memref<1000000x64xf32, #tpu.memory_space<hbm>>
    tpu.enqueue_indirect_dma source(%dma_start3A_127 : memref<1000000x64xf32, #tpu.memory_space<hbm>>) target(%arg20 : memref<200x64xf32, #tpu.memory_space<vmem>>) offsets(%dma_start3A_124 : memref<200xi32, #tpu.memory_space<vmem>>) semaphore(%arg33 : memref<!tpu.dma_semaphore, #tpu.memory_space<semaphore_mem>>)
    %dma_wait3A_128 = arith.constant 1200 : i32
    %dma_wait3A_129 = tpu.memref_slice %arg12[%dma_wait3A_128] : memref<6400xi32, #tpu.memory_space<vmem>> -> memref<200xi32, #tpu.memory_space<vmem>>
    %dma_wait3A_130 = arith.constant 0 : i32
    %dma_wait3A_131 = arith.constant 0 : i32
    %dma_wait3A_132 = tpu.memref_slice %arg9[%dma_wait3A_130, %dma_wait3A_131] : memref<1000000x64xf32, #tpu.memory_space<hbm>> -> memref<1000000x64xf32, #tpu.memory_space<hbm>>
    tpu.wait_indirect_dma semaphore(%arg31 : memref<!tpu.dma_semaphore, #tpu.memory_space<semaphore_mem>>) src(%dma_wait3A_132 : memref<1000000x64xf32, #tpu.memory_space<hbm>>) dst(%arg18 : memref<200x64xf32, #tpu.memory_space<vmem>>)
    %scan3A_133 = arith.constant 0 : i32
    %scan3A_134 = arith.constant 0 : i32
    %scan3A_135 = arith.constant 4 : i32
    %scan3A_136 = arith.addi %scan3A_134, %scan3A_135 : i32
    %scan3A_137 = arith.constant 1 : i32
    %scan3A_138 = scf.for %scan3A_879 = %scan3A_134 to %scan3A_136 step %scan3A_137 iter_args(%scan3A_880 = %scan3A_133) -> (i32)  : i32 {
      %add3A_881 = arith.constant 24 : i32
      %add3A_882 = arith.addi %add3A_881, %scan3A_879 : i32
      %broadcast_in_dim3A_883 = arith.constant 0.000000e+00 : f32
      %broadcast_in_dim3A_884 = vector.broadcast %broadcast_in_dim3A_883 : f32 to vector<16xf32>
      %scan3A_885 = arith.constant 0 : i32
      %scan3A_886 = arith.constant 50 : i32
      %scan3A_887 = arith.addi %scan3A_885, %scan3A_886 : i32
      %scan3A_888 = arith.constant 1 : i32
      %scan3A_889:4 = scf.for %scan3A_904 = %scan3A_885 to %scan3A_887 step %scan3A_888 iter_args(%scan3A_905 = %broadcast_in_dim3A_884, %scan3A_906 = %broadcast_in_dim3A_884, %scan3A_907 = %broadcast_in_dim3A_884, %scan3A_908 = %broadcast_in_dim3A_884) -> (vector<16xf32>, vector<16xf32>, vector<16xf32>, vector<16xf32>)  : i32 {
        %mul3A_909 = arith.constant 50 : i32
        %mul3A_910 = arith.muli %scan3A_879, %mul3A_909 : i32
        %add3A_911 = arith.addi %mul3A_910, %scan3A_904 : i32
        %get3A_912 = arith.index_cast %add3A_911 : i32 to index
        %get3A_913 = arith.constant 0 : index
        %get3A_914 = tpu.vector_load %arg18[%get3A_912, %get3A_913] {strides = array<i32>} : memref<200x64xf32, #tpu.memory_space<vmem>>, vector<16xf32>,
        %add3A_915 = arith.addf %scan3A_905, %get3A_914 : vector<16xf32>
        %get3A_916 = arith.index_cast %add3A_911 : i32 to index
        %get3A_917 = arith.constant 16 : index
        %get3A_918 = tpu.vector_load %arg18[%get3A_916, %get3A_917] {strides = array<i32>} : memref<200x64xf32, #tpu.memory_space<vmem>>, vector<16xf32>,
        %add3A_919 = arith.addf %scan3A_906, %get3A_918 : vector<16xf32>
        %get3A_920 = arith.index_cast %add3A_911 : i32 to index
        %get3A_921 = arith.constant 32 : index
        %get3A_922 = tpu.vector_load %arg18[%get3A_920, %get3A_921] {strides = array<i32>} : memref<200x64xf32, #tpu.memory_space<vmem>>, vector<16xf32>,
        %add3A_923 = arith.addf %scan3A_907, %get3A_922 : vector<16xf32>
        %get3A_924 = arith.index_cast %add3A_911 : i32 to index
        %get3A_925 = arith.constant 48 : index
        %get3A_926 = tpu.vector_load %arg18[%get3A_924, %get3A_925] {strides = array<i32>} : memref<200x64xf32, #tpu.memory_space<vmem>>, vector<16xf32>,
        %add3A_927 = arith.addf %scan3A_908, %get3A_926 : vector<16xf32>
        scf.yield %add3A_915, %add3A_919, %add3A_923, %add3A_927 : vector<16xf32>, vector<16xf32>, vector<16xf32>, vector<16xf32>
      }
      %scan3A_890 = arith.constant 50 : i32
      %swap3A_891 = arith.index_cast %add3A_882 : i32 to index
      %swap3A_892 = arith.constant 0 : index
      %swap3A_893 = tpu.vector_load %arg24[%swap3A_891, %swap3A_892] {strides = array<i32>} : memref<128x64xf32, #tpu.memory_space<vmem>>, vector<16xf32>,
      tpu.vector_store %arg24[%swap3A_891, %swap3A_892], %scan3A_889#0 {strides = array<i32>} : memref<128x64xf32, #tpu.memory_space<vmem>>, vector<16xf32>,
      %swap3A_894 = arith.index_cast %add3A_882 : i32 to index
      %swap3A_895 = arith.constant 16 : index
      %swap3A_896 = tpu.vector_load %arg24[%swap3A_894, %swap3A_895] {strides = array<i32>} : memref<128x64xf32, #tpu.memory_space<vmem>>, vector<16xf32>,
      tpu.vector_store %arg24[%swap3A_894, %swap3A_895], %scan3A_889#1 {strides = array<i32>} : memref<128x64xf32, #tpu.memory_space<vmem>>, vector<16xf32>,
      %swap3A_897 = arith.index_cast %add3A_882 : i32 to index
      %swap3A_898 = arith.constant 32 : index
      %swap3A_899 = tpu.vector_load %arg24[%swap3A_897, %swap3A_898] {strides = array<i32>} : memref<128x64xf32, #tpu.memory_space<vmem>>, vector<16xf32>,
      tpu.vector_store %arg24[%swap3A_897, %swap3A_898], %scan3A_889#2 {strides = array<i32>} : memref<128x64xf32, #tpu.memory_space<vmem>>, vector<16xf32>,
      %swap3A_900 = arith.index_cast %add3A_882 : i32 to index
      %swap3A_901 = arith.constant 48 : index
      %swap3A_902 = tpu.vector_load %arg24[%swap3A_900, %swap3A_901] {strides = array<i32>} : memref<128x64xf32, #tpu.memory_space<vmem>>, vector<16xf32>,
      tpu.vector_store %arg24[%swap3A_900, %swap3A_901], %scan3A_889#3 {strides = array<i32>} : memref<128x64xf32, #tpu.memory_space<vmem>>, vector<16xf32>,
      %scan3A_903 = arith.constant 0 : i32
      scf.yield %scan3A_903 : i32
    }
    %scan3A_139 = arith.constant 4 : i32
    %dma_start3A_140 = arith.constant 1800 : i32
    %dma_start3A_141 = tpu.memref_slice %arg12[%dma_start3A_140] : memref<6400xi32, #tpu.memory_space<vmem>> -> memref<200xi32, #tpu.memory_space<vmem>>
    %dma_start3A_142 = arith.constant 0 : i32
    %dma_start3A_143 = arith.constant 0 : i32
    %dma_start3A_144 = tpu.memref_slice %arg9[%dma_start3A_142, %dma_start3A_143] : memref<1000000x64xf32, #tpu.memory_space<hbm>> -> memref<1000000x64xf32, #tpu.memory_space<hbm>>
    tpu.enqueue_indirect_dma source(%dma_start3A_144 : memref<1000000x64xf32, #tpu.memory_space<hbm>>) target(%arg18 : memref<200x64xf32, #tpu.memory_space<vmem>>) offsets(%dma_start3A_141 : memref<200xi32, #tpu.memory_space<vmem>>) semaphore(%arg31 : memref<!tpu.dma_semaphore, #tpu.memory_space<semaphore_mem>>)
    %dma_wait3A_145 = arith.constant 1400 : i32
    %dma_wait3A_146 = tpu.memref_slice %arg12[%dma_wait3A_145] : memref<6400xi32, #tpu.memory_space<vmem>> -> memref<200xi32, #tpu.memory_space<vmem>>
    %dma_wait3A_147 = arith.constant 0 : i32
    %dma_wait3A_148 = arith.constant 0 : i32
    %dma_wait3A_149 = tpu.memref_slice %arg9[%dma_wait3A_147, %dma_wait3A_148] : memref<1000000x64xf32, #tpu.memory_space<hbm>> -> memref<1000000x64xf32, #tpu.memory_space<hbm>>
    tpu.wait_indirect_dma semaphore(%arg32 : memref<!tpu.dma_semaphore, #tpu.memory_space<semaphore_mem>>) src(%dma_wait3A_149 : memref<1000000x64xf32, #tpu.memory_space<hbm>>) dst(%arg19 : memref<200x64xf32, #tpu.memory_space<vmem>>)
    %scan3A_150 = arith.constant 0 : i32
    %scan3A_151 = arith.constant 0 : i32
    %scan3A_152 = arith.constant 4 : i32
    %scan3A_153 = arith.addi %scan3A_151, %scan3A_152 : i32
    %scan3A_154 = arith.constant 1 : i32
    %scan3A_155 = scf.for %scan3A_879 = %scan3A_151 to %scan3A_153 step %scan3A_154 iter_args(%scan3A_880 = %scan3A_150) -> (i32)  : i32 {
      %add3A_881 = arith.constant 28 : i32
      %add3A_882 = arith.addi %add3A_881, %scan3A_879 : i32
      %broadcast_in_dim3A_883 = arith.constant 0.000000e+00 : f32
      %broadcast_in_dim3A_884 = vector.broadcast %broadcast_in_dim3A_883 : f32 to vector<16xf32>
      %scan3A_885 = arith.constant 0 : i32
      %scan3A_886 = arith.constant 50 : i32
      %scan3A_887 = arith.addi %scan3A_885, %scan3A_886 : i32
      %scan3A_888 = arith.constant 1 : i32
      %scan3A_889:4 = scf.for %scan3A_904 = %scan3A_885 to %scan3A_887 step %scan3A_888 iter_args(%scan3A_905 = %broadcast_in_dim3A_884, %scan3A_906 = %broadcast_in_dim3A_884, %scan3A_907 = %broadcast_in_dim3A_884, %scan3A_908 = %broadcast_in_dim3A_884) -> (vector<16xf32>, vector<16xf32>, vector<16xf32>, vector<16xf32>)  : i32 {
        %mul3A_909 = arith.constant 50 : i32
        %mul3A_910 = arith.muli %scan3A_879, %mul3A_909 : i32
        %add3A_911 = arith.addi %mul3A_910, %scan3A_904 : i32
        %get3A_912 = arith.index_cast %add3A_911 : i32 to index
        %get3A_913 = arith.constant 0 : index
        %get3A_914 = tpu.vector_load %arg19[%get3A_912, %get3A_913] {strides = array<i32>} : memref<200x64xf32, #tpu.memory_space<vmem>>, vector<16xf32>,
        %add3A_915 = arith.addf %scan3A_905, %get3A_914 : vector<16xf32>
        %get3A_916 = arith.index_cast %add3A_911 : i32 to index
        %get3A_917 = arith.constant 16 : index
        %get3A_918 = tpu.vector_load %arg19[%get3A_916, %get3A_917] {strides = array<i32>} : memref<200x64xf32, #tpu.memory_space<vmem>>, vector<16xf32>,
        %add3A_919 = arith.addf %scan3A_906, %get3A_918 : vector<16xf32>
        %get3A_920 = arith.index_cast %add3A_911 : i32 to index
        %get3A_921 = arith.constant 32 : index
        %get3A_922 = tpu.vector_load %arg19[%get3A_920, %get3A_921] {strides = array<i32>} : memref<200x64xf32, #tpu.memory_space<vmem>>, vector<16xf32>,
        %add3A_923 = arith.addf %scan3A_907, %get3A_922 : vector<16xf32>
        %get3A_924 = arith.index_cast %add3A_911 : i32 to index
        %get3A_925 = arith.constant 48 : index
        %get3A_926 = tpu.vector_load %arg19[%get3A_924, %get3A_925] {strides = array<i32>} : memref<200x64xf32, #tpu.memory_space<vmem>>, vector<16xf32>,
        %add3A_927 = arith.addf %scan3A_908, %get3A_926 : vector<16xf32>
        scf.yield %add3A_915, %add3A_919, %add3A_923, %add3A_927 : vector<16xf32>, vector<16xf32>, vector<16xf32>, vector<16xf32>
      }
      %scan3A_890 = arith.constant 50 : i32
      %swap3A_891 = arith.index_cast %add3A_882 : i32 to index
      %swap3A_892 = arith.constant 0 : index
      %swap3A_893 = tpu.vector_load %arg24[%swap3A_891, %swap3A_892] {strides = array<i32>} : memref<128x64xf32, #tpu.memory_space<vmem>>, vector<16xf32>,
      tpu.vector_store %arg24[%swap3A_891, %swap3A_892], %scan3A_889#0 {strides = array<i32>} : memref<128x64xf32, #tpu.memory_space<vmem>>, vector<16xf32>,
      %swap3A_894 = arith.index_cast %add3A_882 : i32 to index
      %swap3A_895 = arith.constant 16 : index
      %swap3A_896 = tpu.vector_load %arg24[%swap3A_894, %swap3A_895] {strides = array<i32>} : memref<128x64xf32, #tpu.memory_space<vmem>>, vector<16xf32>,
      tpu.vector_store %arg24[%swap3A_894, %swap3A_895], %scan3A_889#1 {strides = array<i32>} : memref<128x64xf32, #tpu.memory_space<vmem>>, vector<16xf32>,
      %swap3A_897 = arith.index_cast %add3A_882 : i32 to index
      %swap3A_898 = arith.constant 32 : index
      %swap3A_899 = tpu.vector_load %arg24[%swap3A_897, %swap3A_898] {strides = array<i32>} : memref<128x64xf32, #tpu.memory_space<vmem>>, vector<16xf32>,
      tpu.vector_store %arg24[%swap3A_897, %swap3A_898], %scan3A_889#2 {strides = array<i32>} : memref<128x64xf32, #tpu.memory_space<vmem>>, vector<16xf32>,
      %swap3A_900 = arith.index_cast %add3A_882 : i32 to index
      %swap3A_901 = arith.constant 48 : index
      %swap3A_902 = tpu.vector_load %arg24[%swap3A_900, %swap3A_901] {strides = array<i32>} : memref<128x64xf32, #tpu.memory_space<vmem>>, vector<16xf32>,
      tpu.vector_store %arg24[%swap3A_900, %swap3A_901], %scan3A_889#3 {strides = array<i32>} : memref<128x64xf32, #tpu.memory_space<vmem>>, vector<16xf32>,
      %scan3A_903 = arith.constant 0 : i32
      scf.yield %scan3A_903 : i32
    }
    %scan3A_156 = arith.constant 4 : i32
    %dma_start3A_157 = arith.constant 2000 : i32
    %dma_start3A_158 = tpu.memref_slice %arg12[%dma_start3A_157] : memref<6400xi32, #tpu.memory_space<vmem>> -> memref<200xi32, #tpu.memory_space<vmem>>
    %dma_start3A_159 = arith.constant 0 : i32
    %dma_start3A_160 = arith.constant 0 : i32
    %dma_start3A_161 = tpu.memref_slice %arg9[%dma_start3A_159, %dma_start3A_160] : memref<1000000x64xf32, #tpu.memory_space<hbm>> -> memref<1000000x64xf32, #tpu.memory_space<hbm>>
    tpu.enqueue_indirect_dma source(%dma_start3A_161 : memref<1000000x64xf32, #tpu.memory_space<hbm>>) target(%arg19 : memref<200x64xf32, #tpu.memory_space<vmem>>) offsets(%dma_start3A_158 : memref<200xi32, #tpu.memory_space<vmem>>) semaphore(%arg32 : memref<!tpu.dma_semaphore, #tpu.memory_space<semaphore_mem>>)
    %dma_wait3A_162 = arith.constant 1600 : i32
    %dma_wait3A_163 = tpu.memref_slice %arg12[%dma_wait3A_162] : memref<6400xi32, #tpu.memory_space<vmem>> -> memref<200xi32, #tpu.memory_space<vmem>>
    %dma_wait3A_164 = arith.constant 0 : i32
    %dma_wait3A_165 = arith.constant 0 : i32
    %dma_wait3A_166 = tpu.memref_slice %arg9[%dma_wait3A_164, %dma_wait3A_165] : memref<1000000x64xf32, #tpu.memory_space<hbm>> -> memref<1000000x64xf32, #tpu.memory_space<hbm>>
    tpu.wait_indirect_dma semaphore(%arg33 : memref<!tpu.dma_semaphore, #tpu.memory_space<semaphore_mem>>) src(%dma_wait3A_166 : memref<1000000x64xf32, #tpu.memory_space<hbm>>) dst(%arg20 : memref<200x64xf32, #tpu.memory_space<vmem>>)
    %scan3A_167 = arith.constant 0 : i32
    %scan3A_168 = arith.constant 0 : i32
    %scan3A_169 = arith.constant 4 : i32
    %scan3A_170 = arith.addi %scan3A_168, %scan3A_169 : i32
    %scan3A_171 = arith.constant 1 : i32
    %scan3A_172 = scf.for %scan3A_879 = %scan3A_168 to %scan3A_170 step %scan3A_171 iter_args(%scan3A_880 = %scan3A_167) -> (i32)  : i32 {
      %add3A_881 = arith.constant 32 : i32
      %add3A_882 = arith.addi %add3A_881, %scan3A_879 : i32
      %broadcast_in_dim3A_883 = arith.constant 0.000000e+00 : f32
      %broadcast_in_dim3A_884 = vector.broadcast %broadcast_in_dim3A_883 : f32 to vector<16xf32>
      %scan3A_885 = arith.constant 0 : i32
      %scan3A_886 = arith.constant 50 : i32
      %scan3A_887 = arith.addi %scan3A_885, %scan3A_886 : i32
      %scan3A_888 = arith.constant 1 : i32
      %scan3A_889:4 = scf.for %scan3A_904 = %scan3A_885 to %scan3A_887 step %scan3A_888 iter_args(%scan3A_905 = %broadcast_in_dim3A_884, %scan3A_906 = %broadcast_in_dim3A_884, %scan3A_907 = %broadcast_in_dim3A_884, %scan3A_908 = %broadcast_in_dim3A_884) -> (vector<16xf32>, vector<16xf32>, vector<16xf32>, vector<16xf32>)  : i32 {
        %mul3A_909 = arith.constant 50 : i32
        %mul3A_910 = arith.muli %scan3A_879, %mul3A_909 : i32
        %add3A_911 = arith.addi %mul3A_910, %scan3A_904 : i32
        %get3A_912 = arith.index_cast %add3A_911 : i32 to index
        %get3A_913 = arith.constant 0 : index
        %get3A_914 = tpu.vector_load %arg20[%get3A_912, %get3A_913] {strides = array<i32>} : memref<200x64xf32, #tpu.memory_space<vmem>>, vector<16xf32>,
        %add3A_915 = arith.addf %scan3A_905, %get3A_914 : vector<16xf32>
        %get3A_916 = arith.index_cast %add3A_911 : i32 to index
        %get3A_917 = arith.constant 16 : index
        %get3A_918 = tpu.vector_load %arg20[%get3A_916, %get3A_917] {strides = array<i32>} : memref<200x64xf32, #tpu.memory_space<vmem>>, vector<16xf32>,
        %add3A_919 = arith.addf %scan3A_906, %get3A_918 : vector<16xf32>
        %get3A_920 = arith.index_cast %add3A_911 : i32 to index
        %get3A_921 = arith.constant 32 : index
        %get3A_922 = tpu.vector_load %arg20[%get3A_920, %get3A_921] {strides = array<i32>} : memref<200x64xf32, #tpu.memory_space<vmem>>, vector<16xf32>,
        %add3A_923 = arith.addf %scan3A_907, %get3A_922 : vector<16xf32>
        %get3A_924 = arith.index_cast %add3A_911 : i32 to index
        %get3A_925 = arith.constant 48 : index
        %get3A_926 = tpu.vector_load %arg20[%get3A_924, %get3A_925] {strides = array<i32>} : memref<200x64xf32, #tpu.memory_space<vmem>>, vector<16xf32>,
        %add3A_927 = arith.addf %scan3A_908, %get3A_926 : vector<16xf32>
        scf.yield %add3A_915, %add3A_919, %add3A_923, %add3A_927 : vector<16xf32>, vector<16xf32>, vector<16xf32>, vector<16xf32>
      }
      %scan3A_890 = arith.constant 50 : i32
      %swap3A_891 = arith.index_cast %add3A_882 : i32 to index
      %swap3A_892 = arith.constant 0 : index
      %swap3A_893 = tpu.vector_load %arg24[%swap3A_891, %swap3A_892] {strides = array<i32>} : memref<128x64xf32, #tpu.memory_space<vmem>>, vector<16xf32>,
      tpu.vector_store %arg24[%swap3A_891, %swap3A_892], %scan3A_889#0 {strides = array<i32>} : memref<128x64xf32, #tpu.memory_space<vmem>>, vector<16xf32>,
      %swap3A_894 = arith.index_cast %add3A_882 : i32 to index
      %swap3A_895 = arith.constant 16 : index
      %swap3A_896 = tpu.vector_load %arg24[%swap3A_894, %swap3A_895] {strides = array<i32>} : memref<128x64xf32, #tpu.memory_space<vmem>>, vector<16xf32>,
      tpu.vector_store %arg24[%swap3A_894, %swap3A_895], %scan3A_889#1 {strides = array<i32>} : memref<128x64xf32, #tpu.memory_space<vmem>>, vector<16xf32>,
      %swap3A_897 = arith.index_cast %add3A_882 : i32 to index
      %swap3A_898 = arith.constant 32 : index
      %swap3A_899 = tpu.vector_load %arg24[%swap3A_897, %swap3A_898] {strides = array<i32>} : memref<128x64xf32, #tpu.memory_space<vmem>>, vector<16xf32>,
      tpu.vector_store %arg24[%swap3A_897, %swap3A_898], %scan3A_889#2 {strides = array<i32>} : memref<128x64xf32, #tpu.memory_space<vmem>>, vector<16xf32>,
      %swap3A_900 = arith.index_cast %add3A_882 : i32 to index
      %swap3A_901 = arith.constant 48 : index
      %swap3A_902 = tpu.vector_load %arg24[%swap3A_900, %swap3A_901] {strides = array<i32>} : memref<128x64xf32, #tpu.memory_space<vmem>>, vector<16xf32>,
      tpu.vector_store %arg24[%swap3A_900, %swap3A_901], %scan3A_889#3 {strides = array<i32>} : memref<128x64xf32, #tpu.memory_space<vmem>>, vector<16xf32>,
      %scan3A_903 = arith.constant 0 : i32
      scf.yield %scan3A_903 : i32
    }
    %scan3A_173 = arith.constant 4 : i32
    %dma_start3A_174 = arith.constant 2200 : i32
    %dma_start3A_175 = tpu.memref_slice %arg12[%dma_start3A_174] : memref<6400xi32, #tpu.memory_space<vmem>> -> memref<200xi32, #tpu.memory_space<vmem>>
    %dma_start3A_176 = arith.constant 0 : i32
    %dma_start3A_177 = arith.constant 0 : i32
    %dma_start3A_178 = tpu.memref_slice %arg9[%dma_start3A_176, %dma_start3A_177] : memref<1000000x64xf32, #tpu.memory_space<hbm>> -> memref<1000000x64xf32, #tpu.memory_space<hbm>>
    tpu.enqueue_indirect_dma source(%dma_start3A_178 : memref<1000000x64xf32, #tpu.memory_space<hbm>>) target(%arg20 : memref<200x64xf32, #tpu.memory_space<vmem>>) offsets(%dma_start3A_175 : memref<200xi32, #tpu.memory_space<vmem>>) semaphore(%arg33 : memref<!tpu.dma_semaphore, #tpu.memory_space<semaphore_mem>>)
    %dma_wait3A_179 = arith.constant 1800 : i32
    %dma_wait3A_180 = tpu.memref_slice %arg12[%dma_wait3A_179] : memref<6400xi32, #tpu.memory_space<vmem>> -> memref<200xi32, #tpu.memory_space<vmem>>
    %dma_wait3A_181 = arith.constant 0 : i32
    %dma_wait3A_182 = arith.constant 0 : i32
    %dma_wait3A_183 = tpu.memref_slice %arg9[%dma_wait3A_181, %dma_wait3A_182] : memref<1000000x64xf32, #tpu.memory_space<hbm>> -> memref<1000000x64xf32, #tpu.memory_space<hbm>>
    tpu.wait_indirect_dma semaphore(%arg31 : memref<!tpu.dma_semaphore, #tpu.memory_space<semaphore_mem>>) src(%dma_wait3A_183 : memref<1000000x64xf32, #tpu.memory_space<hbm>>) dst(%arg18 : memref<200x64xf32, #tpu.memory_space<vmem>>)
    %scan3A_184 = arith.constant 0 : i32
    %scan3A_185 = arith.constant 0 : i32
    %scan3A_186 = arith.constant 4 : i32
    %scan3A_187 = arith.addi %scan3A_185, %scan3A_186 : i32
    %scan3A_188 = arith.constant 1 : i32
    %scan3A_189 = scf.for %scan3A_879 = %scan3A_185 to %scan3A_187 step %scan3A_188 iter_args(%scan3A_880 = %scan3A_184) -> (i32)  : i32 {
      %add3A_881 = arith.constant 36 : i32
      %add3A_882 = arith.addi %add3A_881, %scan3A_879 : i32
      %broadcast_in_dim3A_883 = arith.constant 0.000000e+00 : f32
      %broadcast_in_dim3A_884 = vector.broadcast %broadcast_in_dim3A_883 : f32 to vector<16xf32>
      %scan3A_885 = arith.constant 0 : i32
      %scan3A_886 = arith.constant 50 : i32
      %scan3A_887 = arith.addi %scan3A_885, %scan3A_886 : i32
      %scan3A_888 = arith.constant 1 : i32
      %scan3A_889:4 = scf.for %scan3A_904 = %scan3A_885 to %scan3A_887 step %scan3A_888 iter_args(%scan3A_905 = %broadcast_in_dim3A_884, %scan3A_906 = %broadcast_in_dim3A_884, %scan3A_907 = %broadcast_in_dim3A_884, %scan3A_908 = %broadcast_in_dim3A_884) -> (vector<16xf32>, vector<16xf32>, vector<16xf32>, vector<16xf32>)  : i32 {
        %mul3A_909 = arith.constant 50 : i32
        %mul3A_910 = arith.muli %scan3A_879, %mul3A_909 : i32
        %add3A_911 = arith.addi %mul3A_910, %scan3A_904 : i32
        %get3A_912 = arith.index_cast %add3A_911 : i32 to index
        %get3A_913 = arith.constant 0 : index
        %get3A_914 = tpu.vector_load %arg18[%get3A_912, %get3A_913] {strides = array<i32>} : memref<200x64xf32, #tpu.memory_space<vmem>>, vector<16xf32>,
        %add3A_915 = arith.addf %scan3A_905, %get3A_914 : vector<16xf32>
        %get3A_916 = arith.index_cast %add3A_911 : i32 to index
        %get3A_917 = arith.constant 16 : index
        %get3A_918 = tpu.vector_load %arg18[%get3A_916, %get3A_917] {strides = array<i32>} : memref<200x64xf32, #tpu.memory_space<vmem>>, vector<16xf32>,
        %add3A_919 = arith.addf %scan3A_906, %get3A_918 : vector<16xf32>
        %get3A_920 = arith.index_cast %add3A_911 : i32 to index
        %get3A_921 = arith.constant 32 : index
        %get3A_922 = tpu.vector_load %arg18[%get3A_920, %get3A_921] {strides = array<i32>} : memref<200x64xf32, #tpu.memory_space<vmem>>, vector<16xf32>,
        %add3A_923 = arith.addf %scan3A_907, %get3A_922 : vector<16xf32>
        %get3A_924 = arith.index_cast %add3A_911 : i32 to index
        %get3A_925 = arith.constant 48 : index
        %get3A_926 = tpu.vector_load %arg18[%get3A_924, %get3A_925] {strides = array<i32>} : memref<200x64xf32, #tpu.memory_space<vmem>>, vector<16xf32>,
        %add3A_927 = arith.addf %scan3A_908, %get3A_926 : vector<16xf32>
        scf.yield %add3A_915, %add3A_919, %add3A_923, %add3A_927 : vector<16xf32>, vector<16xf32>, vector<16xf32>, vector<16xf32>
      }
      %scan3A_890 = arith.constant 50 : i32
      %swap3A_891 = arith.index_cast %add3A_882 : i32 to index
      %swap3A_892 = arith.constant 0 : index
      %swap3A_893 = tpu.vector_load %arg24[%swap3A_891, %swap3A_892] {strides = array<i32>} : memref<128x64xf32, #tpu.memory_space<vmem>>, vector<16xf32>,
      tpu.vector_store %arg24[%swap3A_891, %swap3A_892], %scan3A_889#0 {strides = array<i32>} : memref<128x64xf32, #tpu.memory_space<vmem>>, vector<16xf32>,
      %swap3A_894 = arith.index_cast %add3A_882 : i32 to index
      %swap3A_895 = arith.constant 16 : index
      %swap3A_896 = tpu.vector_load %arg24[%swap3A_894, %swap3A_895] {strides = array<i32>} : memref<128x64xf32, #tpu.memory_space<vmem>>, vector<16xf32>,
      tpu.vector_store %arg24[%swap3A_894, %swap3A_895], %scan3A_889#1 {strides = array<i32>} : memref<128x64xf32, #tpu.memory_space<vmem>>, vector<16xf32>,
      %swap3A_897 = arith.index_cast %add3A_882 : i32 to index
      %swap3A_898 = arith.constant 32 : index
      %swap3A_899 = tpu.vector_load %arg24[%swap3A_897, %swap3A_898] {strides = array<i32>} : memref<128x64xf32, #tpu.memory_space<vmem>>, vector<16xf32>,
      tpu.vector_store %arg24[%swap3A_897, %swap3A_898], %scan3A_889#2 {strides = array<i32>} : memref<128x64xf32, #tpu.memory_space<vmem>>, vector<16xf32>,
      %swap3A_900 = arith.index_cast %add3A_882 : i32 to index
      %swap3A_901 = arith.constant 48 : index
      %swap3A_902 = tpu.vector_load %arg24[%swap3A_900, %swap3A_901] {strides = array<i32>} : memref<128x64xf32, #tpu.memory_space<vmem>>, vector<16xf32>,
      tpu.vector_store %arg24[%swap3A_900, %swap3A_901], %scan3A_889#3 {strides = array<i32>} : memref<128x64xf32, #tpu.memory_space<vmem>>, vector<16xf32>,
      %scan3A_903 = arith.constant 0 : i32
      scf.yield %scan3A_903 : i32
    }
    %scan3A_190 = arith.constant 4 : i32
    %dma_start3A_191 = arith.constant 2400 : i32
    %dma_start3A_192 = tpu.memref_slice %arg12[%dma_start3A_191] : memref<6400xi32, #tpu.memory_space<vmem>> -> memref<200xi32, #tpu.memory_space<vmem>>
    %dma_start3A_193 = arith.constant 0 : i32
    %dma_start3A_194 = arith.constant 0 : i32
    %dma_start3A_195 = tpu.memref_slice %arg9[%dma_start3A_193, %dma_start3A_194] : memref<1000000x64xf32, #tpu.memory_space<hbm>> -> memref<1000000x64xf32, #tpu.memory_space<hbm>>
    tpu.enqueue_indirect_dma source(%dma_start3A_195 : memref<1000000x64xf32, #tpu.memory_space<hbm>>) target(%arg18 : memref<200x64xf32, #tpu.memory_space<vmem>>) offsets(%dma_start3A_192 : memref<200xi32, #tpu.memory_space<vmem>>) semaphore(%arg31 : memref<!tpu.dma_semaphore, #tpu.memory_space<semaphore_mem>>)
    %dma_wait3A_196 = arith.constant 2000 : i32
    %dma_wait3A_197 = tpu.memref_slice %arg12[%dma_wait3A_196] : memref<6400xi32, #tpu.memory_space<vmem>> -> memref<200xi32, #tpu.memory_space<vmem>>
    %dma_wait3A_198 = arith.constant 0 : i32
    %dma_wait3A_199 = arith.constant 0 : i32
    %dma_wait3A_200 = tpu.memref_slice %arg9[%dma_wait3A_198, %dma_wait3A_199] : memref<1000000x64xf32, #tpu.memory_space<hbm>> -> memref<1000000x64xf32, #tpu.memory_space<hbm>>
    tpu.wait_indirect_dma semaphore(%arg32 : memref<!tpu.dma_semaphore, #tpu.memory_space<semaphore_mem>>) src(%dma_wait3A_200 : memref<1000000x64xf32, #tpu.memory_space<hbm>>) dst(%arg19 : memref<200x64xf32, #tpu.memory_space<vmem>>)
    %scan3A_201 = arith.constant 0 : i32
    %scan3A_202 = arith.constant 0 : i32
    %scan3A_203 = arith.constant 4 : i32
    %scan3A_204 = arith.addi %scan3A_202, %scan3A_203 : i32
    %scan3A_205 = arith.constant 1 : i32
    %scan3A_206 = scf.for %scan3A_879 = %scan3A_202 to %scan3A_204 step %scan3A_205 iter_args(%scan3A_880 = %scan3A_201) -> (i32)  : i32 {
      %add3A_881 = arith.constant 40 : i32
      %add3A_882 = arith.addi %add3A_881, %scan3A_879 : i32
      %broadcast_in_dim3A_883 = arith.constant 0.000000e+00 : f32
      %broadcast_in_dim3A_884 = vector.broadcast %broadcast_in_dim3A_883 : f32 to vector<16xf32>
      %scan3A_885 = arith.constant 0 : i32
      %scan3A_886 = arith.constant 50 : i32
      %scan3A_887 = arith.addi %scan3A_885, %scan3A_886 : i32
      %scan3A_888 = arith.constant 1 : i32
      %scan3A_889:4 = scf.for %scan3A_904 = %scan3A_885 to %scan3A_887 step %scan3A_888 iter_args(%scan3A_905 = %broadcast_in_dim3A_884, %scan3A_906 = %broadcast_in_dim3A_884, %scan3A_907 = %broadcast_in_dim3A_884, %scan3A_908 = %broadcast_in_dim3A_884) -> (vector<16xf32>, vector<16xf32>, vector<16xf32>, vector<16xf32>)  : i32 {
        %mul3A_909 = arith.constant 50 : i32
        %mul3A_910 = arith.muli %scan3A_879, %mul3A_909 : i32
        %add3A_911 = arith.addi %mul3A_910, %scan3A_904 : i32
        %get3A_912 = arith.index_cast %add3A_911 : i32 to index
        %get3A_913 = arith.constant 0 : index
        %get3A_914 = tpu.vector_load %arg19[%get3A_912, %get3A_913] {strides = array<i32>} : memref<200x64xf32, #tpu.memory_space<vmem>>, vector<16xf32>,
        %add3A_915 = arith.addf %scan3A_905, %get3A_914 : vector<16xf32>
        %get3A_916 = arith.index_cast %add3A_911 : i32 to index
        %get3A_917 = arith.constant 16 : index
        %get3A_918 = tpu.vector_load %arg19[%get3A_916, %get3A_917] {strides = array<i32>} : memref<200x64xf32, #tpu.memory_space<vmem>>, vector<16xf32>,
        %add3A_919 = arith.addf %scan3A_906, %get3A_918 : vector<16xf32>
        %get3A_920 = arith.index_cast %add3A_911 : i32 to index
        %get3A_921 = arith.constant 32 : index
        %get3A_922 = tpu.vector_load %arg19[%get3A_920, %get3A_921] {strides = array<i32>} : memref<200x64xf32, #tpu.memory_space<vmem>>, vector<16xf32>,
        %add3A_923 = arith.addf %scan3A_907, %get3A_922 : vector<16xf32>
        %get3A_924 = arith.index_cast %add3A_911 : i32 to index
        %get3A_925 = arith.constant 48 : index
        %get3A_926 = tpu.vector_load %arg19[%get3A_924, %get3A_925] {strides = array<i32>} : memref<200x64xf32, #tpu.memory_space<vmem>>, vector<16xf32>,
        %add3A_927 = arith.addf %scan3A_908, %get3A_926 : vector<16xf32>
        scf.yield %add3A_915, %add3A_919, %add3A_923, %add3A_927 : vector<16xf32>, vector<16xf32>, vector<16xf32>, vector<16xf32>
      }
      %scan3A_890 = arith.constant 50 : i32
      %swap3A_891 = arith.index_cast %add3A_882 : i32 to index
      %swap3A_892 = arith.constant 0 : index
      %swap3A_893 = tpu.vector_load %arg24[%swap3A_891, %swap3A_892] {strides = array<i32>} : memref<128x64xf32, #tpu.memory_space<vmem>>, vector<16xf32>,
      tpu.vector_store %arg24[%swap3A_891, %swap3A_892], %scan3A_889#0 {strides = array<i32>} : memref<128x64xf32, #tpu.memory_space<vmem>>, vector<16xf32>,
      %swap3A_894 = arith.index_cast %add3A_882 : i32 to index
      %swap3A_895 = arith.constant 16 : index
      %swap3A_896 = tpu.vector_load %arg24[%swap3A_894, %swap3A_895] {strides = array<i32>} : memref<128x64xf32, #tpu.memory_space<vmem>>, vector<16xf32>,
      tpu.vector_store %arg24[%swap3A_894, %swap3A_895], %scan3A_889#1 {strides = array<i32>} : memref<128x64xf32, #tpu.memory_space<vmem>>, vector<16xf32>,
      %swap3A_897 = arith.index_cast %add3A_882 : i32 to index
      %swap3A_898 = arith.constant 32 : index
      %swap3A_899 = tpu.vector_load %arg24[%swap3A_897, %swap3A_898] {strides = array<i32>} : memref<128x64xf32, #tpu.memory_space<vmem>>, vector<16xf32>,
      tpu.vector_store %arg24[%swap3A_897, %swap3A_898], %scan3A_889#2 {strides = array<i32>} : memref<128x64xf32, #tpu.memory_space<vmem>>, vector<16xf32>,
      %swap3A_900 = arith.index_cast %add3A_882 : i32 to index
      %swap3A_901 = arith.constant 48 : index
      %swap3A_902 = tpu.vector_load %arg24[%swap3A_900, %swap3A_901] {strides = array<i32>} : memref<128x64xf32, #tpu.memory_space<vmem>>, vector<16xf32>,
      tpu.vector_store %arg24[%swap3A_900, %swap3A_901], %scan3A_889#3 {strides = array<i32>} : memref<128x64xf32, #tpu.memory_space<vmem>>, vector<16xf32>,
      %scan3A_903 = arith.constant 0 : i32
      scf.yield %scan3A_903 : i32
    }
    %scan3A_207 = arith.constant 4 : i32
    %dma_start3A_208 = arith.constant 2600 : i32
    %dma_start3A_209 = tpu.memref_slice %arg12[%dma_start3A_208] : memref<6400xi32, #tpu.memory_space<vmem>> -> memref<200xi32, #tpu.memory_space<vmem>>
    %dma_start3A_210 = arith.constant 0 : i32
    %dma_start3A_211 = arith.constant 0 : i32
    %dma_start3A_212 = tpu.memref_slice %arg9[%dma_start3A_210, %dma_start3A_211] : memref<1000000x64xf32, #tpu.memory_space<hbm>> -> memref<1000000x64xf32, #tpu.memory_space<hbm>>
    tpu.enqueue_indirect_dma source(%dma_start3A_212 : memref<1000000x64xf32, #tpu.memory_space<hbm>>) target(%arg19 : memref<200x64xf32, #tpu.memory_space<vmem>>) offsets(%dma_start3A_209 : memref<200xi32, #tpu.memory_space<vmem>>) semaphore(%arg32 : memref<!tpu.dma_semaphore, #tpu.memory_space<semaphore_mem>>)
    %dma_wait3A_213 = arith.constant 2200 : i32
    %dma_wait3A_214 = tpu.memref_slice %arg12[%dma_wait3A_213] : memref<6400xi32, #tpu.memory_space<vmem>> -> memref<200xi32, #tpu.memory_space<vmem>>
    %dma_wait3A_215 = arith.constant 0 : i32
    %dma_wait3A_216 = arith.constant 0 : i32
    %dma_wait3A_217 = tpu.memref_slice %arg9[%dma_wait3A_215, %dma_wait3A_216] : memref<1000000x64xf32, #tpu.memory_space<hbm>> -> memref<1000000x64xf32, #tpu.memory_space<hbm>>
    tpu.wait_indirect_dma semaphore(%arg33 : memref<!tpu.dma_semaphore, #tpu.memory_space<semaphore_mem>>) src(%dma_wait3A_217 : memref<1000000x64xf32, #tpu.memory_space<hbm>>) dst(%arg20 : memref<200x64xf32, #tpu.memory_space<vmem>>)
    %scan3A_218 = arith.constant 0 : i32
    %scan3A_219 = arith.constant 0 : i32
    %scan3A_220 = arith.constant 4 : i32
    %scan3A_221 = arith.addi %scan3A_219, %scan3A_220 : i32
    %scan3A_222 = arith.constant 1 : i32
    %scan3A_223 = scf.for %scan3A_879 = %scan3A_219 to %scan3A_221 step %scan3A_222 iter_args(%scan3A_880 = %scan3A_218) -> (i32)  : i32 {
      %add3A_881 = arith.constant 44 : i32
      %add3A_882 = arith.addi %add3A_881, %scan3A_879 : i32
      %broadcast_in_dim3A_883 = arith.constant 0.000000e+00 : f32
      %broadcast_in_dim3A_884 = vector.broadcast %broadcast_in_dim3A_883 : f32 to vector<16xf32>
      %scan3A_885 = arith.constant 0 : i32
      %scan3A_886 = arith.constant 50 : i32
      %scan3A_887 = arith.addi %scan3A_885, %scan3A_886 : i32
      %scan3A_888 = arith.constant 1 : i32
      %scan3A_889:4 = scf.for %scan3A_904 = %scan3A_885 to %scan3A_887 step %scan3A_888 iter_args(%scan3A_905 = %broadcast_in_dim3A_884, %scan3A_906 = %broadcast_in_dim3A_884, %scan3A_907 = %broadcast_in_dim3A_884, %scan3A_908 = %broadcast_in_dim3A_884) -> (vector<16xf32>, vector<16xf32>, vector<16xf32>, vector<16xf32>)  : i32 {
        %mul3A_909 = arith.constant 50 : i32
        %mul3A_910 = arith.muli %scan3A_879, %mul3A_909 : i32
        %add3A_911 = arith.addi %mul3A_910, %scan3A_904 : i32
        %get3A_912 = arith.index_cast %add3A_911 : i32 to index
        %get3A_913 = arith.constant 0 : index
        %get3A_914 = tpu.vector_load %arg20[%get3A_912, %get3A_913] {strides = array<i32>} : memref<200x64xf32, #tpu.memory_space<vmem>>, vector<16xf32>,
        %add3A_915 = arith.addf %scan3A_905, %get3A_914 : vector<16xf32>
        %get3A_916 = arith.index_cast %add3A_911 : i32 to index
        %get3A_917 = arith.constant 16 : index
        %get3A_918 = tpu.vector_load %arg20[%get3A_916, %get3A_917] {strides = array<i32>} : memref<200x64xf32, #tpu.memory_space<vmem>>, vector<16xf32>,
        %add3A_919 = arith.addf %scan3A_906, %get3A_918 : vector<16xf32>
        %get3A_920 = arith.index_cast %add3A_911 : i32 to index
        %get3A_921 = arith.constant 32 : index
        %get3A_922 = tpu.vector_load %arg20[%get3A_920, %get3A_921] {strides = array<i32>} : memref<200x64xf32, #tpu.memory_space<vmem>>, vector<16xf32>,
        %add3A_923 = arith.addf %scan3A_907, %get3A_922 : vector<16xf32>
        %get3A_924 = arith.index_cast %add3A_911 : i32 to index
        %get3A_925 = arith.constant 48 : index
        %get3A_926 = tpu.vector_load %arg20[%get3A_924, %get3A_925] {strides = array<i32>} : memref<200x64xf32, #tpu.memory_space<vmem>>, vector<16xf32>,
        %add3A_927 = arith.addf %scan3A_908, %get3A_926 : vector<16xf32>
        scf.yield %add3A_915, %add3A_919, %add3A_923, %add3A_927 : vector<16xf32>, vector<16xf32>, vector<16xf32>, vector<16xf32>
      }
      %scan3A_890 = arith.constant 50 : i32
      %swap3A_891 = arith.index_cast %add3A_882 : i32 to index
      %swap3A_892 = arith.constant 0 : index
      %swap3A_893 = tpu.vector_load %arg24[%swap3A_891, %swap3A_892] {strides = array<i32>} : memref<128x64xf32, #tpu.memory_space<vmem>>, vector<16xf32>,
      tpu.vector_store %arg24[%swap3A_891, %swap3A_892], %scan3A_889#0 {strides = array<i32>} : memref<128x64xf32, #tpu.memory_space<vmem>>, vector<16xf32>,
      %swap3A_894 = arith.index_cast %add3A_882 : i32 to index
      %swap3A_895 = arith.constant 16 : index
      %swap3A_896 = tpu.vector_load %arg24[%swap3A_894, %swap3A_895] {strides = array<i32>} : memref<128x64xf32, #tpu.memory_space<vmem>>, vector<16xf32>,
      tpu.vector_store %arg24[%swap3A_894, %swap3A_895], %scan3A_889#1 {strides = array<i32>} : memref<128x64xf32, #tpu.memory_space<vmem>>, vector<16xf32>,
      %swap3A_897 = arith.index_cast %add3A_882 : i32 to index
      %swap3A_898 = arith.constant 32 : index
      %swap3A_899 = tpu.vector_load %arg24[%swap3A_897, %swap3A_898] {strides = array<i32>} : memref<128x64xf32, #tpu.memory_space<vmem>>, vector<16xf32>,
      tpu.vector_store %arg24[%swap3A_897, %swap3A_898], %scan3A_889#2 {strides = array<i32>} : memref<128x64xf32, #tpu.memory_space<vmem>>, vector<16xf32>,
      %swap3A_900 = arith.index_cast %add3A_882 : i32 to index
      %swap3A_901 = arith.constant 48 : index
      %swap3A_902 = tpu.vector_load %arg24[%swap3A_900, %swap3A_901] {strides = array<i32>} : memref<128x64xf32, #tpu.memory_space<vmem>>, vector<16xf32>,
      tpu.vector_store %arg24[%swap3A_900, %swap3A_901], %scan3A_889#3 {strides = array<i32>} : memref<128x64xf32, #tpu.memory_space<vmem>>, vector<16xf32>,
      %scan3A_903 = arith.constant 0 : i32
      scf.yield %scan3A_903 : i32
    }
    %scan3A_224 = arith.constant 4 : i32
    %dma_start3A_225 = arith.constant 2800 : i32
    %dma_start3A_226 = tpu.memref_slice %arg12[%dma_start3A_225] : memref<6400xi32, #tpu.memory_space<vmem>> -> memref<200xi32, #tpu.memory_space<vmem>>
    %dma_start3A_227 = arith.constant 0 : i32
    %dma_start3A_228 = arith.constant 0 : i32
    %dma_start3A_229 = tpu.memref_slice %arg9[%dma_start3A_227, %dma_start3A_228] : memref<1000000x64xf32, #tpu.memory_space<hbm>> -> memref<1000000x64xf32, #tpu.memory_space<hbm>>
    tpu.enqueue_indirect_dma source(%dma_start3A_229 : memref<1000000x64xf32, #tpu.memory_space<hbm>>) target(%arg20 : memref<200x64xf32, #tpu.memory_space<vmem>>) offsets(%dma_start3A_226 : memref<200xi32, #tpu.memory_space<vmem>>) semaphore(%arg33 : memref<!tpu.dma_semaphore, #tpu.memory_space<semaphore_mem>>)
    %dma_wait3A_230 = arith.constant 2400 : i32
    %dma_wait3A_231 = tpu.memref_slice %arg12[%dma_wait3A_230] : memref<6400xi32, #tpu.memory_space<vmem>> -> memref<200xi32, #tpu.memory_space<vmem>>
    %dma_wait3A_232 = arith.constant 0 : i32
    %dma_wait3A_233 = arith.constant 0 : i32
    %dma_wait3A_234 = tpu.memref_slice %arg9[%dma_wait3A_232, %dma_wait3A_233] : memref<1000000x64xf32, #tpu.memory_space<hbm>> -> memref<1000000x64xf32, #tpu.memory_space<hbm>>
    tpu.wait_indirect_dma semaphore(%arg31 : memref<!tpu.dma_semaphore, #tpu.memory_space<semaphore_mem>>) src(%dma_wait3A_234 : memref<1000000x64xf32, #tpu.memory_space<hbm>>) dst(%arg18 : memref<200x64xf32, #tpu.memory_space<vmem>>)
    %scan3A_235 = arith.constant 0 : i32
    %scan3A_236 = arith.constant 0 : i32
    %scan3A_237 = arith.constant 4 : i32
    %scan3A_238 = arith.addi %scan3A_236, %scan3A_237 : i32
    %scan3A_239 = arith.constant 1 : i32
    %scan3A_240 = scf.for %scan3A_879 = %scan3A_236 to %scan3A_238 step %scan3A_239 iter_args(%scan3A_880 = %scan3A_235) -> (i32)  : i32 {
      %add3A_881 = arith.constant 48 : i32
      %add3A_882 = arith.addi %add3A_881, %scan3A_879 : i32
      %broadcast_in_dim3A_883 = arith.constant 0.000000e+00 : f32
      %broadcast_in_dim3A_884 = vector.broadcast %broadcast_in_dim3A_883 : f32 to vector<16xf32>
      %scan3A_885 = arith.constant 0 : i32
      %scan3A_886 = arith.constant 50 : i32
      %scan3A_887 = arith.addi %scan3A_885, %scan3A_886 : i32
      %scan3A_888 = arith.constant 1 : i32
      %scan3A_889:4 = scf.for %scan3A_904 = %scan3A_885 to %scan3A_887 step %scan3A_888 iter_args(%scan3A_905 = %broadcast_in_dim3A_884, %scan3A_906 = %broadcast_in_dim3A_884, %scan3A_907 = %broadcast_in_dim3A_884, %scan3A_908 = %broadcast_in_dim3A_884) -> (vector<16xf32>, vector<16xf32>, vector<16xf32>, vector<16xf32>)  : i32 {
        %mul3A_909 = arith.constant 50 : i32
        %mul3A_910 = arith.muli %scan3A_879, %mul3A_909 : i32
        %add3A_911 = arith.addi %mul3A_910, %scan3A_904 : i32
        %get3A_912 = arith.index_cast %add3A_911 : i32 to index
        %get3A_913 = arith.constant 0 : index
        %get3A_914 = tpu.vector_load %arg18[%get3A_912, %get3A_913] {strides = array<i32>} : memref<200x64xf32, #tpu.memory_space<vmem>>, vector<16xf32>,
        %add3A_915 = arith.addf %scan3A_905, %get3A_914 : vector<16xf32>
        %get3A_916 = arith.index_cast %add3A_911 : i32 to index
        %get3A_917 = arith.constant 16 : index
        %get3A_918 = tpu.vector_load %arg18[%get3A_916, %get3A_917] {strides = array<i32>} : memref<200x64xf32, #tpu.memory_space<vmem>>, vector<16xf32>,
        %add3A_919 = arith.addf %scan3A_906, %get3A_918 : vector<16xf32>
        %get3A_920 = arith.index_cast %add3A_911 : i32 to index
        %get3A_921 = arith.constant 32 : index
        %get3A_922 = tpu.vector_load %arg18[%get3A_920, %get3A_921] {strides = array<i32>} : memref<200x64xf32, #tpu.memory_space<vmem>>, vector<16xf32>,
        %add3A_923 = arith.addf %scan3A_907, %get3A_922 : vector<16xf32>
        %get3A_924 = arith.index_cast %add3A_911 : i32 to index
        %get3A_925 = arith.constant 48 : index
        %get3A_926 = tpu.vector_load %arg18[%get3A_924, %get3A_925] {strides = array<i32>} : memref<200x64xf32, #tpu.memory_space<vmem>>, vector<16xf32>,
        %add3A_927 = arith.addf %scan3A_908, %get3A_926 : vector<16xf32>
        scf.yield %add3A_915, %add3A_919, %add3A_923, %add3A_927 : vector<16xf32>, vector<16xf32>, vector<16xf32>, vector<16xf32>
      }
      %scan3A_890 = arith.constant 50 : i32
      %swap3A_891 = arith.index_cast %add3A_882 : i32 to index
      %swap3A_892 = arith.constant 0 : index
      %swap3A_893 = tpu.vector_load %arg24[%swap3A_891, %swap3A_892] {strides = array<i32>} : memref<128x64xf32, #tpu.memory_space<vmem>>, vector<16xf32>,
      tpu.vector_store %arg24[%swap3A_891, %swap3A_892], %scan3A_889#0 {strides = array<i32>} : memref<128x64xf32, #tpu.memory_space<vmem>>, vector<16xf32>,
      %swap3A_894 = arith.index_cast %add3A_882 : i32 to index
      %swap3A_895 = arith.constant 16 : index
      %swap3A_896 = tpu.vector_load %arg24[%swap3A_894, %swap3A_895] {strides = array<i32>} : memref<128x64xf32, #tpu.memory_space<vmem>>, vector<16xf32>,
      tpu.vector_store %arg24[%swap3A_894, %swap3A_895], %scan3A_889#1 {strides = array<i32>} : memref<128x64xf32, #tpu.memory_space<vmem>>, vector<16xf32>,
      %swap3A_897 = arith.index_cast %add3A_882 : i32 to index
      %swap3A_898 = arith.constant 32 : index
      %swap3A_899 = tpu.vector_load %arg24[%swap3A_897, %swap3A_898] {strides = array<i32>} : memref<128x64xf32, #tpu.memory_space<vmem>>, vector<16xf32>,
      tpu.vector_store %arg24[%swap3A_897, %swap3A_898], %scan3A_889#2 {strides = array<i32>} : memref<128x64xf32, #tpu.memory_space<vmem>>, vector<16xf32>,
      %swap3A_900 = arith.index_cast %add3A_882 : i32 to index
      %swap3A_901 = arith.constant 48 : index
      %swap3A_902 = tpu.vector_load %arg24[%swap3A_900, %swap3A_901] {strides = array<i32>} : memref<128x64xf32, #tpu.memory_space<vmem>>, vector<16xf32>,
      tpu.vector_store %arg24[%swap3A_900, %swap3A_901], %scan3A_889#3 {strides = array<i32>} : memref<128x64xf32, #tpu.memory_space<vmem>>, vector<16xf32>,
      %scan3A_903 = arith.constant 0 : i32
      scf.yield %scan3A_903 : i32
    }
    %scan3A_241 = arith.constant 4 : i32
    %dma_start3A_242 = arith.constant 3000 : i32
    %dma_start3A_243 = tpu.memref_slice %arg12[%dma_start3A_242] : memref<6400xi32, #tpu.memory_space<vmem>> -> memref<200xi32, #tpu.memory_space<vmem>>
    %dma_start3A_244 = arith.constant 0 : i32
    %dma_start3A_245 = arith.constant 0 : i32
    %dma_start3A_246 = tpu.memref_slice %arg9[%dma_start3A_244, %dma_start3A_245] : memref<1000000x64xf32, #tpu.memory_space<hbm>> -> memref<1000000x64xf32, #tpu.memory_space<hbm>>
    tpu.enqueue_indirect_dma source(%dma_start3A_246 : memref<1000000x64xf32, #tpu.memory_space<hbm>>) target(%arg18 : memref<200x64xf32, #tpu.memory_space<vmem>>) offsets(%dma_start3A_243 : memref<200xi32, #tpu.memory_space<vmem>>) semaphore(%arg31 : memref<!tpu.dma_semaphore, #tpu.memory_space<semaphore_mem>>)
    %dma_wait3A_247 = arith.constant 2600 : i32
    %dma_wait3A_248 = tpu.memref_slice %arg12[%dma_wait3A_247] : memref<6400xi32, #tpu.memory_space<vmem>> -> memref<200xi32, #tpu.memory_space<vmem>>
    %dma_wait3A_249 = arith.constant 0 : i32
    %dma_wait3A_250 = arith.constant 0 : i32
    %dma_wait3A_251 = tpu.memref_slice %arg9[%dma_wait3A_249, %dma_wait3A_250] : memref<1000000x64xf32, #tpu.memory_space<hbm>> -> memref<1000000x64xf32, #tpu.memory_space<hbm>>
    tpu.wait_indirect_dma semaphore(%arg32 : memref<!tpu.dma_semaphore, #tpu.memory_space<semaphore_mem>>) src(%dma_wait3A_251 : memref<1000000x64xf32, #tpu.memory_space<hbm>>) dst(%arg19 : memref<200x64xf32, #tpu.memory_space<vmem>>)
    %scan3A_252 = arith.constant 0 : i32
    %scan3A_253 = arith.constant 0 : i32
    %scan3A_254 = arith.constant 4 : i32
    %scan3A_255 = arith.addi %scan3A_253, %scan3A_254 : i32
    %scan3A_256 = arith.constant 1 : i32
    %scan3A_257 = scf.for %scan3A_879 = %scan3A_253 to %scan3A_255 step %scan3A_256 iter_args(%scan3A_880 = %scan3A_252) -> (i32)  : i32 {
      %add3A_881 = arith.constant 52 : i32
      %add3A_882 = arith.addi %add3A_881, %scan3A_879 : i32
      %broadcast_in_dim3A_883 = arith.constant 0.000000e+00 : f32
      %broadcast_in_dim3A_884 = vector.broadcast %broadcast_in_dim3A_883 : f32 to vector<16xf32>
      %scan3A_885 = arith.constant 0 : i32
      %scan3A_886 = arith.constant 50 : i32
      %scan3A_887 = arith.addi %scan3A_885, %scan3A_886 : i32
      %scan3A_888 = arith.constant 1 : i32
      %scan3A_889:4 = scf.for %scan3A_904 = %scan3A_885 to %scan3A_887 step %scan3A_888 iter_args(%scan3A_905 = %broadcast_in_dim3A_884, %scan3A_906 = %broadcast_in_dim3A_884, %scan3A_907 = %broadcast_in_dim3A_884, %scan3A_908 = %broadcast_in_dim3A_884) -> (vector<16xf32>, vector<16xf32>, vector<16xf32>, vector<16xf32>)  : i32 {
        %mul3A_909 = arith.constant 50 : i32
        %mul3A_910 = arith.muli %scan3A_879, %mul3A_909 : i32
        %add3A_911 = arith.addi %mul3A_910, %scan3A_904 : i32
        %get3A_912 = arith.index_cast %add3A_911 : i32 to index
        %get3A_913 = arith.constant 0 : index
        %get3A_914 = tpu.vector_load %arg19[%get3A_912, %get3A_913] {strides = array<i32>} : memref<200x64xf32, #tpu.memory_space<vmem>>, vector<16xf32>,
        %add3A_915 = arith.addf %scan3A_905, %get3A_914 : vector<16xf32>
        %get3A_916 = arith.index_cast %add3A_911 : i32 to index
        %get3A_917 = arith.constant 16 : index
        %get3A_918 = tpu.vector_load %arg19[%get3A_916, %get3A_917] {strides = array<i32>} : memref<200x64xf32, #tpu.memory_space<vmem>>, vector<16xf32>,
        %add3A_919 = arith.addf %scan3A_906, %get3A_918 : vector<16xf32>
        %get3A_920 = arith.index_cast %add3A_911 : i32 to index
        %get3A_921 = arith.constant 32 : index
        %get3A_922 = tpu.vector_load %arg19[%get3A_920, %get3A_921] {strides = array<i32>} : memref<200x64xf32, #tpu.memory_space<vmem>>, vector<16xf32>,
        %add3A_923 = arith.addf %scan3A_907, %get3A_922 : vector<16xf32>
        %get3A_924 = arith.index_cast %add3A_911 : i32 to index
        %get3A_925 = arith.constant 48 : index
        %get3A_926 = tpu.vector_load %arg19[%get3A_924, %get3A_925] {strides = array<i32>} : memref<200x64xf32, #tpu.memory_space<vmem>>, vector<16xf32>,
        %add3A_927 = arith.addf %scan3A_908, %get3A_926 : vector<16xf32>
        scf.yield %add3A_915, %add3A_919, %add3A_923, %add3A_927 : vector<16xf32>, vector<16xf32>, vector<16xf32>, vector<16xf32>
      }
      %scan3A_890 = arith.constant 50 : i32
      %swap3A_891 = arith.index_cast %add3A_882 : i32 to index
      %swap3A_892 = arith.constant 0 : index
      %swap3A_893 = tpu.vector_load %arg24[%swap3A_891, %swap3A_892] {strides = array<i32>} : memref<128x64xf32, #tpu.memory_space<vmem>>, vector<16xf32>,
      tpu.vector_store %arg24[%swap3A_891, %swap3A_892], %scan3A_889#0 {strides = array<i32>} : memref<128x64xf32, #tpu.memory_space<vmem>>, vector<16xf32>,
      %swap3A_894 = arith.index_cast %add3A_882 : i32 to index
      %swap3A_895 = arith.constant 16 : index
      %swap3A_896 = tpu.vector_load %arg24[%swap3A_894, %swap3A_895] {strides = array<i32>} : memref<128x64xf32, #tpu.memory_space<vmem>>, vector<16xf32>,
      tpu.vector_store %arg24[%swap3A_894, %swap3A_895], %scan3A_889#1 {strides = array<i32>} : memref<128x64xf32, #tpu.memory_space<vmem>>, vector<16xf32>,
      %swap3A_897 = arith.index_cast %add3A_882 : i32 to index
      %swap3A_898 = arith.constant 32 : index
      %swap3A_899 = tpu.vector_load %arg24[%swap3A_897, %swap3A_898] {strides = array<i32>} : memref<128x64xf32, #tpu.memory_space<vmem>>, vector<16xf32>,
      tpu.vector_store %arg24[%swap3A_897, %swap3A_898], %scan3A_889#2 {strides = array<i32>} : memref<128x64xf32, #tpu.memory_space<vmem>>, vector<16xf32>,
      %swap3A_900 = arith.index_cast %add3A_882 : i32 to index
      %swap3A_901 = arith.constant 48 : index
      %swap3A_902 = tpu.vector_load %arg24[%swap3A_900, %swap3A_901] {strides = array<i32>} : memref<128x64xf32, #tpu.memory_space<vmem>>, vector<16xf32>,
      tpu.vector_store %arg24[%swap3A_900, %swap3A_901], %scan3A_889#3 {strides = array<i32>} : memref<128x64xf32, #tpu.memory_space<vmem>>, vector<16xf32>,
      %scan3A_903 = arith.constant 0 : i32
      scf.yield %scan3A_903 : i32
    }
    %scan3A_258 = arith.constant 4 : i32
    %dma_start3A_259 = arith.constant 3200 : i32
    %dma_start3A_260 = tpu.memref_slice %arg12[%dma_start3A_259] : memref<6400xi32, #tpu.memory_space<vmem>> -> memref<200xi32, #tpu.memory_space<vmem>>
    %dma_start3A_261 = arith.constant 0 : i32
    %dma_start3A_262 = arith.constant 0 : i32
    %dma_start3A_263 = tpu.memref_slice %arg9[%dma_start3A_261, %dma_start3A_262] : memref<1000000x64xf32, #tpu.memory_space<hbm>> -> memref<1000000x64xf32, #tpu.memory_space<hbm>>
    tpu.enqueue_indirect_dma source(%dma_start3A_263 : memref<1000000x64xf32, #tpu.memory_space<hbm>>) target(%arg19 : memref<200x64xf32, #tpu.memory_space<vmem>>) offsets(%dma_start3A_260 : memref<200xi32, #tpu.memory_space<vmem>>) semaphore(%arg32 : memref<!tpu.dma_semaphore, #tpu.memory_space<semaphore_mem>>)
    %dma_wait3A_264 = arith.constant 2800 : i32
    %dma_wait3A_265 = tpu.memref_slice %arg12[%dma_wait3A_264] : memref<6400xi32, #tpu.memory_space<vmem>> -> memref<200xi32, #tpu.memory_space<vmem>>
    %dma_wait3A_266 = arith.constant 0 : i32
    %dma_wait3A_267 = arith.constant 0 : i32
    %dma_wait3A_268 = tpu.memref_slice %arg9[%dma_wait3A_266, %dma_wait3A_267] : memref<1000000x64xf32, #tpu.memory_space<hbm>> -> memref<1000000x64xf32, #tpu.memory_space<hbm>>
    tpu.wait_indirect_dma semaphore(%arg33 : memref<!tpu.dma_semaphore, #tpu.memory_space<semaphore_mem>>) src(%dma_wait3A_268 : memref<1000000x64xf32, #tpu.memory_space<hbm>>) dst(%arg20 : memref<200x64xf32, #tpu.memory_space<vmem>>)
    %scan3A_269 = arith.constant 0 : i32
    %scan3A_270 = arith.constant 0 : i32
    %scan3A_271 = arith.constant 4 : i32
    %scan3A_272 = arith.addi %scan3A_270, %scan3A_271 : i32
    %scan3A_273 = arith.constant 1 : i32
    %scan3A_274 = scf.for %scan3A_879 = %scan3A_270 to %scan3A_272 step %scan3A_273 iter_args(%scan3A_880 = %scan3A_269) -> (i32)  : i32 {
      %add3A_881 = arith.constant 56 : i32
      %add3A_882 = arith.addi %add3A_881, %scan3A_879 : i32
      %broadcast_in_dim3A_883 = arith.constant 0.000000e+00 : f32
      %broadcast_in_dim3A_884 = vector.broadcast %broadcast_in_dim3A_883 : f32 to vector<16xf32>
      %scan3A_885 = arith.constant 0 : i32
      %scan3A_886 = arith.constant 50 : i32
      %scan3A_887 = arith.addi %scan3A_885, %scan3A_886 : i32
      %scan3A_888 = arith.constant 1 : i32
      %scan3A_889:4 = scf.for %scan3A_904 = %scan3A_885 to %scan3A_887 step %scan3A_888 iter_args(%scan3A_905 = %broadcast_in_dim3A_884, %scan3A_906 = %broadcast_in_dim3A_884, %scan3A_907 = %broadcast_in_dim3A_884, %scan3A_908 = %broadcast_in_dim3A_884) -> (vector<16xf32>, vector<16xf32>, vector<16xf32>, vector<16xf32>)  : i32 {
        %mul3A_909 = arith.constant 50 : i32
        %mul3A_910 = arith.muli %scan3A_879, %mul3A_909 : i32
        %add3A_911 = arith.addi %mul3A_910, %scan3A_904 : i32
        %get3A_912 = arith.index_cast %add3A_911 : i32 to index
        %get3A_913 = arith.constant 0 : index
        %get3A_914 = tpu.vector_load %arg20[%get3A_912, %get3A_913] {strides = array<i32>} : memref<200x64xf32, #tpu.memory_space<vmem>>, vector<16xf32>,
        %add3A_915 = arith.addf %scan3A_905, %get3A_914 : vector<16xf32>
        %get3A_916 = arith.index_cast %add3A_911 : i32 to index
        %get3A_917 = arith.constant 16 : index
        %get3A_918 = tpu.vector_load %arg20[%get3A_916, %get3A_917] {strides = array<i32>} : memref<200x64xf32, #tpu.memory_space<vmem>>, vector<16xf32>,
        %add3A_919 = arith.addf %scan3A_906, %get3A_918 : vector<16xf32>
        %get3A_920 = arith.index_cast %add3A_911 : i32 to index
        %get3A_921 = arith.constant 32 : index
        %get3A_922 = tpu.vector_load %arg20[%get3A_920, %get3A_921] {strides = array<i32>} : memref<200x64xf32, #tpu.memory_space<vmem>>, vector<16xf32>,
        %add3A_923 = arith.addf %scan3A_907, %get3A_922 : vector<16xf32>
        %get3A_924 = arith.index_cast %add3A_911 : i32 to index
        %get3A_925 = arith.constant 48 : index
        %get3A_926 = tpu.vector_load %arg20[%get3A_924, %get3A_925] {strides = array<i32>} : memref<200x64xf32, #tpu.memory_space<vmem>>, vector<16xf32>,
        %add3A_927 = arith.addf %scan3A_908, %get3A_926 : vector<16xf32>
        scf.yield %add3A_915, %add3A_919, %add3A_923, %add3A_927 : vector<16xf32>, vector<16xf32>, vector<16xf32>, vector<16xf32>
      }
      %scan3A_890 = arith.constant 50 : i32
      %swap3A_891 = arith.index_cast %add3A_882 : i32 to index
      %swap3A_892 = arith.constant 0 : index
      %swap3A_893 = tpu.vector_load %arg24[%swap3A_891, %swap3A_892] {strides = array<i32>} : memref<128x64xf32, #tpu.memory_space<vmem>>, vector<16xf32>,
      tpu.vector_store %arg24[%swap3A_891, %swap3A_892], %scan3A_889#0 {strides = array<i32>} : memref<128x64xf32, #tpu.memory_space<vmem>>, vector<16xf32>,
      %swap3A_894 = arith.index_cast %add3A_882 : i32 to index
      %swap3A_895 = arith.constant 16 : index
      %swap3A_896 = tpu.vector_load %arg24[%swap3A_894, %swap3A_895] {strides = array<i32>} : memref<128x64xf32, #tpu.memory_space<vmem>>, vector<16xf32>,
      tpu.vector_store %arg24[%swap3A_894, %swap3A_895], %scan3A_889#1 {strides = array<i32>} : memref<128x64xf32, #tpu.memory_space<vmem>>, vector<16xf32>,
      %swap3A_897 = arith.index_cast %add3A_882 : i32 to index
      %swap3A_898 = arith.constant 32 : index
      %swap3A_899 = tpu.vector_load %arg24[%swap3A_897, %swap3A_898] {strides = array<i32>} : memref<128x64xf32, #tpu.memory_space<vmem>>, vector<16xf32>,
      tpu.vector_store %arg24[%swap3A_897, %swap3A_898], %scan3A_889#2 {strides = array<i32>} : memref<128x64xf32, #tpu.memory_space<vmem>>, vector<16xf32>,
      %swap3A_900 = arith.index_cast %add3A_882 : i32 to index
      %swap3A_901 = arith.constant 48 : index
      %swap3A_902 = tpu.vector_load %arg24[%swap3A_900, %swap3A_901] {strides = array<i32>} : memref<128x64xf32, #tpu.memory_space<vmem>>, vector<16xf32>,
      tpu.vector_store %arg24[%swap3A_900, %swap3A_901], %scan3A_889#3 {strides = array<i32>} : memref<128x64xf32, #tpu.memory_space<vmem>>, vector<16xf32>,
      %scan3A_903 = arith.constant 0 : i32
      scf.yield %scan3A_903 : i32
    }
    %scan3A_275 = arith.constant 4 : i32
    %dma_start3A_276 = arith.constant 3400 : i32
    %dma_start3A_277 = tpu.memref_slice %arg12[%dma_start3A_276] : memref<6400xi32, #tpu.memory_space<vmem>> -> memref<200xi32, #tpu.memory_space<vmem>>
    %dma_start3A_278 = arith.constant 0 : i32
    %dma_start3A_279 = arith.constant 0 : i32
    %dma_start3A_280 = tpu.memref_slice %arg9[%dma_start3A_278, %dma_start3A_279] : memref<1000000x64xf32, #tpu.memory_space<hbm>> -> memref<1000000x64xf32, #tpu.memory_space<hbm>>
    tpu.enqueue_indirect_dma source(%dma_start3A_280 : memref<1000000x64xf32, #tpu.memory_space<hbm>>) target(%arg20 : memref<200x64xf32, #tpu.memory_space<vmem>>) offsets(%dma_start3A_277 : memref<200xi32, #tpu.memory_space<vmem>>) semaphore(%arg33 : memref<!tpu.dma_semaphore, #tpu.memory_space<semaphore_mem>>)
    %dma_wait3A_281 = arith.constant 3000 : i32
    %dma_wait3A_282 = tpu.memref_slice %arg12[%dma_wait3A_281] : memref<6400xi32, #tpu.memory_space<vmem>> -> memref<200xi32, #tpu.memory_space<vmem>>
    %dma_wait3A_283 = arith.constant 0 : i32
    %dma_wait3A_284 = arith.constant 0 : i32
    %dma_wait3A_285 = tpu.memref_slice %arg9[%dma_wait3A_283, %dma_wait3A_284] : memref<1000000x64xf32, #tpu.memory_space<hbm>> -> memref<1000000x64xf32, #tpu.memory_space<hbm>>
    tpu.wait_indirect_dma semaphore(%arg31 : memref<!tpu.dma_semaphore, #tpu.memory_space<semaphore_mem>>) src(%dma_wait3A_285 : memref<1000000x64xf32, #tpu.memory_space<hbm>>) dst(%arg18 : memref<200x64xf32, #tpu.memory_space<vmem>>)
    %scan3A_286 = arith.constant 0 : i32
    %scan3A_287 = arith.constant 0 : i32
    %scan3A_288 = arith.constant 4 : i32
    %scan3A_289 = arith.addi %scan3A_287, %scan3A_288 : i32
    %scan3A_290 = arith.constant 1 : i32
    %scan3A_291 = scf.for %scan3A_879 = %scan3A_287 to %scan3A_289 step %scan3A_290 iter_args(%scan3A_880 = %scan3A_286) -> (i32)  : i32 {
      %add3A_881 = arith.constant 60 : i32
      %add3A_882 = arith.addi %add3A_881, %scan3A_879 : i32
      %broadcast_in_dim3A_883 = arith.constant 0.000000e+00 : f32
      %broadcast_in_dim3A_884 = vector.broadcast %broadcast_in_dim3A_883 : f32 to vector<16xf32>
      %scan3A_885 = arith.constant 0 : i32
      %scan3A_886 = arith.constant 50 : i32
      %scan3A_887 = arith.addi %scan3A_885, %scan3A_886 : i32
      %scan3A_888 = arith.constant 1 : i32
      %scan3A_889:4 = scf.for %scan3A_904 = %scan3A_885 to %scan3A_887 step %scan3A_888 iter_args(%scan3A_905 = %broadcast_in_dim3A_884, %scan3A_906 = %broadcast_in_dim3A_884, %scan3A_907 = %broadcast_in_dim3A_884, %scan3A_908 = %broadcast_in_dim3A_884) -> (vector<16xf32>, vector<16xf32>, vector<16xf32>, vector<16xf32>)  : i32 {
        %mul3A_909 = arith.constant 50 : i32
        %mul3A_910 = arith.muli %scan3A_879, %mul3A_909 : i32
        %add3A_911 = arith.addi %mul3A_910, %scan3A_904 : i32
        %get3A_912 = arith.index_cast %add3A_911 : i32 to index
        %get3A_913 = arith.constant 0 : index
        %get3A_914 = tpu.vector_load %arg18[%get3A_912, %get3A_913] {strides = array<i32>} : memref<200x64xf32, #tpu.memory_space<vmem>>, vector<16xf32>,
        %add3A_915 = arith.addf %scan3A_905, %get3A_914 : vector<16xf32>
        %get3A_916 = arith.index_cast %add3A_911 : i32 to index
        %get3A_917 = arith.constant 16 : index
        %get3A_918 = tpu.vector_load %arg18[%get3A_916, %get3A_917] {strides = array<i32>} : memref<200x64xf32, #tpu.memory_space<vmem>>, vector<16xf32>,
        %add3A_919 = arith.addf %scan3A_906, %get3A_918 : vector<16xf32>
        %get3A_920 = arith.index_cast %add3A_911 : i32 to index
        %get3A_921 = arith.constant 32 : index
        %get3A_922 = tpu.vector_load %arg18[%get3A_920, %get3A_921] {strides = array<i32>} : memref<200x64xf32, #tpu.memory_space<vmem>>, vector<16xf32>,
        %add3A_923 = arith.addf %scan3A_907, %get3A_922 : vector<16xf32>
        %get3A_924 = arith.index_cast %add3A_911 : i32 to index
        %get3A_925 = arith.constant 48 : index
        %get3A_926 = tpu.vector_load %arg18[%get3A_924, %get3A_925] {strides = array<i32>} : memref<200x64xf32, #tpu.memory_space<vmem>>, vector<16xf32>,
        %add3A_927 = arith.addf %scan3A_908, %get3A_926 : vector<16xf32>
        scf.yield %add3A_915, %add3A_919, %add3A_923, %add3A_927 : vector<16xf32>, vector<16xf32>, vector<16xf32>, vector<16xf32>
      }
      %scan3A_890 = arith.constant 50 : i32
      %swap3A_891 = arith.index_cast %add3A_882 : i32 to index
      %swap3A_892 = arith.constant 0 : index
      %swap3A_893 = tpu.vector_load %arg24[%swap3A_891, %swap3A_892] {strides = array<i32>} : memref<128x64xf32, #tpu.memory_space<vmem>>, vector<16xf32>,
      tpu.vector_store %arg24[%swap3A_891, %swap3A_892], %scan3A_889#0 {strides = array<i32>} : memref<128x64xf32, #tpu.memory_space<vmem>>, vector<16xf32>,
      %swap3A_894 = arith.index_cast %add3A_882 : i32 to index
      %swap3A_895 = arith.constant 16 : index
      %swap3A_896 = tpu.vector_load %arg24[%swap3A_894, %swap3A_895] {strides = array<i32>} : memref<128x64xf32, #tpu.memory_space<vmem>>, vector<16xf32>,
      tpu.vector_store %arg24[%swap3A_894, %swap3A_895], %scan3A_889#1 {strides = array<i32>} : memref<128x64xf32, #tpu.memory_space<vmem>>, vector<16xf32>,
      %swap3A_897 = arith.index_cast %add3A_882 : i32 to index
      %swap3A_898 = arith.constant 32 : index
      %swap3A_899 = tpu.vector_load %arg24[%swap3A_897, %swap3A_898] {strides = array<i32>} : memref<128x64xf32, #tpu.memory_space<vmem>>, vector<16xf32>,
      tpu.vector_store %arg24[%swap3A_897, %swap3A_898], %scan3A_889#2 {strides = array<i32>} : memref<128x64xf32, #tpu.memory_space<vmem>>, vector<16xf32>,
      %swap3A_900 = arith.index_cast %add3A_882 : i32 to index
      %swap3A_901 = arith.constant 48 : index
      %swap3A_902 = tpu.vector_load %arg24[%swap3A_900, %swap3A_901] {strides = array<i32>} : memref<128x64xf32, #tpu.memory_space<vmem>>, vector<16xf32>,
      tpu.vector_store %arg24[%swap3A_900, %swap3A_901], %scan3A_889#3 {strides = array<i32>} : memref<128x64xf32, #tpu.memory_space<vmem>>, vector<16xf32>,
      %scan3A_903 = arith.constant 0 : i32
      scf.yield %scan3A_903 : i32
    }
    %scan3A_292 = arith.constant 4 : i32
    %dma_start3A_293 = arith.constant 3600 : i32
    %dma_start3A_294 = tpu.memref_slice %arg12[%dma_start3A_293] : memref<6400xi32, #tpu.memory_space<vmem>> -> memref<200xi32, #tpu.memory_space<vmem>>
    %dma_start3A_295 = arith.constant 0 : i32
    %dma_start3A_296 = arith.constant 0 : i32
    %dma_start3A_297 = tpu.memref_slice %arg9[%dma_start3A_295, %dma_start3A_296] : memref<1000000x64xf32, #tpu.memory_space<hbm>> -> memref<1000000x64xf32, #tpu.memory_space<hbm>>
    tpu.enqueue_indirect_dma source(%dma_start3A_297 : memref<1000000x64xf32, #tpu.memory_space<hbm>>) target(%arg18 : memref<200x64xf32, #tpu.memory_space<vmem>>) offsets(%dma_start3A_294 : memref<200xi32, #tpu.memory_space<vmem>>) semaphore(%arg31 : memref<!tpu.dma_semaphore, #tpu.memory_space<semaphore_mem>>)
    %dma_wait3A_298 = arith.constant 3200 : i32
    %dma_wait3A_299 = tpu.memref_slice %arg12[%dma_wait3A_298] : memref<6400xi32, #tpu.memory_space<vmem>> -> memref<200xi32, #tpu.memory_space<vmem>>
    %dma_wait3A_300 = arith.constant 0 : i32
    %dma_wait3A_301 = arith.constant 0 : i32
    %dma_wait3A_302 = tpu.memref_slice %arg9[%dma_wait3A_300, %dma_wait3A_301] : memref<1000000x64xf32, #tpu.memory_space<hbm>> -> memref<1000000x64xf32, #tpu.memory_space<hbm>>
    tpu.wait_indirect_dma semaphore(%arg32 : memref<!tpu.dma_semaphore, #tpu.memory_space<semaphore_mem>>) src(%dma_wait3A_302 : memref<1000000x64xf32, #tpu.memory_space<hbm>>) dst(%arg19 : memref<200x64xf32, #tpu.memory_space<vmem>>)
    %scan3A_303 = arith.constant 0 : i32
    %scan3A_304 = arith.constant 0 : i32
    %scan3A_305 = arith.constant 4 : i32
    %scan3A_306 = arith.addi %scan3A_304, %scan3A_305 : i32
    %scan3A_307 = arith.constant 1 : i32
    %scan3A_308 = scf.for %scan3A_879 = %scan3A_304 to %scan3A_306 step %scan3A_307 iter_args(%scan3A_880 = %scan3A_303) -> (i32)  : i32 {
      %add3A_881 = arith.constant 64 : i32
      %add3A_882 = arith.addi %add3A_881, %scan3A_879 : i32
      %broadcast_in_dim3A_883 = arith.constant 0.000000e+00 : f32
      %broadcast_in_dim3A_884 = vector.broadcast %broadcast_in_dim3A_883 : f32 to vector<16xf32>
      %scan3A_885 = arith.constant 0 : i32
      %scan3A_886 = arith.constant 50 : i32
      %scan3A_887 = arith.addi %scan3A_885, %scan3A_886 : i32
      %scan3A_888 = arith.constant 1 : i32
      %scan3A_889:4 = scf.for %scan3A_904 = %scan3A_885 to %scan3A_887 step %scan3A_888 iter_args(%scan3A_905 = %broadcast_in_dim3A_884, %scan3A_906 = %broadcast_in_dim3A_884, %scan3A_907 = %broadcast_in_dim3A_884, %scan3A_908 = %broadcast_in_dim3A_884) -> (vector<16xf32>, vector<16xf32>, vector<16xf32>, vector<16xf32>)  : i32 {
        %mul3A_909 = arith.constant 50 : i32
        %mul3A_910 = arith.muli %scan3A_879, %mul3A_909 : i32
        %add3A_911 = arith.addi %mul3A_910, %scan3A_904 : i32
        %get3A_912 = arith.index_cast %add3A_911 : i32 to index
        %get3A_913 = arith.constant 0 : index
        %get3A_914 = tpu.vector_load %arg19[%get3A_912, %get3A_913] {strides = array<i32>} : memref<200x64xf32, #tpu.memory_space<vmem>>, vector<16xf32>,
        %add3A_915 = arith.addf %scan3A_905, %get3A_914 : vector<16xf32>
        %get3A_916 = arith.index_cast %add3A_911 : i32 to index
        %get3A_917 = arith.constant 16 : index
        %get3A_918 = tpu.vector_load %arg19[%get3A_916, %get3A_917] {strides = array<i32>} : memref<200x64xf32, #tpu.memory_space<vmem>>, vector<16xf32>,
        %add3A_919 = arith.addf %scan3A_906, %get3A_918 : vector<16xf32>
        %get3A_920 = arith.index_cast %add3A_911 : i32 to index
        %get3A_921 = arith.constant 32 : index
        %get3A_922 = tpu.vector_load %arg19[%get3A_920, %get3A_921] {strides = array<i32>} : memref<200x64xf32, #tpu.memory_space<vmem>>, vector<16xf32>,
        %add3A_923 = arith.addf %scan3A_907, %get3A_922 : vector<16xf32>
        %get3A_924 = arith.index_cast %add3A_911 : i32 to index
        %get3A_925 = arith.constant 48 : index
        %get3A_926 = tpu.vector_load %arg19[%get3A_924, %get3A_925] {strides = array<i32>} : memref<200x64xf32, #tpu.memory_space<vmem>>, vector<16xf32>,
        %add3A_927 = arith.addf %scan3A_908, %get3A_926 : vector<16xf32>
        scf.yield %add3A_915, %add3A_919, %add3A_923, %add3A_927 : vector<16xf32>, vector<16xf32>, vector<16xf32>, vector<16xf32>
      }
      %scan3A_890 = arith.constant 50 : i32
      %swap3A_891 = arith.index_cast %add3A_882 : i32 to index
      %swap3A_892 = arith.constant 0 : index
      %swap3A_893 = tpu.vector_load %arg24[%swap3A_891, %swap3A_892] {strides = array<i32>} : memref<128x64xf32, #tpu.memory_space<vmem>>, vector<16xf32>,
      tpu.vector_store %arg24[%swap3A_891, %swap3A_892], %scan3A_889#0 {strides = array<i32>} : memref<128x64xf32, #tpu.memory_space<vmem>>, vector<16xf32>,
      %swap3A_894 = arith.index_cast %add3A_882 : i32 to index
      %swap3A_895 = arith.constant 16 : index
      %swap3A_896 = tpu.vector_load %arg24[%swap3A_894, %swap3A_895] {strides = array<i32>} : memref<128x64xf32, #tpu.memory_space<vmem>>, vector<16xf32>,
      tpu.vector_store %arg24[%swap3A_894, %swap3A_895], %scan3A_889#1 {strides = array<i32>} : memref<128x64xf32, #tpu.memory_space<vmem>>, vector<16xf32>,
      %swap3A_897 = arith.index_cast %add3A_882 : i32 to index
      %swap3A_898 = arith.constant 32 : index
      %swap3A_899 = tpu.vector_load %arg24[%swap3A_897, %swap3A_898] {strides = array<i32>} : memref<128x64xf32, #tpu.memory_space<vmem>>, vector<16xf32>,
      tpu.vector_store %arg24[%swap3A_897, %swap3A_898], %scan3A_889#2 {strides = array<i32>} : memref<128x64xf32, #tpu.memory_space<vmem>>, vector<16xf32>,
      %swap3A_900 = arith.index_cast %add3A_882 : i32 to index
      %swap3A_901 = arith.constant 48 : index
      %swap3A_902 = tpu.vector_load %arg24[%swap3A_900, %swap3A_901] {strides = array<i32>} : memref<128x64xf32, #tpu.memory_space<vmem>>, vector<16xf32>,
      tpu.vector_store %arg24[%swap3A_900, %swap3A_901], %scan3A_889#3 {strides = array<i32>} : memref<128x64xf32, #tpu.memory_space<vmem>>, vector<16xf32>,
      %scan3A_903 = arith.constant 0 : i32
      scf.yield %scan3A_903 : i32
    }
    %scan3A_309 = arith.constant 4 : i32
    %dma_start3A_310 = arith.constant 3800 : i32
    %dma_start3A_311 = tpu.memref_slice %arg12[%dma_start3A_310] : memref<6400xi32, #tpu.memory_space<vmem>> -> memref<200xi32, #tpu.memory_space<vmem>>
    %dma_start3A_312 = arith.constant 0 : i32
    %dma_start3A_313 = arith.constant 0 : i32
    %dma_start3A_314 = tpu.memref_slice %arg9[%dma_start3A_312, %dma_start3A_313] : memref<1000000x64xf32, #tpu.memory_space<hbm>> -> memref<1000000x64xf32, #tpu.memory_space<hbm>>
    tpu.enqueue_indirect_dma source(%dma_start3A_314 : memref<1000000x64xf32, #tpu.memory_space<hbm>>) target(%arg19 : memref<200x64xf32, #tpu.memory_space<vmem>>) offsets(%dma_start3A_311 : memref<200xi32, #tpu.memory_space<vmem>>) semaphore(%arg32 : memref<!tpu.dma_semaphore, #tpu.memory_space<semaphore_mem>>)
    %dma_wait3A_315 = arith.constant 3400 : i32
    %dma_wait3A_316 = tpu.memref_slice %arg12[%dma_wait3A_315] : memref<6400xi32, #tpu.memory_space<vmem>> -> memref<200xi32, #tpu.memory_space<vmem>>
    %dma_wait3A_317 = arith.constant 0 : i32
    %dma_wait3A_318 = arith.constant 0 : i32
    %dma_wait3A_319 = tpu.memref_slice %arg9[%dma_wait3A_317, %dma_wait3A_318] : memref<1000000x64xf32, #tpu.memory_space<hbm>> -> memref<1000000x64xf32, #tpu.memory_space<hbm>>
    tpu.wait_indirect_dma semaphore(%arg33 : memref<!tpu.dma_semaphore, #tpu.memory_space<semaphore_mem>>) src(%dma_wait3A_319 : memref<1000000x64xf32, #tpu.memory_space<hbm>>) dst(%arg20 : memref<200x64xf32, #tpu.memory_space<vmem>>)
    %scan3A_320 = arith.constant 0 : i32
    %scan3A_321 = arith.constant 0 : i32
    %scan3A_322 = arith.constant 4 : i32
    %scan3A_323 = arith.addi %scan3A_321, %scan3A_322 : i32
    %scan3A_324 = arith.constant 1 : i32
    %scan3A_325 = scf.for %scan3A_879 = %scan3A_321 to %scan3A_323 step %scan3A_324 iter_args(%scan3A_880 = %scan3A_320) -> (i32)  : i32 {
      %add3A_881 = arith.constant 68 : i32
      %add3A_882 = arith.addi %add3A_881, %scan3A_879 : i32
      %broadcast_in_dim3A_883 = arith.constant 0.000000e+00 : f32
      %broadcast_in_dim3A_884 = vector.broadcast %broadcast_in_dim3A_883 : f32 to vector<16xf32>
      %scan3A_885 = arith.constant 0 : i32
      %scan3A_886 = arith.constant 50 : i32
      %scan3A_887 = arith.addi %scan3A_885, %scan3A_886 : i32
      %scan3A_888 = arith.constant 1 : i32
      %scan3A_889:4 = scf.for %scan3A_904 = %scan3A_885 to %scan3A_887 step %scan3A_888 iter_args(%scan3A_905 = %broadcast_in_dim3A_884, %scan3A_906 = %broadcast_in_dim3A_884, %scan3A_907 = %broadcast_in_dim3A_884, %scan3A_908 = %broadcast_in_dim3A_884) -> (vector<16xf32>, vector<16xf32>, vector<16xf32>, vector<16xf32>)  : i32 {
        %mul3A_909 = arith.constant 50 : i32
        %mul3A_910 = arith.muli %scan3A_879, %mul3A_909 : i32
        %add3A_911 = arith.addi %mul3A_910, %scan3A_904 : i32
        %get3A_912 = arith.index_cast %add3A_911 : i32 to index
        %get3A_913 = arith.constant 0 : index
        %get3A_914 = tpu.vector_load %arg20[%get3A_912, %get3A_913] {strides = array<i32>} : memref<200x64xf32, #tpu.memory_space<vmem>>, vector<16xf32>,
        %add3A_915 = arith.addf %scan3A_905, %get3A_914 : vector<16xf32>
        %get3A_916 = arith.index_cast %add3A_911 : i32 to index
        %get3A_917 = arith.constant 16 : index
        %get3A_918 = tpu.vector_load %arg20[%get3A_916, %get3A_917] {strides = array<i32>} : memref<200x64xf32, #tpu.memory_space<vmem>>, vector<16xf32>,
        %add3A_919 = arith.addf %scan3A_906, %get3A_918 : vector<16xf32>
        %get3A_920 = arith.index_cast %add3A_911 : i32 to index
        %get3A_921 = arith.constant 32 : index
        %get3A_922 = tpu.vector_load %arg20[%get3A_920, %get3A_921] {strides = array<i32>} : memref<200x64xf32, #tpu.memory_space<vmem>>, vector<16xf32>,
        %add3A_923 = arith.addf %scan3A_907, %get3A_922 : vector<16xf32>
        %get3A_924 = arith.index_cast %add3A_911 : i32 to index
        %get3A_925 = arith.constant 48 : index
        %get3A_926 = tpu.vector_load %arg20[%get3A_924, %get3A_925] {strides = array<i32>} : memref<200x64xf32, #tpu.memory_space<vmem>>, vector<16xf32>,
        %add3A_927 = arith.addf %scan3A_908, %get3A_926 : vector<16xf32>
        scf.yield %add3A_915, %add3A_919, %add3A_923, %add3A_927 : vector<16xf32>, vector<16xf32>, vector<16xf32>, vector<16xf32>
      }
      %scan3A_890 = arith.constant 50 : i32
      %swap3A_891 = arith.index_cast %add3A_882 : i32 to index
      %swap3A_892 = arith.constant 0 : index
      %swap3A_893 = tpu.vector_load %arg24[%swap3A_891, %swap3A_892] {strides = array<i32>} : memref<128x64xf32, #tpu.memory_space<vmem>>, vector<16xf32>,
      tpu.vector_store %arg24[%swap3A_891, %swap3A_892], %scan3A_889#0 {strides = array<i32>} : memref<128x64xf32, #tpu.memory_space<vmem>>, vector<16xf32>,
      %swap3A_894 = arith.index_cast %add3A_882 : i32 to index
      %swap3A_895 = arith.constant 16 : index
      %swap3A_896 = tpu.vector_load %arg24[%swap3A_894, %swap3A_895] {strides = array<i32>} : memref<128x64xf32, #tpu.memory_space<vmem>>, vector<16xf32>,
      tpu.vector_store %arg24[%swap3A_894, %swap3A_895], %scan3A_889#1 {strides = array<i32>} : memref<128x64xf32, #tpu.memory_space<vmem>>, vector<16xf32>,
      %swap3A_897 = arith.index_cast %add3A_882 : i32 to index
      %swap3A_898 = arith.constant 32 : index
      %swap3A_899 = tpu.vector_load %arg24[%swap3A_897, %swap3A_898] {strides = array<i32>} : memref<128x64xf32, #tpu.memory_space<vmem>>, vector<16xf32>,
      tpu.vector_store %arg24[%swap3A_897, %swap3A_898], %scan3A_889#2 {strides = array<i32>} : memref<128x64xf32, #tpu.memory_space<vmem>>, vector<16xf32>,
      %swap3A_900 = arith.index_cast %add3A_882 : i32 to index
      %swap3A_901 = arith.constant 48 : index
      %swap3A_902 = tpu.vector_load %arg24[%swap3A_900, %swap3A_901] {strides = array<i32>} : memref<128x64xf32, #tpu.memory_space<vmem>>, vector<16xf32>,
      tpu.vector_store %arg24[%swap3A_900, %swap3A_901], %scan3A_889#3 {strides = array<i32>} : memref<128x64xf32, #tpu.memory_space<vmem>>, vector<16xf32>,
      %scan3A_903 = arith.constant 0 : i32
      scf.yield %scan3A_903 : i32
    }
    %scan3A_326 = arith.constant 4 : i32
    %dma_start3A_327 = arith.constant 4000 : i32
    %dma_start3A_328 = tpu.memref_slice %arg12[%dma_start3A_327] : memref<6400xi32, #tpu.memory_space<vmem>> -> memref<200xi32, #tpu.memory_space<vmem>>
    %dma_start3A_329 = arith.constant 0 : i32
    %dma_start3A_330 = arith.constant 0 : i32
    %dma_start3A_331 = tpu.memref_slice %arg9[%dma_start3A_329, %dma_start3A_330] : memref<1000000x64xf32, #tpu.memory_space<hbm>> -> memref<1000000x64xf32, #tpu.memory_space<hbm>>
    tpu.enqueue_indirect_dma source(%dma_start3A_331 : memref<1000000x64xf32, #tpu.memory_space<hbm>>) target(%arg20 : memref<200x64xf32, #tpu.memory_space<vmem>>) offsets(%dma_start3A_328 : memref<200xi32, #tpu.memory_space<vmem>>) semaphore(%arg33 : memref<!tpu.dma_semaphore, #tpu.memory_space<semaphore_mem>>)
    %dma_wait3A_332 = arith.constant 3600 : i32
    %dma_wait3A_333 = tpu.memref_slice %arg12[%dma_wait3A_332] : memref<6400xi32, #tpu.memory_space<vmem>> -> memref<200xi32, #tpu.memory_space<vmem>>
    %dma_wait3A_334 = arith.constant 0 : i32
    %dma_wait3A_335 = arith.constant 0 : i32
    %dma_wait3A_336 = tpu.memref_slice %arg9[%dma_wait3A_334, %dma_wait3A_335] : memref<1000000x64xf32, #tpu.memory_space<hbm>> -> memref<1000000x64xf32, #tpu.memory_space<hbm>>
    tpu.wait_indirect_dma semaphore(%arg31 : memref<!tpu.dma_semaphore, #tpu.memory_space<semaphore_mem>>) src(%dma_wait3A_336 : memref<1000000x64xf32, #tpu.memory_space<hbm>>) dst(%arg18 : memref<200x64xf32, #tpu.memory_space<vmem>>)
    %scan3A_337 = arith.constant 0 : i32
    %scan3A_338 = arith.constant 0 : i32
    %scan3A_339 = arith.constant 4 : i32
    %scan3A_340 = arith.addi %scan3A_338, %scan3A_339 : i32
    %scan3A_341 = arith.constant 1 : i32
    %scan3A_342 = scf.for %scan3A_879 = %scan3A_338 to %scan3A_340 step %scan3A_341 iter_args(%scan3A_880 = %scan3A_337) -> (i32)  : i32 {
      %add3A_881 = arith.constant 72 : i32
      %add3A_882 = arith.addi %add3A_881, %scan3A_879 : i32
      %broadcast_in_dim3A_883 = arith.constant 0.000000e+00 : f32
      %broadcast_in_dim3A_884 = vector.broadcast %broadcast_in_dim3A_883 : f32 to vector<16xf32>
      %scan3A_885 = arith.constant 0 : i32
      %scan3A_886 = arith.constant 50 : i32
      %scan3A_887 = arith.addi %scan3A_885, %scan3A_886 : i32
      %scan3A_888 = arith.constant 1 : i32
      %scan3A_889:4 = scf.for %scan3A_904 = %scan3A_885 to %scan3A_887 step %scan3A_888 iter_args(%scan3A_905 = %broadcast_in_dim3A_884, %scan3A_906 = %broadcast_in_dim3A_884, %scan3A_907 = %broadcast_in_dim3A_884, %scan3A_908 = %broadcast_in_dim3A_884) -> (vector<16xf32>, vector<16xf32>, vector<16xf32>, vector<16xf32>)  : i32 {
        %mul3A_909 = arith.constant 50 : i32
        %mul3A_910 = arith.muli %scan3A_879, %mul3A_909 : i32
        %add3A_911 = arith.addi %mul3A_910, %scan3A_904 : i32
        %get3A_912 = arith.index_cast %add3A_911 : i32 to index
        %get3A_913 = arith.constant 0 : index
        %get3A_914 = tpu.vector_load %arg18[%get3A_912, %get3A_913] {strides = array<i32>} : memref<200x64xf32, #tpu.memory_space<vmem>>, vector<16xf32>,
        %add3A_915 = arith.addf %scan3A_905, %get3A_914 : vector<16xf32>
        %get3A_916 = arith.index_cast %add3A_911 : i32 to index
        %get3A_917 = arith.constant 16 : index
        %get3A_918 = tpu.vector_load %arg18[%get3A_916, %get3A_917] {strides = array<i32>} : memref<200x64xf32, #tpu.memory_space<vmem>>, vector<16xf32>,
        %add3A_919 = arith.addf %scan3A_906, %get3A_918 : vector<16xf32>
        %get3A_920 = arith.index_cast %add3A_911 : i32 to index
        %get3A_921 = arith.constant 32 : index
        %get3A_922 = tpu.vector_load %arg18[%get3A_920, %get3A_921] {strides = array<i32>} : memref<200x64xf32, #tpu.memory_space<vmem>>, vector<16xf32>,
        %add3A_923 = arith.addf %scan3A_907, %get3A_922 : vector<16xf32>
        %get3A_924 = arith.index_cast %add3A_911 : i32 to index
        %get3A_925 = arith.constant 48 : index
        %get3A_926 = tpu.vector_load %arg18[%get3A_924, %get3A_925] {strides = array<i32>} : memref<200x64xf32, #tpu.memory_space<vmem>>, vector<16xf32>,
        %add3A_927 = arith.addf %scan3A_908, %get3A_926 : vector<16xf32>
        scf.yield %add3A_915, %add3A_919, %add3A_923, %add3A_927 : vector<16xf32>, vector<16xf32>, vector<16xf32>, vector<16xf32>
      }
      %scan3A_890 = arith.constant 50 : i32
      %swap3A_891 = arith.index_cast %add3A_882 : i32 to index
      %swap3A_892 = arith.constant 0 : index
      %swap3A_893 = tpu.vector_load %arg24[%swap3A_891, %swap3A_892] {strides = array<i32>} : memref<128x64xf32, #tpu.memory_space<vmem>>, vector<16xf32>,
      tpu.vector_store %arg24[%swap3A_891, %swap3A_892], %scan3A_889#0 {strides = array<i32>} : memref<128x64xf32, #tpu.memory_space<vmem>>, vector<16xf32>,
      %swap3A_894 = arith.index_cast %add3A_882 : i32 to index
      %swap3A_895 = arith.constant 16 : index
      %swap3A_896 = tpu.vector_load %arg24[%swap3A_894, %swap3A_895] {strides = array<i32>} : memref<128x64xf32, #tpu.memory_space<vmem>>, vector<16xf32>,
      tpu.vector_store %arg24[%swap3A_894, %swap3A_895], %scan3A_889#1 {strides = array<i32>} : memref<128x64xf32, #tpu.memory_space<vmem>>, vector<16xf32>,
      %swap3A_897 = arith.index_cast %add3A_882 : i32 to index
      %swap3A_898 = arith.constant 32 : index
      %swap3A_899 = tpu.vector_load %arg24[%swap3A_897, %swap3A_898] {strides = array<i32>} : memref<128x64xf32, #tpu.memory_space<vmem>>, vector<16xf32>,
      tpu.vector_store %arg24[%swap3A_897, %swap3A_898], %scan3A_889#2 {strides = array<i32>} : memref<128x64xf32, #tpu.memory_space<vmem>>, vector<16xf32>,
      %swap3A_900 = arith.index_cast %add3A_882 : i32 to index
      %swap3A_901 = arith.constant 48 : index
      %swap3A_902 = tpu.vector_load %arg24[%swap3A_900, %swap3A_901] {strides = array<i32>} : memref<128x64xf32, #tpu.memory_space<vmem>>, vector<16xf32>,
      tpu.vector_store %arg24[%swap3A_900, %swap3A_901], %scan3A_889#3 {strides = array<i32>} : memref<128x64xf32, #tpu.memory_space<vmem>>, vector<16xf32>,
      %scan3A_903 = arith.constant 0 : i32
      scf.yield %scan3A_903 : i32
    }
    %scan3A_343 = arith.constant 4 : i32
    %dma_start3A_344 = arith.constant 4200 : i32
    %dma_start3A_345 = tpu.memref_slice %arg12[%dma_start3A_344] : memref<6400xi32, #tpu.memory_space<vmem>> -> memref<200xi32, #tpu.memory_space<vmem>>
    %dma_start3A_346 = arith.constant 0 : i32
    %dma_start3A_347 = arith.constant 0 : i32
    %dma_start3A_348 = tpu.memref_slice %arg9[%dma_start3A_346, %dma_start3A_347] : memref<1000000x64xf32, #tpu.memory_space<hbm>> -> memref<1000000x64xf32, #tpu.memory_space<hbm>>
    tpu.enqueue_indirect_dma source(%dma_start3A_348 : memref<1000000x64xf32, #tpu.memory_space<hbm>>) target(%arg18 : memref<200x64xf32, #tpu.memory_space<vmem>>) offsets(%dma_start3A_345 : memref<200xi32, #tpu.memory_space<vmem>>) semaphore(%arg31 : memref<!tpu.dma_semaphore, #tpu.memory_space<semaphore_mem>>)
    %dma_wait3A_349 = arith.constant 3800 : i32
    %dma_wait3A_350 = tpu.memref_slice %arg12[%dma_wait3A_349] : memref<6400xi32, #tpu.memory_space<vmem>> -> memref<200xi32, #tpu.memory_space<vmem>>
    %dma_wait3A_351 = arith.constant 0 : i32
    %dma_wait3A_352 = arith.constant 0 : i32
    %dma_wait3A_353 = tpu.memref_slice %arg9[%dma_wait3A_351, %dma_wait3A_352] : memref<1000000x64xf32, #tpu.memory_space<hbm>> -> memref<1000000x64xf32, #tpu.memory_space<hbm>>
    tpu.wait_indirect_dma semaphore(%arg32 : memref<!tpu.dma_semaphore, #tpu.memory_space<semaphore_mem>>) src(%dma_wait3A_353 : memref<1000000x64xf32, #tpu.memory_space<hbm>>) dst(%arg19 : memref<200x64xf32, #tpu.memory_space<vmem>>)
    %scan3A_354 = arith.constant 0 : i32
    %scan3A_355 = arith.constant 0 : i32
    %scan3A_356 = arith.constant 4 : i32
    %scan3A_357 = arith.addi %scan3A_355, %scan3A_356 : i32
    %scan3A_358 = arith.constant 1 : i32
    %scan3A_359 = scf.for %scan3A_879 = %scan3A_355 to %scan3A_357 step %scan3A_358 iter_args(%scan3A_880 = %scan3A_354) -> (i32)  : i32 {
      %add3A_881 = arith.constant 76 : i32
      %add3A_882 = arith.addi %add3A_881, %scan3A_879 : i32
      %broadcast_in_dim3A_883 = arith.constant 0.000000e+00 : f32
      %broadcast_in_dim3A_884 = vector.broadcast %broadcast_in_dim3A_883 : f32 to vector<16xf32>
      %scan3A_885 = arith.constant 0 : i32
      %scan3A_886 = arith.constant 50 : i32
      %scan3A_887 = arith.addi %scan3A_885, %scan3A_886 : i32
      %scan3A_888 = arith.constant 1 : i32
      %scan3A_889:4 = scf.for %scan3A_904 = %scan3A_885 to %scan3A_887 step %scan3A_888 iter_args(%scan3A_905 = %broadcast_in_dim3A_884, %scan3A_906 = %broadcast_in_dim3A_884, %scan3A_907 = %broadcast_in_dim3A_884, %scan3A_908 = %broadcast_in_dim3A_884) -> (vector<16xf32>, vector<16xf32>, vector<16xf32>, vector<16xf32>)  : i32 {
        %mul3A_909 = arith.constant 50 : i32
        %mul3A_910 = arith.muli %scan3A_879, %mul3A_909 : i32
        %add3A_911 = arith.addi %mul3A_910, %scan3A_904 : i32
        %get3A_912 = arith.index_cast %add3A_911 : i32 to index
        %get3A_913 = arith.constant 0 : index
        %get3A_914 = tpu.vector_load %arg19[%get3A_912, %get3A_913] {strides = array<i32>} : memref<200x64xf32, #tpu.memory_space<vmem>>, vector<16xf32>,
        %add3A_915 = arith.addf %scan3A_905, %get3A_914 : vector<16xf32>
        %get3A_916 = arith.index_cast %add3A_911 : i32 to index
        %get3A_917 = arith.constant 16 : index
        %get3A_918 = tpu.vector_load %arg19[%get3A_916, %get3A_917] {strides = array<i32>} : memref<200x64xf32, #tpu.memory_space<vmem>>, vector<16xf32>,
        %add3A_919 = arith.addf %scan3A_906, %get3A_918 : vector<16xf32>
        %get3A_920 = arith.index_cast %add3A_911 : i32 to index
        %get3A_921 = arith.constant 32 : index
        %get3A_922 = tpu.vector_load %arg19[%get3A_920, %get3A_921] {strides = array<i32>} : memref<200x64xf32, #tpu.memory_space<vmem>>, vector<16xf32>,
        %add3A_923 = arith.addf %scan3A_907, %get3A_922 : vector<16xf32>
        %get3A_924 = arith.index_cast %add3A_911 : i32 to index
        %get3A_925 = arith.constant 48 : index
        %get3A_926 = tpu.vector_load %arg19[%get3A_924, %get3A_925] {strides = array<i32>} : memref<200x64xf32, #tpu.memory_space<vmem>>, vector<16xf32>,
        %add3A_927 = arith.addf %scan3A_908, %get3A_926 : vector<16xf32>
        scf.yield %add3A_915, %add3A_919, %add3A_923, %add3A_927 : vector<16xf32>, vector<16xf32>, vector<16xf32>, vector<16xf32>
      }
      %scan3A_890 = arith.constant 50 : i32
      %swap3A_891 = arith.index_cast %add3A_882 : i32 to index
      %swap3A_892 = arith.constant 0 : index
      %swap3A_893 = tpu.vector_load %arg24[%swap3A_891, %swap3A_892] {strides = array<i32>} : memref<128x64xf32, #tpu.memory_space<vmem>>, vector<16xf32>,
      tpu.vector_store %arg24[%swap3A_891, %swap3A_892], %scan3A_889#0 {strides = array<i32>} : memref<128x64xf32, #tpu.memory_space<vmem>>, vector<16xf32>,
      %swap3A_894 = arith.index_cast %add3A_882 : i32 to index
      %swap3A_895 = arith.constant 16 : index
      %swap3A_896 = tpu.vector_load %arg24[%swap3A_894, %swap3A_895] {strides = array<i32>} : memref<128x64xf32, #tpu.memory_space<vmem>>, vector<16xf32>,
      tpu.vector_store %arg24[%swap3A_894, %swap3A_895], %scan3A_889#1 {strides = array<i32>} : memref<128x64xf32, #tpu.memory_space<vmem>>, vector<16xf32>,
      %swap3A_897 = arith.index_cast %add3A_882 : i32 to index
      %swap3A_898 = arith.constant 32 : index
      %swap3A_899 = tpu.vector_load %arg24[%swap3A_897, %swap3A_898] {strides = array<i32>} : memref<128x64xf32, #tpu.memory_space<vmem>>, vector<16xf32>,
      tpu.vector_store %arg24[%swap3A_897, %swap3A_898], %scan3A_889#2 {strides = array<i32>} : memref<128x64xf32, #tpu.memory_space<vmem>>, vector<16xf32>,
      %swap3A_900 = arith.index_cast %add3A_882 : i32 to index
      %swap3A_901 = arith.constant 48 : index
      %swap3A_902 = tpu.vector_load %arg24[%swap3A_900, %swap3A_901] {strides = array<i32>} : memref<128x64xf32, #tpu.memory_space<vmem>>, vector<16xf32>,
      tpu.vector_store %arg24[%swap3A_900, %swap3A_901], %scan3A_889#3 {strides = array<i32>} : memref<128x64xf32, #tpu.memory_space<vmem>>, vector<16xf32>,
      %scan3A_903 = arith.constant 0 : i32
      scf.yield %scan3A_903 : i32
    }
    %scan3A_360 = arith.constant 4 : i32
    %dma_start3A_361 = arith.constant 4400 : i32
    %dma_start3A_362 = tpu.memref_slice %arg12[%dma_start3A_361] : memref<6400xi32, #tpu.memory_space<vmem>> -> memref<200xi32, #tpu.memory_space<vmem>>
    %dma_start3A_363 = arith.constant 0 : i32
    %dma_start3A_364 = arith.constant 0 : i32
    %dma_start3A_365 = tpu.memref_slice %arg9[%dma_start3A_363, %dma_start3A_364] : memref<1000000x64xf32, #tpu.memory_space<hbm>> -> memref<1000000x64xf32, #tpu.memory_space<hbm>>
    tpu.enqueue_indirect_dma source(%dma_start3A_365 : memref<1000000x64xf32, #tpu.memory_space<hbm>>) target(%arg19 : memref<200x64xf32, #tpu.memory_space<vmem>>) offsets(%dma_start3A_362 : memref<200xi32, #tpu.memory_space<vmem>>) semaphore(%arg32 : memref<!tpu.dma_semaphore, #tpu.memory_space<semaphore_mem>>)
    %dma_wait3A_366 = arith.constant 4000 : i32
    %dma_wait3A_367 = tpu.memref_slice %arg12[%dma_wait3A_366] : memref<6400xi32, #tpu.memory_space<vmem>> -> memref<200xi32, #tpu.memory_space<vmem>>
    %dma_wait3A_368 = arith.constant 0 : i32
    %dma_wait3A_369 = arith.constant 0 : i32
    %dma_wait3A_370 = tpu.memref_slice %arg9[%dma_wait3A_368, %dma_wait3A_369] : memref<1000000x64xf32, #tpu.memory_space<hbm>> -> memref<1000000x64xf32, #tpu.memory_space<hbm>>
    tpu.wait_indirect_dma semaphore(%arg33 : memref<!tpu.dma_semaphore, #tpu.memory_space<semaphore_mem>>) src(%dma_wait3A_370 : memref<1000000x64xf32, #tpu.memory_space<hbm>>) dst(%arg20 : memref<200x64xf32, #tpu.memory_space<vmem>>)
    %scan3A_371 = arith.constant 0 : i32
    %scan3A_372 = arith.constant 0 : i32
    %scan3A_373 = arith.constant 4 : i32
    %scan3A_374 = arith.addi %scan3A_372, %scan3A_373 : i32
    %scan3A_375 = arith.constant 1 : i32
    %scan3A_376 = scf.for %scan3A_879 = %scan3A_372 to %scan3A_374 step %scan3A_375 iter_args(%scan3A_880 = %scan3A_371) -> (i32)  : i32 {
      %add3A_881 = arith.constant 80 : i32
      %add3A_882 = arith.addi %add3A_881, %scan3A_879 : i32
      %broadcast_in_dim3A_883 = arith.constant 0.000000e+00 : f32
      %broadcast_in_dim3A_884 = vector.broadcast %broadcast_in_dim3A_883 : f32 to vector<16xf32>
      %scan3A_885 = arith.constant 0 : i32
      %scan3A_886 = arith.constant 50 : i32
      %scan3A_887 = arith.addi %scan3A_885, %scan3A_886 : i32
      %scan3A_888 = arith.constant 1 : i32
      %scan3A_889:4 = scf.for %scan3A_904 = %scan3A_885 to %scan3A_887 step %scan3A_888 iter_args(%scan3A_905 = %broadcast_in_dim3A_884, %scan3A_906 = %broadcast_in_dim3A_884, %scan3A_907 = %broadcast_in_dim3A_884, %scan3A_908 = %broadcast_in_dim3A_884) -> (vector<16xf32>, vector<16xf32>, vector<16xf32>, vector<16xf32>)  : i32 {
        %mul3A_909 = arith.constant 50 : i32
        %mul3A_910 = arith.muli %scan3A_879, %mul3A_909 : i32
        %add3A_911 = arith.addi %mul3A_910, %scan3A_904 : i32
        %get3A_912 = arith.index_cast %add3A_911 : i32 to index
        %get3A_913 = arith.constant 0 : index
        %get3A_914 = tpu.vector_load %arg20[%get3A_912, %get3A_913] {strides = array<i32>} : memref<200x64xf32, #tpu.memory_space<vmem>>, vector<16xf32>,
        %add3A_915 = arith.addf %scan3A_905, %get3A_914 : vector<16xf32>
        %get3A_916 = arith.index_cast %add3A_911 : i32 to index
        %get3A_917 = arith.constant 16 : index
        %get3A_918 = tpu.vector_load %arg20[%get3A_916, %get3A_917] {strides = array<i32>} : memref<200x64xf32, #tpu.memory_space<vmem>>, vector<16xf32>,
        %add3A_919 = arith.addf %scan3A_906, %get3A_918 : vector<16xf32>
        %get3A_920 = arith.index_cast %add3A_911 : i32 to index
        %get3A_921 = arith.constant 32 : index
        %get3A_922 = tpu.vector_load %arg20[%get3A_920, %get3A_921] {strides = array<i32>} : memref<200x64xf32, #tpu.memory_space<vmem>>, vector<16xf32>,
        %add3A_923 = arith.addf %scan3A_907, %get3A_922 : vector<16xf32>
        %get3A_924 = arith.index_cast %add3A_911 : i32 to index
        %get3A_925 = arith.constant 48 : index
        %get3A_926 = tpu.vector_load %arg20[%get3A_924, %get3A_925] {strides = array<i32>} : memref<200x64xf32, #tpu.memory_space<vmem>>, vector<16xf32>,
        %add3A_927 = arith.addf %scan3A_908, %get3A_926 : vector<16xf32>
        scf.yield %add3A_915, %add3A_919, %add3A_923, %add3A_927 : vector<16xf32>, vector<16xf32>, vector<16xf32>, vector<16xf32>
      }
      %scan3A_890 = arith.constant 50 : i32
      %swap3A_891 = arith.index_cast %add3A_882 : i32 to index
      %swap3A_892 = arith.constant 0 : index
      %swap3A_893 = tpu.vector_load %arg24[%swap3A_891, %swap3A_892] {strides = array<i32>} : memref<128x64xf32, #tpu.memory_space<vmem>>, vector<16xf32>,
      tpu.vector_store %arg24[%swap3A_891, %swap3A_892], %scan3A_889#0 {strides = array<i32>} : memref<128x64xf32, #tpu.memory_space<vmem>>, vector<16xf32>,
      %swap3A_894 = arith.index_cast %add3A_882 : i32 to index
      %swap3A_895 = arith.constant 16 : index
      %swap3A_896 = tpu.vector_load %arg24[%swap3A_894, %swap3A_895] {strides = array<i32>} : memref<128x64xf32, #tpu.memory_space<vmem>>, vector<16xf32>,
      tpu.vector_store %arg24[%swap3A_894, %swap3A_895], %scan3A_889#1 {strides = array<i32>} : memref<128x64xf32, #tpu.memory_space<vmem>>, vector<16xf32>,
      %swap3A_897 = arith.index_cast %add3A_882 : i32 to index
      %swap3A_898 = arith.constant 32 : index
      %swap3A_899 = tpu.vector_load %arg24[%swap3A_897, %swap3A_898] {strides = array<i32>} : memref<128x64xf32, #tpu.memory_space<vmem>>, vector<16xf32>,
      tpu.vector_store %arg24[%swap3A_897, %swap3A_898], %scan3A_889#2 {strides = array<i32>} : memref<128x64xf32, #tpu.memory_space<vmem>>, vector<16xf32>,
      %swap3A_900 = arith.index_cast %add3A_882 : i32 to index
      %swap3A_901 = arith.constant 48 : index
      %swap3A_902 = tpu.vector_load %arg24[%swap3A_900, %swap3A_901] {strides = array<i32>} : memref<128x64xf32, #tpu.memory_space<vmem>>, vector<16xf32>,
      tpu.vector_store %arg24[%swap3A_900, %swap3A_901], %scan3A_889#3 {strides = array<i32>} : memref<128x64xf32, #tpu.memory_space<vmem>>, vector<16xf32>,
      %scan3A_903 = arith.constant 0 : i32
      scf.yield %scan3A_903 : i32
    }
    %scan3A_377 = arith.constant 4 : i32
    %dma_start3A_378 = arith.constant 4600 : i32
    %dma_start3A_379 = tpu.memref_slice %arg12[%dma_start3A_378] : memref<6400xi32, #tpu.memory_space<vmem>> -> memref<200xi32, #tpu.memory_space<vmem>>
    %dma_start3A_380 = arith.constant 0 : i32
    %dma_start3A_381 = arith.constant 0 : i32
    %dma_start3A_382 = tpu.memref_slice %arg9[%dma_start3A_380, %dma_start3A_381] : memref<1000000x64xf32, #tpu.memory_space<hbm>> -> memref<1000000x64xf32, #tpu.memory_space<hbm>>
    tpu.enqueue_indirect_dma source(%dma_start3A_382 : memref<1000000x64xf32, #tpu.memory_space<hbm>>) target(%arg20 : memref<200x64xf32, #tpu.memory_space<vmem>>) offsets(%dma_start3A_379 : memref<200xi32, #tpu.memory_space<vmem>>) semaphore(%arg33 : memref<!tpu.dma_semaphore, #tpu.memory_space<semaphore_mem>>)
    %dma_wait3A_383 = arith.constant 4200 : i32
    %dma_wait3A_384 = tpu.memref_slice %arg12[%dma_wait3A_383] : memref<6400xi32, #tpu.memory_space<vmem>> -> memref<200xi32, #tpu.memory_space<vmem>>
    %dma_wait3A_385 = arith.constant 0 : i32
    %dma_wait3A_386 = arith.constant 0 : i32
    %dma_wait3A_387 = tpu.memref_slice %arg9[%dma_wait3A_385, %dma_wait3A_386] : memref<1000000x64xf32, #tpu.memory_space<hbm>> -> memref<1000000x64xf32, #tpu.memory_space<hbm>>
    tpu.wait_indirect_dma semaphore(%arg31 : memref<!tpu.dma_semaphore, #tpu.memory_space<semaphore_mem>>) src(%dma_wait3A_387 : memref<1000000x64xf32, #tpu.memory_space<hbm>>) dst(%arg18 : memref<200x64xf32, #tpu.memory_space<vmem>>)
    %scan3A_388 = arith.constant 0 : i32
    %scan3A_389 = arith.constant 0 : i32
    %scan3A_390 = arith.constant 4 : i32
    %scan3A_391 = arith.addi %scan3A_389, %scan3A_390 : i32
    %scan3A_392 = arith.constant 1 : i32
    %scan3A_393 = scf.for %scan3A_879 = %scan3A_389 to %scan3A_391 step %scan3A_392 iter_args(%scan3A_880 = %scan3A_388) -> (i32)  : i32 {
      %add3A_881 = arith.constant 84 : i32
      %add3A_882 = arith.addi %add3A_881, %scan3A_879 : i32
      %broadcast_in_dim3A_883 = arith.constant 0.000000e+00 : f32
      %broadcast_in_dim3A_884 = vector.broadcast %broadcast_in_dim3A_883 : f32 to vector<16xf32>
      %scan3A_885 = arith.constant 0 : i32
      %scan3A_886 = arith.constant 50 : i32
      %scan3A_887 = arith.addi %scan3A_885, %scan3A_886 : i32
      %scan3A_888 = arith.constant 1 : i32
      %scan3A_889:4 = scf.for %scan3A_904 = %scan3A_885 to %scan3A_887 step %scan3A_888 iter_args(%scan3A_905 = %broadcast_in_dim3A_884, %scan3A_906 = %broadcast_in_dim3A_884, %scan3A_907 = %broadcast_in_dim3A_884, %scan3A_908 = %broadcast_in_dim3A_884) -> (vector<16xf32>, vector<16xf32>, vector<16xf32>, vector<16xf32>)  : i32 {
        %mul3A_909 = arith.constant 50 : i32
        %mul3A_910 = arith.muli %scan3A_879, %mul3A_909 : i32
        %add3A_911 = arith.addi %mul3A_910, %scan3A_904 : i32
        %get3A_912 = arith.index_cast %add3A_911 : i32 to index
        %get3A_913 = arith.constant 0 : index
        %get3A_914 = tpu.vector_load %arg18[%get3A_912, %get3A_913] {strides = array<i32>} : memref<200x64xf32, #tpu.memory_space<vmem>>, vector<16xf32>,
        %add3A_915 = arith.addf %scan3A_905, %get3A_914 : vector<16xf32>
        %get3A_916 = arith.index_cast %add3A_911 : i32 to index
        %get3A_917 = arith.constant 16 : index
        %get3A_918 = tpu.vector_load %arg18[%get3A_916, %get3A_917] {strides = array<i32>} : memref<200x64xf32, #tpu.memory_space<vmem>>, vector<16xf32>,
        %add3A_919 = arith.addf %scan3A_906, %get3A_918 : vector<16xf32>
        %get3A_920 = arith.index_cast %add3A_911 : i32 to index
        %get3A_921 = arith.constant 32 : index
        %get3A_922 = tpu.vector_load %arg18[%get3A_920, %get3A_921] {strides = array<i32>} : memref<200x64xf32, #tpu.memory_space<vmem>>, vector<16xf32>,
        %add3A_923 = arith.addf %scan3A_907, %get3A_922 : vector<16xf32>
        %get3A_924 = arith.index_cast %add3A_911 : i32 to index
        %get3A_925 = arith.constant 48 : index
        %get3A_926 = tpu.vector_load %arg18[%get3A_924, %get3A_925] {strides = array<i32>} : memref<200x64xf32, #tpu.memory_space<vmem>>, vector<16xf32>,
        %add3A_927 = arith.addf %scan3A_908, %get3A_926 : vector<16xf32>
        scf.yield %add3A_915, %add3A_919, %add3A_923, %add3A_927 : vector<16xf32>, vector<16xf32>, vector<16xf32>, vector<16xf32>
      }
      %scan3A_890 = arith.constant 50 : i32
      %swap3A_891 = arith.index_cast %add3A_882 : i32 to index
      %swap3A_892 = arith.constant 0 : index
      %swap3A_893 = tpu.vector_load %arg24[%swap3A_891, %swap3A_892] {strides = array<i32>} : memref<128x64xf32, #tpu.memory_space<vmem>>, vector<16xf32>,
      tpu.vector_store %arg24[%swap3A_891, %swap3A_892], %scan3A_889#0 {strides = array<i32>} : memref<128x64xf32, #tpu.memory_space<vmem>>, vector<16xf32>,
      %swap3A_894 = arith.index_cast %add3A_882 : i32 to index
      %swap3A_895 = arith.constant 16 : index
      %swap3A_896 = tpu.vector_load %arg24[%swap3A_894, %swap3A_895] {strides = array<i32>} : memref<128x64xf32, #tpu.memory_space<vmem>>, vector<16xf32>,
      tpu.vector_store %arg24[%swap3A_894, %swap3A_895], %scan3A_889#1 {strides = array<i32>} : memref<128x64xf32, #tpu.memory_space<vmem>>, vector<16xf32>,
      %swap3A_897 = arith.index_cast %add3A_882 : i32 to index
      %swap3A_898 = arith.constant 32 : index
      %swap3A_899 = tpu.vector_load %arg24[%swap3A_897, %swap3A_898] {strides = array<i32>} : memref<128x64xf32, #tpu.memory_space<vmem>>, vector<16xf32>,
      tpu.vector_store %arg24[%swap3A_897, %swap3A_898], %scan3A_889#2 {strides = array<i32>} : memref<128x64xf32, #tpu.memory_space<vmem>>, vector<16xf32>,
      %swap3A_900 = arith.index_cast %add3A_882 : i32 to index
      %swap3A_901 = arith.constant 48 : index
      %swap3A_902 = tpu.vector_load %arg24[%swap3A_900, %swap3A_901] {strides = array<i32>} : memref<128x64xf32, #tpu.memory_space<vmem>>, vector<16xf32>,
      tpu.vector_store %arg24[%swap3A_900, %swap3A_901], %scan3A_889#3 {strides = array<i32>} : memref<128x64xf32, #tpu.memory_space<vmem>>, vector<16xf32>,
      %scan3A_903 = arith.constant 0 : i32
      scf.yield %scan3A_903 : i32
    }
    %scan3A_394 = arith.constant 4 : i32
    %dma_start3A_395 = arith.constant 4800 : i32
    %dma_start3A_396 = tpu.memref_slice %arg12[%dma_start3A_395] : memref<6400xi32, #tpu.memory_space<vmem>> -> memref<200xi32, #tpu.memory_space<vmem>>
    %dma_start3A_397 = arith.constant 0 : i32
    %dma_start3A_398 = arith.constant 0 : i32
    %dma_start3A_399 = tpu.memref_slice %arg9[%dma_start3A_397, %dma_start3A_398] : memref<1000000x64xf32, #tpu.memory_space<hbm>> -> memref<1000000x64xf32, #tpu.memory_space<hbm>>
    tpu.enqueue_indirect_dma source(%dma_start3A_399 : memref<1000000x64xf32, #tpu.memory_space<hbm>>) target(%arg18 : memref<200x64xf32, #tpu.memory_space<vmem>>) offsets(%dma_start3A_396 : memref<200xi32, #tpu.memory_space<vmem>>) semaphore(%arg31 : memref<!tpu.dma_semaphore, #tpu.memory_space<semaphore_mem>>)
    %dma_wait3A_400 = arith.constant 4400 : i32
    %dma_wait3A_401 = tpu.memref_slice %arg12[%dma_wait3A_400] : memref<6400xi32, #tpu.memory_space<vmem>> -> memref<200xi32, #tpu.memory_space<vmem>>
    %dma_wait3A_402 = arith.constant 0 : i32
    %dma_wait3A_403 = arith.constant 0 : i32
    %dma_wait3A_404 = tpu.memref_slice %arg9[%dma_wait3A_402, %dma_wait3A_403] : memref<1000000x64xf32, #tpu.memory_space<hbm>> -> memref<1000000x64xf32, #tpu.memory_space<hbm>>
    tpu.wait_indirect_dma semaphore(%arg32 : memref<!tpu.dma_semaphore, #tpu.memory_space<semaphore_mem>>) src(%dma_wait3A_404 : memref<1000000x64xf32, #tpu.memory_space<hbm>>) dst(%arg19 : memref<200x64xf32, #tpu.memory_space<vmem>>)
    %scan3A_405 = arith.constant 0 : i32
    %scan3A_406 = arith.constant 0 : i32
    %scan3A_407 = arith.constant 4 : i32
    %scan3A_408 = arith.addi %scan3A_406, %scan3A_407 : i32
    %scan3A_409 = arith.constant 1 : i32
    %scan3A_410 = scf.for %scan3A_879 = %scan3A_406 to %scan3A_408 step %scan3A_409 iter_args(%scan3A_880 = %scan3A_405) -> (i32)  : i32 {
      %add3A_881 = arith.constant 88 : i32
      %add3A_882 = arith.addi %add3A_881, %scan3A_879 : i32
      %broadcast_in_dim3A_883 = arith.constant 0.000000e+00 : f32
      %broadcast_in_dim3A_884 = vector.broadcast %broadcast_in_dim3A_883 : f32 to vector<16xf32>
      %scan3A_885 = arith.constant 0 : i32
      %scan3A_886 = arith.constant 50 : i32
      %scan3A_887 = arith.addi %scan3A_885, %scan3A_886 : i32
      %scan3A_888 = arith.constant 1 : i32
      %scan3A_889:4 = scf.for %scan3A_904 = %scan3A_885 to %scan3A_887 step %scan3A_888 iter_args(%scan3A_905 = %broadcast_in_dim3A_884, %scan3A_906 = %broadcast_in_dim3A_884, %scan3A_907 = %broadcast_in_dim3A_884, %scan3A_908 = %broadcast_in_dim3A_884) -> (vector<16xf32>, vector<16xf32>, vector<16xf32>, vector<16xf32>)  : i32 {
        %mul3A_909 = arith.constant 50 : i32
        %mul3A_910 = arith.muli %scan3A_879, %mul3A_909 : i32
        %add3A_911 = arith.addi %mul3A_910, %scan3A_904 : i32
        %get3A_912 = arith.index_cast %add3A_911 : i32 to index
        %get3A_913 = arith.constant 0 : index
        %get3A_914 = tpu.vector_load %arg19[%get3A_912, %get3A_913] {strides = array<i32>} : memref<200x64xf32, #tpu.memory_space<vmem>>, vector<16xf32>,
        %add3A_915 = arith.addf %scan3A_905, %get3A_914 : vector<16xf32>
        %get3A_916 = arith.index_cast %add3A_911 : i32 to index
        %get3A_917 = arith.constant 16 : index
        %get3A_918 = tpu.vector_load %arg19[%get3A_916, %get3A_917] {strides = array<i32>} : memref<200x64xf32, #tpu.memory_space<vmem>>, vector<16xf32>,
        %add3A_919 = arith.addf %scan3A_906, %get3A_918 : vector<16xf32>
        %get3A_920 = arith.index_cast %add3A_911 : i32 to index
        %get3A_921 = arith.constant 32 : index
        %get3A_922 = tpu.vector_load %arg19[%get3A_920, %get3A_921] {strides = array<i32>} : memref<200x64xf32, #tpu.memory_space<vmem>>, vector<16xf32>,
        %add3A_923 = arith.addf %scan3A_907, %get3A_922 : vector<16xf32>
        %get3A_924 = arith.index_cast %add3A_911 : i32 to index
        %get3A_925 = arith.constant 48 : index
        %get3A_926 = tpu.vector_load %arg19[%get3A_924, %get3A_925] {strides = array<i32>} : memref<200x64xf32, #tpu.memory_space<vmem>>, vector<16xf32>,
        %add3A_927 = arith.addf %scan3A_908, %get3A_926 : vector<16xf32>
        scf.yield %add3A_915, %add3A_919, %add3A_923, %add3A_927 : vector<16xf32>, vector<16xf32>, vector<16xf32>, vector<16xf32>
      }
      %scan3A_890 = arith.constant 50 : i32
      %swap3A_891 = arith.index_cast %add3A_882 : i32 to index
      %swap3A_892 = arith.constant 0 : index
      %swap3A_893 = tpu.vector_load %arg24[%swap3A_891, %swap3A_892] {strides = array<i32>} : memref<128x64xf32, #tpu.memory_space<vmem>>, vector<16xf32>,
      tpu.vector_store %arg24[%swap3A_891, %swap3A_892], %scan3A_889#0 {strides = array<i32>} : memref<128x64xf32, #tpu.memory_space<vmem>>, vector<16xf32>,
      %swap3A_894 = arith.index_cast %add3A_882 : i32 to index
      %swap3A_895 = arith.constant 16 : index
      %swap3A_896 = tpu.vector_load %arg24[%swap3A_894, %swap3A_895] {strides = array<i32>} : memref<128x64xf32, #tpu.memory_space<vmem>>, vector<16xf32>,
      tpu.vector_store %arg24[%swap3A_894, %swap3A_895], %scan3A_889#1 {strides = array<i32>} : memref<128x64xf32, #tpu.memory_space<vmem>>, vector<16xf32>,
      %swap3A_897 = arith.index_cast %add3A_882 : i32 to index
      %swap3A_898 = arith.constant 32 : index
      %swap3A_899 = tpu.vector_load %arg24[%swap3A_897, %swap3A_898] {strides = array<i32>} : memref<128x64xf32, #tpu.memory_space<vmem>>, vector<16xf32>,
      tpu.vector_store %arg24[%swap3A_897, %swap3A_898], %scan3A_889#2 {strides = array<i32>} : memref<128x64xf32, #tpu.memory_space<vmem>>, vector<16xf32>,
      %swap3A_900 = arith.index_cast %add3A_882 : i32 to index
      %swap3A_901 = arith.constant 48 : index
      %swap3A_902 = tpu.vector_load %arg24[%swap3A_900, %swap3A_901] {strides = array<i32>} : memref<128x64xf32, #tpu.memory_space<vmem>>, vector<16xf32>,
      tpu.vector_store %arg24[%swap3A_900, %swap3A_901], %scan3A_889#3 {strides = array<i32>} : memref<128x64xf32, #tpu.memory_space<vmem>>, vector<16xf32>,
      %scan3A_903 = arith.constant 0 : i32
      scf.yield %scan3A_903 : i32
    }
    %scan3A_411 = arith.constant 4 : i32
    %dma_start3A_412 = arith.constant 5000 : i32
    %dma_start3A_413 = tpu.memref_slice %arg12[%dma_start3A_412] : memref<6400xi32, #tpu.memory_space<vmem>> -> memref<200xi32, #tpu.memory_space<vmem>>
    %dma_start3A_414 = arith.constant 0 : i32
    %dma_start3A_415 = arith.constant 0 : i32
    %dma_start3A_416 = tpu.memref_slice %arg9[%dma_start3A_414, %dma_start3A_415] : memref<1000000x64xf32, #tpu.memory_space<hbm>> -> memref<1000000x64xf32, #tpu.memory_space<hbm>>
    tpu.enqueue_indirect_dma source(%dma_start3A_416 : memref<1000000x64xf32, #tpu.memory_space<hbm>>) target(%arg19 : memref<200x64xf32, #tpu.memory_space<vmem>>) offsets(%dma_start3A_413 : memref<200xi32, #tpu.memory_space<vmem>>) semaphore(%arg32 : memref<!tpu.dma_semaphore, #tpu.memory_space<semaphore_mem>>)
    %dma_wait3A_417 = arith.constant 4600 : i32
    %dma_wait3A_418 = tpu.memref_slice %arg12[%dma_wait3A_417] : memref<6400xi32, #tpu.memory_space<vmem>> -> memref<200xi32, #tpu.memory_space<vmem>>
    %dma_wait3A_419 = arith.constant 0 : i32
    %dma_wait3A_420 = arith.constant 0 : i32
    %dma_wait3A_421 = tpu.memref_slice %arg9[%dma_wait3A_419, %dma_wait3A_420] : memref<1000000x64xf32, #tpu.memory_space<hbm>> -> memref<1000000x64xf32, #tpu.memory_space<hbm>>
    tpu.wait_indirect_dma semaphore(%arg33 : memref<!tpu.dma_semaphore, #tpu.memory_space<semaphore_mem>>) src(%dma_wait3A_421 : memref<1000000x64xf32, #tpu.memory_space<hbm>>) dst(%arg20 : memref<200x64xf32, #tpu.memory_space<vmem>>)
    %scan3A_422 = arith.constant 0 : i32
    %scan3A_423 = arith.constant 0 : i32
    %scan3A_424 = arith.constant 4 : i32
    %scan3A_425 = arith.addi %scan3A_423, %scan3A_424 : i32
    %scan3A_426 = arith.constant 1 : i32
    %scan3A_427 = scf.for %scan3A_879 = %scan3A_423 to %scan3A_425 step %scan3A_426 iter_args(%scan3A_880 = %scan3A_422) -> (i32)  : i32 {
      %add3A_881 = arith.constant 92 : i32
      %add3A_882 = arith.addi %add3A_881, %scan3A_879 : i32
      %broadcast_in_dim3A_883 = arith.constant 0.000000e+00 : f32
      %broadcast_in_dim3A_884 = vector.broadcast %broadcast_in_dim3A_883 : f32 to vector<16xf32>
      %scan3A_885 = arith.constant 0 : i32
      %scan3A_886 = arith.constant 50 : i32
      %scan3A_887 = arith.addi %scan3A_885, %scan3A_886 : i32
      %scan3A_888 = arith.constant 1 : i32
      %scan3A_889:4 = scf.for %scan3A_904 = %scan3A_885 to %scan3A_887 step %scan3A_888 iter_args(%scan3A_905 = %broadcast_in_dim3A_884, %scan3A_906 = %broadcast_in_dim3A_884, %scan3A_907 = %broadcast_in_dim3A_884, %scan3A_908 = %broadcast_in_dim3A_884) -> (vector<16xf32>, vector<16xf32>, vector<16xf32>, vector<16xf32>)  : i32 {
        %mul3A_909 = arith.constant 50 : i32
        %mul3A_910 = arith.muli %scan3A_879, %mul3A_909 : i32
        %add3A_911 = arith.addi %mul3A_910, %scan3A_904 : i32
        %get3A_912 = arith.index_cast %add3A_911 : i32 to index
        %get3A_913 = arith.constant 0 : index
        %get3A_914 = tpu.vector_load %arg20[%get3A_912, %get3A_913] {strides = array<i32>} : memref<200x64xf32, #tpu.memory_space<vmem>>, vector<16xf32>,
        %add3A_915 = arith.addf %scan3A_905, %get3A_914 : vector<16xf32>
        %get3A_916 = arith.index_cast %add3A_911 : i32 to index
        %get3A_917 = arith.constant 16 : index
        %get3A_918 = tpu.vector_load %arg20[%get3A_916, %get3A_917] {strides = array<i32>} : memref<200x64xf32, #tpu.memory_space<vmem>>, vector<16xf32>,
        %add3A_919 = arith.addf %scan3A_906, %get3A_918 : vector<16xf32>
        %get3A_920 = arith.index_cast %add3A_911 : i32 to index
        %get3A_921 = arith.constant 32 : index
        %get3A_922 = tpu.vector_load %arg20[%get3A_920, %get3A_921] {strides = array<i32>} : memref<200x64xf32, #tpu.memory_space<vmem>>, vector<16xf32>,
        %add3A_923 = arith.addf %scan3A_907, %get3A_922 : vector<16xf32>
        %get3A_924 = arith.index_cast %add3A_911 : i32 to index
        %get3A_925 = arith.constant 48 : index
        %get3A_926 = tpu.vector_load %arg20[%get3A_924, %get3A_925] {strides = array<i32>} : memref<200x64xf32, #tpu.memory_space<vmem>>, vector<16xf32>,
        %add3A_927 = arith.addf %scan3A_908, %get3A_926 : vector<16xf32>
        scf.yield %add3A_915, %add3A_919, %add3A_923, %add3A_927 : vector<16xf32>, vector<16xf32>, vector<16xf32>, vector<16xf32>
      }
      %scan3A_890 = arith.constant 50 : i32
      %swap3A_891 = arith.index_cast %add3A_882 : i32 to index
      %swap3A_892 = arith.constant 0 : index
      %swap3A_893 = tpu.vector_load %arg24[%swap3A_891, %swap3A_892] {strides = array<i32>} : memref<128x64xf32, #tpu.memory_space<vmem>>, vector<16xf32>,
      tpu.vector_store %arg24[%swap3A_891, %swap3A_892], %scan3A_889#0 {strides = array<i32>} : memref<128x64xf32, #tpu.memory_space<vmem>>, vector<16xf32>,
      %swap3A_894 = arith.index_cast %add3A_882 : i32 to index
      %swap3A_895 = arith.constant 16 : index
      %swap3A_896 = tpu.vector_load %arg24[%swap3A_894, %swap3A_895] {strides = array<i32>} : memref<128x64xf32, #tpu.memory_space<vmem>>, vector<16xf32>,
      tpu.vector_store %arg24[%swap3A_894, %swap3A_895], %scan3A_889#1 {strides = array<i32>} : memref<128x64xf32, #tpu.memory_space<vmem>>, vector<16xf32>,
      %swap3A_897 = arith.index_cast %add3A_882 : i32 to index
      %swap3A_898 = arith.constant 32 : index
      %swap3A_899 = tpu.vector_load %arg24[%swap3A_897, %swap3A_898] {strides = array<i32>} : memref<128x64xf32, #tpu.memory_space<vmem>>, vector<16xf32>,
      tpu.vector_store %arg24[%swap3A_897, %swap3A_898], %scan3A_889#2 {strides = array<i32>} : memref<128x64xf32, #tpu.memory_space<vmem>>, vector<16xf32>,
      %swap3A_900 = arith.index_cast %add3A_882 : i32 to index
      %swap3A_901 = arith.constant 48 : index
      %swap3A_902 = tpu.vector_load %arg24[%swap3A_900, %swap3A_901] {strides = array<i32>} : memref<128x64xf32, #tpu.memory_space<vmem>>, vector<16xf32>,
      tpu.vector_store %arg24[%swap3A_900, %swap3A_901], %scan3A_889#3 {strides = array<i32>} : memref<128x64xf32, #tpu.memory_space<vmem>>, vector<16xf32>,
      %scan3A_903 = arith.constant 0 : i32
      scf.yield %scan3A_903 : i32
    }
    %scan3A_428 = arith.constant 4 : i32
    %dma_start3A_429 = arith.constant 5200 : i32
    %dma_start3A_430 = tpu.memref_slice %arg12[%dma_start3A_429] : memref<6400xi32, #tpu.memory_space<vmem>> -> memref<200xi32, #tpu.memory_space<vmem>>
    %dma_start3A_431 = arith.constant 0 : i32
    %dma_start3A_432 = arith.constant 0 : i32
    %dma_start3A_433 = tpu.memref_slice %arg9[%dma_start3A_431, %dma_start3A_432] : memref<1000000x64xf32, #tpu.memory_space<hbm>> -> memref<1000000x64xf32, #tpu.memory_space<hbm>>
    tpu.enqueue_indirect_dma source(%dma_start3A_433 : memref<1000000x64xf32, #tpu.memory_space<hbm>>) target(%arg20 : memref<200x64xf32, #tpu.memory_space<vmem>>) offsets(%dma_start3A_430 : memref<200xi32, #tpu.memory_space<vmem>>) semaphore(%arg33 : memref<!tpu.dma_semaphore, #tpu.memory_space<semaphore_mem>>)
    %dma_wait3A_434 = arith.constant 4800 : i32
    %dma_wait3A_435 = tpu.memref_slice %arg12[%dma_wait3A_434] : memref<6400xi32, #tpu.memory_space<vmem>> -> memref<200xi32, #tpu.memory_space<vmem>>
    %dma_wait3A_436 = arith.constant 0 : i32
    %dma_wait3A_437 = arith.constant 0 : i32
    %dma_wait3A_438 = tpu.memref_slice %arg9[%dma_wait3A_436, %dma_wait3A_437] : memref<1000000x64xf32, #tpu.memory_space<hbm>> -> memref<1000000x64xf32, #tpu.memory_space<hbm>>
    tpu.wait_indirect_dma semaphore(%arg31 : memref<!tpu.dma_semaphore, #tpu.memory_space<semaphore_mem>>) src(%dma_wait3A_438 : memref<1000000x64xf32, #tpu.memory_space<hbm>>) dst(%arg18 : memref<200x64xf32, #tpu.memory_space<vmem>>)
    %scan3A_439 = arith.constant 0 : i32
    %scan3A_440 = arith.constant 0 : i32
    %scan3A_441 = arith.constant 4 : i32
    %scan3A_442 = arith.addi %scan3A_440, %scan3A_441 : i32
    %scan3A_443 = arith.constant 1 : i32
    %scan3A_444 = scf.for %scan3A_879 = %scan3A_440 to %scan3A_442 step %scan3A_443 iter_args(%scan3A_880 = %scan3A_439) -> (i32)  : i32 {
      %add3A_881 = arith.constant 96 : i32
      %add3A_882 = arith.addi %add3A_881, %scan3A_879 : i32
      %broadcast_in_dim3A_883 = arith.constant 0.000000e+00 : f32
      %broadcast_in_dim3A_884 = vector.broadcast %broadcast_in_dim3A_883 : f32 to vector<16xf32>
      %scan3A_885 = arith.constant 0 : i32
      %scan3A_886 = arith.constant 50 : i32
      %scan3A_887 = arith.addi %scan3A_885, %scan3A_886 : i32
      %scan3A_888 = arith.constant 1 : i32
      %scan3A_889:4 = scf.for %scan3A_904 = %scan3A_885 to %scan3A_887 step %scan3A_888 iter_args(%scan3A_905 = %broadcast_in_dim3A_884, %scan3A_906 = %broadcast_in_dim3A_884, %scan3A_907 = %broadcast_in_dim3A_884, %scan3A_908 = %broadcast_in_dim3A_884) -> (vector<16xf32>, vector<16xf32>, vector<16xf32>, vector<16xf32>)  : i32 {
        %mul3A_909 = arith.constant 50 : i32
        %mul3A_910 = arith.muli %scan3A_879, %mul3A_909 : i32
        %add3A_911 = arith.addi %mul3A_910, %scan3A_904 : i32
        %get3A_912 = arith.index_cast %add3A_911 : i32 to index
        %get3A_913 = arith.constant 0 : index
        %get3A_914 = tpu.vector_load %arg18[%get3A_912, %get3A_913] {strides = array<i32>} : memref<200x64xf32, #tpu.memory_space<vmem>>, vector<16xf32>,
        %add3A_915 = arith.addf %scan3A_905, %get3A_914 : vector<16xf32>
        %get3A_916 = arith.index_cast %add3A_911 : i32 to index
        %get3A_917 = arith.constant 16 : index
        %get3A_918 = tpu.vector_load %arg18[%get3A_916, %get3A_917] {strides = array<i32>} : memref<200x64xf32, #tpu.memory_space<vmem>>, vector<16xf32>,
        %add3A_919 = arith.addf %scan3A_906, %get3A_918 : vector<16xf32>
        %get3A_920 = arith.index_cast %add3A_911 : i32 to index
        %get3A_921 = arith.constant 32 : index
        %get3A_922 = tpu.vector_load %arg18[%get3A_920, %get3A_921] {strides = array<i32>} : memref<200x64xf32, #tpu.memory_space<vmem>>, vector<16xf32>,
        %add3A_923 = arith.addf %scan3A_907, %get3A_922 : vector<16xf32>
        %get3A_924 = arith.index_cast %add3A_911 : i32 to index
        %get3A_925 = arith.constant 48 : index
        %get3A_926 = tpu.vector_load %arg18[%get3A_924, %get3A_925] {strides = array<i32>} : memref<200x64xf32, #tpu.memory_space<vmem>>, vector<16xf32>,
        %add3A_927 = arith.addf %scan3A_908, %get3A_926 : vector<16xf32>
        scf.yield %add3A_915, %add3A_919, %add3A_923, %add3A_927 : vector<16xf32>, vector<16xf32>, vector<16xf32>, vector<16xf32>
      }
      %scan3A_890 = arith.constant 50 : i32
      %swap3A_891 = arith.index_cast %add3A_882 : i32 to index
      %swap3A_892 = arith.constant 0 : index
      %swap3A_893 = tpu.vector_load %arg24[%swap3A_891, %swap3A_892] {strides = array<i32>} : memref<128x64xf32, #tpu.memory_space<vmem>>, vector<16xf32>,
      tpu.vector_store %arg24[%swap3A_891, %swap3A_892], %scan3A_889#0 {strides = array<i32>} : memref<128x64xf32, #tpu.memory_space<vmem>>, vector<16xf32>,
      %swap3A_894 = arith.index_cast %add3A_882 : i32 to index
      %swap3A_895 = arith.constant 16 : index
      %swap3A_896 = tpu.vector_load %arg24[%swap3A_894, %swap3A_895] {strides = array<i32>} : memref<128x64xf32, #tpu.memory_space<vmem>>, vector<16xf32>,
      tpu.vector_store %arg24[%swap3A_894, %swap3A_895], %scan3A_889#1 {strides = array<i32>} : memref<128x64xf32, #tpu.memory_space<vmem>>, vector<16xf32>,
      %swap3A_897 = arith.index_cast %add3A_882 : i32 to index
      %swap3A_898 = arith.constant 32 : index
      %swap3A_899 = tpu.vector_load %arg24[%swap3A_897, %swap3A_898] {strides = array<i32>} : memref<128x64xf32, #tpu.memory_space<vmem>>, vector<16xf32>,
      tpu.vector_store %arg24[%swap3A_897, %swap3A_898], %scan3A_889#2 {strides = array<i32>} : memref<128x64xf32, #tpu.memory_space<vmem>>, vector<16xf32>,
      %swap3A_900 = arith.index_cast %add3A_882 : i32 to index
      %swap3A_901 = arith.constant 48 : index
      %swap3A_902 = tpu.vector_load %arg24[%swap3A_900, %swap3A_901] {strides = array<i32>} : memref<128x64xf32, #tpu.memory_space<vmem>>, vector<16xf32>,
      tpu.vector_store %arg24[%swap3A_900, %swap3A_901], %scan3A_889#3 {strides = array<i32>} : memref<128x64xf32, #tpu.memory_space<vmem>>, vector<16xf32>,
      %scan3A_903 = arith.constant 0 : i32
      scf.yield %scan3A_903 : i32
    }
    %scan3A_445 = arith.constant 4 : i32
    %dma_start3A_446 = arith.constant 5400 : i32
    %dma_start3A_447 = tpu.memref_slice %arg12[%dma_start3A_446] : memref<6400xi32, #tpu.memory_space<vmem>> -> memref<200xi32, #tpu.memory_space<vmem>>
    %dma_start3A_448 = arith.constant 0 : i32
    %dma_start3A_449 = arith.constant 0 : i32
    %dma_start3A_450 = tpu.memref_slice %arg9[%dma_start3A_448, %dma_start3A_449] : memref<1000000x64xf32, #tpu.memory_space<hbm>> -> memref<1000000x64xf32, #tpu.memory_space<hbm>>
    tpu.enqueue_indirect_dma source(%dma_start3A_450 : memref<1000000x64xf32, #tpu.memory_space<hbm>>) target(%arg18 : memref<200x64xf32, #tpu.memory_space<vmem>>) offsets(%dma_start3A_447 : memref<200xi32, #tpu.memory_space<vmem>>) semaphore(%arg31 : memref<!tpu.dma_semaphore, #tpu.memory_space<semaphore_mem>>)
    %dma_wait3A_451 = arith.constant 5000 : i32
    %dma_wait3A_452 = tpu.memref_slice %arg12[%dma_wait3A_451] : memref<6400xi32, #tpu.memory_space<vmem>> -> memref<200xi32, #tpu.memory_space<vmem>>
    %dma_wait3A_453 = arith.constant 0 : i32
    %dma_wait3A_454 = arith.constant 0 : i32
    %dma_wait3A_455 = tpu.memref_slice %arg9[%dma_wait3A_453, %dma_wait3A_454] : memref<1000000x64xf32, #tpu.memory_space<hbm>> -> memref<1000000x64xf32, #tpu.memory_space<hbm>>
    tpu.wait_indirect_dma semaphore(%arg32 : memref<!tpu.dma_semaphore, #tpu.memory_space<semaphore_mem>>) src(%dma_wait3A_455 : memref<1000000x64xf32, #tpu.memory_space<hbm>>) dst(%arg19 : memref<200x64xf32, #tpu.memory_space<vmem>>)
    %scan3A_456 = arith.constant 0 : i32
    %scan3A_457 = arith.constant 0 : i32
    %scan3A_458 = arith.constant 4 : i32
    %scan3A_459 = arith.addi %scan3A_457, %scan3A_458 : i32
    %scan3A_460 = arith.constant 1 : i32
    %scan3A_461 = scf.for %scan3A_879 = %scan3A_457 to %scan3A_459 step %scan3A_460 iter_args(%scan3A_880 = %scan3A_456) -> (i32)  : i32 {
      %add3A_881 = arith.constant 100 : i32
      %add3A_882 = arith.addi %add3A_881, %scan3A_879 : i32
      %broadcast_in_dim3A_883 = arith.constant 0.000000e+00 : f32
      %broadcast_in_dim3A_884 = vector.broadcast %broadcast_in_dim3A_883 : f32 to vector<16xf32>
      %scan3A_885 = arith.constant 0 : i32
      %scan3A_886 = arith.constant 50 : i32
      %scan3A_887 = arith.addi %scan3A_885, %scan3A_886 : i32
      %scan3A_888 = arith.constant 1 : i32
      %scan3A_889:4 = scf.for %scan3A_904 = %scan3A_885 to %scan3A_887 step %scan3A_888 iter_args(%scan3A_905 = %broadcast_in_dim3A_884, %scan3A_906 = %broadcast_in_dim3A_884, %scan3A_907 = %broadcast_in_dim3A_884, %scan3A_908 = %broadcast_in_dim3A_884) -> (vector<16xf32>, vector<16xf32>, vector<16xf32>, vector<16xf32>)  : i32 {
        %mul3A_909 = arith.constant 50 : i32
        %mul3A_910 = arith.muli %scan3A_879, %mul3A_909 : i32
        %add3A_911 = arith.addi %mul3A_910, %scan3A_904 : i32
        %get3A_912 = arith.index_cast %add3A_911 : i32 to index
        %get3A_913 = arith.constant 0 : index
        %get3A_914 = tpu.vector_load %arg19[%get3A_912, %get3A_913] {strides = array<i32>} : memref<200x64xf32, #tpu.memory_space<vmem>>, vector<16xf32>,
        %add3A_915 = arith.addf %scan3A_905, %get3A_914 : vector<16xf32>
        %get3A_916 = arith.index_cast %add3A_911 : i32 to index
        %get3A_917 = arith.constant 16 : index
        %get3A_918 = tpu.vector_load %arg19[%get3A_916, %get3A_917] {strides = array<i32>} : memref<200x64xf32, #tpu.memory_space<vmem>>, vector<16xf32>,
        %add3A_919 = arith.addf %scan3A_906, %get3A_918 : vector<16xf32>
        %get3A_920 = arith.index_cast %add3A_911 : i32 to index
        %get3A_921 = arith.constant 32 : index
        %get3A_922 = tpu.vector_load %arg19[%get3A_920, %get3A_921] {strides = array<i32>} : memref<200x64xf32, #tpu.memory_space<vmem>>, vector<16xf32>,
        %add3A_923 = arith.addf %scan3A_907, %get3A_922 : vector<16xf32>
        %get3A_924 = arith.index_cast %add3A_911 : i32 to index
        %get3A_925 = arith.constant 48 : index
        %get3A_926 = tpu.vector_load %arg19[%get3A_924, %get3A_925] {strides = array<i32>} : memref<200x64xf32, #tpu.memory_space<vmem>>, vector<16xf32>,
        %add3A_927 = arith.addf %scan3A_908, %get3A_926 : vector<16xf32>
        scf.yield %add3A_915, %add3A_919, %add3A_923, %add3A_927 : vector<16xf32>, vector<16xf32>, vector<16xf32>, vector<16xf32>
      }
      %scan3A_890 = arith.constant 50 : i32
      %swap3A_891 = arith.index_cast %add3A_882 : i32 to index
      %swap3A_892 = arith.constant 0 : index
      %swap3A_893 = tpu.vector_load %arg24[%swap3A_891, %swap3A_892] {strides = array<i32>} : memref<128x64xf32, #tpu.memory_space<vmem>>, vector<16xf32>,
      tpu.vector_store %arg24[%swap3A_891, %swap3A_892], %scan3A_889#0 {strides = array<i32>} : memref<128x64xf32, #tpu.memory_space<vmem>>, vector<16xf32>,
      %swap3A_894 = arith.index_cast %add3A_882 : i32 to index
      %swap3A_895 = arith.constant 16 : index
      %swap3A_896 = tpu.vector_load %arg24[%swap3A_894, %swap3A_895] {strides = array<i32>} : memref<128x64xf32, #tpu.memory_space<vmem>>, vector<16xf32>,
      tpu.vector_store %arg24[%swap3A_894, %swap3A_895], %scan3A_889#1 {strides = array<i32>} : memref<128x64xf32, #tpu.memory_space<vmem>>, vector<16xf32>,
      %swap3A_897 = arith.index_cast %add3A_882 : i32 to index
      %swap3A_898 = arith.constant 32 : index
      %swap3A_899 = tpu.vector_load %arg24[%swap3A_897, %swap3A_898] {strides = array<i32>} : memref<128x64xf32, #tpu.memory_space<vmem>>, vector<16xf32>,
      tpu.vector_store %arg24[%swap3A_897, %swap3A_898], %scan3A_889#2 {strides = array<i32>} : memref<128x64xf32, #tpu.memory_space<vmem>>, vector<16xf32>,
      %swap3A_900 = arith.index_cast %add3A_882 : i32 to index
      %swap3A_901 = arith.constant 48 : index
      %swap3A_902 = tpu.vector_load %arg24[%swap3A_900, %swap3A_901] {strides = array<i32>} : memref<128x64xf32, #tpu.memory_space<vmem>>, vector<16xf32>,
      tpu.vector_store %arg24[%swap3A_900, %swap3A_901], %scan3A_889#3 {strides = array<i32>} : memref<128x64xf32, #tpu.memory_space<vmem>>, vector<16xf32>,
      %scan3A_903 = arith.constant 0 : i32
      scf.yield %scan3A_903 : i32
    }
    %scan3A_462 = arith.constant 4 : i32
    %dma_start3A_463 = arith.constant 5600 : i32
    %dma_start3A_464 = tpu.memref_slice %arg12[%dma_start3A_463] : memref<6400xi32, #tpu.memory_space<vmem>> -> memref<200xi32, #tpu.memory_space<vmem>>
    %dma_start3A_465 = arith.constant 0 : i32
    %dma_start3A_466 = arith.constant 0 : i32
    %dma_start3A_467 = tpu.memref_slice %arg9[%dma_start3A_465, %dma_start3A_466] : memref<1000000x64xf32, #tpu.memory_space<hbm>> -> memref<1000000x64xf32, #tpu.memory_space<hbm>>
    tpu.enqueue_indirect_dma source(%dma_start3A_467 : memref<1000000x64xf32, #tpu.memory_space<hbm>>) target(%arg19 : memref<200x64xf32, #tpu.memory_space<vmem>>) offsets(%dma_start3A_464 : memref<200xi32, #tpu.memory_space<vmem>>) semaphore(%arg32 : memref<!tpu.dma_semaphore, #tpu.memory_space<semaphore_mem>>)
    %dma_wait3A_468 = arith.constant 5200 : i32
    %dma_wait3A_469 = tpu.memref_slice %arg12[%dma_wait3A_468] : memref<6400xi32, #tpu.memory_space<vmem>> -> memref<200xi32, #tpu.memory_space<vmem>>
    %dma_wait3A_470 = arith.constant 0 : i32
    %dma_wait3A_471 = arith.constant 0 : i32
    %dma_wait3A_472 = tpu.memref_slice %arg9[%dma_wait3A_470, %dma_wait3A_471] : memref<1000000x64xf32, #tpu.memory_space<hbm>> -> memref<1000000x64xf32, #tpu.memory_space<hbm>>
    tpu.wait_indirect_dma semaphore(%arg33 : memref<!tpu.dma_semaphore, #tpu.memory_space<semaphore_mem>>) src(%dma_wait3A_472 : memref<1000000x64xf32, #tpu.memory_space<hbm>>) dst(%arg20 : memref<200x64xf32, #tpu.memory_space<vmem>>)
    %scan3A_473 = arith.constant 0 : i32
    %scan3A_474 = arith.constant 0 : i32
    %scan3A_475 = arith.constant 4 : i32
    %scan3A_476 = arith.addi %scan3A_474, %scan3A_475 : i32
    %scan3A_477 = arith.constant 1 : i32
    %scan3A_478 = scf.for %scan3A_879 = %scan3A_474 to %scan3A_476 step %scan3A_477 iter_args(%scan3A_880 = %scan3A_473) -> (i32)  : i32 {
      %add3A_881 = arith.constant 104 : i32
      %add3A_882 = arith.addi %add3A_881, %scan3A_879 : i32
      %broadcast_in_dim3A_883 = arith.constant 0.000000e+00 : f32
      %broadcast_in_dim3A_884 = vector.broadcast %broadcast_in_dim3A_883 : f32 to vector<16xf32>
      %scan3A_885 = arith.constant 0 : i32
      %scan3A_886 = arith.constant 50 : i32
      %scan3A_887 = arith.addi %scan3A_885, %scan3A_886 : i32
      %scan3A_888 = arith.constant 1 : i32
      %scan3A_889:4 = scf.for %scan3A_904 = %scan3A_885 to %scan3A_887 step %scan3A_888 iter_args(%scan3A_905 = %broadcast_in_dim3A_884, %scan3A_906 = %broadcast_in_dim3A_884, %scan3A_907 = %broadcast_in_dim3A_884, %scan3A_908 = %broadcast_in_dim3A_884) -> (vector<16xf32>, vector<16xf32>, vector<16xf32>, vector<16xf32>)  : i32 {
        %mul3A_909 = arith.constant 50 : i32
        %mul3A_910 = arith.muli %scan3A_879, %mul3A_909 : i32
        %add3A_911 = arith.addi %mul3A_910, %scan3A_904 : i32
        %get3A_912 = arith.index_cast %add3A_911 : i32 to index
        %get3A_913 = arith.constant 0 : index
        %get3A_914 = tpu.vector_load %arg20[%get3A_912, %get3A_913] {strides = array<i32>} : memref<200x64xf32, #tpu.memory_space<vmem>>, vector<16xf32>,
        %add3A_915 = arith.addf %scan3A_905, %get3A_914 : vector<16xf32>
        %get3A_916 = arith.index_cast %add3A_911 : i32 to index
        %get3A_917 = arith.constant 16 : index
        %get3A_918 = tpu.vector_load %arg20[%get3A_916, %get3A_917] {strides = array<i32>} : memref<200x64xf32, #tpu.memory_space<vmem>>, vector<16xf32>,
        %add3A_919 = arith.addf %scan3A_906, %get3A_918 : vector<16xf32>
        %get3A_920 = arith.index_cast %add3A_911 : i32 to index
        %get3A_921 = arith.constant 32 : index
        %get3A_922 = tpu.vector_load %arg20[%get3A_920, %get3A_921] {strides = array<i32>} : memref<200x64xf32, #tpu.memory_space<vmem>>, vector<16xf32>,
        %add3A_923 = arith.addf %scan3A_907, %get3A_922 : vector<16xf32>
        %get3A_924 = arith.index_cast %add3A_911 : i32 to index
        %get3A_925 = arith.constant 48 : index
        %get3A_926 = tpu.vector_load %arg20[%get3A_924, %get3A_925] {strides = array<i32>} : memref<200x64xf32, #tpu.memory_space<vmem>>, vector<16xf32>,
        %add3A_927 = arith.addf %scan3A_908, %get3A_926 : vector<16xf32>
        scf.yield %add3A_915, %add3A_919, %add3A_923, %add3A_927 : vector<16xf32>, vector<16xf32>, vector<16xf32>, vector<16xf32>
      }
      %scan3A_890 = arith.constant 50 : i32
      %swap3A_891 = arith.index_cast %add3A_882 : i32 to index
      %swap3A_892 = arith.constant 0 : index
      %swap3A_893 = tpu.vector_load %arg24[%swap3A_891, %swap3A_892] {strides = array<i32>} : memref<128x64xf32, #tpu.memory_space<vmem>>, vector<16xf32>,
      tpu.vector_store %arg24[%swap3A_891, %swap3A_892], %scan3A_889#0 {strides = array<i32>} : memref<128x64xf32, #tpu.memory_space<vmem>>, vector<16xf32>,
      %swap3A_894 = arith.index_cast %add3A_882 : i32 to index
      %swap3A_895 = arith.constant 16 : index
      %swap3A_896 = tpu.vector_load %arg24[%swap3A_894, %swap3A_895] {strides = array<i32>} : memref<128x64xf32, #tpu.memory_space<vmem>>, vector<16xf32>,
      tpu.vector_store %arg24[%swap3A_894, %swap3A_895], %scan3A_889#1 {strides = array<i32>} : memref<128x64xf32, #tpu.memory_space<vmem>>, vector<16xf32>,
      %swap3A_897 = arith.index_cast %add3A_882 : i32 to index
      %swap3A_898 = arith.constant 32 : index
      %swap3A_899 = tpu.vector_load %arg24[%swap3A_897, %swap3A_898] {strides = array<i32>} : memref<128x64xf32, #tpu.memory_space<vmem>>, vector<16xf32>,
      tpu.vector_store %arg24[%swap3A_897, %swap3A_898], %scan3A_889#2 {strides = array<i32>} : memref<128x64xf32, #tpu.memory_space<vmem>>, vector<16xf32>,
      %swap3A_900 = arith.index_cast %add3A_882 : i32 to index
      %swap3A_901 = arith.constant 48 : index
      %swap3A_902 = tpu.vector_load %arg24[%swap3A_900, %swap3A_901] {strides = array<i32>} : memref<128x64xf32, #tpu.memory_space<vmem>>, vector<16xf32>,
      tpu.vector_store %arg24[%swap3A_900, %swap3A_901], %scan3A_889#3 {strides = array<i32>} : memref<128x64xf32, #tpu.memory_space<vmem>>, vector<16xf32>,
      %scan3A_903 = arith.constant 0 : i32
      scf.yield %scan3A_903 : i32
    }
    %scan3A_479 = arith.constant 4 : i32
    %dma_start3A_480 = arith.constant 5800 : i32
    %dma_start3A_481 = tpu.memref_slice %arg12[%dma_start3A_480] : memref<6400xi32, #tpu.memory_space<vmem>> -> memref<200xi32, #tpu.memory_space<vmem>>
    %dma_start3A_482 = arith.constant 0 : i32
    %dma_start3A_483 = arith.constant 0 : i32
    %dma_start3A_484 = tpu.memref_slice %arg9[%dma_start3A_482, %dma_start3A_483] : memref<1000000x64xf32, #tpu.memory_space<hbm>> -> memref<1000000x64xf32, #tpu.memory_space<hbm>>
    tpu.enqueue_indirect_dma source(%dma_start3A_484 : memref<1000000x64xf32, #tpu.memory_space<hbm>>) target(%arg20 : memref<200x64xf32, #tpu.memory_space<vmem>>) offsets(%dma_start3A_481 : memref<200xi32, #tpu.memory_space<vmem>>) semaphore(%arg33 : memref<!tpu.dma_semaphore, #tpu.memory_space<semaphore_mem>>)
    %dma_wait3A_485 = arith.constant 5400 : i32
    %dma_wait3A_486 = tpu.memref_slice %arg12[%dma_wait3A_485] : memref<6400xi32, #tpu.memory_space<vmem>> -> memref<200xi32, #tpu.memory_space<vmem>>
    %dma_wait3A_487 = arith.constant 0 : i32
    %dma_wait3A_488 = arith.constant 0 : i32
    %dma_wait3A_489 = tpu.memref_slice %arg9[%dma_wait3A_487, %dma_wait3A_488] : memref<1000000x64xf32, #tpu.memory_space<hbm>> -> memref<1000000x64xf32, #tpu.memory_space<hbm>>
    tpu.wait_indirect_dma semaphore(%arg31 : memref<!tpu.dma_semaphore, #tpu.memory_space<semaphore_mem>>) src(%dma_wait3A_489 : memref<1000000x64xf32, #tpu.memory_space<hbm>>) dst(%arg18 : memref<200x64xf32, #tpu.memory_space<vmem>>)
    %scan3A_490 = arith.constant 0 : i32
    %scan3A_491 = arith.constant 0 : i32
    %scan3A_492 = arith.constant 4 : i32
    %scan3A_493 = arith.addi %scan3A_491, %scan3A_492 : i32
    %scan3A_494 = arith.constant 1 : i32
    %scan3A_495 = scf.for %scan3A_879 = %scan3A_491 to %scan3A_493 step %scan3A_494 iter_args(%scan3A_880 = %scan3A_490) -> (i32)  : i32 {
      %add3A_881 = arith.constant 108 : i32
      %add3A_882 = arith.addi %add3A_881, %scan3A_879 : i32
      %broadcast_in_dim3A_883 = arith.constant 0.000000e+00 : f32
      %broadcast_in_dim3A_884 = vector.broadcast %broadcast_in_dim3A_883 : f32 to vector<16xf32>
      %scan3A_885 = arith.constant 0 : i32
      %scan3A_886 = arith.constant 50 : i32
      %scan3A_887 = arith.addi %scan3A_885, %scan3A_886 : i32
      %scan3A_888 = arith.constant 1 : i32
      %scan3A_889:4 = scf.for %scan3A_904 = %scan3A_885 to %scan3A_887 step %scan3A_888 iter_args(%scan3A_905 = %broadcast_in_dim3A_884, %scan3A_906 = %broadcast_in_dim3A_884, %scan3A_907 = %broadcast_in_dim3A_884, %scan3A_908 = %broadcast_in_dim3A_884) -> (vector<16xf32>, vector<16xf32>, vector<16xf32>, vector<16xf32>)  : i32 {
        %mul3A_909 = arith.constant 50 : i32
        %mul3A_910 = arith.muli %scan3A_879, %mul3A_909 : i32
        %add3A_911 = arith.addi %mul3A_910, %scan3A_904 : i32
        %get3A_912 = arith.index_cast %add3A_911 : i32 to index
        %get3A_913 = arith.constant 0 : index
        %get3A_914 = tpu.vector_load %arg18[%get3A_912, %get3A_913] {strides = array<i32>} : memref<200x64xf32, #tpu.memory_space<vmem>>, vector<16xf32>,
        %add3A_915 = arith.addf %scan3A_905, %get3A_914 : vector<16xf32>
        %get3A_916 = arith.index_cast %add3A_911 : i32 to index
        %get3A_917 = arith.constant 16 : index
        %get3A_918 = tpu.vector_load %arg18[%get3A_916, %get3A_917] {strides = array<i32>} : memref<200x64xf32, #tpu.memory_space<vmem>>, vector<16xf32>,
        %add3A_919 = arith.addf %scan3A_906, %get3A_918 : vector<16xf32>
        %get3A_920 = arith.index_cast %add3A_911 : i32 to index
        %get3A_921 = arith.constant 32 : index
        %get3A_922 = tpu.vector_load %arg18[%get3A_920, %get3A_921] {strides = array<i32>} : memref<200x64xf32, #tpu.memory_space<vmem>>, vector<16xf32>,
        %add3A_923 = arith.addf %scan3A_907, %get3A_922 : vector<16xf32>
        %get3A_924 = arith.index_cast %add3A_911 : i32 to index
        %get3A_925 = arith.constant 48 : index
        %get3A_926 = tpu.vector_load %arg18[%get3A_924, %get3A_925] {strides = array<i32>} : memref<200x64xf32, #tpu.memory_space<vmem>>, vector<16xf32>,
        %add3A_927 = arith.addf %scan3A_908, %get3A_926 : vector<16xf32>
        scf.yield %add3A_915, %add3A_919, %add3A_923, %add3A_927 : vector<16xf32>, vector<16xf32>, vector<16xf32>, vector<16xf32>
      }
      %scan3A_890 = arith.constant 50 : i32
      %swap3A_891 = arith.index_cast %add3A_882 : i32 to index
      %swap3A_892 = arith.constant 0 : index
      %swap3A_893 = tpu.vector_load %arg24[%swap3A_891, %swap3A_892] {strides = array<i32>} : memref<128x64xf32, #tpu.memory_space<vmem>>, vector<16xf32>,
      tpu.vector_store %arg24[%swap3A_891, %swap3A_892], %scan3A_889#0 {strides = array<i32>} : memref<128x64xf32, #tpu.memory_space<vmem>>, vector<16xf32>,
      %swap3A_894 = arith.index_cast %add3A_882 : i32 to index
      %swap3A_895 = arith.constant 16 : index
      %swap3A_896 = tpu.vector_load %arg24[%swap3A_894, %swap3A_895] {strides = array<i32>} : memref<128x64xf32, #tpu.memory_space<vmem>>, vector<16xf32>,
      tpu.vector_store %arg24[%swap3A_894, %swap3A_895], %scan3A_889#1 {strides = array<i32>} : memref<128x64xf32, #tpu.memory_space<vmem>>, vector<16xf32>,
      %swap3A_897 = arith.index_cast %add3A_882 : i32 to index
      %swap3A_898 = arith.constant 32 : index
      %swap3A_899 = tpu.vector_load %arg24[%swap3A_897, %swap3A_898] {strides = array<i32>} : memref<128x64xf32, #tpu.memory_space<vmem>>, vector<16xf32>,
      tpu.vector_store %arg24[%swap3A_897, %swap3A_898], %scan3A_889#2 {strides = array<i32>} : memref<128x64xf32, #tpu.memory_space<vmem>>, vector<16xf32>,
      %swap3A_900 = arith.index_cast %add3A_882 : i32 to index
      %swap3A_901 = arith.constant 48 : index
      %swap3A_902 = tpu.vector_load %arg24[%swap3A_900, %swap3A_901] {strides = array<i32>} : memref<128x64xf32, #tpu.memory_space<vmem>>, vector<16xf32>,
      tpu.vector_store %arg24[%swap3A_900, %swap3A_901], %scan3A_889#3 {strides = array<i32>} : memref<128x64xf32, #tpu.memory_space<vmem>>, vector<16xf32>,
      %scan3A_903 = arith.constant 0 : i32
      scf.yield %scan3A_903 : i32
    }
    %scan3A_496 = arith.constant 4 : i32
    %dma_start3A_497 = arith.constant 6000 : i32
    %dma_start3A_498 = tpu.memref_slice %arg12[%dma_start3A_497] : memref<6400xi32, #tpu.memory_space<vmem>> -> memref<200xi32, #tpu.memory_space<vmem>>
    %dma_start3A_499 = arith.constant 0 : i32
    %dma_start3A_500 = arith.constant 0 : i32
    %dma_start3A_501 = tpu.memref_slice %arg9[%dma_start3A_499, %dma_start3A_500] : memref<1000000x64xf32, #tpu.memory_space<hbm>> -> memref<1000000x64xf32, #tpu.memory_space<hbm>>
    tpu.enqueue_indirect_dma source(%dma_start3A_501 : memref<1000000x64xf32, #tpu.memory_space<hbm>>) target(%arg18 : memref<200x64xf32, #tpu.memory_space<vmem>>) offsets(%dma_start3A_498 : memref<200xi32, #tpu.memory_space<vmem>>) semaphore(%arg31 : memref<!tpu.dma_semaphore, #tpu.memory_space<semaphore_mem>>)
    %dma_wait3A_502 = arith.constant 5600 : i32
    %dma_wait3A_503 = tpu.memref_slice %arg12[%dma_wait3A_502] : memref<6400xi32, #tpu.memory_space<vmem>> -> memref<200xi32, #tpu.memory_space<vmem>>
    %dma_wait3A_504 = arith.constant 0 : i32
    %dma_wait3A_505 = arith.constant 0 : i32
    %dma_wait3A_506 = tpu.memref_slice %arg9[%dma_wait3A_504, %dma_wait3A_505] : memref<1000000x64xf32, #tpu.memory_space<hbm>> -> memref<1000000x64xf32, #tpu.memory_space<hbm>>
    tpu.wait_indirect_dma semaphore(%arg32 : memref<!tpu.dma_semaphore, #tpu.memory_space<semaphore_mem>>) src(%dma_wait3A_506 : memref<1000000x64xf32, #tpu.memory_space<hbm>>) dst(%arg19 : memref<200x64xf32, #tpu.memory_space<vmem>>)
    %scan3A_507 = arith.constant 0 : i32
    %scan3A_508 = arith.constant 0 : i32
    %scan3A_509 = arith.constant 4 : i32
    %scan3A_510 = arith.addi %scan3A_508, %scan3A_509 : i32
    %scan3A_511 = arith.constant 1 : i32
    %scan3A_512 = scf.for %scan3A_879 = %scan3A_508 to %scan3A_510 step %scan3A_511 iter_args(%scan3A_880 = %scan3A_507) -> (i32)  : i32 {
      %add3A_881 = arith.constant 112 : i32
      %add3A_882 = arith.addi %add3A_881, %scan3A_879 : i32
      %broadcast_in_dim3A_883 = arith.constant 0.000000e+00 : f32
      %broadcast_in_dim3A_884 = vector.broadcast %broadcast_in_dim3A_883 : f32 to vector<16xf32>
      %scan3A_885 = arith.constant 0 : i32
      %scan3A_886 = arith.constant 50 : i32
      %scan3A_887 = arith.addi %scan3A_885, %scan3A_886 : i32
      %scan3A_888 = arith.constant 1 : i32
      %scan3A_889:4 = scf.for %scan3A_904 = %scan3A_885 to %scan3A_887 step %scan3A_888 iter_args(%scan3A_905 = %broadcast_in_dim3A_884, %scan3A_906 = %broadcast_in_dim3A_884, %scan3A_907 = %broadcast_in_dim3A_884, %scan3A_908 = %broadcast_in_dim3A_884) -> (vector<16xf32>, vector<16xf32>, vector<16xf32>, vector<16xf32>)  : i32 {
        %mul3A_909 = arith.constant 50 : i32
        %mul3A_910 = arith.muli %scan3A_879, %mul3A_909 : i32
        %add3A_911 = arith.addi %mul3A_910, %scan3A_904 : i32
        %get3A_912 = arith.index_cast %add3A_911 : i32 to index
        %get3A_913 = arith.constant 0 : index
        %get3A_914 = tpu.vector_load %arg19[%get3A_912, %get3A_913] {strides = array<i32>} : memref<200x64xf32, #tpu.memory_space<vmem>>, vector<16xf32>,
        %add3A_915 = arith.addf %scan3A_905, %get3A_914 : vector<16xf32>
        %get3A_916 = arith.index_cast %add3A_911 : i32 to index
        %get3A_917 = arith.constant 16 : index
        %get3A_918 = tpu.vector_load %arg19[%get3A_916, %get3A_917] {strides = array<i32>} : memref<200x64xf32, #tpu.memory_space<vmem>>, vector<16xf32>,
        %add3A_919 = arith.addf %scan3A_906, %get3A_918 : vector<16xf32>
        %get3A_920 = arith.index_cast %add3A_911 : i32 to index
        %get3A_921 = arith.constant 32 : index
        %get3A_922 = tpu.vector_load %arg19[%get3A_920, %get3A_921] {strides = array<i32>} : memref<200x64xf32, #tpu.memory_space<vmem>>, vector<16xf32>,
        %add3A_923 = arith.addf %scan3A_907, %get3A_922 : vector<16xf32>
        %get3A_924 = arith.index_cast %add3A_911 : i32 to index
        %get3A_925 = arith.constant 48 : index
        %get3A_926 = tpu.vector_load %arg19[%get3A_924, %get3A_925] {strides = array<i32>} : memref<200x64xf32, #tpu.memory_space<vmem>>, vector<16xf32>,
        %add3A_927 = arith.addf %scan3A_908, %get3A_926 : vector<16xf32>
        scf.yield %add3A_915, %add3A_919, %add3A_923, %add3A_927 : vector<16xf32>, vector<16xf32>, vector<16xf32>, vector<16xf32>
      }
      %scan3A_890 = arith.constant 50 : i32
      %swap3A_891 = arith.index_cast %add3A_882 : i32 to index
      %swap3A_892 = arith.constant 0 : index
      %swap3A_893 = tpu.vector_load %arg24[%swap3A_891, %swap3A_892] {strides = array<i32>} : memref<128x64xf32, #tpu.memory_space<vmem>>, vector<16xf32>,
      tpu.vector_store %arg24[%swap3A_891, %swap3A_892], %scan3A_889#0 {strides = array<i32>} : memref<128x64xf32, #tpu.memory_space<vmem>>, vector<16xf32>,
      %swap3A_894 = arith.index_cast %add3A_882 : i32 to index
      %swap3A_895 = arith.constant 16 : index
      %swap3A_896 = tpu.vector_load %arg24[%swap3A_894, %swap3A_895] {strides = array<i32>} : memref<128x64xf32, #tpu.memory_space<vmem>>, vector<16xf32>,
      tpu.vector_store %arg24[%swap3A_894, %swap3A_895], %scan3A_889#1 {strides = array<i32>} : memref<128x64xf32, #tpu.memory_space<vmem>>, vector<16xf32>,
      %swap3A_897 = arith.index_cast %add3A_882 : i32 to index
      %swap3A_898 = arith.constant 32 : index
      %swap3A_899 = tpu.vector_load %arg24[%swap3A_897, %swap3A_898] {strides = array<i32>} : memref<128x64xf32, #tpu.memory_space<vmem>>, vector<16xf32>,
      tpu.vector_store %arg24[%swap3A_897, %swap3A_898], %scan3A_889#2 {strides = array<i32>} : memref<128x64xf32, #tpu.memory_space<vmem>>, vector<16xf32>,
      %swap3A_900 = arith.index_cast %add3A_882 : i32 to index
      %swap3A_901 = arith.constant 48 : index
      %swap3A_902 = tpu.vector_load %arg24[%swap3A_900, %swap3A_901] {strides = array<i32>} : memref<128x64xf32, #tpu.memory_space<vmem>>, vector<16xf32>,
      tpu.vector_store %arg24[%swap3A_900, %swap3A_901], %scan3A_889#3 {strides = array<i32>} : memref<128x64xf32, #tpu.memory_space<vmem>>, vector<16xf32>,
      %scan3A_903 = arith.constant 0 : i32
      scf.yield %scan3A_903 : i32
    }
    %scan3A_513 = arith.constant 4 : i32
    %dma_start3A_514 = arith.constant 6200 : i32
    %dma_start3A_515 = tpu.memref_slice %arg12[%dma_start3A_514] : memref<6400xi32, #tpu.memory_space<vmem>> -> memref<200xi32, #tpu.memory_space<vmem>>
    %dma_start3A_516 = arith.constant 0 : i32
    %dma_start3A_517 = arith.constant 0 : i32
    %dma_start3A_518 = tpu.memref_slice %arg9[%dma_start3A_516, %dma_start3A_517] : memref<1000000x64xf32, #tpu.memory_space<hbm>> -> memref<1000000x64xf32, #tpu.memory_space<hbm>>
    tpu.enqueue_indirect_dma source(%dma_start3A_518 : memref<1000000x64xf32, #tpu.memory_space<hbm>>) target(%arg19 : memref<200x64xf32, #tpu.memory_space<vmem>>) offsets(%dma_start3A_515 : memref<200xi32, #tpu.memory_space<vmem>>) semaphore(%arg32 : memref<!tpu.dma_semaphore, #tpu.memory_space<semaphore_mem>>)
    %dma_wait3A_519 = arith.constant 5800 : i32
    %dma_wait3A_520 = tpu.memref_slice %arg12[%dma_wait3A_519] : memref<6400xi32, #tpu.memory_space<vmem>> -> memref<200xi32, #tpu.memory_space<vmem>>
    %dma_wait3A_521 = arith.constant 0 : i32
    %dma_wait3A_522 = arith.constant 0 : i32
    %dma_wait3A_523 = tpu.memref_slice %arg9[%dma_wait3A_521, %dma_wait3A_522] : memref<1000000x64xf32, #tpu.memory_space<hbm>> -> memref<1000000x64xf32, #tpu.memory_space<hbm>>
    tpu.wait_indirect_dma semaphore(%arg33 : memref<!tpu.dma_semaphore, #tpu.memory_space<semaphore_mem>>) src(%dma_wait3A_523 : memref<1000000x64xf32, #tpu.memory_space<hbm>>) dst(%arg20 : memref<200x64xf32, #tpu.memory_space<vmem>>)
    %scan3A_524 = arith.constant 0 : i32
    %scan3A_525 = arith.constant 0 : i32
    %scan3A_526 = arith.constant 4 : i32
    %scan3A_527 = arith.addi %scan3A_525, %scan3A_526 : i32
    %scan3A_528 = arith.constant 1 : i32
    %scan3A_529 = scf.for %scan3A_879 = %scan3A_525 to %scan3A_527 step %scan3A_528 iter_args(%scan3A_880 = %scan3A_524) -> (i32)  : i32 {
      %add3A_881 = arith.constant 116 : i32
      %add3A_882 = arith.addi %add3A_881, %scan3A_879 : i32
      %broadcast_in_dim3A_883 = arith.constant 0.000000e+00 : f32
      %broadcast_in_dim3A_884 = vector.broadcast %broadcast_in_dim3A_883 : f32 to vector<16xf32>
      %scan3A_885 = arith.constant 0 : i32
      %scan3A_886 = arith.constant 50 : i32
      %scan3A_887 = arith.addi %scan3A_885, %scan3A_886 : i32
      %scan3A_888 = arith.constant 1 : i32
      %scan3A_889:4 = scf.for %scan3A_904 = %scan3A_885 to %scan3A_887 step %scan3A_888 iter_args(%scan3A_905 = %broadcast_in_dim3A_884, %scan3A_906 = %broadcast_in_dim3A_884, %scan3A_907 = %broadcast_in_dim3A_884, %scan3A_908 = %broadcast_in_dim3A_884) -> (vector<16xf32>, vector<16xf32>, vector<16xf32>, vector<16xf32>)  : i32 {
        %mul3A_909 = arith.constant 50 : i32
        %mul3A_910 = arith.muli %scan3A_879, %mul3A_909 : i32
        %add3A_911 = arith.addi %mul3A_910, %scan3A_904 : i32
        %get3A_912 = arith.index_cast %add3A_911 : i32 to index
        %get3A_913 = arith.constant 0 : index
        %get3A_914 = tpu.vector_load %arg20[%get3A_912, %get3A_913] {strides = array<i32>} : memref<200x64xf32, #tpu.memory_space<vmem>>, vector<16xf32>,
        %add3A_915 = arith.addf %scan3A_905, %get3A_914 : vector<16xf32>
        %get3A_916 = arith.index_cast %add3A_911 : i32 to index
        %get3A_917 = arith.constant 16 : index
        %get3A_918 = tpu.vector_load %arg20[%get3A_916, %get3A_917] {strides = array<i32>} : memref<200x64xf32, #tpu.memory_space<vmem>>, vector<16xf32>,
        %add3A_919 = arith.addf %scan3A_906, %get3A_918 : vector<16xf32>
        %get3A_920 = arith.index_cast %add3A_911 : i32 to index
        %get3A_921 = arith.constant 32 : index
        %get3A_922 = tpu.vector_load %arg20[%get3A_920, %get3A_921] {strides = array<i32>} : memref<200x64xf32, #tpu.memory_space<vmem>>, vector<16xf32>,
        %add3A_923 = arith.addf %scan3A_907, %get3A_922 : vector<16xf32>
        %get3A_924 = arith.index_cast %add3A_911 : i32 to index
        %get3A_925 = arith.constant 48 : index
        %get3A_926 = tpu.vector_load %arg20[%get3A_924, %get3A_925] {strides = array<i32>} : memref<200x64xf32, #tpu.memory_space<vmem>>, vector<16xf32>,
        %add3A_927 = arith.addf %scan3A_908, %get3A_926 : vector<16xf32>
        scf.yield %add3A_915, %add3A_919, %add3A_923, %add3A_927 : vector<16xf32>, vector<16xf32>, vector<16xf32>, vector<16xf32>
      }
      %scan3A_890 = arith.constant 50 : i32
      %swap3A_891 = arith.index_cast %add3A_882 : i32 to index
      %swap3A_892 = arith.constant 0 : index
      %swap3A_893 = tpu.vector_load %arg24[%swap3A_891, %swap3A_892] {strides = array<i32>} : memref<128x64xf32, #tpu.memory_space<vmem>>, vector<16xf32>,
      tpu.vector_store %arg24[%swap3A_891, %swap3A_892], %scan3A_889#0 {strides = array<i32>} : memref<128x64xf32, #tpu.memory_space<vmem>>, vector<16xf32>,
      %swap3A_894 = arith.index_cast %add3A_882 : i32 to index
      %swap3A_895 = arith.constant 16 : index
      %swap3A_896 = tpu.vector_load %arg24[%swap3A_894, %swap3A_895] {strides = array<i32>} : memref<128x64xf32, #tpu.memory_space<vmem>>, vector<16xf32>,
      tpu.vector_store %arg24[%swap3A_894, %swap3A_895], %scan3A_889#1 {strides = array<i32>} : memref<128x64xf32, #tpu.memory_space<vmem>>, vector<16xf32>,
      %swap3A_897 = arith.index_cast %add3A_882 : i32 to index
      %swap3A_898 = arith.constant 32 : index
      %swap3A_899 = tpu.vector_load %arg24[%swap3A_897, %swap3A_898] {strides = array<i32>} : memref<128x64xf32, #tpu.memory_space<vmem>>, vector<16xf32>,
      tpu.vector_store %arg24[%swap3A_897, %swap3A_898], %scan3A_889#2 {strides = array<i32>} : memref<128x64xf32, #tpu.memory_space<vmem>>, vector<16xf32>,
      %swap3A_900 = arith.index_cast %add3A_882 : i32 to index
      %swap3A_901 = arith.constant 48 : index
      %swap3A_902 = tpu.vector_load %arg24[%swap3A_900, %swap3A_901] {strides = array<i32>} : memref<128x64xf32, #tpu.memory_space<vmem>>, vector<16xf32>,
      tpu.vector_store %arg24[%swap3A_900, %swap3A_901], %scan3A_889#3 {strides = array<i32>} : memref<128x64xf32, #tpu.memory_space<vmem>>, vector<16xf32>,
      %scan3A_903 = arith.constant 0 : i32
      scf.yield %scan3A_903 : i32
    }
    %scan3A_530 = arith.constant 4 : i32
    %dma_wait3A_531 = arith.constant 6000 : i32
    %dma_wait3A_532 = tpu.memref_slice %arg12[%dma_wait3A_531] : memref<6400xi32, #tpu.memory_space<vmem>> -> memref<200xi32, #tpu.memory_space<vmem>>
    %dma_wait3A_533 = arith.constant 0 : i32
    %dma_wait3A_534 = arith.constant 0 : i32
    %dma_wait3A_535 = tpu.memref_slice %arg9[%dma_wait3A_533, %dma_wait3A_534] : memref<1000000x64xf32, #tpu.memory_space<hbm>> -> memref<1000000x64xf32, #tpu.memory_space<hbm>>
    tpu.wait_indirect_dma semaphore(%arg31 : memref<!tpu.dma_semaphore, #tpu.memory_space<semaphore_mem>>) src(%dma_wait3A_535 : memref<1000000x64xf32, #tpu.memory_space<hbm>>) dst(%arg18 : memref<200x64xf32, #tpu.memory_space<vmem>>)
    %scan3A_536 = arith.constant 0 : i32
    %scan3A_537 = arith.constant 0 : i32
    %scan3A_538 = arith.constant 4 : i32
    %scan3A_539 = arith.addi %scan3A_537, %scan3A_538 : i32
    %scan3A_540 = arith.constant 1 : i32
    %scan3A_541 = scf.for %scan3A_879 = %scan3A_537 to %scan3A_539 step %scan3A_540 iter_args(%scan3A_880 = %scan3A_536) -> (i32)  : i32 {
      %add3A_881 = arith.constant 120 : i32
      %add3A_882 = arith.addi %add3A_881, %scan3A_879 : i32
      %broadcast_in_dim3A_883 = arith.constant 0.000000e+00 : f32
      %broadcast_in_dim3A_884 = vector.broadcast %broadcast_in_dim3A_883 : f32 to vector<16xf32>
      %scan3A_885 = arith.constant 0 : i32
      %scan3A_886 = arith.constant 50 : i32
      %scan3A_887 = arith.addi %scan3A_885, %scan3A_886 : i32
      %scan3A_888 = arith.constant 1 : i32
      %scan3A_889:4 = scf.for %scan3A_904 = %scan3A_885 to %scan3A_887 step %scan3A_888 iter_args(%scan3A_905 = %broadcast_in_dim3A_884, %scan3A_906 = %broadcast_in_dim3A_884, %scan3A_907 = %broadcast_in_dim3A_884, %scan3A_908 = %broadcast_in_dim3A_884) -> (vector<16xf32>, vector<16xf32>, vector<16xf32>, vector<16xf32>)  : i32 {
        %mul3A_909 = arith.constant 50 : i32
        %mul3A_910 = arith.muli %scan3A_879, %mul3A_909 : i32
        %add3A_911 = arith.addi %mul3A_910, %scan3A_904 : i32
        %get3A_912 = arith.index_cast %add3A_911 : i32 to index
        %get3A_913 = arith.constant 0 : index
        %get3A_914 = tpu.vector_load %arg18[%get3A_912, %get3A_913] {strides = array<i32>} : memref<200x64xf32, #tpu.memory_space<vmem>>, vector<16xf32>,
        %add3A_915 = arith.addf %scan3A_905, %get3A_914 : vector<16xf32>
        %get3A_916 = arith.index_cast %add3A_911 : i32 to index
        %get3A_917 = arith.constant 16 : index
        %get3A_918 = tpu.vector_load %arg18[%get3A_916, %get3A_917] {strides = array<i32>} : memref<200x64xf32, #tpu.memory_space<vmem>>, vector<16xf32>,
        %add3A_919 = arith.addf %scan3A_906, %get3A_918 : vector<16xf32>
        %get3A_920 = arith.index_cast %add3A_911 : i32 to index
        %get3A_921 = arith.constant 32 : index
        %get3A_922 = tpu.vector_load %arg18[%get3A_920, %get3A_921] {strides = array<i32>} : memref<200x64xf32, #tpu.memory_space<vmem>>, vector<16xf32>,
        %add3A_923 = arith.addf %scan3A_907, %get3A_922 : vector<16xf32>
        %get3A_924 = arith.index_cast %add3A_911 : i32 to index
        %get3A_925 = arith.constant 48 : index
        %get3A_926 = tpu.vector_load %arg18[%get3A_924, %get3A_925] {strides = array<i32>} : memref<200x64xf32, #tpu.memory_space<vmem>>, vector<16xf32>,
        %add3A_927 = arith.addf %scan3A_908, %get3A_926 : vector<16xf32>
        scf.yield %add3A_915, %add3A_919, %add3A_923, %add3A_927 : vector<16xf32>, vector<16xf32>, vector<16xf32>, vector<16xf32>
      }
      %scan3A_890 = arith.constant 50 : i32
      %swap3A_891 = arith.index_cast %add3A_882 : i32 to index
      %swap3A_892 = arith.constant 0 : index
      %swap3A_893 = tpu.vector_load %arg24[%swap3A_891, %swap3A_892] {strides = array<i32>} : memref<128x64xf32, #tpu.memory_space<vmem>>, vector<16xf32>,
      tpu.vector_store %arg24[%swap3A_891, %swap3A_892], %scan3A_889#0 {strides = array<i32>} : memref<128x64xf32, #tpu.memory_space<vmem>>, vector<16xf32>,
      %swap3A_894 = arith.index_cast %add3A_882 : i32 to index
      %swap3A_895 = arith.constant 16 : index
      %swap3A_896 = tpu.vector_load %arg24[%swap3A_894, %swap3A_895] {strides = array<i32>} : memref<128x64xf32, #tpu.memory_space<vmem>>, vector<16xf32>,
      tpu.vector_store %arg24[%swap3A_894, %swap3A_895], %scan3A_889#1 {strides = array<i32>} : memref<128x64xf32, #tpu.memory_space<vmem>>, vector<16xf32>,
      %swap3A_897 = arith.index_cast %add3A_882 : i32 to index
      %swap3A_898 = arith.constant 32 : index
      %swap3A_899 = tpu.vector_load %arg24[%swap3A_897, %swap3A_898] {strides = array<i32>} : memref<128x64xf32, #tpu.memory_space<vmem>>, vector<16xf32>,
      tpu.vector_store %arg24[%swap3A_897, %swap3A_898], %scan3A_889#2 {strides = array<i32>} : memref<128x64xf32, #tpu.memory_space<vmem>>, vector<16xf32>,
      %swap3A_900 = arith.index_cast %add3A_882 : i32 to index
      %swap3A_901 = arith.constant 48 : index
      %swap3A_902 = tpu.vector_load %arg24[%swap3A_900, %swap3A_901] {strides = array<i32>} : memref<128x64xf32, #tpu.memory_space<vmem>>, vector<16xf32>,
      tpu.vector_store %arg24[%swap3A_900, %swap3A_901], %scan3A_889#3 {strides = array<i32>} : memref<128x64xf32, #tpu.memory_space<vmem>>, vector<16xf32>,
      %scan3A_903 = arith.constant 0 : i32
      scf.yield %scan3A_903 : i32
    }
    %scan3A_542 = arith.constant 4 : i32
    %dma_wait3A_543 = arith.constant 6200 : i32
    %dma_wait3A_544 = tpu.memref_slice %arg12[%dma_wait3A_543] : memref<6400xi32, #tpu.memory_space<vmem>> -> memref<200xi32, #tpu.memory_space<vmem>>
    %dma_wait3A_545 = arith.constant 0 : i32
    %dma_wait3A_546 = arith.constant 0 : i32
    %dma_wait3A_547 = tpu.memref_slice %arg9[%dma_wait3A_545, %dma_wait3A_546] : memref<1000000x64xf32, #tpu.memory_space<hbm>> -> memref<1000000x64xf32, #tpu.memory_space<hbm>>
    tpu.wait_indirect_dma semaphore(%arg32 : memref<!tpu.dma_semaphore, #tpu.memory_space<semaphore_mem>>) src(%dma_wait3A_547 : memref<1000000x64xf32, #tpu.memory_space<hbm>>) dst(%arg19 : memref<200x64xf32, #tpu.memory_space<vmem>>)
    %scan3A_548 = arith.constant 0 : i32
    %scan3A_549 = arith.constant 0 : i32
    %scan3A_550 = arith.constant 4 : i32
    %scan3A_551 = arith.addi %scan3A_549, %scan3A_550 : i32
    %scan3A_552 = arith.constant 1 : i32
    %scan3A_553 = scf.for %scan3A_879 = %scan3A_549 to %scan3A_551 step %scan3A_552 iter_args(%scan3A_880 = %scan3A_548) -> (i32)  : i32 {
      %add3A_881 = arith.constant 124 : i32
      %add3A_882 = arith.addi %add3A_881, %scan3A_879 : i32
      %broadcast_in_dim3A_883 = arith.constant 0.000000e+00 : f32
      %broadcast_in_dim3A_884 = vector.broadcast %broadcast_in_dim3A_883 : f32 to vector<16xf32>
      %scan3A_885 = arith.constant 0 : i32
      %scan3A_886 = arith.constant 50 : i32
      %scan3A_887 = arith.addi %scan3A_885, %scan3A_886 : i32
      %scan3A_888 = arith.constant 1 : i32
      %scan3A_889:4 = scf.for %scan3A_904 = %scan3A_885 to %scan3A_887 step %scan3A_888 iter_args(%scan3A_905 = %broadcast_in_dim3A_884, %scan3A_906 = %broadcast_in_dim3A_884, %scan3A_907 = %broadcast_in_dim3A_884, %scan3A_908 = %broadcast_in_dim3A_884) -> (vector<16xf32>, vector<16xf32>, vector<16xf32>, vector<16xf32>)  : i32 {
        %mul3A_909 = arith.constant 50 : i32
        %mul3A_910 = arith.muli %scan3A_879, %mul3A_909 : i32
        %add3A_911 = arith.addi %mul3A_910, %scan3A_904 : i32
        %get3A_912 = arith.index_cast %add3A_911 : i32 to index
        %get3A_913 = arith.constant 0 : index
        %get3A_914 = tpu.vector_load %arg19[%get3A_912, %get3A_913] {strides = array<i32>} : memref<200x64xf32, #tpu.memory_space<vmem>>, vector<16xf32>,
        %add3A_915 = arith.addf %scan3A_905, %get3A_914 : vector<16xf32>
        %get3A_916 = arith.index_cast %add3A_911 : i32 to index
        %get3A_917 = arith.constant 16 : index
        %get3A_918 = tpu.vector_load %arg19[%get3A_916, %get3A_917] {strides = array<i32>} : memref<200x64xf32, #tpu.memory_space<vmem>>, vector<16xf32>,
        %add3A_919 = arith.addf %scan3A_906, %get3A_918 : vector<16xf32>
        %get3A_920 = arith.index_cast %add3A_911 : i32 to index
        %get3A_921 = arith.constant 32 : index
        %get3A_922 = tpu.vector_load %arg19[%get3A_920, %get3A_921] {strides = array<i32>} : memref<200x64xf32, #tpu.memory_space<vmem>>, vector<16xf32>,
        %add3A_923 = arith.addf %scan3A_907, %get3A_922 : vector<16xf32>
        %get3A_924 = arith.index_cast %add3A_911 : i32 to index
        %get3A_925 = arith.constant 48 : index
        %get3A_926 = tpu.vector_load %arg19[%get3A_924, %get3A_925] {strides = array<i32>} : memref<200x64xf32, #tpu.memory_space<vmem>>, vector<16xf32>,
        %add3A_927 = arith.addf %scan3A_908, %get3A_926 : vector<16xf32>
        scf.yield %add3A_915, %add3A_919, %add3A_923, %add3A_927 : vector<16xf32>, vector<16xf32>, vector<16xf32>, vector<16xf32>
      }
      %scan3A_890 = arith.constant 50 : i32
      %swap3A_891 = arith.index_cast %add3A_882 : i32 to index
      %swap3A_892 = arith.constant 0 : index
      %swap3A_893 = tpu.vector_load %arg24[%swap3A_891, %swap3A_892] {strides = array<i32>} : memref<128x64xf32, #tpu.memory_space<vmem>>, vector<16xf32>,
      tpu.vector_store %arg24[%swap3A_891, %swap3A_892], %scan3A_889#0 {strides = array<i32>} : memref<128x64xf32, #tpu.memory_space<vmem>>, vector<16xf32>,
      %swap3A_894 = arith.index_cast %add3A_882 : i32 to index
      %swap3A_895 = arith.constant 16 : index
      %swap3A_896 = tpu.vector_load %arg24[%swap3A_894, %swap3A_895] {strides = array<i32>} : memref<128x64xf32, #tpu.memory_space<vmem>>, vector<16xf32>,
      tpu.vector_store %arg24[%swap3A_894, %swap3A_895], %scan3A_889#1 {strides = array<i32>} : memref<128x64xf32, #tpu.memory_space<vmem>>, vector<16xf32>,
      %swap3A_897 = arith.index_cast %add3A_882 : i32 to index
      %swap3A_898 = arith.constant 32 : index
      %swap3A_899 = tpu.vector_load %arg24[%swap3A_897, %swap3A_898] {strides = array<i32>} : memref<128x64xf32, #tpu.memory_space<vmem>>, vector<16xf32>,
      tpu.vector_store %arg24[%swap3A_897, %swap3A_898], %scan3A_889#2 {strides = array<i32>} : memref<128x64xf32, #tpu.memory_space<vmem>>, vector<16xf32>,
      %swap3A_900 = arith.index_cast %add3A_882 : i32 to index
      %swap3A_901 = arith.constant 48 : index
      %swap3A_902 = tpu.vector_load %arg24[%swap3A_900, %swap3A_901] {strides = array<i32>} : memref<128x64xf32, #tpu.memory_space<vmem>>, vector<16xf32>,
      tpu.vector_store %arg24[%swap3A_900, %swap3A_901], %scan3A_889#3 {strides = array<i32>} : memref<128x64xf32, #tpu.memory_space<vmem>>, vector<16xf32>,
      %scan3A_903 = arith.constant 0 : i32
      scf.yield %scan3A_903 : i32
    }
    %scan3A_554 = arith.constant 4 : i32
    %dma_wait3A_555 = arith.constant 0 : i32
    %dma_wait3A_556 = arith.constant 0 : i32
    %dma_wait3A_557 = tpu.memref_slice %arg8[%dma_wait3A_555, %dma_wait3A_556] : memref<100000x64xf32, #tpu.memory_space<hbm>> -> memref<100000x64xf32, #tpu.memory_space<hbm>>
    tpu.wait_indirect_dma semaphore(%arg28 : memref<!tpu.dma_semaphore, #tpu.memory_space<semaphore_mem>>) src(%dma_wait3A_557 : memref<100000x64xf32, #tpu.memory_space<hbm>>) dst(%arg21 : memref<128x64xf32, #tpu.memory_space<vmem>>)
    %dma_wait3A_558 = arith.constant 0 : i32
    %dma_wait3A_559 = arith.constant 0 : i32
    %dma_wait3A_560 = tpu.memref_slice %arg9[%dma_wait3A_558, %dma_wait3A_559] : memref<1000000x64xf32, #tpu.memory_space<hbm>> -> memref<1000000x64xf32, #tpu.memory_space<hbm>>
    tpu.wait_indirect_dma semaphore(%arg29 : memref<!tpu.dma_semaphore, #tpu.memory_space<semaphore_mem>>) src(%dma_wait3A_560 : memref<1000000x64xf32, #tpu.memory_space<hbm>>) dst(%arg22 : memref<128x64xf32, #tpu.memory_space<vmem>>)
    %dma_wait3A_561 = arith.constant 0 : i32
    %dma_wait3A_562 = arith.constant 0 : i32
    %dma_wait3A_563 = tpu.memref_slice %arg9[%dma_wait3A_561, %dma_wait3A_562] : memref<1000000x64xf32, #tpu.memory_space<hbm>> -> memref<1000000x64xf32, #tpu.memory_space<hbm>>
    tpu.wait_indirect_dma semaphore(%arg30 : memref<!tpu.dma_semaphore, #tpu.memory_space<semaphore_mem>>) src(%dma_wait3A_563 : memref<1000000x64xf32, #tpu.memory_space<hbm>>) dst(%arg23 : memref<128x64xf32, #tpu.memory_space<vmem>>)
    %iota3A = tpu.iota {dimensions = array<i32: 0>} : vector<16xi32>
    %add3A_564 = arith.constant 0 : i32
    %add3A_565 = vector.broadcast %add3A_564 : i32 to vector<16xi32>
    %add3A_566 = arith.addi %iota3A, %add3A_565 : vector<16xi32>
    %broadcast_in_dim3A = arith.constant 0.000000e+00 : f32
    %broadcast_in_dim3A_567 = vector.broadcast %broadcast_in_dim3A : f32 to vector<16xf32>
    %scan3A_568 = arith.constant 0 : i32
    %scan3A_569 = arith.constant 50 : i32
    %scan3A_570 = arith.addi %scan3A_568, %scan3A_569 : i32
    %scan3A_571 = arith.constant 1 : i32
    %scan3A_572 = scf.for %scan3A_879 = %scan3A_568 to %scan3A_570 step %scan3A_571 iter_args(%scan3A_880 = %broadcast_in_dim3A_567) -> (vector<16xf32>)  : i32 {
      %mul3A_881 = arith.constant 50 : i32
      %mul3A_882 = vector.broadcast %mul3A_881 : i32 to vector<16xi32>
      %mul3A_883 = arith.muli %iota3A, %mul3A_882 : vector<16xi32>
      %add3A_884 = arith.constant 0 : i32
      %add3A_885 = vector.broadcast %add3A_884 : i32 to vector<16xi32>
      %add3A_886 = arith.addi %add3A_885, %mul3A_883 : vector<16xi32>
      %add3A_887 = vector.broadcast %scan3A_879 : i32 to vector<16xi32>
      %add3A_888 = arith.addi %add3A_886, %add3A_887 : vector<16xi32>
      %gather3A = tpu.vector_load_idx %arg12[%add3A_888] : memref<6400xi32, #tpu.memory_space<vmem>>[vector<16xi32>], vector<16xi32>,
      %eq3A = arith.constant 0 : i32
      %eq3A_889 = vector.broadcast %eq3A : i32 to vector<16xi32>
      %eq3A_890 = arith.cmpi eq, %gather3A, %eq3A_889 : vector<16xi32>
      %jit3A = arith.constant 1.000000e+00 : f32
      %jit3A_891 = arith.constant 0.000000e+00 : f32
      %broadcast_in_dim3A_892 = vector.broadcast %jit3A : f32 to vector<16xf32>
      %broadcast_in_dim3A_893 = vector.broadcast %jit3A_891 : f32 to vector<16xf32>
      %select_n3A = arith.select %eq3A_890, %broadcast_in_dim3A_892, %broadcast_in_dim3A_893 : vector<16xi1>, vector<16xf32>
      %add3A_894 = arith.addf %scan3A_880, %select_n3A : vector<16xf32>
      scf.yield %add3A_894 : vector<16xf32>
    }
    %scan3A_573 = arith.constant 50 : i32
    %sub3A = arith.constant 5.000000e+01 : f32
    %sub3A_574 = vector.broadcast %sub3A : f32 to vector<16xf32>
    %sub3A_575 = arith.subf %sub3A_574, %scan3A_572 : vector<16xf32>
    %add3A_576 = arith.constant 9.99999971E-10 : f32
    %add3A_577 = vector.broadcast %add3A_576 : f32 to vector<16xf32>
    %add3A_578 = arith.addf %sub3A_575, %add3A_577 : vector<16xf32>
    %div3A = arith.constant 1.000000e+00 : f32
    %div3A_579 = vector.broadcast %div3A : f32 to vector<16xf32>
    %div3A_580 = arith.divf %div3A_579, %add3A_578 : vector<16xf32>
    %broadcast_in_dim3A_581 = arith.constant 0 : i32
    %broadcast_in_dim3A_582 = vector.broadcast %broadcast_in_dim3A_581 : i32 to vector<16xi32>
    %broadcast_in_dim3A_583 = arith.constant 0.000000e+00 : f32
    %broadcast_in_dim3A_584 = vector.broadcast %broadcast_in_dim3A_583 : f32 to vector<16xf32>
    %scan3A_585 = arith.constant 0 : i32
    %scan3A_586 = arith.constant 64 : i32
    %scan3A_587 = arith.addi %scan3A_585, %scan3A_586 : i32
    %scan3A_588 = arith.constant 1 : i32
    %scan3A_589:2 = scf.for %scan3A_879 = %scan3A_585 to %scan3A_587 step %scan3A_588 iter_args(%scan3A_880 = %broadcast_in_dim3A_584, %scan3A_881 = %broadcast_in_dim3A_584) -> (vector<16xf32>, vector<16xf32>)  : i32 {
      %broadcast_in_dim3A_882 = vector.broadcast %scan3A_879 : i32 to vector<16xi32>
      %gather3A = tpu.vector_load_idx %arg27[%broadcast_in_dim3A_582, %broadcast_in_dim3A_882] : memref<1x64xf32, #tpu.memory_space<vmem>>[vector<16xi32>, vector<16xi32>], vector<16xf32>,
      %gather3A_883 = tpu.vector_load_idx %arg24[%add3A_566, %broadcast_in_dim3A_882] : memref<128x64xf32, #tpu.memory_space<vmem>>[vector<16xi32>, vector<16xi32>], vector<16xf32>,
      %mul3A_884 = arith.mulf %scan3A_572, %gather3A : vector<16xf32>
      %sub3A_885 = arith.subf %gather3A_883, %mul3A_884 : vector<16xf32>
      %gather3A_886 = tpu.vector_load_idx %arg21[%add3A_566, %broadcast_in_dim3A_882] : memref<128x64xf32, #tpu.memory_space<vmem>>[vector<16xi32>, vector<16xi32>], vector<16xf32>,
      %mul3A_887 = arith.mulf %sub3A_885, %div3A_580 : vector<16xf32>
      %add3A_888 = arith.addf %gather3A_886, %mul3A_887 : vector<16xf32>
      %gather3A_889 = tpu.vector_load_idx %arg22[%add3A_566, %broadcast_in_dim3A_882] : memref<128x64xf32, #tpu.memory_space<vmem>>[vector<16xi32>, vector<16xi32>], vector<16xf32>,
      %gather3A_890 = tpu.vector_load_idx %arg23[%add3A_566, %broadcast_in_dim3A_882] : memref<128x64xf32, #tpu.memory_space<vmem>>[vector<16xi32>, vector<16xi32>], vector<16xf32>,
      %mul3A_891 = arith.mulf %add3A_888, %gather3A_889 : vector<16xf32>
      %add3A_892 = arith.addf %scan3A_880, %mul3A_891 : vector<16xf32>
      %mul3A_893 = arith.mulf %add3A_888, %gather3A_890 : vector<16xf32>
      %add3A_894 = arith.addf %scan3A_881, %mul3A_893 : vector<16xf32>
      scf.yield %add3A_892, %add3A_894 : vector<16xf32>, vector<16xf32>
    }
    %scan3A_590 = arith.constant 64 : i32
    %get3A = arith.constant 0 : index
    %get3A_591 = tpu.vector_load %arg16[%get3A] {strides = array<i32>} : memref<128xf32, #tpu.memory_space<vmem>>, vector<16xf32>,
    %sub3A_592 = arith.subf %scan3A_589#0, %get3A_591 : vector<16xf32>
    %swap3A = arith.constant 0 : index
    %swap3A_593 = tpu.vector_load %arg25[%swap3A] {strides = array<i32>} : memref<128xf32, #tpu.memory_space<vmem>>, vector<16xf32>,
    tpu.vector_store %arg25[%swap3A], %sub3A_592 {strides = array<i32>} : memref<128xf32, #tpu.memory_space<vmem>>, vector<16xf32>,
    %get3A_594 = arith.constant 0 : index
    %get3A_595 = tpu.vector_load %arg17[%get3A_594] {strides = array<i32>} : memref<128xf32, #tpu.memory_space<vmem>>, vector<16xf32>,
    %sub3A_596 = arith.subf %scan3A_589#1, %get3A_595 : vector<16xf32>
    %swap3A_597 = arith.constant 0 : index
    %swap3A_598 = tpu.vector_load %arg26[%swap3A_597] {strides = array<i32>} : memref<128xf32, #tpu.memory_space<vmem>>, vector<16xf32>,
    tpu.vector_store %arg26[%swap3A_597], %sub3A_596 {strides = array<i32>} : memref<128xf32, #tpu.memory_space<vmem>>, vector<16xf32>,
    %add3A_599 = arith.constant 16 : i32
    %add3A_600 = vector.broadcast %add3A_599 : i32 to vector<16xi32>
    %add3A_601 = arith.addi %iota3A, %add3A_600 : vector<16xi32>
    %broadcast_in_dim3A_602 = arith.constant 0.000000e+00 : f32
    %broadcast_in_dim3A_603 = vector.broadcast %broadcast_in_dim3A_602 : f32 to vector<16xf32>
    %scan3A_604 = arith.constant 0 : i32
    %scan3A_605 = arith.constant 50 : i32
    %scan3A_606 = arith.addi %scan3A_604, %scan3A_605 : i32
    %scan3A_607 = arith.constant 1 : i32
    %scan3A_608 = scf.for %scan3A_879 = %scan3A_604 to %scan3A_606 step %scan3A_607 iter_args(%scan3A_880 = %broadcast_in_dim3A_603) -> (vector<16xf32>)  : i32 {
      %mul3A_881 = arith.constant 50 : i32
      %mul3A_882 = vector.broadcast %mul3A_881 : i32 to vector<16xi32>
      %mul3A_883 = arith.muli %iota3A, %mul3A_882 : vector<16xi32>
      %add3A_884 = arith.constant 800 : i32
      %add3A_885 = vector.broadcast %add3A_884 : i32 to vector<16xi32>
      %add3A_886 = arith.addi %add3A_885, %mul3A_883 : vector<16xi32>
      %add3A_887 = vector.broadcast %scan3A_879 : i32 to vector<16xi32>
      %add3A_888 = arith.addi %add3A_886, %add3A_887 : vector<16xi32>
      %gather3A = tpu.vector_load_idx %arg12[%add3A_888] : memref<6400xi32, #tpu.memory_space<vmem>>[vector<16xi32>], vector<16xi32>,
      %eq3A = arith.constant 0 : i32
      %eq3A_889 = vector.broadcast %eq3A : i32 to vector<16xi32>
      %eq3A_890 = arith.cmpi eq, %gather3A, %eq3A_889 : vector<16xi32>
      %jit3A = arith.constant 1.000000e+00 : f32
      %jit3A_891 = arith.constant 0.000000e+00 : f32
      %broadcast_in_dim3A_892 = vector.broadcast %jit3A : f32 to vector<16xf32>
      %broadcast_in_dim3A_893 = vector.broadcast %jit3A_891 : f32 to vector<16xf32>
      %select_n3A = arith.select %eq3A_890, %broadcast_in_dim3A_892, %broadcast_in_dim3A_893 : vector<16xi1>, vector<16xf32>
      %add3A_894 = arith.addf %scan3A_880, %select_n3A : vector<16xf32>
      scf.yield %add3A_894 : vector<16xf32>
    }
    %scan3A_609 = arith.constant 50 : i32
    %sub3A_610 = arith.constant 5.000000e+01 : f32
    %sub3A_611 = vector.broadcast %sub3A_610 : f32 to vector<16xf32>
    %sub3A_612 = arith.subf %sub3A_611, %scan3A_608 : vector<16xf32>
    %add3A_613 = arith.constant 9.99999971E-10 : f32
    %add3A_614 = vector.broadcast %add3A_613 : f32 to vector<16xf32>
    %add3A_615 = arith.addf %sub3A_612, %add3A_614 : vector<16xf32>
    %div3A_616 = arith.constant 1.000000e+00 : f32
    %div3A_617 = vector.broadcast %div3A_616 : f32 to vector<16xf32>
    %div3A_618 = arith.divf %div3A_617, %add3A_615 : vector<16xf32>
    %broadcast_in_dim3A_619 = arith.constant 0 : i32
    %broadcast_in_dim3A_620 = vector.broadcast %broadcast_in_dim3A_619 : i32 to vector<16xi32>
    %broadcast_in_dim3A_621 = arith.constant 0.000000e+00 : f32
    %broadcast_in_dim3A_622 = vector.broadcast %broadcast_in_dim3A_621 : f32 to vector<16xf32>
    %scan3A_623 = arith.constant 0 : i32
    %scan3A_624 = arith.constant 64 : i32
    %scan3A_625 = arith.addi %scan3A_623, %scan3A_624 : i32
    %scan3A_626 = arith.constant 1 : i32
    %scan3A_627:2 = scf.for %scan3A_879 = %scan3A_623 to %scan3A_625 step %scan3A_626 iter_args(%scan3A_880 = %broadcast_in_dim3A_622, %scan3A_881 = %broadcast_in_dim3A_622) -> (vector<16xf32>, vector<16xf32>)  : i32 {
      %broadcast_in_dim3A_882 = vector.broadcast %scan3A_879 : i32 to vector<16xi32>
      %gather3A = tpu.vector_load_idx %arg27[%broadcast_in_dim3A_620, %broadcast_in_dim3A_882] : memref<1x64xf32, #tpu.memory_space<vmem>>[vector<16xi32>, vector<16xi32>], vector<16xf32>,
      %gather3A_883 = tpu.vector_load_idx %arg24[%add3A_601, %broadcast_in_dim3A_882] : memref<128x64xf32, #tpu.memory_space<vmem>>[vector<16xi32>, vector<16xi32>], vector<16xf32>,
      %mul3A_884 = arith.mulf %scan3A_608, %gather3A : vector<16xf32>
      %sub3A_885 = arith.subf %gather3A_883, %mul3A_884 : vector<16xf32>
      %gather3A_886 = tpu.vector_load_idx %arg21[%add3A_601, %broadcast_in_dim3A_882] : memref<128x64xf32, #tpu.memory_space<vmem>>[vector<16xi32>, vector<16xi32>], vector<16xf32>,
      %mul3A_887 = arith.mulf %sub3A_885, %div3A_618 : vector<16xf32>
      %add3A_888 = arith.addf %gather3A_886, %mul3A_887 : vector<16xf32>
      %gather3A_889 = tpu.vector_load_idx %arg22[%add3A_601, %broadcast_in_dim3A_882] : memref<128x64xf32, #tpu.memory_space<vmem>>[vector<16xi32>, vector<16xi32>], vector<16xf32>,
      %gather3A_890 = tpu.vector_load_idx %arg23[%add3A_601, %broadcast_in_dim3A_882] : memref<128x64xf32, #tpu.memory_space<vmem>>[vector<16xi32>, vector<16xi32>], vector<16xf32>,
      %mul3A_891 = arith.mulf %add3A_888, %gather3A_889 : vector<16xf32>
      %add3A_892 = arith.addf %scan3A_880, %mul3A_891 : vector<16xf32>
      %mul3A_893 = arith.mulf %add3A_888, %gather3A_890 : vector<16xf32>
      %add3A_894 = arith.addf %scan3A_881, %mul3A_893 : vector<16xf32>
      scf.yield %add3A_892, %add3A_894 : vector<16xf32>, vector<16xf32>
    }
    %scan3A_628 = arith.constant 64 : i32
    %get3A_629 = arith.constant 16 : index
    %get3A_630 = tpu.vector_load %arg16[%get3A_629] {strides = array<i32>} : memref<128xf32, #tpu.memory_space<vmem>>, vector<16xf32>,
    %sub3A_631 = arith.subf %scan3A_627#0, %get3A_630 : vector<16xf32>
    %swap3A_632 = arith.constant 16 : index
    %swap3A_633 = tpu.vector_load %arg25[%swap3A_632] {strides = array<i32>} : memref<128xf32, #tpu.memory_space<vmem>>, vector<16xf32>,
    tpu.vector_store %arg25[%swap3A_632], %sub3A_631 {strides = array<i32>} : memref<128xf32, #tpu.memory_space<vmem>>, vector<16xf32>,
    %get3A_634 = arith.constant 16 : index
    %get3A_635 = tpu.vector_load %arg17[%get3A_634] {strides = array<i32>} : memref<128xf32, #tpu.memory_space<vmem>>, vector<16xf32>,
    %sub3A_636 = arith.subf %scan3A_627#1, %get3A_635 : vector<16xf32>
    %swap3A_637 = arith.constant 16 : index
    %swap3A_638 = tpu.vector_load %arg26[%swap3A_637] {strides = array<i32>} : memref<128xf32, #tpu.memory_space<vmem>>, vector<16xf32>,
    tpu.vector_store %arg26[%swap3A_637], %sub3A_636 {strides = array<i32>} : memref<128xf32, #tpu.memory_space<vmem>>, vector<16xf32>,
    %add3A_639 = arith.constant 32 : i32
    %add3A_640 = vector.broadcast %add3A_639 : i32 to vector<16xi32>
    %add3A_641 = arith.addi %iota3A, %add3A_640 : vector<16xi32>
    %broadcast_in_dim3A_642 = arith.constant 0.000000e+00 : f32
    %broadcast_in_dim3A_643 = vector.broadcast %broadcast_in_dim3A_642 : f32 to vector<16xf32>
    %scan3A_644 = arith.constant 0 : i32
    %scan3A_645 = arith.constant 50 : i32
    %scan3A_646 = arith.addi %scan3A_644, %scan3A_645 : i32
    %scan3A_647 = arith.constant 1 : i32
    %scan3A_648 = scf.for %scan3A_879 = %scan3A_644 to %scan3A_646 step %scan3A_647 iter_args(%scan3A_880 = %broadcast_in_dim3A_643) -> (vector<16xf32>)  : i32 {
      %mul3A_881 = arith.constant 50 : i32
      %mul3A_882 = vector.broadcast %mul3A_881 : i32 to vector<16xi32>
      %mul3A_883 = arith.muli %iota3A, %mul3A_882 : vector<16xi32>
      %add3A_884 = arith.constant 1600 : i32
      %add3A_885 = vector.broadcast %add3A_884 : i32 to vector<16xi32>
      %add3A_886 = arith.addi %add3A_885, %mul3A_883 : vector<16xi32>
      %add3A_887 = vector.broadcast %scan3A_879 : i32 to vector<16xi32>
      %add3A_888 = arith.addi %add3A_886, %add3A_887 : vector<16xi32>
      %gather3A = tpu.vector_load_idx %arg12[%add3A_888] : memref<6400xi32, #tpu.memory_space<vmem>>[vector<16xi32>], vector<16xi32>,
      %eq3A = arith.constant 0 : i32
      %eq3A_889 = vector.broadcast %eq3A : i32 to vector<16xi32>
      %eq3A_890 = arith.cmpi eq, %gather3A, %eq3A_889 : vector<16xi32>
      %jit3A = arith.constant 1.000000e+00 : f32
      %jit3A_891 = arith.constant 0.000000e+00 : f32
      %broadcast_in_dim3A_892 = vector.broadcast %jit3A : f32 to vector<16xf32>
      %broadcast_in_dim3A_893 = vector.broadcast %jit3A_891 : f32 to vector<16xf32>
      %select_n3A = arith.select %eq3A_890, %broadcast_in_dim3A_892, %broadcast_in_dim3A_893 : vector<16xi1>, vector<16xf32>
      %add3A_894 = arith.addf %scan3A_880, %select_n3A : vector<16xf32>
      scf.yield %add3A_894 : vector<16xf32>
    }
    %scan3A_649 = arith.constant 50 : i32
    %sub3A_650 = arith.constant 5.000000e+01 : f32
    %sub3A_651 = vector.broadcast %sub3A_650 : f32 to vector<16xf32>
    %sub3A_652 = arith.subf %sub3A_651, %scan3A_648 : vector<16xf32>
    %add3A_653 = arith.constant 9.99999971E-10 : f32
    %add3A_654 = vector.broadcast %add3A_653 : f32 to vector<16xf32>
    %add3A_655 = arith.addf %sub3A_652, %add3A_654 : vector<16xf32>
    %div3A_656 = arith.constant 1.000000e+00 : f32
    %div3A_657 = vector.broadcast %div3A_656 : f32 to vector<16xf32>
    %div3A_658 = arith.divf %div3A_657, %add3A_655 : vector<16xf32>
    %broadcast_in_dim3A_659 = arith.constant 0 : i32
    %broadcast_in_dim3A_660 = vector.broadcast %broadcast_in_dim3A_659 : i32 to vector<16xi32>
    %broadcast_in_dim3A_661 = arith.constant 0.000000e+00 : f32
    %broadcast_in_dim3A_662 = vector.broadcast %broadcast_in_dim3A_661 : f32 to vector<16xf32>
    %scan3A_663 = arith.constant 0 : i32
    %scan3A_664 = arith.constant 64 : i32
    %scan3A_665 = arith.addi %scan3A_663, %scan3A_664 : i32
    %scan3A_666 = arith.constant 1 : i32
    %scan3A_667:2 = scf.for %scan3A_879 = %scan3A_663 to %scan3A_665 step %scan3A_666 iter_args(%scan3A_880 = %broadcast_in_dim3A_662, %scan3A_881 = %broadcast_in_dim3A_662) -> (vector<16xf32>, vector<16xf32>)  : i32 {
      %broadcast_in_dim3A_882 = vector.broadcast %scan3A_879 : i32 to vector<16xi32>
      %gather3A = tpu.vector_load_idx %arg27[%broadcast_in_dim3A_660, %broadcast_in_dim3A_882] : memref<1x64xf32, #tpu.memory_space<vmem>>[vector<16xi32>, vector<16xi32>], vector<16xf32>,
      %gather3A_883 = tpu.vector_load_idx %arg24[%add3A_641, %broadcast_in_dim3A_882] : memref<128x64xf32, #tpu.memory_space<vmem>>[vector<16xi32>, vector<16xi32>], vector<16xf32>,
      %mul3A_884 = arith.mulf %scan3A_648, %gather3A : vector<16xf32>
      %sub3A_885 = arith.subf %gather3A_883, %mul3A_884 : vector<16xf32>
      %gather3A_886 = tpu.vector_load_idx %arg21[%add3A_641, %broadcast_in_dim3A_882] : memref<128x64xf32, #tpu.memory_space<vmem>>[vector<16xi32>, vector<16xi32>], vector<16xf32>,
      %mul3A_887 = arith.mulf %sub3A_885, %div3A_658 : vector<16xf32>
      %add3A_888 = arith.addf %gather3A_886, %mul3A_887 : vector<16xf32>
      %gather3A_889 = tpu.vector_load_idx %arg22[%add3A_641, %broadcast_in_dim3A_882] : memref<128x64xf32, #tpu.memory_space<vmem>>[vector<16xi32>, vector<16xi32>], vector<16xf32>,
      %gather3A_890 = tpu.vector_load_idx %arg23[%add3A_641, %broadcast_in_dim3A_882] : memref<128x64xf32, #tpu.memory_space<vmem>>[vector<16xi32>, vector<16xi32>], vector<16xf32>,
      %mul3A_891 = arith.mulf %add3A_888, %gather3A_889 : vector<16xf32>
      %add3A_892 = arith.addf %scan3A_880, %mul3A_891 : vector<16xf32>
      %mul3A_893 = arith.mulf %add3A_888, %gather3A_890 : vector<16xf32>
      %add3A_894 = arith.addf %scan3A_881, %mul3A_893 : vector<16xf32>
      scf.yield %add3A_892, %add3A_894 : vector<16xf32>, vector<16xf32>
    }
    %scan3A_668 = arith.constant 64 : i32
    %get3A_669 = arith.constant 32 : index
    %get3A_670 = tpu.vector_load %arg16[%get3A_669] {strides = array<i32>} : memref<128xf32, #tpu.memory_space<vmem>>, vector<16xf32>,
    %sub3A_671 = arith.subf %scan3A_667#0, %get3A_670 : vector<16xf32>
    %swap3A_672 = arith.constant 32 : index
    %swap3A_673 = tpu.vector_load %arg25[%swap3A_672] {strides = array<i32>} : memref<128xf32, #tpu.memory_space<vmem>>, vector<16xf32>,
    tpu.vector_store %arg25[%swap3A_672], %sub3A_671 {strides = array<i32>} : memref<128xf32, #tpu.memory_space<vmem>>, vector<16xf32>,
    %get3A_674 = arith.constant 32 : index
    %get3A_675 = tpu.vector_load %arg17[%get3A_674] {strides = array<i32>} : memref<128xf32, #tpu.memory_space<vmem>>, vector<16xf32>,
    %sub3A_676 = arith.subf %scan3A_667#1, %get3A_675 : vector<16xf32>
    %swap3A_677 = arith.constant 32 : index
    %swap3A_678 = tpu.vector_load %arg26[%swap3A_677] {strides = array<i32>} : memref<128xf32, #tpu.memory_space<vmem>>, vector<16xf32>,
    tpu.vector_store %arg26[%swap3A_677], %sub3A_676 {strides = array<i32>} : memref<128xf32, #tpu.memory_space<vmem>>, vector<16xf32>,
    %add3A_679 = arith.constant 48 : i32
    %add3A_680 = vector.broadcast %add3A_679 : i32 to vector<16xi32>
    %add3A_681 = arith.addi %iota3A, %add3A_680 : vector<16xi32>
    %broadcast_in_dim3A_682 = arith.constant 0.000000e+00 : f32
    %broadcast_in_dim3A_683 = vector.broadcast %broadcast_in_dim3A_682 : f32 to vector<16xf32>
    %scan3A_684 = arith.constant 0 : i32
    %scan3A_685 = arith.constant 50 : i32
    %scan3A_686 = arith.addi %scan3A_684, %scan3A_685 : i32
    %scan3A_687 = arith.constant 1 : i32
    %scan3A_688 = scf.for %scan3A_879 = %scan3A_684 to %scan3A_686 step %scan3A_687 iter_args(%scan3A_880 = %broadcast_in_dim3A_683) -> (vector<16xf32>)  : i32 {
      %mul3A_881 = arith.constant 50 : i32
      %mul3A_882 = vector.broadcast %mul3A_881 : i32 to vector<16xi32>
      %mul3A_883 = arith.muli %iota3A, %mul3A_882 : vector<16xi32>
      %add3A_884 = arith.constant 2400 : i32
      %add3A_885 = vector.broadcast %add3A_884 : i32 to vector<16xi32>
      %add3A_886 = arith.addi %add3A_885, %mul3A_883 : vector<16xi32>
      %add3A_887 = vector.broadcast %scan3A_879 : i32 to vector<16xi32>
      %add3A_888 = arith.addi %add3A_886, %add3A_887 : vector<16xi32>
      %gather3A = tpu.vector_load_idx %arg12[%add3A_888] : memref<6400xi32, #tpu.memory_space<vmem>>[vector<16xi32>], vector<16xi32>,
      %eq3A = arith.constant 0 : i32
      %eq3A_889 = vector.broadcast %eq3A : i32 to vector<16xi32>
      %eq3A_890 = arith.cmpi eq, %gather3A, %eq3A_889 : vector<16xi32>
      %jit3A = arith.constant 1.000000e+00 : f32
      %jit3A_891 = arith.constant 0.000000e+00 : f32
      %broadcast_in_dim3A_892 = vector.broadcast %jit3A : f32 to vector<16xf32>
      %broadcast_in_dim3A_893 = vector.broadcast %jit3A_891 : f32 to vector<16xf32>
      %select_n3A = arith.select %eq3A_890, %broadcast_in_dim3A_892, %broadcast_in_dim3A_893 : vector<16xi1>, vector<16xf32>
      %add3A_894 = arith.addf %scan3A_880, %select_n3A : vector<16xf32>
      scf.yield %add3A_894 : vector<16xf32>
    }
    %scan3A_689 = arith.constant 50 : i32
    %sub3A_690 = arith.constant 5.000000e+01 : f32
    %sub3A_691 = vector.broadcast %sub3A_690 : f32 to vector<16xf32>
    %sub3A_692 = arith.subf %sub3A_691, %scan3A_688 : vector<16xf32>
    %add3A_693 = arith.constant 9.99999971E-10 : f32
    %add3A_694 = vector.broadcast %add3A_693 : f32 to vector<16xf32>
    %add3A_695 = arith.addf %sub3A_692, %add3A_694 : vector<16xf32>
    %div3A_696 = arith.constant 1.000000e+00 : f32
    %div3A_697 = vector.broadcast %div3A_696 : f32 to vector<16xf32>
    %div3A_698 = arith.divf %div3A_697, %add3A_695 : vector<16xf32>
    %broadcast_in_dim3A_699 = arith.constant 0 : i32
    %broadcast_in_dim3A_700 = vector.broadcast %broadcast_in_dim3A_699 : i32 to vector<16xi32>
    %broadcast_in_dim3A_701 = arith.constant 0.000000e+00 : f32
    %broadcast_in_dim3A_702 = vector.broadcast %broadcast_in_dim3A_701 : f32 to vector<16xf32>
    %scan3A_703 = arith.constant 0 : i32
    %scan3A_704 = arith.constant 64 : i32
    %scan3A_705 = arith.addi %scan3A_703, %scan3A_704 : i32
    %scan3A_706 = arith.constant 1 : i32
    %scan3A_707:2 = scf.for %scan3A_879 = %scan3A_703 to %scan3A_705 step %scan3A_706 iter_args(%scan3A_880 = %broadcast_in_dim3A_702, %scan3A_881 = %broadcast_in_dim3A_702) -> (vector<16xf32>, vector<16xf32>)  : i32 {
      %broadcast_in_dim3A_882 = vector.broadcast %scan3A_879 : i32 to vector<16xi32>
      %gather3A = tpu.vector_load_idx %arg27[%broadcast_in_dim3A_700, %broadcast_in_dim3A_882] : memref<1x64xf32, #tpu.memory_space<vmem>>[vector<16xi32>, vector<16xi32>], vector<16xf32>,
      %gather3A_883 = tpu.vector_load_idx %arg24[%add3A_681, %broadcast_in_dim3A_882] : memref<128x64xf32, #tpu.memory_space<vmem>>[vector<16xi32>, vector<16xi32>], vector<16xf32>,
      %mul3A_884 = arith.mulf %scan3A_688, %gather3A : vector<16xf32>
      %sub3A_885 = arith.subf %gather3A_883, %mul3A_884 : vector<16xf32>
      %gather3A_886 = tpu.vector_load_idx %arg21[%add3A_681, %broadcast_in_dim3A_882] : memref<128x64xf32, #tpu.memory_space<vmem>>[vector<16xi32>, vector<16xi32>], vector<16xf32>,
      %mul3A_887 = arith.mulf %sub3A_885, %div3A_698 : vector<16xf32>
      %add3A_888 = arith.addf %gather3A_886, %mul3A_887 : vector<16xf32>
      %gather3A_889 = tpu.vector_load_idx %arg22[%add3A_681, %broadcast_in_dim3A_882] : memref<128x64xf32, #tpu.memory_space<vmem>>[vector<16xi32>, vector<16xi32>], vector<16xf32>,
      %gather3A_890 = tpu.vector_load_idx %arg23[%add3A_681, %broadcast_in_dim3A_882] : memref<128x64xf32, #tpu.memory_space<vmem>>[vector<16xi32>, vector<16xi32>], vector<16xf32>,
      %mul3A_891 = arith.mulf %add3A_888, %gather3A_889 : vector<16xf32>
      %add3A_892 = arith.addf %scan3A_880, %mul3A_891 : vector<16xf32>
      %mul3A_893 = arith.mulf %add3A_888, %gather3A_890 : vector<16xf32>
      %add3A_894 = arith.addf %scan3A_881, %mul3A_893 : vector<16xf32>
      scf.yield %add3A_892, %add3A_894 : vector<16xf32>, vector<16xf32>
    }
    %scan3A_708 = arith.constant 64 : i32
    %get3A_709 = arith.constant 48 : index
    %get3A_710 = tpu.vector_load %arg16[%get3A_709] {strides = array<i32>} : memref<128xf32, #tpu.memory_space<vmem>>, vector<16xf32>,
    %sub3A_711 = arith.subf %scan3A_707#0, %get3A_710 : vector<16xf32>
    %swap3A_712 = arith.constant 48 : index
    %swap3A_713 = tpu.vector_load %arg25[%swap3A_712] {strides = array<i32>} : memref<128xf32, #tpu.memory_space<vmem>>, vector<16xf32>,
    tpu.vector_store %arg25[%swap3A_712], %sub3A_711 {strides = array<i32>} : memref<128xf32, #tpu.memory_space<vmem>>, vector<16xf32>,
    %get3A_714 = arith.constant 48 : index
    %get3A_715 = tpu.vector_load %arg17[%get3A_714] {strides = array<i32>} : memref<128xf32, #tpu.memory_space<vmem>>, vector<16xf32>,
    %sub3A_716 = arith.subf %scan3A_707#1, %get3A_715 : vector<16xf32>
    %swap3A_717 = arith.constant 48 : index
    %swap3A_718 = tpu.vector_load %arg26[%swap3A_717] {strides = array<i32>} : memref<128xf32, #tpu.memory_space<vmem>>, vector<16xf32>,
    tpu.vector_store %arg26[%swap3A_717], %sub3A_716 {strides = array<i32>} : memref<128xf32, #tpu.memory_space<vmem>>, vector<16xf32>,
    %add3A_719 = arith.constant 64 : i32
    %add3A_720 = vector.broadcast %add3A_719 : i32 to vector<16xi32>
    %add3A_721 = arith.addi %iota3A, %add3A_720 : vector<16xi32>
    %broadcast_in_dim3A_722 = arith.constant 0.000000e+00 : f32
    %broadcast_in_dim3A_723 = vector.broadcast %broadcast_in_dim3A_722 : f32 to vector<16xf32>
    %scan3A_724 = arith.constant 0 : i32
    %scan3A_725 = arith.constant 50 : i32
    %scan3A_726 = arith.addi %scan3A_724, %scan3A_725 : i32
    %scan3A_727 = arith.constant 1 : i32
    %scan3A_728 = scf.for %scan3A_879 = %scan3A_724 to %scan3A_726 step %scan3A_727 iter_args(%scan3A_880 = %broadcast_in_dim3A_723) -> (vector<16xf32>)  : i32 {
      %mul3A_881 = arith.constant 50 : i32
      %mul3A_882 = vector.broadcast %mul3A_881 : i32 to vector<16xi32>
      %mul3A_883 = arith.muli %iota3A, %mul3A_882 : vector<16xi32>
      %add3A_884 = arith.constant 3200 : i32
      %add3A_885 = vector.broadcast %add3A_884 : i32 to vector<16xi32>
      %add3A_886 = arith.addi %add3A_885, %mul3A_883 : vector<16xi32>
      %add3A_887 = vector.broadcast %scan3A_879 : i32 to vector<16xi32>
      %add3A_888 = arith.addi %add3A_886, %add3A_887 : vector<16xi32>
      %gather3A = tpu.vector_load_idx %arg12[%add3A_888] : memref<6400xi32, #tpu.memory_space<vmem>>[vector<16xi32>], vector<16xi32>,
      %eq3A = arith.constant 0 : i32
      %eq3A_889 = vector.broadcast %eq3A : i32 to vector<16xi32>
      %eq3A_890 = arith.cmpi eq, %gather3A, %eq3A_889 : vector<16xi32>
      %jit3A = arith.constant 1.000000e+00 : f32
      %jit3A_891 = arith.constant 0.000000e+00 : f32
      %broadcast_in_dim3A_892 = vector.broadcast %jit3A : f32 to vector<16xf32>
      %broadcast_in_dim3A_893 = vector.broadcast %jit3A_891 : f32 to vector<16xf32>
      %select_n3A = arith.select %eq3A_890, %broadcast_in_dim3A_892, %broadcast_in_dim3A_893 : vector<16xi1>, vector<16xf32>
      %add3A_894 = arith.addf %scan3A_880, %select_n3A : vector<16xf32>
      scf.yield %add3A_894 : vector<16xf32>
    }
    %scan3A_729 = arith.constant 50 : i32
    %sub3A_730 = arith.constant 5.000000e+01 : f32
    %sub3A_731 = vector.broadcast %sub3A_730 : f32 to vector<16xf32>
    %sub3A_732 = arith.subf %sub3A_731, %scan3A_728 : vector<16xf32>
    %add3A_733 = arith.constant 9.99999971E-10 : f32
    %add3A_734 = vector.broadcast %add3A_733 : f32 to vector<16xf32>
    %add3A_735 = arith.addf %sub3A_732, %add3A_734 : vector<16xf32>
    %div3A_736 = arith.constant 1.000000e+00 : f32
    %div3A_737 = vector.broadcast %div3A_736 : f32 to vector<16xf32>
    %div3A_738 = arith.divf %div3A_737, %add3A_735 : vector<16xf32>
    %broadcast_in_dim3A_739 = arith.constant 0 : i32
    %broadcast_in_dim3A_740 = vector.broadcast %broadcast_in_dim3A_739 : i32 to vector<16xi32>
    %broadcast_in_dim3A_741 = arith.constant 0.000000e+00 : f32
    %broadcast_in_dim3A_742 = vector.broadcast %broadcast_in_dim3A_741 : f32 to vector<16xf32>
    %scan3A_743 = arith.constant 0 : i32
    %scan3A_744 = arith.constant 64 : i32
    %scan3A_745 = arith.addi %scan3A_743, %scan3A_744 : i32
    %scan3A_746 = arith.constant 1 : i32
    %scan3A_747:2 = scf.for %scan3A_879 = %scan3A_743 to %scan3A_745 step %scan3A_746 iter_args(%scan3A_880 = %broadcast_in_dim3A_742, %scan3A_881 = %broadcast_in_dim3A_742) -> (vector<16xf32>, vector<16xf32>)  : i32 {
      %broadcast_in_dim3A_882 = vector.broadcast %scan3A_879 : i32 to vector<16xi32>
      %gather3A = tpu.vector_load_idx %arg27[%broadcast_in_dim3A_740, %broadcast_in_dim3A_882] : memref<1x64xf32, #tpu.memory_space<vmem>>[vector<16xi32>, vector<16xi32>], vector<16xf32>,
      %gather3A_883 = tpu.vector_load_idx %arg24[%add3A_721, %broadcast_in_dim3A_882] : memref<128x64xf32, #tpu.memory_space<vmem>>[vector<16xi32>, vector<16xi32>], vector<16xf32>,
      %mul3A_884 = arith.mulf %scan3A_728, %gather3A : vector<16xf32>
      %sub3A_885 = arith.subf %gather3A_883, %mul3A_884 : vector<16xf32>
      %gather3A_886 = tpu.vector_load_idx %arg21[%add3A_721, %broadcast_in_dim3A_882] : memref<128x64xf32, #tpu.memory_space<vmem>>[vector<16xi32>, vector<16xi32>], vector<16xf32>,
      %mul3A_887 = arith.mulf %sub3A_885, %div3A_738 : vector<16xf32>
      %add3A_888 = arith.addf %gather3A_886, %mul3A_887 : vector<16xf32>
      %gather3A_889 = tpu.vector_load_idx %arg22[%add3A_721, %broadcast_in_dim3A_882] : memref<128x64xf32, #tpu.memory_space<vmem>>[vector<16xi32>, vector<16xi32>], vector<16xf32>,
      %gather3A_890 = tpu.vector_load_idx %arg23[%add3A_721, %broadcast_in_dim3A_882] : memref<128x64xf32, #tpu.memory_space<vmem>>[vector<16xi32>, vector<16xi32>], vector<16xf32>,
      %mul3A_891 = arith.mulf %add3A_888, %gather3A_889 : vector<16xf32>
      %add3A_892 = arith.addf %scan3A_880, %mul3A_891 : vector<16xf32>
      %mul3A_893 = arith.mulf %add3A_888, %gather3A_890 : vector<16xf32>
      %add3A_894 = arith.addf %scan3A_881, %mul3A_893 : vector<16xf32>
      scf.yield %add3A_892, %add3A_894 : vector<16xf32>, vector<16xf32>
    }
    %scan3A_748 = arith.constant 64 : i32
    %get3A_749 = arith.constant 64 : index
    %get3A_750 = tpu.vector_load %arg16[%get3A_749] {strides = array<i32>} : memref<128xf32, #tpu.memory_space<vmem>>, vector<16xf32>,
    %sub3A_751 = arith.subf %scan3A_747#0, %get3A_750 : vector<16xf32>
    %swap3A_752 = arith.constant 64 : index
    %swap3A_753 = tpu.vector_load %arg25[%swap3A_752] {strides = array<i32>} : memref<128xf32, #tpu.memory_space<vmem>>, vector<16xf32>,
    tpu.vector_store %arg25[%swap3A_752], %sub3A_751 {strides = array<i32>} : memref<128xf32, #tpu.memory_space<vmem>>, vector<16xf32>,
    %get3A_754 = arith.constant 64 : index
    %get3A_755 = tpu.vector_load %arg17[%get3A_754] {strides = array<i32>} : memref<128xf32, #tpu.memory_space<vmem>>, vector<16xf32>,
    %sub3A_756 = arith.subf %scan3A_747#1, %get3A_755 : vector<16xf32>
    %swap3A_757 = arith.constant 64 : index
    %swap3A_758 = tpu.vector_load %arg26[%swap3A_757] {strides = array<i32>} : memref<128xf32, #tpu.memory_space<vmem>>, vector<16xf32>,
    tpu.vector_store %arg26[%swap3A_757], %sub3A_756 {strides = array<i32>} : memref<128xf32, #tpu.memory_space<vmem>>, vector<16xf32>,
    %add3A_759 = arith.constant 80 : i32
    %add3A_760 = vector.broadcast %add3A_759 : i32 to vector<16xi32>
    %add3A_761 = arith.addi %iota3A, %add3A_760 : vector<16xi32>
    %broadcast_in_dim3A_762 = arith.constant 0.000000e+00 : f32
    %broadcast_in_dim3A_763 = vector.broadcast %broadcast_in_dim3A_762 : f32 to vector<16xf32>
    %scan3A_764 = arith.constant 0 : i32
    %scan3A_765 = arith.constant 50 : i32
    %scan3A_766 = arith.addi %scan3A_764, %scan3A_765 : i32
    %scan3A_767 = arith.constant 1 : i32
    %scan3A_768 = scf.for %scan3A_879 = %scan3A_764 to %scan3A_766 step %scan3A_767 iter_args(%scan3A_880 = %broadcast_in_dim3A_763) -> (vector<16xf32>)  : i32 {
      %mul3A_881 = arith.constant 50 : i32
      %mul3A_882 = vector.broadcast %mul3A_881 : i32 to vector<16xi32>
      %mul3A_883 = arith.muli %iota3A, %mul3A_882 : vector<16xi32>
      %add3A_884 = arith.constant 4000 : i32
      %add3A_885 = vector.broadcast %add3A_884 : i32 to vector<16xi32>
      %add3A_886 = arith.addi %add3A_885, %mul3A_883 : vector<16xi32>
      %add3A_887 = vector.broadcast %scan3A_879 : i32 to vector<16xi32>
      %add3A_888 = arith.addi %add3A_886, %add3A_887 : vector<16xi32>
      %gather3A = tpu.vector_load_idx %arg12[%add3A_888] : memref<6400xi32, #tpu.memory_space<vmem>>[vector<16xi32>], vector<16xi32>,
      %eq3A = arith.constant 0 : i32
      %eq3A_889 = vector.broadcast %eq3A : i32 to vector<16xi32>
      %eq3A_890 = arith.cmpi eq, %gather3A, %eq3A_889 : vector<16xi32>
      %jit3A = arith.constant 1.000000e+00 : f32
      %jit3A_891 = arith.constant 0.000000e+00 : f32
      %broadcast_in_dim3A_892 = vector.broadcast %jit3A : f32 to vector<16xf32>
      %broadcast_in_dim3A_893 = vector.broadcast %jit3A_891 : f32 to vector<16xf32>
      %select_n3A = arith.select %eq3A_890, %broadcast_in_dim3A_892, %broadcast_in_dim3A_893 : vector<16xi1>, vector<16xf32>
      %add3A_894 = arith.addf %scan3A_880, %select_n3A : vector<16xf32>
      scf.yield %add3A_894 : vector<16xf32>
    }
    %scan3A_769 = arith.constant 50 : i32
    %sub3A_770 = arith.constant 5.000000e+01 : f32
    %sub3A_771 = vector.broadcast %sub3A_770 : f32 to vector<16xf32>
    %sub3A_772 = arith.subf %sub3A_771, %scan3A_768 : vector<16xf32>
    %add3A_773 = arith.constant 9.99999971E-10 : f32
    %add3A_774 = vector.broadcast %add3A_773 : f32 to vector<16xf32>
    %add3A_775 = arith.addf %sub3A_772, %add3A_774 : vector<16xf32>
    %div3A_776 = arith.constant 1.000000e+00 : f32
    %div3A_777 = vector.broadcast %div3A_776 : f32 to vector<16xf32>
    %div3A_778 = arith.divf %div3A_777, %add3A_775 : vector<16xf32>
    %broadcast_in_dim3A_779 = arith.constant 0 : i32
    %broadcast_in_dim3A_780 = vector.broadcast %broadcast_in_dim3A_779 : i32 to vector<16xi32>
    %broadcast_in_dim3A_781 = arith.constant 0.000000e+00 : f32
    %broadcast_in_dim3A_782 = vector.broadcast %broadcast_in_dim3A_781 : f32 to vector<16xf32>
    %scan3A_783 = arith.constant 0 : i32
    %scan3A_784 = arith.constant 64 : i32
    %scan3A_785 = arith.addi %scan3A_783, %scan3A_784 : i32
    %scan3A_786 = arith.constant 1 : i32
    %scan3A_787:2 = scf.for %scan3A_879 = %scan3A_783 to %scan3A_785 step %scan3A_786 iter_args(%scan3A_880 = %broadcast_in_dim3A_782, %scan3A_881 = %broadcast_in_dim3A_782) -> (vector<16xf32>, vector<16xf32>)  : i32 {
      %broadcast_in_dim3A_882 = vector.broadcast %scan3A_879 : i32 to vector<16xi32>
      %gather3A = tpu.vector_load_idx %arg27[%broadcast_in_dim3A_780, %broadcast_in_dim3A_882] : memref<1x64xf32, #tpu.memory_space<vmem>>[vector<16xi32>, vector<16xi32>], vector<16xf32>,
      %gather3A_883 = tpu.vector_load_idx %arg24[%add3A_761, %broadcast_in_dim3A_882] : memref<128x64xf32, #tpu.memory_space<vmem>>[vector<16xi32>, vector<16xi32>], vector<16xf32>,
      %mul3A_884 = arith.mulf %scan3A_768, %gather3A : vector<16xf32>
      %sub3A_885 = arith.subf %gather3A_883, %mul3A_884 : vector<16xf32>
      %gather3A_886 = tpu.vector_load_idx %arg21[%add3A_761, %broadcast_in_dim3A_882] : memref<128x64xf32, #tpu.memory_space<vmem>>[vector<16xi32>, vector<16xi32>], vector<16xf32>,
      %mul3A_887 = arith.mulf %sub3A_885, %div3A_778 : vector<16xf32>
      %add3A_888 = arith.addf %gather3A_886, %mul3A_887 : vector<16xf32>
      %gather3A_889 = tpu.vector_load_idx %arg22[%add3A_761, %broadcast_in_dim3A_882] : memref<128x64xf32, #tpu.memory_space<vmem>>[vector<16xi32>, vector<16xi32>], vector<16xf32>,
      %gather3A_890 = tpu.vector_load_idx %arg23[%add3A_761, %broadcast_in_dim3A_882] : memref<128x64xf32, #tpu.memory_space<vmem>>[vector<16xi32>, vector<16xi32>], vector<16xf32>,
      %mul3A_891 = arith.mulf %add3A_888, %gather3A_889 : vector<16xf32>
      %add3A_892 = arith.addf %scan3A_880, %mul3A_891 : vector<16xf32>
      %mul3A_893 = arith.mulf %add3A_888, %gather3A_890 : vector<16xf32>
      %add3A_894 = arith.addf %scan3A_881, %mul3A_893 : vector<16xf32>
      scf.yield %add3A_892, %add3A_894 : vector<16xf32>, vector<16xf32>
    }
    %scan3A_788 = arith.constant 64 : i32
    %get3A_789 = arith.constant 80 : index
    %get3A_790 = tpu.vector_load %arg16[%get3A_789] {strides = array<i32>} : memref<128xf32, #tpu.memory_space<vmem>>, vector<16xf32>,
    %sub3A_791 = arith.subf %scan3A_787#0, %get3A_790 : vector<16xf32>
    %swap3A_792 = arith.constant 80 : index
    %swap3A_793 = tpu.vector_load %arg25[%swap3A_792] {strides = array<i32>} : memref<128xf32, #tpu.memory_space<vmem>>, vector<16xf32>,
    tpu.vector_store %arg25[%swap3A_792], %sub3A_791 {strides = array<i32>} : memref<128xf32, #tpu.memory_space<vmem>>, vector<16xf32>,
    %get3A_794 = arith.constant 80 : index
    %get3A_795 = tpu.vector_load %arg17[%get3A_794] {strides = array<i32>} : memref<128xf32, #tpu.memory_space<vmem>>, vector<16xf32>,
    %sub3A_796 = arith.subf %scan3A_787#1, %get3A_795 : vector<16xf32>
    %swap3A_797 = arith.constant 80 : index
    %swap3A_798 = tpu.vector_load %arg26[%swap3A_797] {strides = array<i32>} : memref<128xf32, #tpu.memory_space<vmem>>, vector<16xf32>,
    tpu.vector_store %arg26[%swap3A_797], %sub3A_796 {strides = array<i32>} : memref<128xf32, #tpu.memory_space<vmem>>, vector<16xf32>,
    %add3A_799 = arith.constant 96 : i32
    %add3A_800 = vector.broadcast %add3A_799 : i32 to vector<16xi32>
    %add3A_801 = arith.addi %iota3A, %add3A_800 : vector<16xi32>
    %broadcast_in_dim3A_802 = arith.constant 0.000000e+00 : f32
    %broadcast_in_dim3A_803 = vector.broadcast %broadcast_in_dim3A_802 : f32 to vector<16xf32>
    %scan3A_804 = arith.constant 0 : i32
    %scan3A_805 = arith.constant 50 : i32
    %scan3A_806 = arith.addi %scan3A_804, %scan3A_805 : i32
    %scan3A_807 = arith.constant 1 : i32
    %scan3A_808 = scf.for %scan3A_879 = %scan3A_804 to %scan3A_806 step %scan3A_807 iter_args(%scan3A_880 = %broadcast_in_dim3A_803) -> (vector<16xf32>)  : i32 {
      %mul3A_881 = arith.constant 50 : i32
      %mul3A_882 = vector.broadcast %mul3A_881 : i32 to vector<16xi32>
      %mul3A_883 = arith.muli %iota3A, %mul3A_882 : vector<16xi32>
      %add3A_884 = arith.constant 4800 : i32
      %add3A_885 = vector.broadcast %add3A_884 : i32 to vector<16xi32>
      %add3A_886 = arith.addi %add3A_885, %mul3A_883 : vector<16xi32>
      %add3A_887 = vector.broadcast %scan3A_879 : i32 to vector<16xi32>
      %add3A_888 = arith.addi %add3A_886, %add3A_887 : vector<16xi32>
      %gather3A = tpu.vector_load_idx %arg12[%add3A_888] : memref<6400xi32, #tpu.memory_space<vmem>>[vector<16xi32>], vector<16xi32>,
      %eq3A = arith.constant 0 : i32
      %eq3A_889 = vector.broadcast %eq3A : i32 to vector<16xi32>
      %eq3A_890 = arith.cmpi eq, %gather3A, %eq3A_889 : vector<16xi32>
      %jit3A = arith.constant 1.000000e+00 : f32
      %jit3A_891 = arith.constant 0.000000e+00 : f32
      %broadcast_in_dim3A_892 = vector.broadcast %jit3A : f32 to vector<16xf32>
      %broadcast_in_dim3A_893 = vector.broadcast %jit3A_891 : f32 to vector<16xf32>
      %select_n3A = arith.select %eq3A_890, %broadcast_in_dim3A_892, %broadcast_in_dim3A_893 : vector<16xi1>, vector<16xf32>
      %add3A_894 = arith.addf %scan3A_880, %select_n3A : vector<16xf32>
      scf.yield %add3A_894 : vector<16xf32>
    }
    %scan3A_809 = arith.constant 50 : i32
    %sub3A_810 = arith.constant 5.000000e+01 : f32
    %sub3A_811 = vector.broadcast %sub3A_810 : f32 to vector<16xf32>
    %sub3A_812 = arith.subf %sub3A_811, %scan3A_808 : vector<16xf32>
    %add3A_813 = arith.constant 9.99999971E-10 : f32
    %add3A_814 = vector.broadcast %add3A_813 : f32 to vector<16xf32>
    %add3A_815 = arith.addf %sub3A_812, %add3A_814 : vector<16xf32>
    %div3A_816 = arith.constant 1.000000e+00 : f32
    %div3A_817 = vector.broadcast %div3A_816 : f32 to vector<16xf32>
    %div3A_818 = arith.divf %div3A_817, %add3A_815 : vector<16xf32>
    %broadcast_in_dim3A_819 = arith.constant 0 : i32
    %broadcast_in_dim3A_820 = vector.broadcast %broadcast_in_dim3A_819 : i32 to vector<16xi32>
    %broadcast_in_dim3A_821 = arith.constant 0.000000e+00 : f32
    %broadcast_in_dim3A_822 = vector.broadcast %broadcast_in_dim3A_821 : f32 to vector<16xf32>
    %scan3A_823 = arith.constant 0 : i32
    %scan3A_824 = arith.constant 64 : i32
    %scan3A_825 = arith.addi %scan3A_823, %scan3A_824 : i32
    %scan3A_826 = arith.constant 1 : i32
    %scan3A_827:2 = scf.for %scan3A_879 = %scan3A_823 to %scan3A_825 step %scan3A_826 iter_args(%scan3A_880 = %broadcast_in_dim3A_822, %scan3A_881 = %broadcast_in_dim3A_822) -> (vector<16xf32>, vector<16xf32>)  : i32 {
      %broadcast_in_dim3A_882 = vector.broadcast %scan3A_879 : i32 to vector<16xi32>
      %gather3A = tpu.vector_load_idx %arg27[%broadcast_in_dim3A_820, %broadcast_in_dim3A_882] : memref<1x64xf32, #tpu.memory_space<vmem>>[vector<16xi32>, vector<16xi32>], vector<16xf32>,
      %gather3A_883 = tpu.vector_load_idx %arg24[%add3A_801, %broadcast_in_dim3A_882] : memref<128x64xf32, #tpu.memory_space<vmem>>[vector<16xi32>, vector<16xi32>], vector<16xf32>,
      %mul3A_884 = arith.mulf %scan3A_808, %gather3A : vector<16xf32>
      %sub3A_885 = arith.subf %gather3A_883, %mul3A_884 : vector<16xf32>
      %gather3A_886 = tpu.vector_load_idx %arg21[%add3A_801, %broadcast_in_dim3A_882] : memref<128x64xf32, #tpu.memory_space<vmem>>[vector<16xi32>, vector<16xi32>], vector<16xf32>,
      %mul3A_887 = arith.mulf %sub3A_885, %div3A_818 : vector<16xf32>
      %add3A_888 = arith.addf %gather3A_886, %mul3A_887 : vector<16xf32>
      %gather3A_889 = tpu.vector_load_idx %arg22[%add3A_801, %broadcast_in_dim3A_882] : memref<128x64xf32, #tpu.memory_space<vmem>>[vector<16xi32>, vector<16xi32>], vector<16xf32>,
      %gather3A_890 = tpu.vector_load_idx %arg23[%add3A_801, %broadcast_in_dim3A_882] : memref<128x64xf32, #tpu.memory_space<vmem>>[vector<16xi32>, vector<16xi32>], vector<16xf32>,
      %mul3A_891 = arith.mulf %add3A_888, %gather3A_889 : vector<16xf32>
      %add3A_892 = arith.addf %scan3A_880, %mul3A_891 : vector<16xf32>
      %mul3A_893 = arith.mulf %add3A_888, %gather3A_890 : vector<16xf32>
      %add3A_894 = arith.addf %scan3A_881, %mul3A_893 : vector<16xf32>
      scf.yield %add3A_892, %add3A_894 : vector<16xf32>, vector<16xf32>
    }
    %scan3A_828 = arith.constant 64 : i32
    %get3A_829 = arith.constant 96 : index
    %get3A_830 = tpu.vector_load %arg16[%get3A_829] {strides = array<i32>} : memref<128xf32, #tpu.memory_space<vmem>>, vector<16xf32>,
    %sub3A_831 = arith.subf %scan3A_827#0, %get3A_830 : vector<16xf32>
    %swap3A_832 = arith.constant 96 : index
    %swap3A_833 = tpu.vector_load %arg25[%swap3A_832] {strides = array<i32>} : memref<128xf32, #tpu.memory_space<vmem>>, vector<16xf32>,
    tpu.vector_store %arg25[%swap3A_832], %sub3A_831 {strides = array<i32>} : memref<128xf32, #tpu.memory_space<vmem>>, vector<16xf32>,
    %get3A_834 = arith.constant 96 : index
    %get3A_835 = tpu.vector_load %arg17[%get3A_834] {strides = array<i32>} : memref<128xf32, #tpu.memory_space<vmem>>, vector<16xf32>,
    %sub3A_836 = arith.subf %scan3A_827#1, %get3A_835 : vector<16xf32>
    %swap3A_837 = arith.constant 96 : index
    %swap3A_838 = tpu.vector_load %arg26[%swap3A_837] {strides = array<i32>} : memref<128xf32, #tpu.memory_space<vmem>>, vector<16xf32>,
    tpu.vector_store %arg26[%swap3A_837], %sub3A_836 {strides = array<i32>} : memref<128xf32, #tpu.memory_space<vmem>>, vector<16xf32>,
    %add3A_839 = arith.constant 112 : i32
    %add3A_840 = vector.broadcast %add3A_839 : i32 to vector<16xi32>
    %add3A_841 = arith.addi %iota3A, %add3A_840 : vector<16xi32>
    %broadcast_in_dim3A_842 = arith.constant 0.000000e+00 : f32
    %broadcast_in_dim3A_843 = vector.broadcast %broadcast_in_dim3A_842 : f32 to vector<16xf32>
    %scan3A_844 = arith.constant 0 : i32
    %scan3A_845 = arith.constant 50 : i32
    %scan3A_846 = arith.addi %scan3A_844, %scan3A_845 : i32
    %scan3A_847 = arith.constant 1 : i32
    %scan3A_848 = scf.for %scan3A_879 = %scan3A_844 to %scan3A_846 step %scan3A_847 iter_args(%scan3A_880 = %broadcast_in_dim3A_843) -> (vector<16xf32>)  : i32 {
      %mul3A_881 = arith.constant 50 : i32
      %mul3A_882 = vector.broadcast %mul3A_881 : i32 to vector<16xi32>
      %mul3A_883 = arith.muli %iota3A, %mul3A_882 : vector<16xi32>
      %add3A_884 = arith.constant 5600 : i32
      %add3A_885 = vector.broadcast %add3A_884 : i32 to vector<16xi32>
      %add3A_886 = arith.addi %add3A_885, %mul3A_883 : vector<16xi32>
      %add3A_887 = vector.broadcast %scan3A_879 : i32 to vector<16xi32>
      %add3A_888 = arith.addi %add3A_886, %add3A_887 : vector<16xi32>
      %gather3A = tpu.vector_load_idx %arg12[%add3A_888] : memref<6400xi32, #tpu.memory_space<vmem>>[vector<16xi32>], vector<16xi32>,
      %eq3A = arith.constant 0 : i32
      %eq3A_889 = vector.broadcast %eq3A : i32 to vector<16xi32>
      %eq3A_890 = arith.cmpi eq, %gather3A, %eq3A_889 : vector<16xi32>
      %jit3A = arith.constant 1.000000e+00 : f32
      %jit3A_891 = arith.constant 0.000000e+00 : f32
      %broadcast_in_dim3A_892 = vector.broadcast %jit3A : f32 to vector<16xf32>
      %broadcast_in_dim3A_893 = vector.broadcast %jit3A_891 : f32 to vector<16xf32>
      %select_n3A = arith.select %eq3A_890, %broadcast_in_dim3A_892, %broadcast_in_dim3A_893 : vector<16xi1>, vector<16xf32>
      %add3A_894 = arith.addf %scan3A_880, %select_n3A : vector<16xf32>
      scf.yield %add3A_894 : vector<16xf32>
    }
    %scan3A_849 = arith.constant 50 : i32
    %sub3A_850 = arith.constant 5.000000e+01 : f32
    %sub3A_851 = vector.broadcast %sub3A_850 : f32 to vector<16xf32>
    %sub3A_852 = arith.subf %sub3A_851, %scan3A_848 : vector<16xf32>
    %add3A_853 = arith.constant 9.99999971E-10 : f32
    %add3A_854 = vector.broadcast %add3A_853 : f32 to vector<16xf32>
    %add3A_855 = arith.addf %sub3A_852, %add3A_854 : vector<16xf32>
    %div3A_856 = arith.constant 1.000000e+00 : f32
    %div3A_857 = vector.broadcast %div3A_856 : f32 to vector<16xf32>
    %div3A_858 = arith.divf %div3A_857, %add3A_855 : vector<16xf32>
    %broadcast_in_dim3A_859 = arith.constant 0 : i32
    %broadcast_in_dim3A_860 = vector.broadcast %broadcast_in_dim3A_859 : i32 to vector<16xi32>
    %broadcast_in_dim3A_861 = arith.constant 0.000000e+00 : f32
    %broadcast_in_dim3A_862 = vector.broadcast %broadcast_in_dim3A_861 : f32 to vector<16xf32>
    %scan3A_863 = arith.constant 0 : i32
    %scan3A_864 = arith.constant 64 : i32
    %scan3A_865 = arith.addi %scan3A_863, %scan3A_864 : i32
    %scan3A_866 = arith.constant 1 : i32
    %scan3A_867:2 = scf.for %scan3A_879 = %scan3A_863 to %scan3A_865 step %scan3A_866 iter_args(%scan3A_880 = %broadcast_in_dim3A_862, %scan3A_881 = %broadcast_in_dim3A_862) -> (vector<16xf32>, vector<16xf32>)  : i32 {
      %broadcast_in_dim3A_882 = vector.broadcast %scan3A_879 : i32 to vector<16xi32>
      %gather3A = tpu.vector_load_idx %arg27[%broadcast_in_dim3A_860, %broadcast_in_dim3A_882] : memref<1x64xf32, #tpu.memory_space<vmem>>[vector<16xi32>, vector<16xi32>], vector<16xf32>,
      %gather3A_883 = tpu.vector_load_idx %arg24[%add3A_841, %broadcast_in_dim3A_882] : memref<128x64xf32, #tpu.memory_space<vmem>>[vector<16xi32>, vector<16xi32>], vector<16xf32>,
      %mul3A_884 = arith.mulf %scan3A_848, %gather3A : vector<16xf32>
      %sub3A_885 = arith.subf %gather3A_883, %mul3A_884 : vector<16xf32>
      %gather3A_886 = tpu.vector_load_idx %arg21[%add3A_841, %broadcast_in_dim3A_882] : memref<128x64xf32, #tpu.memory_space<vmem>>[vector<16xi32>, vector<16xi32>], vector<16xf32>,
      %mul3A_887 = arith.mulf %sub3A_885, %div3A_858 : vector<16xf32>
      %add3A_888 = arith.addf %gather3A_886, %mul3A_887 : vector<16xf32>
      %gather3A_889 = tpu.vector_load_idx %arg22[%add3A_841, %broadcast_in_dim3A_882] : memref<128x64xf32, #tpu.memory_space<vmem>>[vector<16xi32>, vector<16xi32>], vector<16xf32>,
      %gather3A_890 = tpu.vector_load_idx %arg23[%add3A_841, %broadcast_in_dim3A_882] : memref<128x64xf32, #tpu.memory_space<vmem>>[vector<16xi32>, vector<16xi32>], vector<16xf32>,
      %mul3A_891 = arith.mulf %add3A_888, %gather3A_889 : vector<16xf32>
      %add3A_892 = arith.addf %scan3A_880, %mul3A_891 : vector<16xf32>
      %mul3A_893 = arith.mulf %add3A_888, %gather3A_890 : vector<16xf32>
      %add3A_894 = arith.addf %scan3A_881, %mul3A_893 : vector<16xf32>
      scf.yield %add3A_892, %add3A_894 : vector<16xf32>, vector<16xf32>
    }
    %scan3A_868 = arith.constant 64 : i32
    %get3A_869 = arith.constant 112 : index
    %get3A_870 = tpu.vector_load %arg16[%get3A_869] {strides = array<i32>} : memref<128xf32, #tpu.memory_space<vmem>>, vector<16xf32>,
    %sub3A_871 = arith.subf %scan3A_867#0, %get3A_870 : vector<16xf32>
    %swap3A_872 = arith.constant 112 : index
    %swap3A_873 = tpu.vector_load %arg25[%swap3A_872] {strides = array<i32>} : memref<128xf32, #tpu.memory_space<vmem>>, vector<16xf32>,
    tpu.vector_store %arg25[%swap3A_872], %sub3A_871 {strides = array<i32>} : memref<128xf32, #tpu.memory_space<vmem>>, vector<16xf32>,
    %get3A_874 = arith.constant 112 : index
    %get3A_875 = tpu.vector_load %arg17[%get3A_874] {strides = array<i32>} : memref<128xf32, #tpu.memory_space<vmem>>, vector<16xf32>,
    %sub3A_876 = arith.subf %scan3A_867#1, %get3A_875 : vector<16xf32>
    %swap3A_877 = arith.constant 112 : index
    %swap3A_878 = tpu.vector_load %arg26[%swap3A_877] {strides = array<i32>} : memref<128xf32, #tpu.memory_space<vmem>>, vector<16xf32>,
    tpu.vector_store %arg26[%swap3A_877], %sub3A_876 {strides = array<i32>} : memref<128xf32, #tpu.memory_space<vmem>>, vector<16xf32>,
    "tpu.region"() ({
      %run_scoped3A = tpu.sem_alloc : memref<!tpu.dma_semaphore, #tpu.memory_space<semaphore_mem>>
      %dma_start3A_879 = tpu.memref_slice %arg10[%mul3A_2] : memref<4096xf32, #tpu.memory_space<hbm>> -> memref<128xf32, #tpu.memory_space<hbm>>
      %dma_start3A_880 = tpu.memref_slice %arg10[%mul3A_2] : memref<4096xf32, #tpu.memory_space<hbm>> -> memref<128xf32, #tpu.memory_space<hbm>>
      tpu.enqueue_dma source(%arg25 : memref<128xf32, #tpu.memory_space<vmem>>) target(%dma_start3A_880 : memref<128xf32, #tpu.memory_space<hbm>>) target_semaphore(%run_scoped3A : memref<!tpu.dma_semaphore, #tpu.memory_space<semaphore_mem>>)
      %dma_wait3A_881 = tpu.memref_slice %arg10[%mul3A_2] : memref<4096xf32, #tpu.memory_space<hbm>> -> memref<128xf32, #tpu.memory_space<hbm>>
      %dma_wait3A_882 = tpu.memref_slice %arg10[%mul3A_2] : memref<4096xf32, #tpu.memory_space<hbm>> -> memref<128xf32, #tpu.memory_space<hbm>>
      tpu.wait_dma2 semaphore(%run_scoped3A : memref<!tpu.dma_semaphore, #tpu.memory_space<semaphore_mem>>) src(%arg25 : memref<128xf32, #tpu.memory_space<vmem>>) dst(%dma_wait3A_882 : memref<128xf32, #tpu.memory_space<hbm>>)
      tpu.yield
    }) : () -> ()
    "tpu.region"() ({
      %run_scoped3A = tpu.sem_alloc : memref<!tpu.dma_semaphore, #tpu.memory_space<semaphore_mem>>
      %dma_start3A_879 = tpu.memref_slice %arg11[%mul3A_2] : memref<4096xf32, #tpu.memory_space<hbm>> -> memref<128xf32, #tpu.memory_space<hbm>>
      %dma_start3A_880 = tpu.memref_slice %arg11[%mul3A_2] : memref<4096xf32, #tpu.memory_space<hbm>> -> memref<128xf32, #tpu.memory_space<hbm>>
      tpu.enqueue_dma source(%arg26 : memref<128xf32, #tpu.memory_space<vmem>>) target(%dma_start3A_880 : memref<128xf32, #tpu.memory_space<hbm>>) target_semaphore(%run_scoped3A : memref<!tpu.dma_semaphore, #tpu.memory_space<semaphore_mem>>)
      %dma_wait3A_881 = tpu.memref_slice %arg11[%mul3A_2] : memref<4096xf32, #tpu.memory_space<hbm>> -> memref<128xf32, #tpu.memory_space<hbm>>
      %dma_wait3A_882 = tpu.memref_slice %arg11[%mul3A_2] : memref<4096xf32, #tpu.memory_space<hbm>> -> memref<128xf32, #tpu.memory_space<hbm>>
      tpu.wait_dma2 semaphore(%run_scoped3A : memref<!tpu.dma_semaphore, #tpu.memory_space<semaphore_mem>>) src(%arg26 : memref<128xf32, #tpu.memory_space<vmem>>) dst(%dma_wait3A_882 : memref<128xf32, #tpu.memory_space<hbm>>)
      tpu.yield
    }) : () -> ()
    return
  }
}

</mosaic_0001>

<sc_bundles>
// kernel: kernel.3.cloned.1.call-start
scs
__scs_entry_jumppad:
0x0: {  	(pc) =	sbr.rel $0x88, $3  }
0x1: {  	(tag) =	ssettag $0x0;
	lr =	simm.s32 $0x1  }
0x2: {  	[smem:$0x3F99] =	sst lr;
	_ =	strace $0xD0000000  }
0x3: {  	_ = 	snop  }
0x4: {  	_ = 	snop  }
0x5: {  	_ = 	snop  }
0x6: {  	_ = 	snop  }
0x7: {  	_ = 	snop  }
__scs_overlays_trampoline_lowered:
0x8: {  	[smem:$0x3FA8] =	sst s0  }
0x9: {  	[smem:$0x3FA9] =	sst s1  }
0xa: {  	[smem:$0x3FAA] =	sst s2  }
0xb: {  	[smem:$0x3FAB] =	sst s3  }
0xc: {  	[smem:$0x3FAC] =	sst s4  }
0xd: {  	[smem:$0x3FAD] =	sst s5  }
0xe: {  	[smem:$0x3FAE] =	sst s6  }
0xf: {  	[smem:$0x3FAF] =	sst s7  }
0x10: {  	[smem:$0x3FB0] =	sst s8  }
0x11: {  	[smem:$0x3FB1] =	sst s9;
	s0 =	simm.s32 @!p0 $0x0  }
0x12: {  	s1 =	sld [smem:$0x3F97];
	s0 =	simm.s32 @p0 $0x1  }
0x13: {  	[smem:$0x3FB2] =	sst s0;
	s0 =	simm.s32 @!p1 $0x0  }
0x14: {  	s2 =	sld [smem:$0x3F96];
	s0 =	simm.s32 @p1 $0x1  }
0x15: {  	[smem:$0x3FB3] =	sst s0;
	s0 =	simm.s32 @!p2 $0x0  }
0x16: {  	s3 =	sld [smem:$0x3FDB];
	s0 =	simm.s32 @p2 $0x1  }
0x17: {  	s4 =	simm.s32 $0x1BF5;
	[smem:$0x3FB5] =	sst s0  }
0x18: {  	s0 =	sld [smem:$0x3F98];
	_ =	swait.ge [sflag:s4], $0x0  }
0x19: {  	s7 =	sld [smem:$0x3F99]  }
0x1a: {  	s8 =	sadd.s32 $0xFFFFE003, lr  }
0x1b: {  	s9 =	sadd.s32 $0xFFFFFEF7, lr;
	s5 =	simm.s32 $0xFFFFFFFF;
	p2 =	slt.u32 s8, $0xFFFFF086  }
0x1c: {  	p1 =	slt.u32 s9, $0xF7A;
	s5 =	simm.s32 @!p2 $0x0  }
0x1d: {  	s5 =	simm.s32 @p1 $0x1;
	p0 =	seq.s32 s7, s2  }
0x1e: {  	s7 =	smul.u32 @!p0 $0xF7A, s2;
	p2 =	seq.s32 @!p0 s5, $0x0  }
0x1f: {  	s9 =	smul.u32 $0xF7A, s1;
	s8 =	simm.s32 @!p0 $0x1BF5;
	p2 =	por !p2, p0  }
0x20: {  	[sflag:s8] =	ssyncset.s32 @!p0 $0xFFFFF086;
	s6 =	sadd.s32 @!p0 s3, s7;
	s7 =	simm.s32 @!p0 $0x108  }
0x21: {  	s3 =	sadd.s32 s3, s9;
	s6 =	sadd.s32 @!p0 $0x88, s6;
	s7 =	simm.s32 @p2 $0x1082  }
0x22: {  	[simem:s7], [sflag:s8] =	dma.local @!p0 [hbm:s6], $0xF7A  }
0x23: {  	s9 =	sor.u32 $0xD0000000, s2;
	s6 =	simm.s32 $0x108;
	_ =	swait.ge @!p0 [sflag:s8], $0x0  }
0x24: {  	s3 =	sadd.s32 $0x88, s3;
	s6 =	simm.s32 @!p1 $0x1082;
	[sflag:s4] =	ssyncset.s32 $0xFFFFF086  }
0x25: {  	[simem:s6], [sflag:s4] =	dma.local [hbm:s3], $0xF7A  }
0x26: {  	[smem:$0x3F99] =	sst s1;
	(tag) =	ssettag s2;
	_ =	strace s9  }
0x27: {  	s1 =	sld [smem:$0x3FA9]  }
0x28: {  	s2 =	sld [smem:$0x3FAA]  }
0x29: {  	s4 =	sld [smem:$0x3FAC]  }
0x2a: {  	p0 =	seq.s32 s5, $0x0;
	s5 =	sld [smem:$0x3FAD]  }
0x2b: {  	s6 =	sld [smem:$0x3FAE]  }
0x2c: {  	s7 =	sld [smem:$0x3FAF]  }
0x2d: {  	s3 =	simm.s32 $0x108;
	s8 =	sld [smem:$0x3FB0]  }
0x2e: {  	s3 =	simm.s32 @!p0 $0x1082;
	s9 =	sld [smem:$0x3FB1]  }
0x2f: {  	lr =	sadd.s32 s0, s3;
	s0 =	sld [smem:$0x3FA8]  }
0x30: {  	s3 =	sld [smem:$0x3FAB]  }
0x31: {  	[smem:$0x3FB4] =	sst s10  }
0x32: {  	s10 =	sld [smem:$0x3FB2];
	_ =	sdelay $0x3  }
0x33: {  	p0 =	seq.s32 s10, $0x1;
	s10 =	sld [smem:$0x3FB4];
	_ =	sdelay $0x3  }
0x34: {  	[smem:$0x3FB4] =	sst s10  }
0x35: {  	s10 =	sld [smem:$0x3FB3];
	_ =	sdelay $0x3  }
0x36: {  	p1 =	seq.s32 s10, $0x1;
	s10 =	sld [smem:$0x3FB4];
	_ =	sdelay $0x3  }
0x37: {  	[smem:$0x3FB4] =	sst s10  }
0x38: {  	s10 =	sld [smem:$0x3FB5]  }
0x39: {  	_ = 	snop;
	(pc) =	sbr.ind lr, $3  }
0x3a: {  	_ = 	snop  }
0x3b: {  	_ = 	snop  }
0x3c: {  	p2 =	seq.s32 s10, $0x1;
	s10 =	sld [smem:$0x3FB4]  }
0x3d: {  	_ =	shalt  }
0x3e: {  	_ =	shalt  }
0x3f: {  	_ =	shalt  }
0x40: {  	_ =	shalt  }
0x41: {  	_ =	shalt  }
0x42: {  	_ =	shalt  }
0x43: {  	_ =	shalt  }
0x44: {  	_ =	shalt  }
0x45: {  	_ =	shalt  }
0x46: {  	_ =	shalt  }
0x47: {  	_ =	shalt  }
0x48: {  	_ =	shalt  }
0x49: {  	_ =	shalt  }
0x4a: {  	_ =	shalt  }
0x4b: {  	_ =	shalt  }
0x4c: {  	_ =	shalt  }
0x4d: {  	_ =	shalt  }
0x4e: {  	_ =	shalt  }
0x4f: {  	_ =	shalt  }
0x50: {  	_ =	shalt  }
0x51: {  	_ =	shalt  }
0x52: {  	_ =	shalt  }
0x53: {  	_ =	shalt  }
0x54: {  	_ =	shalt  }
0x55: {  	_ =	shalt  }
0x56: {  	_ =	shalt  }
0x57: {  	_ =	shalt  }
0x58: {  	_ =	shalt  }
0x59: {  	_ =	shalt  }
0x5a: {  	_ =	shalt  }
0x5b: {  	_ =	shalt  }
0x5c: {  	_ =	shalt  }
0x5d: {  	_ =	shalt  }
0x5e: {  	_ =	shalt  }
0x5f: {  	_ =	shalt  }
0x60: {  	_ =	shalt  }
0x61: {  	_ =	shalt  }
0x62: {  	_ =	shalt  }
0x63: {  	_ =	shalt  }
0x64: {  	_ =	shalt  }
0x65: {  	_ =	shalt  }
0x66: {  	_ =	shalt  }
0x67: {  	_ =	shalt  }
0x68: {  	_ =	shalt  }
0x69: {  	_ =	shalt  }
0x6a: {  	_ =	shalt  }
0x6b: {  	_ =	shalt  }
0x6c: {  	_ =	shalt  }
0x6d: {  	_ =	shalt  }
0x6e: {  	_ =	shalt  }
0x6f: {  	_ =	shalt  }
0x70: {  	_ =	shalt  }
0x71: {  	_ =	shalt  }
0x72: {  	_ =	shalt  }
0x73: {  	_ =	shalt  }
0x74: {  	_ =	shalt  }
0x75: {  	_ =	shalt  }
0x76: {  	_ =	shalt  }
0x77: {  	_ =	shalt  }
0x78: {  	_ =	shalt  }
0x79: {  	_ =	shalt  }
0x7a: {  	_ =	shalt  }
0x7b: {  	_ =	shalt  }
0x7c: {  	_ =	shalt  }
0x7d: {  	_ =	shalt  }
0x7e: {  	_ =	shalt  }
0x7f: {  	_ =	shalt  }
0x80: {  	_ =	shalt  }
0x81: {  	_ =	shalt  }
0x82: {  	_ =	shalt  }
0x83: {  	_ =	shalt  }
0x84: {  	_ =	shalt  }
0x85: {  	_ =	shalt  }
0x86: {  	_ =	shalt  }
0x87: {  	_ =	shalt  }
.Lfunc_end0:
.L_simem_size_0:
called_computation_lowered:
.L_overlay_start_0:
0x88: {  	s2 =	sld [smem:$0x3FD9]  }
0x89: {  	s3 =	sld [smem:$0x3FFE];
	_ =	sdelay $0x1  }
0x8a: {  	s1 =	srdreg.scid  }
0x8b: {  	s0 =	sand.u32 $0x1, s1  }
0x8c: {  	s14 =	sshll.u32 s0, $0xA;
	s2 =	sadd.s32 s3, s2  }
0x8d: {  	s2 =	sadd.s32 s2, s14  }
0x8e: {  	[smem:$0x3FC0] =	sst s2  }
0x8f: {  	_ = 	snop  }
0x90: {  	s2 =	sld [smem:$0x3FC9]  }
0x91: {  	s15 =	sld [smem:$0x3FC7]  }
0x92: {  	s4 =	sld [smem:$0x3FD0]  }
0x93: {  	s5 =	sld [smem:$0x3FC6]  }
0x94: {  	s6 =	sld [smem:$0x3FC5]  }
0x95: {  	s8 =	simm.s32 $0xA;
	s9 =	simm.s32 $0x10;
	s7 =	sld [smem:$0x3FC4]  }
0x96: {  	[smem:s9], [sflag:s8] =	dma.local [hbm:s4], $0x1  }
0x97: {  	_ =	swait.eq [sflag:s8], $0x1  }
0x98: {  	[sflag:s8] =	ssyncset.done $0x0  }
0x99: {  	s16 =	sld [smem:$0x10];
	[sflag:s8] =	ssyncadd.s32 $0xFFFFFFFF  }
0x9a: {  	s17 =	sld [smem:$0x11];
	(tm) =	ssettm $0x1  }
0x9b: {  	s18 =	sld [smem:$0x3FFB];
	_ =	sdelay $0x3  }
0x9c: {  	_ =	strace s18  }
0x9d: {  	s9 =	sld [smem:$0x3FFC];
	_ =	sdelay $0x3  }
0x9e: {  	_ =	strace s9  }
0x9f: {  	s9 =	sld [smem:$0x3FFD];
	_ =	sdelay $0x3  }
0xa0: {  	_ =	strace s9  }
0xa1: {  	_ =	strace $0x8FFFFFFF  }
0xa2: {  	s19 =	sld [smem:$0x3FDB];
	_ =	sdelay $0x1  }
0xa3: {  	s10 =	simm.s32 $_scs_section_size  }
0xa4: {  	s11 =	simm.s32 $_size__tile_overlayer_lowered;
	s12 =	simm.s32 $_tile_overlayer_lowered  }
0xa5: {  	s22 =	simm.s32 $0x1BFF;
	s21 =	sshll.u32 s12, $0x1;
	s9 =	sadd.s32 s10, s19  }
0xa6: {  	s13 =	simm.s32 $0x0;
	s20 =	sshll.u32 s11, $0x1;
	s11 =	sadd.s32 s21, s9  }
0xa7: {  	[timem:s13], [sflag:s22] =	dma.local [hbm:s11], s20  }
0xa8: {  	_ =	swait.ge [sflag:s22], s20  }
0xa9: {  	s10 =	ssub.s32 $0x0, s20;
	[sflag:s22] =	ssyncset.done $0x0  }
0xaa: {  	[sflag:s22] =	ssyncadd.s32 s10;
	_ =	sdelay $0x1  }
0xab: {  	s23 =	simm.s32 $0x1B8B  }
0xac: {  	_ =	swait.ge [sflag:s23], $0x1  }
0xad: {  	[sflag:s23] =	ssyncset.done $0x0  }
0xae: {  	s25 =	simm.s32 $0x1B8E;
	s24 =	sld [smem:$0x3FFE];
	[sflag:s23] =	ssyncadd.s32 $0xFFFFFFFF  }
0xaf: {  	s26 =	simm.s32 $execute0_lowered;
	[smem:$0x3FD2] =	sst s25  }
0xb0: {  	s11 =	sshll.u32 s26, $0x1;
	_ =	strace $0x80000046;
	[dreg:$0x1] =	wrdreg $0xFFFFFFFF  }
0xb1: {  	s28 =	simm.s32 $_size_execute0_lowered;
	s9 =	sadd.s32 s9, s11;
	[dreg:$0x0] =	wrdreg $0x0  }
0xb2: {  	s11 =	sshll.u32 s28, $0x1;
	[dreg:$0x2] =	wrdreg s9  }
0xb3: {  	[dreg:$0x3] =	wrdreg s11  }
0xb4: {  	[dreg:$0x4] =	wrdreg $0xC0  }
0xb5: {  	_ =	task [dreg:s13], $0x5FFFF  }
0xb6: {  	[dreg:$0x1] =	wrdreg $0xFFFFFFFF  }
0xb7: {  	[dreg:$0x0] =	wrdreg $0x60  }
0xb8: {  	[dreg:$0x2] =	wrdreg s24  }
0xb9: {  	[dreg:$0x3] =	wrdreg s2  }
0xba: {  	[dreg:$0x4] =	wrdreg s15  }
0xbb: {  	[dreg:$0x5] =	wrdreg s5  }
0xbc: {  	[dreg:$0x6] =	wrdreg s6  }
0xbd: {  	[dreg:$0x7] =	wrdreg s7  }
0xbe: {  	[dreg:$0x8] =	wrdreg s16  }
0xbf: {  	[dreg:$0x9] =	wrdreg s17  }
0xc0: {  	[dreg:$0xa] =	wrdreg $0x9  }
0xc1: {  	_ =	task.clear_ibuf [dreg:s13], $0xBFFFF;
	_ =	strace $0x90000046  }
0xc2: {  	s29 =	simm.s32 $0x9;
	_ =	strace $0x80000048  }
0xc3: {  	_ =	swait.ge [sflag:s29], $0x1  }
0xc4: {  	[sflag:s29] =	ssyncadd.s32 $0xFFFFFFFF  }
0xc5: {  	_ =	strace $0x90000048  }
0xc6: {  	_ =	sfence  }
0xc7: {  	s30 =	sld [smem:$0x0];
	_ =	sdelay $0x2  }
0xc8: {  	s31 =	sshll.u32 s1, $0xD;
	s1 =	sshrl.u32 s1, $0x2  }
0xc9: {  	s3 =	sand.u32 $0x4000, s31;
	s1 =	sadd.s32 s1, s30  }
0xca: {  	s0 =	sor.u32 s3, s0;
	s1 =	sshll.u32 s1, $0x11  }
0xcb: {  	s0 =	sor.u32 s1, s0  }
0xcc: {  	s0 =	sadd.s32 $0x8F2B, s0  }
0xcd: {  	[sflag:s0] =	ssyncadd.remote.s32 $0x1  }
0xce: {  	_ =	sfence.sel $0xFFFF  }
0xcf: {  	[dreg:$0x0] =	wrdreg $0xFFFFFFFF;
	(pc) =	sbr.abs _section_cstart, $3  }
0xd0: {  	[dreg:$0x1] =	wrdreg $0xFFFFFFFF  }
0xd1: {  	_ =	task.clear_ibuf [dreg:s13], $0x2FFFF;
	_ =	strace $0x9FFFFFFF  }
0xd2: {  	(tm) =	ssettm $0x7FFFFFFF  }
0xd3: {  	_ =	shalt  }
tec
execute0_lowered:
.L_overlay_start_1:
0x0: {  	(tag) =	ssettag $0x1  }
0x1: {  	s0 =	rddreg [dreg:$0x0]  }
0x2: {  	s1 =	rddreg [dreg:$0x1]  }
0x3: {  	s7 =	rddreg [dreg:$0x2]  }
0x4: {  	s8 =	rddreg [dreg:$0x3]  }
0x5: {  	s9 =	rddreg [dreg:$0x4]  }
0x6: {  	s10 =	rddreg [dreg:$0x5]  }
0x7: {  	s2 =	srdreg.scid;
	s11 =	rddreg [dreg:$0x6]  }
0x8: {  	s4 =	stileid.u32;
	s12 =	rddreg [dreg:$0x7];
	s14 =	simm.s32 $0x7  }
0x9: {  	s20 =	simm.s32 $0x13280;
	s28 =	simm.s32 $0x4D80;
	s30 =	simm.s32 $0x7F80  }
0xa: {  	s31 =	simm.s32 $0x4;
	s19 =	simm.s32 $0x6;
	s29 =	simm.s32 $0x1  }
0xb: {  	s18 =	simm.s32 $0x3;
	s15 =	simm.s32 $0x11180;
	s16 =	simm.s32 $0x0  }
0xc: {  	s3 =	sand.u32 $0x1, s2;
	s21 =	sshll.u32 s4, $0x1;
	s2 =	simm.s32 $0x0  }
0xd: {  	s23 =	sadd.s32 $0x187600, s0;
	s4 =	sadd.s32 $0xF43000, s0;
	s6 =	sor.u32 s3, s21  }
0xe: {  	[smem:$0x7FF] =	sst s2;
	s13 =	ssub.s32 $0x2, s3;
	s21 =	simm.s32 $0x80  }
0xf: {  	s22 =	smul.u32 $0x320, s6;
	_ =	strace $0x80000047;
	[dreg:$0x9] =	wrdreg s23  }
0x10: {  	s24 =	sshrl.u32 s13, $0x1;
	s26 =	sshll.u32 s6, $0x4;
	s23 =	simm.s32 $0xD180  }
0x11: {  	s6 =	simm.s32 $0x1A00;
	s1 =	sadd.s32 s1, s26;
	s7 =	sadd.s32 s7, s26  }
0x12: {  	s8 =	sadd.s32 s8, s26;
	s9 =	sadd.s32 s9, s26;
	s10 =	sadd.s32 s10, s26  }
0x13: {  	s11 =	sadd.s32 s11, s26;
	s12 =	sadd.s32 s12, s26;
	s26 =	simm.s32 $0x1B80  }
0x14: {  	s5 =	sadd.s32 s22, s0;
	s0 =	ssub.s32 s13, s24;
	[dreg:$0xb] =	wrdreg s1  }
0x15: {  	v0 =	vlaneseq.u32;
	s22 =	simm.s32 $0xB180;
	s24 =	simm.s32 $0xF180;
	s1 =	simm.s32 $0x2  }
0x16: {  	v1 =	vmul.u32 $0x32, v0;
	s25 =	sadd.s32 $0xC00, s5;
	s13 =	smax.u32 s0, $0x1;
	s0 =	simm.s32 $0x5  }
0x17: {  	v2 =	vimm.f32 $0.0e+00;
	s5 =	simm.s32 $0x1980;
	[dreg:$0xa] =	wrdreg s25;
	s25 =	simm.s32 $0xC8  }
.LBB2_1:
0x18: {  	s3 =	rddreg [dreg:$0xa]  }
0x19: {  	[tilespmem:s2], [sflag:$0x7] =	stream.linear.gather [hbm4b:s3+s2], $0x1900, $0x38;
	[tilespmem:$0x132C0] =	vst v63  }
0x1a: {  	_ =	swait.ge [sflag:s14], $0x1900  }
0x1b: {  	[sflag:s14] =	ssyncset.done $0x0  }
0x1c: {  	s17 =	simm.s32 $0x1900;
	s3 =	rddreg [dreg:$0xb];
	[sflag:s14] =	ssyncadd.s32 $0xFFFFE700  }
0x1d: {  	[tilespmem:s17], [sflag:$0x7] =	stream.linear.gather [hbm4b:s3+s2], $0x80, $0x38;
	[tilespmem:$0x132C0] =	vst v63  }
0x1e: {  	_ =	swait.ge [sflag:s14], $0x80  }
0x1f: {  	[sflag:s14] =	ssyncset.done $0x0  }
0x20: {  	[sflag:s14] =	ssyncadd.s32 $0xFFFFFF80  }
0x21: {  	[tilespmem:s5], [sflag:$0x7] =	stream.linear.gather [hbm4b:s7+s2], $0x80, $0x38;
	[tilespmem:$0x132C0] =	vst v63  }
0x22: {  	_ =	swait.ge [sflag:s14], $0x80  }
0x23: {  	[sflag:s14] =	ssyncset.done $0x0  }
0x24: {  	[sflag:s14] =	ssyncadd.s32 $0xFFFFFF80  }
0x25: {  	[tilespmem:s6], [sflag:$0x7] =	stream.linear.gather [hbm4b:s8+s2], $0x80, $0x38;
	[tilespmem:$0x132C0] =	vst v63  }
0x26: {  	_ =	swait.ge [sflag:s14], $0x80  }
0x27: {  	[sflag:s14] =	ssyncset.done $0x0  }
0x28: {  	s3 =	simm.s32 $0x1A80;
	[sflag:s14] =	ssyncadd.s32 $0xFFFFFF80  }
0x29: {  	[tilespmem:s3], [sflag:$0x7] =	stream.linear.gather [hbm4b:s9+s2], $0x80, $0x38;
	[tilespmem:$0x132C0] =	vst v63  }
0x2a: {  	_ =	swait.ge [sflag:s14], $0x80  }
0x2b: {  	[sflag:s14] =	ssyncset.done $0x0  }
0x2c: {  	s3 =	simm.s32 $0x1B00;
	[sflag:s14] =	ssyncadd.s32 $0xFFFFFF80  }
0x2d: {  	[tilespmem:s3], [sflag:$0x7] =	stream.linear.gather [hbm4b:s10+s2], $0x80, $0x38;
	[tilespmem:$0x132C0] =	vst v63  }
0x2e: {  	_ =	swait.ge [sflag:s14], $0x80  }
0x2f: {  	[sflag:s14] =	ssyncset.done $0x0  }
0x30: {  	[sflag:s14] =	ssyncadd.s32 $0xFFFFFF80  }
0x31: {  	[tilespmem:s20], [sflag:$0x7] =	stream.linear.gather [hbm4b:s4+s2], $0x40, $0x38;
	[tilespmem:$0x132C0] =	vst v63  }
0x32: {  	_ =	swait.ge [sflag:s14], $0x40  }
0x33: {  	[sflag:s14] =	ssyncset.done $0x0  }
0x34: {  	s3 =	rddreg [dreg:$0x9];
	[sflag:s14] =	ssyncadd.s32 $0xFFFFFFC0  }
0x35: {  	[tilespmem:s22], [sflag:$0x1] =	stream.indirect.gather [hbm4b:s3+s21], $0x40, s17, s21, $0xb8;
	[tilespmem:$0x132C0] =	vst v63  }
0x36: {  	_ = 	snop  }
0x37: {  	[tilespmem:s23], [sflag:$0x2] =	stream.indirect.gather [hbm4b:s4+s21], $0x40, s5, s21, $0xb8;
	[tilespmem:$0x132C0] =	vst v63  }
0x38: {  	_ = 	snop  }
0x39: {  	[tilespmem:s24], [sflag:$0x3] =	stream.indirect.gather [hbm4b:s4+s21], $0x40, s6, s21, $0xb8;
	[tilespmem:$0x132C0] =	vst v63  }
0x3a: {  	_ = 	snop  }
0x3b: {  	[tilespmem:s26], [sflag:$0x4] =	stream.indirect.gather [hbm4b:s4+s25], $0x40, s2, s25, $0xb8;
	[tilespmem:$0x132C0] =	vst v63  }
0x3c: {  	_ = 	snop  }
0x3d: {  	[tilespmem:s28], [sflag:$0x5] =	stream.indirect.gather [hbm4b:s4+s25], $0x40, s25, s25, $0xb8;
	[tilespmem:$0x132C0] =	vst v63  }
0x3e: {  	s17 =	simm.s32 $0x190  }
0x3f: {  	[tilespmem:s30], [sflag:$0x6] =	stream.indirect.gather [hbm4b:s4+s25], $0x40, s17, s25, $0xb8;
	[tilespmem:$0x132C0] =	vst v63  }
0x40: {  	_ =	swait.ge [sflag:s31], $0x3200  }
0x41: {  	[sflag:s31] =	ssyncset.done $0x0  }
0x42: {  	s3 =	simm.s32 $0x0;
	[sflag:s31] =	ssyncadd.s32 $0xFFFFCE00  }
0x43: {  	v3 =	vld [tilespmem:s3+$0x1BB0]  }
0x44: {  	v5 =	vld [tilespmem:s3+$0x1B80]  }
0x45: {  	v4 =	vimm.f32 $0.0e+00;
	v6 =	vld [tilespmem:s3+$0x1B90]  }
0x46: {  	v8 =	vimm.f32 $0.0e+00;
	v9 =	vimm.f32 $0.0e+00;
	v10 =	vimm.f32 $0.0e+00;
	s17 =	simm.s32 $0x100;
	v7 =	vld [tilespmem:s3+$0x1BA0]  }
.LBB2_2:
0x47: {  	p0 =	sne.s32 s17, $0x3100  }
.Ltmp0:
0x48: {  	s3 =	sshra.s32 s17, $0x2;
	s17 =	sadd.s32 $0x100, s17;
	v4 =	vadd.f32 v3, v4;
	(pc) =	sbr.rel @p0 .LBB2_2-.Ltmp0, $4  }
0x49: {  	v3 =	vld [tilespmem:s3+$0x1BB0];
	v8 =	vadd.f32 v5, v8  }
0x4a: {  	v5 =	vld [tilespmem:s3+$0x1B80];
	v9 =	vadd.f32 v6, v9  }
0x4b: {  	v6 =	vld [tilespmem:s3+$0x1B90];
	v10 =	vadd.f32 v7, v10  }
0x4c: {  	v7 =	vld [tilespmem:s3+$0x1BA0]  }
0x4d: {  	_ = 	snop  }
0x4e: {  	v3 =	vadd.f32 v3, v4  }
0x4f: {  	v5 =	vadd.f32 v5, v8  }
0x50: {  	v6 =	vadd.f32 v6, v9;
	[tilespmem:$0x111B0] =	vst v3  }
0x51: {  	v7 =	vadd.f32 v7, v10;
	[tilespmem:$0x11180] =	vst v5  }
0x52: {  	[tilespmem:$0x11190] =	vst v6  }
0x53: {  	s3 =	simm.s32 $0x0;
	[tilespmem:$0x111A0] =	vst v7  }
0x54: {  	v4 =	vld [tilespmem:s3+$0x2830]  }
0x55: {  	v5 =	vld [tilespmem:s3+$0x2800]  }
0x56: {  	v8 =	vimm.f32 $0.0e+00;
	v6 =	vld [tilespmem:s3+$0x2810]  }
0x57: {  	s17 =	simm.s32 $0x100;
	v3 =	vimm.f32 $0.0e+00;
	v9 =	vimm.f32 $0.0e+00;
	v10 =	vimm.f32 $0.0e+00;
	v7 =	vld [tilespmem:s3+$0x2820]  }
.LBB2_4:
0x58: {  	p0 =	sne.s32 s17, $0x3100  }
.Ltmp1:
0x59: {  	s3 =	sshra.s32 s17, $0x2;
	s17 =	sadd.s32 $0x100, s17;
	v3 =	vadd.f32 v4, v3;
	(pc) =	sbr.rel @p0 .LBB2_4-.Ltmp1, $4  }
0x5a: {  	v4 =	vld [tilespmem:s3+$0x2830];
	v8 =	vadd.f32 v5, v8  }
0x5b: {  	v5 =	vld [tilespmem:s3+$0x2800];
	v9 =	vadd.f32 v6, v9  }
0x5c: {  	v6 =	vld [tilespmem:s3+$0x2810];
	v10 =	vadd.f32 v7, v10  }
0x5d: {  	v7 =	vld [tilespmem:s3+$0x2820]  }
0x5e: {  	_ = 	snop  }
0x5f: {  	v3 =	vadd.f32 v4, v3  }
0x60: {  	v5 =	vadd.f32 v5, v8  }
0x61: {  	v6 =	vadd.f32 v6, v9;
	[tilespmem:$0x111F0] =	vst v3  }
0x62: {  	v7 =	vadd.f32 v7, v10;
	[tilespmem:$0x111C0] =	vst v5  }
0x63: {  	[tilespmem:$0x111D0] =	vst v6  }
0x64: {  	s3 =	simm.s32 $0x0;
	[tilespmem:$0x111E0] =	vst v7  }
0x65: {  	v4 =	vld [tilespmem:s3+$0x34B0]  }
0x66: {  	v5 =	vld [tilespmem:s3+$0x3480]  }
0x67: {  	v8 =	vimm.f32 $0.0e+00;
	v6 =	vld [tilespmem:s3+$0x3490]  }
0x68: {  	s17 =	simm.s32 $0x100;
	v3 =	vimm.f32 $0.0e+00;
	v9 =	vimm.f32 $0.0e+00;
	v10 =	vimm.f32 $0.0e+00;
	v7 =	vld [tilespmem:s3+$0x34A0]  }
.LBB2_6:
0x69: {  	p0 =	sne.s32 s17, $0x3100  }
.Ltmp2:
0x6a: {  	s3 =	sshra.s32 s17, $0x2;
	s17 =	sadd.s32 $0x100, s17;
	v3 =	vadd.f32 v4, v3;
	(pc) =	sbr.rel @p0 .LBB2_6-.Ltmp2, $4  }
0x6b: {  	v4 =	vld [tilespmem:s3+$0x34B0];
	v8 =	vadd.f32 v5, v8  }
0x6c: {  	v5 =	vld [tilespmem:s3+$0x3480];
	v9 =	vadd.f32 v6, v9  }
0x6d: {  	v6 =	vld [tilespmem:s3+$0x3490];
	v10 =	vadd.f32 v7, v10  }
0x6e: {  	v7 =	vld [tilespmem:s3+$0x34A0]  }
0x6f: {  	_ = 	snop  }
0x70: {  	v3 =	vadd.f32 v4, v3  }
0x71: {  	v5 =	vadd.f32 v5, v8  }
0x72: {  	v6 =	vadd.f32 v6, v9;
	[tilespmem:$0x11230] =	vst v3  }
0x73: {  	v7 =	vadd.f32 v7, v10;
	[tilespmem:$0x11200] =	vst v5  }
0x74: {  	[tilespmem:$0x11210] =	vst v6  }
0x75: {  	s3 =	simm.s32 $0x0;
	[tilespmem:$0x11220] =	vst v7  }
0x76: {  	v4 =	vld [tilespmem:s3+$0x4130]  }
0x77: {  	v5 =	vld [tilespmem:s3+$0x4100]  }
0x78: {  	v8 =	vimm.f32 $0.0e+00;
	v6 =	vld [tilespmem:s3+$0x4110]  }
0x79: {  	s17 =	simm.s32 $0x100;
	v3 =	vimm.f32 $0.0e+00;
	v9 =	vimm.f32 $0.0e+00;
	v10 =	vimm.f32 $0.0e+00;
	v7 =	vld [tilespmem:s3+$0x4120]  }
.LBB2_8:
0x7a: {  	p0 =	sne.s32 s17, $0x3100  }
.Ltmp3:
0x7b: {  	s3 =	sshra.s32 s17, $0x2;
	s17 =	sadd.s32 $0x100, s17;
	v3 =	vadd.f32 v4, v3;
	(pc) =	sbr.rel @p0 .LBB2_8-.Ltmp3, $4  }
0x7c: {  	v4 =	vld [tilespmem:s3+$0x4130];
	v8 =	vadd.f32 v5, v8  }
0x7d: {  	v5 =	vld [tilespmem:s3+$0x4100];
	v9 =	vadd.f32 v6, v9  }
0x7e: {  	v6 =	vld [tilespmem:s3+$0x4110];
	v10 =	vadd.f32 v7, v10  }
0x7f: {  	v7 =	vld [tilespmem:s3+$0x4120]  }
0x80: {  	_ = 	snop  }
0x81: {  	v3 =	vadd.f32 v4, v3  }
0x82: {  	v5 =	vadd.f32 v5, v8  }
0x83: {  	v6 =	vadd.f32 v6, v9;
	[tilespmem:$0x11270] =	vst v3  }
0x84: {  	v7 =	vadd.f32 v7, v10;
	[tilespmem:$0x11240] =	vst v5  }
0x85: {  	[tilespmem:$0x11250] =	vst v6  }
0x86: {  	s3 =	simm.s32 $0x258;
	[tilespmem:$0x11260] =	vst v7  }
0x87: {  	[tilespmem:s26], [sflag:$0x4] =	stream.indirect.gather [hbm4b:s4+s25], $0x40, s3, s25, $0xb8;
	[tilespmem:$0x132C0] =	vst v63  }
0x88: {  	_ =	swait.ge [sflag:s0], $0x3200  }
0x89: {  	[sflag:s0] =	ssyncset.done $0x0  }
0x8a: {  	s3 =	simm.s32 $0x0;
	[sflag:s0] =	ssyncadd.s32 $0xFFFFCE00  }
0x8b: {  	v4 =	vld [tilespmem:s3+$0x4DB0]  }
0x8c: {  	v5 =	vld [tilespmem:s3+$0x4D80]  }
0x8d: {  	v8 =	vimm.f32 $0.0e+00;
	v6 =	vld [tilespmem:s3+$0x4D90]  }
0x8e: {  	s17 =	simm.s32 $0x100;
	v3 =	vimm.f32 $0.0e+00;
	v9 =	vimm.f32 $0.0e+00;
	v10 =	vimm.f32 $0.0e+00;
	v7 =	vld [tilespmem:s3+$0x4DA0]  }
.LBB2_10:
0x8f: {  	p0 =	sne.s32 s17, $0x3100  }
.Ltmp4:
0x90: {  	s3 =	sshra.s32 s17, $0x2;
	s17 =	sadd.s32 $0x100, s17;
	v3 =	vadd.f32 v4, v3;
	(pc) =	sbr.rel @p0 .LBB2_10-.Ltmp4, $4  }
0x91: {  	v4 =	vld [tilespmem:s3+$0x4DB0];
	v8 =	vadd.f32 v5, v8  }
0x92: {  	v5 =	vld [tilespmem:s3+$0x4D80];
	v9 =	vadd.f32 v6, v9  }
0x93: {  	v6 =	vld [tilespmem:s3+$0x4D90];
	v10 =	vadd.f32 v7, v10  }
0x94: {  	v7 =	vld [tilespmem:s3+$0x4DA0]  }
0x95: {  	_ = 	snop  }
0x96: {  	v3 =	vadd.f32 v4, v3  }
0x97: {  	v5 =	vadd.f32 v5, v8  }
0x98: {  	v6 =	vadd.f32 v6, v9;
	[tilespmem:$0x112B0] =	vst v3  }
0x99: {  	v7 =	vadd.f32 v7, v10;
	[tilespmem:$0x11280] =	vst v5  }
0x9a: {  	[tilespmem:$0x11290] =	vst v6  }
0x9b: {  	s3 =	simm.s32 $0x0;
	[tilespmem:$0x112A0] =	vst v7  }
0x9c: {  	v4 =	vld [tilespmem:s3+$0x5A30]  }
0x9d: {  	v5 =	vld [tilespmem:s3+$0x5A00]  }
0x9e: {  	v8 =	vimm.f32 $0.0e+00;
	v6 =	vld [tilespmem:s3+$0x5A10]  }
0x9f: {  	s17 =	simm.s32 $0x100;
	v3 =	vimm.f32 $0.0e+00;
	v9 =	vimm.f32 $0.0e+00;
	v10 =	vimm.f32 $0.0e+00;
	v7 =	vld [tilespmem:s3+$0x5A20]  }
.LBB2_12:
0xa0: {  	p0 =	sne.s32 s17, $0x3100  }
.Ltmp5:
0xa1: {  	s3 =	sshra.s32 s17, $0x2;
	s17 =	sadd.s32 $0x100, s17;
	v3 =	vadd.f32 v4, v3;
	(pc) =	sbr.rel @p0 .LBB2_12-.Ltmp5, $4  }
0xa2: {  	v4 =	vld [tilespmem:s3+$0x5A30];
	v8 =	vadd.f32 v5, v8  }
0xa3: {  	v5 =	vld [tilespmem:s3+$0x5A00];
	v9 =	vadd.f32 v6, v9  }
0xa4: {  	v6 =	vld [tilespmem:s3+$0x5A10];
	v10 =	vadd.f32 v7, v10  }
0xa5: {  	v7 =	vld [tilespmem:s3+$0x5A20]  }
0xa6: {  	_ = 	snop  }
0xa7: {  	v3 =	vadd.f32 v4, v3  }
0xa8: {  	v5 =	vadd.f32 v5, v8  }
0xa9: {  	v6 =	vadd.f32 v6, v9;
	[tilespmem:$0x112F0] =	vst v3  }
0xaa: {  	v7 =	vadd.f32 v7, v10;
	[tilespmem:$0x112C0] =	vst v5  }
0xab: {  	[tilespmem:$0x112D0] =	vst v6  }
0xac: {  	s3 =	simm.s32 $0x0;
	[tilespmem:$0x112E0] =	vst v7  }
0xad: {  	v4 =	vld [tilespmem:s3+$0x66B0]  }
0xae: {  	v5 =	vld [tilespmem:s3+$0x6680]  }
0xaf: {  	v8 =	vimm.f32 $0.0e+00;
	v6 =	vld [tilespmem:s3+$0x6690]  }
0xb0: {  	s17 =	simm.s32 $0x100;
	v3 =	vimm.f32 $0.0e+00;
	v9 =	vimm.f32 $0.0e+00;
	v10 =	vimm.f32 $0.0e+00;
	v7 =	vld [tilespmem:s3+$0x66A0]  }
.LBB2_14:
0xb1: {  	p0 =	sne.s32 s17, $0x3100  }
.Ltmp6:
0xb2: {  	s3 =	sshra.s32 s17, $0x2;
	s17 =	sadd.s32 $0x100, s17;
	v3 =	vadd.f32 v4, v3;
	(pc) =	sbr.rel @p0 .LBB2_14-.Ltmp6, $4  }
0xb3: {  	v4 =	vld [tilespmem:s3+$0x66B0];
	v8 =	vadd.f32 v5, v8  }
0xb4: {  	v5 =	vld [tilespmem:s3+$0x6680];
	v9 =	vadd.f32 v6, v9  }
0xb5: {  	v6 =	vld [tilespmem:s3+$0x6690];
	v10 =	vadd.f32 v7, v10  }
0xb6: {  	v7 =	vld [tilespmem:s3+$0x66A0]  }
0xb7: {  	_ = 	snop  }
0xb8: {  	v3 =	vadd.f32 v4, v3  }
0xb9: {  	v5 =	vadd.f32 v5, v8  }
0xba: {  	v6 =	vadd.f32 v6, v9;
	[tilespmem:$0x11330] =	vst v3  }
0xbb: {  	v7 =	vadd.f32 v7, v10;
	[tilespmem:$0x11300] =	vst v5  }
0xbc: {  	[tilespmem:$0x11310] =	vst v6  }
0xbd: {  	s3 =	simm.s32 $0x0;
	[tilespmem:$0x11320] =	vst v7  }
0xbe: {  	v4 =	vld [tilespmem:s3+$0x7330]  }
0xbf: {  	v5 =	vld [tilespmem:s3+$0x7300]  }
0xc0: {  	v8 =	vimm.f32 $0.0e+00;
	v6 =	vld [tilespmem:s3+$0x7310]  }
0xc1: {  	s17 =	simm.s32 $0x100;
	v3 =	vimm.f32 $0.0e+00;
	v9 =	vimm.f32 $0.0e+00;
	v10 =	vimm.f32 $0.0e+00;
	v7 =	vld [tilespmem:s3+$0x7320]  }
.LBB2_16:
0xc2: {  	p0 =	sne.s32 s17, $0x3100  }
.Ltmp7:
0xc3: {  	s3 =	sshra.s32 s17, $0x2;
	s17 =	sadd.s32 $0x100, s17;
	v3 =	vadd.f32 v4, v3;
	(pc) =	sbr.rel @p0 .LBB2_16-.Ltmp7, $4  }
0xc4: {  	v4 =	vld [tilespmem:s3+$0x7330];
	v8 =	vadd.f32 v5, v8  }
0xc5: {  	v5 =	vld [tilespmem:s3+$0x7300];
	v9 =	vadd.f32 v6, v9  }
0xc6: {  	v6 =	vld [tilespmem:s3+$0x7310];
	v10 =	vadd.f32 v7, v10  }
0xc7: {  	v7 =	vld [tilespmem:s3+$0x7320]  }
0xc8: {  	_ = 	snop  }
0xc9: {  	v3 =	vadd.f32 v4, v3  }
0xca: {  	v5 =	vadd.f32 v5, v8  }
0xcb: {  	v6 =	vadd.f32 v6, v9;
	[tilespmem:$0x11370] =	vst v3  }
0xcc: {  	v7 =	vadd.f32 v7, v10;
	[tilespmem:$0x11340] =	vst v5  }
0xcd: {  	[tilespmem:$0x11350] =	vst v6  }
0xce: {  	s3 =	simm.s32 $0x320;
	[tilespmem:$0x11360] =	vst v7  }
0xcf: {  	[tilespmem:s28], [sflag:$0x5] =	stream.indirect.gather [hbm4b:s4+s25], $0x40, s3, s25, $0xb8;
	[tilespmem:$0x132C0] =	vst v63  }
0xd0: {  	_ =	swait.ge [sflag:s19], $0x3200  }
0xd1: {  	[sflag:s19] =	ssyncset.done $0x0  }
0xd2: {  	s3 =	simm.s32 $0x0;
	[sflag:s19] =	ssyncadd.s32 $0xFFFFCE00  }
0xd3: {  	v4 =	vld [tilespmem:s3+$0x7FB0]  }
0xd4: {  	v5 =	vld [tilespmem:s3+$0x7F80]  }
0xd5: {  	v8 =	vimm.f32 $0.0e+00;
	v6 =	vld [tilespmem:s3+$0x7F90]  }
0xd6: {  	s17 =	simm.s32 $0x100;
	v3 =	vimm.f32 $0.0e+00;
	v9 =	vimm.f32 $0.0e+00;
	v10 =	vimm.f32 $0.0e+00;
	v7 =	vld [tilespmem:s3+$0x7FA0]  }
.LBB2_18:
0xd7: {  	p0 =	sne.s32 s17, $0x3100  }
.Ltmp8:
0xd8: {  	s3 =	sshra.s32 s17, $0x2;
	s17 =	sadd.s32 $0x100, s17;
	v3 =	vadd.f32 v4, v3;
	(pc) =	sbr.rel @p0 .LBB2_18-.Ltmp8, $4  }
0xd9: {  	v4 =	vld [tilespmem:s3+$0x7FB0];
	v8 =	vadd.f32 v5, v8  }
0xda: {  	v5 =	vld [tilespmem:s3+$0x7F80];
	v9 =	vadd.f32 v6, v9  }
0xdb: {  	v6 =	vld [tilespmem:s3+$0x7F90];
	v10 =	vadd.f32 v7, v10  }
0xdc: {  	v7 =	vld [tilespmem:s3+$0x7FA0]  }
0xdd: {  	_ = 	snop  }
0xde: {  	v3 =	vadd.f32 v4, v3  }
0xdf: {  	v5 =	vadd.f32 v5, v8  }
0xe0: {  	v6 =	vadd.f32 v6, v9;
	[tilespmem:$0x113B0] =	vst v3  }
0xe1: {  	v7 =	vadd.f32 v7, v10;
	[tilespmem:$0x11380] =	vst v5  }
0xe2: {  	[tilespmem:$0x11390] =	vst v6  }
0xe3: {  	s3 =	simm.s32 $0x0;
	[tilespmem:$0x113A0] =	vst v7  }
0xe4: {  	v4 =	vld [tilespmem:s3+$0x8C30]  }
0xe5: {  	v5 =	vld [tilespmem:s3+$0x8C00]  }
0xe6: {  	v8 =	vimm.f32 $0.0e+00;
	v6 =	vld [tilespmem:s3+$0x8C10]  }
0xe7: {  	s17 =	simm.s32 $0x100;
	v3 =	vimm.f32 $0.0e+00;
	v9 =	vimm.f32 $0.0e+00;
	v10 =	vimm.f32 $0.0e+00;
	v7 =	vld [tilespmem:s3+$0x8C20]  }
.LBB2_20:
0xe8: {  	p0 =	sne.s32 s17, $0x3100  }
.Ltmp9:
0xe9: {  	s3 =	sshra.s32 s17, $0x2;
	s17 =	sadd.s32 $0x100, s17;
	v3 =	vadd.f32 v4, v3;
	(pc) =	sbr.rel @p0 .LBB2_20-.Ltmp9, $4  }
0xea: {  	v4 =	vld [tilespmem:s3+$0x8C30];
	v8 =	vadd.f32 v5, v8  }
0xeb: {  	v5 =	vld [tilespmem:s3+$0x8C00];
	v9 =	vadd.f32 v6, v9  }
0xec: {  	v6 =	vld [tilespmem:s3+$0x8C10];
	v10 =	vadd.f32 v7, v10  }
0xed: {  	v7 =	vld [tilespmem:s3+$0x8C20]  }
0xee: {  	_ = 	snop  }
0xef: {  	v3 =	vadd.f32 v4, v3  }
0xf0: {  	v5 =	vadd.f32 v5, v8  }
0xf1: {  	v6 =	vadd.f32 v6, v9;
	[tilespmem:$0x113F0] =	vst v3  }
0xf2: {  	v7 =	vadd.f32 v7, v10;
	[tilespmem:$0x113C0] =	vst v5  }
0xf3: {  	[tilespmem:$0x113D0] =	vst v6  }
0xf4: {  	s3 =	simm.s32 $0x0;
	[tilespmem:$0x113E0] =	vst v7  }
0xf5: {  	v4 =	vld [tilespmem:s3+$0x98B0]  }
0xf6: {  	v5 =	vld [tilespmem:s3+$0x9880]  }
0xf7: {  	v8 =	vimm.f32 $0.0e+00;
	v6 =	vld [tilespmem:s3+$0x9890]  }
0xf8: {  	s17 =	simm.s32 $0x100;
	v3 =	vimm.f32 $0.0e+00;
	v9 =	vimm.f32 $0.0e+00;
	v10 =	vimm.f32 $0.0e+00;
	v7 =	vld [tilespmem:s3+$0x98A0]  }
.LBB2_22:
0xf9: {  	p0 =	sne.s32 s17, $0x3100  }
.Ltmp10:
0xfa: {  	s3 =	sshra.s32 s17, $0x2;
	s17 =	sadd.s32 $0x100, s17;
	v3 =	vadd.f32 v4, v3;
	(pc) =	sbr.rel @p0 .LBB2_22-.Ltmp10, $4  }
0xfb: {  	v4 =	vld [tilespmem:s3+$0x98B0];
	v8 =	vadd.f32 v5, v8  }
0xfc: {  	v5 =	vld [tilespmem:s3+$0x9880];
	v9 =	vadd.f32 v6, v9  }
0xfd: {  	v6 =	vld [tilespmem:s3+$0x9890];
	v10 =	vadd.f32 v7, v10  }
0xfe: {  	v7 =	vld [tilespmem:s3+$0x98A0]  }
0xff: {  	_ = 	snop  }
0x100: {  	v3 =	vadd.f32 v4, v3  }
0x101: {  	v5 =	vadd.f32 v5, v8  }
0x102: {  	v6 =	vadd.f32 v6, v9;
	[tilespmem:$0x11430] =	vst v3  }
0x103: {  	v7 =	vadd.f32 v7, v10;
	[tilespmem:$0x11400] =	vst v5  }
0x104: {  	[tilespmem:$0x11410] =	vst v6  }
0x105: {  	s3 =	simm.s32 $0x0;
	[tilespmem:$0x11420] =	vst v7  }
0x106: {  	v4 =	vld [tilespmem:s3+$0xA530]  }
0x107: {  	v5 =	vld [tilespmem:s3+$0xA500]  }
0x108: {  	v8 =	vimm.f32 $0.0e+00;
	v6 =	vld [tilespmem:s3+$0xA510]  }
0x109: {  	s17 =	simm.s32 $0x100;
	v3 =	vimm.f32 $0.0e+00;
	v9 =	vimm.f32 $0.0e+00;
	v10 =	vimm.f32 $0.0e+00;
	v7 =	vld [tilespmem:s3+$0xA520]  }
.LBB2_24:
0x10a: {  	p0 =	sne.s32 s17, $0x3100  }
.Ltmp11:
0x10b: {  	s3 =	sshra.s32 s17, $0x2;
	s17 =	sadd.s32 $0x100, s17;
	v3 =	vadd.f32 v4, v3;
	(pc) =	sbr.rel @p0 .LBB2_24-.Ltmp11, $4  }
0x10c: {  	v4 =	vld [tilespmem:s3+$0xA530];
	v8 =	vadd.f32 v5, v8  }
0x10d: {  	v5 =	vld [tilespmem:s3+$0xA500];
	v9 =	vadd.f32 v6, v9  }
0x10e: {  	v6 =	vld [tilespmem:s3+$0xA510];
	v10 =	vadd.f32 v7, v10  }
0x10f: {  	v7 =	vld [tilespmem:s3+$0xA520]  }
0x110: {  	_ = 	snop  }
0x111: {  	v3 =	vadd.f32 v4, v3  }
0x112: {  	v5 =	vadd.f32 v5, v8  }
0x113: {  	v6 =	vadd.f32 v6, v9;
	[tilespmem:$0x11470] =	vst v3  }
0x114: {  	v7 =	vadd.f32 v7, v10;
	[tilespmem:$0x11440] =	vst v5  }
0x115: {  	[tilespmem:$0x11450] =	vst v6  }
0x116: {  	s3 =	simm.s32 $0x3E8;
	[tilespmem:$0x11460] =	vst v7  }
0x117: {  	[tilespmem:s30], [sflag:$0x6] =	stream.indirect.gather [hbm4b:s4+s25], $0x40, s3, s25, $0xb8;
	[tilespmem:$0x132C0] =	vst v63  }
0x118: {  	_ =	swait.ge [sflag:s31], $0x3200  }
0x119: {  	[sflag:s31] =	ssyncset.done $0x0  }
0x11a: {  	s3 =	simm.s32 $0x0;
	[sflag:s31] =	ssyncadd.s32 $0xFFFFCE00  }
0x11b: {  	v4 =	vld [tilespmem:s3+$0x1BB0]  }
0x11c: {  	v5 =	vld [tilespmem:s3+$0x1B80]  }
0x11d: {  	v8 =	vimm.f32 $0.0e+00;
	v6 =	vld [tilespmem:s3+$0x1B90]  }
0x11e: {  	s17 =	simm.s32 $0x100;
	v3 =	vimm.f32 $0.0e+00;
	v9 =	vimm.f32 $0.0e+00;
	v10 =	vimm.f32 $0.0e+00;
	v7 =	vld [tilespmem:s3+$0x1BA0]  }
.LBB2_26:
0x11f: {  	p0 =	sne.s32 s17, $0x3100  }
.Ltmp12:
0x120: {  	s3 =	sshra.s32 s17, $0x2;
	s17 =	sadd.s32 $0x100, s17;
	v3 =	vadd.f32 v4, v3;
	(pc) =	sbr.rel @p0 .LBB2_26-.Ltmp12, $4  }
0x121: {  	v4 =	vld [tilespmem:s3+$0x1BB0];
	v8 =	vadd.f32 v5, v8  }
0x122: {  	v5 =	vld [tilespmem:s3+$0x1B80];
	v9 =	vadd.f32 v6, v9  }
0x123: {  	v6 =	vld [tilespmem:s3+$0x1B90];
	v10 =	vadd.f32 v7, v10  }
0x124: {  	v7 =	vld [tilespmem:s3+$0x1BA0]  }
0x125: {  	_ = 	snop  }
0x126: {  	v3 =	vadd.f32 v4, v3  }
0x127: {  	v5 =	vadd.f32 v5, v8  }
0x128: {  	v6 =	vadd.f32 v6, v9;
	[tilespmem:$0x114B0] =	vst v3  }
0x129: {  	v7 =	vadd.f32 v7, v10;
	[tilespmem:$0x11480] =	vst v5  }
0x12a: {  	[tilespmem:$0x11490] =	vst v6  }
0x12b: {  	s3 =	simm.s32 $0x0;
	[tilespmem:$0x114A0] =	vst v7  }
0x12c: {  	v4 =	vld [tilespmem:s3+$0x2830]  }
0x12d: {  	v5 =	vld [tilespmem:s3+$0x2800]  }
0x12e: {  	v8 =	vimm.f32 $0.0e+00;
	v6 =	vld [tilespmem:s3+$0x2810]  }
0x12f: {  	s17 =	simm.s32 $0x100;
	v3 =	vimm.f32 $0.0e+00;
	v9 =	vimm.f32 $0.0e+00;
	v10 =	vimm.f32 $0.0e+00;
	v7 =	vld [tilespmem:s3+$0x2820]  }
.LBB2_28:
0x130: {  	p0 =	sne.s32 s17, $0x3100  }
.Ltmp13:
0x131: {  	s3 =	sshra.s32 s17, $0x2;
	s17 =	sadd.s32 $0x100, s17;
	v3 =	vadd.f32 v4, v3;
	(pc) =	sbr.rel @p0 .LBB2_28-.Ltmp13, $4  }
0x132: {  	v4 =	vld [tilespmem:s3+$0x2830];
	v8 =	vadd.f32 v5, v8  }
0x133: {  	v5 =	vld [tilespmem:s3+$0x2800];
	v9 =	vadd.f32 v6, v9  }
0x134: {  	v6 =	vld [tilespmem:s3+$0x2810];
	v10 =	vadd.f32 v7, v10  }
0x135: {  	v7 =	vld [tilespmem:s3+$0x2820]  }
0x136: {  	_ = 	snop  }
0x137: {  	v3 =	vadd.f32 v4, v3  }
0x138: {  	v5 =	vadd.f32 v5, v8  }
0x139: {  	v6 =	vadd.f32 v6, v9;
	[tilespmem:$0x114F0] =	vst v3  }
0x13a: {  	v7 =	vadd.f32 v7, v10;
	[tilespmem:$0x114C0] =	vst v5  }
0x13b: {  	[tilespmem:$0x114D0] =	vst v6  }
0x13c: {  	s3 =	simm.s32 $0x0;
	[tilespmem:$0x114E0] =	vst v7  }
0x13d: {  	v4 =	vld [tilespmem:s3+$0x34B0]  }
0x13e: {  	v5 =	vld [tilespmem:s3+$0x3480]  }
0x13f: {  	v8 =	vimm.f32 $0.0e+00;
	v6 =	vld [tilespmem:s3+$0x3490]  }
0x140: {  	s17 =	simm.s32 $0x100;
	v3 =	vimm.f32 $0.0e+00;
	v9 =	vimm.f32 $0.0e+00;
	v10 =	vimm.f32 $0.0e+00;
	v7 =	vld [tilespmem:s3+$0x34A0]  }
.LBB2_30:
0x141: {  	p0 =	sne.s32 s17, $0x3100  }
.Ltmp14:
0x142: {  	s3 =	sshra.s32 s17, $0x2;
	s17 =	sadd.s32 $0x100, s17;
	v3 =	vadd.f32 v4, v3;
	(pc) =	sbr.rel @p0 .LBB2_30-.Ltmp14, $4  }
0x143: {  	v4 =	vld [tilespmem:s3+$0x34B0];
	v8 =	vadd.f32 v5, v8  }
0x144: {  	v5 =	vld [tilespmem:s3+$0x3480];
	v9 =	vadd.f32 v6, v9  }
0x145: {  	v6 =	vld [tilespmem:s3+$0x3490];
	v10 =	vadd.f32 v7, v10  }
0x146: {  	v7 =	vld [tilespmem:s3+$0x34A0]  }
0x147: {  	_ = 	snop  }
0x148: {  	v3 =	vadd.f32 v4, v3  }
0x149: {  	v5 =	vadd.f32 v5, v8  }
0x14a: {  	v6 =	vadd.f32 v6, v9;
	[tilespmem:$0x11530] =	vst v3  }
0x14b: {  	v7 =	vadd.f32 v7, v10;
	[tilespmem:$0x11500] =	vst v5  }
0x14c: {  	[tilespmem:$0x11510] =	vst v6  }
0x14d: {  	s3 =	simm.s32 $0x0;
	[tilespmem:$0x11520] =	vst v7  }
0x14e: {  	v4 =	vld [tilespmem:s3+$0x4130]  }
0x14f: {  	v5 =	vld [tilespmem:s3+$0x4100]  }
0x150: {  	v8 =	vimm.f32 $0.0e+00;
	v6 =	vld [tilespmem:s3+$0x4110]  }
0x151: {  	s17 =	simm.s32 $0x100;
	v3 =	vimm.f32 $0.0e+00;
	v9 =	vimm.f32 $0.0e+00;
	v10 =	vimm.f32 $0.0e+00;
	v7 =	vld [tilespmem:s3+$0x4120]  }
.LBB2_32:
0x152: {  	p0 =	sne.s32 s17, $0x3100  }
.Ltmp15:
0x153: {  	s3 =	sshra.s32 s17, $0x2;
	s17 =	sadd.s32 $0x100, s17;
	v3 =	vadd.f32 v4, v3;
	(pc) =	sbr.rel @p0 .LBB2_32-.Ltmp15, $4  }
0x154: {  	v4 =	vld [tilespmem:s3+$0x4130];
	v8 =	vadd.f32 v5, v8  }
0x155: {  	v5 =	vld [tilespmem:s3+$0x4100];
	v9 =	vadd.f32 v6, v9  }
0x156: {  	v6 =	vld [tilespmem:s3+$0x4110];
	v10 =	vadd.f32 v7, v10  }
0x157: {  	v7 =	vld [tilespmem:s3+$0x4120]  }
0x158: {  	_ = 	snop  }
0x159: {  	v3 =	vadd.f32 v4, v3  }
0x15a: {  	v5 =	vadd.f32 v5, v8  }
0x15b: {  	v6 =	vadd.f32 v6, v9;
	[tilespmem:$0x11570] =	vst v3  }
0x15c: {  	v7 =	vadd.f32 v7, v10;
	[tilespmem:$0x11540] =	vst v5  }
0x15d: {  	[tilespmem:$0x11550] =	vst v6  }
0x15e: {  	s3 =	simm.s32 $0x4B0;
	[tilespmem:$0x11560] =	vst v7  }
0x15f: {  	[tilespmem:s26], [sflag:$0x4] =	stream.indirect.gather [hbm4b:s4+s25], $0x40, s3, s25, $0xb8;
	[tilespmem:$0x132C0] =	vst v63  }
0x160: {  	_ =	swait.ge [sflag:s0], $0x3200  }
0x161: {  	[sflag:s0] =	ssyncset.done $0x0  }
0x162: {  	s3 =	simm.s32 $0x0;
	[sflag:s0] =	ssyncadd.s32 $0xFFFFCE00  }
0x163: {  	v4 =	vld [tilespmem:s3+$0x4DB0]  }
0x164: {  	v5 =	vld [tilespmem:s3+$0x4D80]  }
0x165: {  	v8 =	vimm.f32 $0.0e+00;
	v6 =	vld [tilespmem:s3+$0x4D90]  }
0x166: {  	s17 =	simm.s32 $0x100;
	v3 =	vimm.f32 $0.0e+00;
	v9 =	vimm.f32 $0.0e+00;
	v10 =	vimm.f32 $0.0e+00;
	v7 =	vld [tilespmem:s3+$0x4DA0]  }
.LBB2_34:
0x167: {  	p0 =	sne.s32 s17, $0x3100  }
.Ltmp16:
0x168: {  	s3 =	sshra.s32 s17, $0x2;
	s17 =	sadd.s32 $0x100, s17;
	v3 =	vadd.f32 v4, v3;
	(pc) =	sbr.rel @p0 .LBB2_34-.Ltmp16, $4  }
0x169: {  	v4 =	vld [tilespmem:s3+$0x4DB0];
	v8 =	vadd.f32 v5, v8  }
0x16a: {  	v5 =	vld [tilespmem:s3+$0x4D80];
	v9 =	vadd.f32 v6, v9  }
0x16b: {  	v6 =	vld [tilespmem:s3+$0x4D90];
	v10 =	vadd.f32 v7, v10  }
0x16c: {  	v7 =	vld [tilespmem:s3+$0x4DA0]  }
0x16d: {  	_ = 	snop  }
0x16e: {  	v3 =	vadd.f32 v4, v3  }
0x16f: {  	v5 =	vadd.f32 v5, v8  }
0x170: {  	v6 =	vadd.f32 v6, v9;
	[tilespmem:$0x115B0] =	vst v3  }
0x171: {  	v7 =	vadd.f32 v7, v10;
	[tilespmem:$0x11580] =	vst v5  }
0x172: {  	[tilespmem:$0x11590] =	vst v6  }
0x173: {  	s3 =	simm.s32 $0x0;
	[tilespmem:$0x115A0] =	vst v7  }
0x174: {  	v4 =	vld [tilespmem:s3+$0x5A30]  }
0x175: {  	v5 =	vld [tilespmem:s3+$0x5A00]  }
0x176: {  	v8 =	vimm.f32 $0.0e+00;
	v6 =	vld [tilespmem:s3+$0x5A10]  }
0x177: {  	s17 =	simm.s32 $0x100;
	v3 =	vimm.f32 $0.0e+00;
	v9 =	vimm.f32 $0.0e+00;
	v10 =	vimm.f32 $0.0e+00;
	v7 =	vld [tilespmem:s3+$0x5A20]  }
.LBB2_36:
0x178: {  	p0 =	sne.s32 s17, $0x3100  }
.Ltmp17:
0x179: {  	s3 =	sshra.s32 s17, $0x2;
	s17 =	sadd.s32 $0x100, s17;
	v3 =	vadd.f32 v4, v3;
	(pc) =	sbr.rel @p0 .LBB2_36-.Ltmp17, $4  }
0x17a: {  	v4 =	vld [tilespmem:s3+$0x5A30];
	v8 =	vadd.f32 v5, v8  }
0x17b: {  	v5 =	vld [tilespmem:s3+$0x5A00];
	v9 =	vadd.f32 v6, v9  }
0x17c: {  	v6 =	vld [tilespmem:s3+$0x5A10];
	v10 =	vadd.f32 v7, v10  }
0x17d: {  	v7 =	vld [tilespmem:s3+$0x5A20]  }
0x17e: {  	_ = 	snop  }
0x17f: {  	v3 =	vadd.f32 v4, v3  }
0x180: {  	v5 =	vadd.f32 v5, v8  }
0x181: {  	v6 =	vadd.f32 v6, v9;
	[tilespmem:$0x115F0] =	vst v3  }
0x182: {  	v7 =	vadd.f32 v7, v10;
	[tilespmem:$0x115C0] =	vst v5  }
0x183: {  	[tilespmem:$0x115D0] =	vst v6  }
0x184: {  	s3 =	simm.s32 $0x0;
	[tilespmem:$0x115E0] =	vst v7  }
0x185: {  	v4 =	vld [tilespmem:s3+$0x66B0]  }
0x186: {  	v5 =	vld [tilespmem:s3+$0x6680]  }
0x187: {  	v8 =	vimm.f32 $0.0e+00;
	v6 =	vld [tilespmem:s3+$0x6690]  }
0x188: {  	s17 =	simm.s32 $0x100;
	v3 =	vimm.f32 $0.0e+00;
	v9 =	vimm.f32 $0.0e+00;
	v10 =	vimm.f32 $0.0e+00;
	v7 =	vld [tilespmem:s3+$0x66A0]  }
.LBB2_38:
0x189: {  	p0 =	sne.s32 s17, $0x3100  }
.Ltmp18:
0x18a: {  	s3 =	sshra.s32 s17, $0x2;
	s17 =	sadd.s32 $0x100, s17;
	v3 =	vadd.f32 v4, v3;
	(pc) =	sbr.rel @p0 .LBB2_38-.Ltmp18, $4  }
0x18b: {  	v4 =	vld [tilespmem:s3+$0x66B0];
	v8 =	vadd.f32 v5, v8  }
0x18c: {  	v5 =	vld [tilespmem:s3+$0x6680];
	v9 =	vadd.f32 v6, v9  }
0x18d: {  	v6 =	vld [tilespmem:s3+$0x6690];
	v10 =	vadd.f32 v7, v10  }
0x18e: {  	v7 =	vld [tilespmem:s3+$0x66A0]  }
0x18f: {  	_ = 	snop  }
0x190: {  	v3 =	vadd.f32 v4, v3  }
0x191: {  	v5 =	vadd.f32 v5, v8  }
0x192: {  	v6 =	vadd.f32 v6, v9;
	[tilespmem:$0x11630] =	vst v3  }
0x193: {  	v7 =	vadd.f32 v7, v10;
	[tilespmem:$0x11600] =	vst v5  }
0x194: {  	[tilespmem:$0x11610] =	vst v6  }
0x195: {  	s3 =	simm.s32 $0x0;
	[tilespmem:$0x11620] =	vst v7  }
0x196: {  	v4 =	vld [tilespmem:s3+$0x7330]  }
0x197: {  	v5 =	vld [tilespmem:s3+$0x7300]  }
0x198: {  	v8 =	vimm.f32 $0.0e+00;
	v6 =	vld [tilespmem:s3+$0x7310]  }
0x199: {  	s17 =	simm.s32 $0x100;
	v3 =	vimm.f32 $0.0e+00;
	v9 =	vimm.f32 $0.0e+00;
	v10 =	vimm.f32 $0.0e+00;
	v7 =	vld [tilespmem:s3+$0x7320]  }
.LBB2_40:
0x19a: {  	p0 =	sne.s32 s17, $0x3100  }
.Ltmp19:
0x19b: {  	s3 =	sshra.s32 s17, $0x2;
	s17 =	sadd.s32 $0x100, s17;
	v3 =	vadd.f32 v4, v3;
	(pc) =	sbr.rel @p0 .LBB2_40-.Ltmp19, $4  }
0x19c: {  	v4 =	vld [tilespmem:s3+$0x7330];
	v8 =	vadd.f32 v5, v8  }
0x19d: {  	v5 =	vld [tilespmem:s3+$0x7300];
	v9 =	vadd.f32 v6, v9  }
0x19e: {  	v6 =	vld [tilespmem:s3+$0x7310];
	v10 =	vadd.f32 v7, v10  }
0x19f: {  	v7 =	vld [tilespmem:s3+$0x7320]  }
0x1a0: {  	_ = 	snop  }
0x1a1: {  	v3 =	vadd.f32 v4, v3  }
0x1a2: {  	v5 =	vadd.f32 v5, v8  }
0x1a3: {  	v6 =	vadd.f32 v6, v9;
	[tilespmem:$0x11670] =	vst v3  }
0x1a4: {  	v7 =	vadd.f32 v7, v10;
	[tilespmem:$0x11640] =	vst v5  }
0x1a5: {  	[tilespmem:$0x11650] =	vst v6  }
0x1a6: {  	s3 =	simm.s32 $0x578;
	[tilespmem:$0x11660] =	vst v7  }
0x1a7: {  	[tilespmem:s28], [sflag:$0x5] =	stream.indirect.gather [hbm4b:s4+s25], $0x40, s3, s25, $0xb8;
	[tilespmem:$0x132C0] =	vst v63  }
0x1a8: {  	_ =	swait.ge [sflag:s19], $0x3200  }
0x1a9: {  	[sflag:s19] =	ssyncset.done $0x0  }
0x1aa: {  	s3 =	simm.s32 $0x0;
	[sflag:s19] =	ssyncadd.s32 $0xFFFFCE00  }
0x1ab: {  	v4 =	vld [tilespmem:s3+$0x7FB0]  }
0x1ac: {  	v5 =	vld [tilespmem:s3+$0x7F80]  }
0x1ad: {  	v8 =	vimm.f32 $0.0e+00;
	v6 =	vld [tilespmem:s3+$0x7F90]  }
0x1ae: {  	s17 =	simm.s32 $0x100;
	v3 =	vimm.f32 $0.0e+00;
	v9 =	vimm.f32 $0.0e+00;
	v10 =	vimm.f32 $0.0e+00;
	v7 =	vld [tilespmem:s3+$0x7FA0]  }
.LBB2_42:
0x1af: {  	p0 =	sne.s32 s17, $0x3100  }
.Ltmp20:
0x1b0: {  	s3 =	sshra.s32 s17, $0x2;
	s17 =	sadd.s32 $0x100, s17;
	v3 =	vadd.f32 v4, v3;
	(pc) =	sbr.rel @p0 .LBB2_42-.Ltmp20, $4  }
0x1b1: {  	v4 =	vld [tilespmem:s3+$0x7FB0];
	v8 =	vadd.f32 v5, v8  }
0x1b2: {  	v5 =	vld [tilespmem:s3+$0x7F80];
	v9 =	vadd.f32 v6, v9  }
0x1b3: {  	v6 =	vld [tilespmem:s3+$0x7F90];
	v10 =	vadd.f32 v7, v10  }
0x1b4: {  	v7 =	vld [tilespmem:s3+$0x7FA0]  }
0x1b5: {  	_ = 	snop  }
0x1b6: {  	v3 =	vadd.f32 v4, v3  }
0x1b7: {  	v5 =	vadd.f32 v5, v8  }
0x1b8: {  	v6 =	vadd.f32 v6, v9;
	[tilespmem:$0x116B0] =	vst v3  }
0x1b9: {  	v7 =	vadd.f32 v7, v10;
	[tilespmem:$0x11680] =	vst v5  }
0x1ba: {  	[tilespmem:$0x11690] =	vst v6  }
0x1bb: {  	s3 =	simm.s32 $0x0;
	[tilespmem:$0x116A0] =	vst v7  }
0x1bc: {  	v4 =	vld [tilespmem:s3+$0x8C30]  }
0x1bd: {  	v5 =	vld [tilespmem:s3+$0x8C00]  }
0x1be: {  	v8 =	vimm.f32 $0.0e+00;
	v6 =	vld [tilespmem:s3+$0x8C10]  }
0x1bf: {  	s17 =	simm.s32 $0x100;
	v3 =	vimm.f32 $0.0e+00;
	v9 =	vimm.f32 $0.0e+00;
	v10 =	vimm.f32 $0.0e+00;
	v7 =	vld [tilespmem:s3+$0x8C20]  }
.LBB2_44:
0x1c0: {  	p0 =	sne.s32 s17, $0x3100  }
.Ltmp21:
0x1c1: {  	s3 =	sshra.s32 s17, $0x2;
	s17 =	sadd.s32 $0x100, s17;
	v3 =	vadd.f32 v4, v3;
	(pc) =	sbr.rel @p0 .LBB2_44-.Ltmp21, $4  }
0x1c2: {  	v4 =	vld [tilespmem:s3+$0x8C30];
	v8 =	vadd.f32 v5, v8  }
0x1c3: {  	v5 =	vld [tilespmem:s3+$0x8C00];
	v9 =	vadd.f32 v6, v9  }
0x1c4: {  	v6 =	vld [tilespmem:s3+$0x8C10];
	v10 =	vadd.f32 v7, v10  }
0x1c5: {  	v7 =	vld [tilespmem:s3+$0x8C20]  }
0x1c6: {  	_ = 	snop  }
0x1c7: {  	v3 =	vadd.f32 v4, v3  }
0x1c8: {  	v5 =	vadd.f32 v5, v8  }
0x1c9: {  	v6 =	vadd.f32 v6, v9;
	[tilespmem:$0x116F0] =	vst v3  }
0x1ca: {  	v7 =	vadd.f32 v7, v10;
	[tilespmem:$0x116C0] =	vst v5  }
0x1cb: {  	[tilespmem:$0x116D0] =	vst v6  }
0x1cc: {  	s3 =	simm.s32 $0x0;
	[tilespmem:$0x116E0] =	vst v7  }
0x1cd: {  	v4 =	vld [tilespmem:s3+$0x98B0]  }
0x1ce: {  	v5 =	vld [tilespmem:s3+$0x9880]  }
0x1cf: {  	v8 =	vimm.f32 $0.0e+00;
	v6 =	vld [tilespmem:s3+$0x9890]  }
0x1d0: {  	s17 =	simm.s32 $0x100;
	v3 =	vimm.f32 $0.0e+00;
	v9 =	vimm.f32 $0.0e+00;
	v10 =	vimm.f32 $0.0e+00;
	v7 =	vld [tilespmem:s3+$0x98A0]  }
.LBB2_46:
0x1d1: {  	p0 =	sne.s32 s17, $0x3100  }
.Ltmp22:
0x1d2: {  	s3 =	sshra.s32 s17, $0x2;
	s17 =	sadd.s32 $0x100, s17;
	v3 =	vadd.f32 v4, v3;
	(pc) =	sbr.rel @p0 .LBB2_46-.Ltmp22, $4  }
0x1d3: {  	v4 =	vld [tilespmem:s3+$0x98B0];
	v8 =	vadd.f32 v5, v8  }
0x1d4: {  	v5 =	vld [tilespmem:s3+$0x9880];
	v9 =	vadd.f32 v6, v9  }
0x1d5: {  	v6 =	vld [tilespmem:s3+$0x9890];
	v10 =	vadd.f32 v7, v10  }
0x1d6: {  	v7 =	vld [tilespmem:s3+$0x98A0]  }
0x1d7: {  	_ = 	snop  }
0x1d8: {  	v3 =	vadd.f32 v4, v3  }
0x1d9: {  	v5 =	vadd.f32 v5, v8  }
0x1da: {  	v6 =	vadd.f32 v6, v9;
	[tilespmem:$0x11730] =	vst v3  }
0x1db: {  	v7 =	vadd.f32 v7, v10;
	[tilespmem:$0x11700] =	vst v5  }
0x1dc: {  	[tilespmem:$0x11710] =	vst v6  }
0x1dd: {  	s3 =	simm.s32 $0x0;
	[tilespmem:$0x11720] =	vst v7  }
0x1de: {  	v4 =	vld [tilespmem:s3+$0xA530]  }
0x1df: {  	v5 =	vld [tilespmem:s3+$0xA500]  }
0x1e0: {  	v8 =	vimm.f32 $0.0e+00;
	v6 =	vld [tilespmem:s3+$0xA510]  }
0x1e1: {  	s17 =	simm.s32 $0x100;
	v3 =	vimm.f32 $0.0e+00;
	v9 =	vimm.f32 $0.0e+00;
	v10 =	vimm.f32 $0.0e+00;
	v7 =	vld [tilespmem:s3+$0xA520]  }
.LBB2_48:
0x1e2: {  	p0 =	sne.s32 s17, $0x3100  }
.Ltmp23:
0x1e3: {  	s3 =	sshra.s32 s17, $0x2;
	s17 =	sadd.s32 $0x100, s17;
	v3 =	vadd.f32 v4, v3;
	(pc) =	sbr.rel @p0 .LBB2_48-.Ltmp23, $4  }
0x1e4: {  	v4 =	vld [tilespmem:s3+$0xA530];
	v8 =	vadd.f32 v5, v8  }
0x1e5: {  	v5 =	vld [tilespmem:s3+$0xA500];
	v9 =	vadd.f32 v6, v9  }
0x1e6: {  	v6 =	vld [tilespmem:s3+$0xA510];
	v10 =	vadd.f32 v7, v10  }
0x1e7: {  	v7 =	vld [tilespmem:s3+$0xA520]  }
0x1e8: {  	_ = 	snop  }
0x1e9: {  	v3 =	vadd.f32 v4, v3  }
0x1ea: {  	v5 =	vadd.f32 v5, v8  }
0x1eb: {  	v6 =	vadd.f32 v6, v9;
	[tilespmem:$0x11770] =	vst v3  }
0x1ec: {  	v7 =	vadd.f32 v7, v10;
	[tilespmem:$0x11740] =	vst v5  }
0x1ed: {  	[tilespmem:$0x11750] =	vst v6  }
0x1ee: {  	s3 =	simm.s32 $0x640;
	[tilespmem:$0x11760] =	vst v7  }
0x1ef: {  	[tilespmem:s30], [sflag:$0x6] =	stream.indirect.gather [hbm4b:s4+s25], $0x40, s3, s25, $0xb8;
	[tilespmem:$0x132C0] =	vst v63  }
0x1f0: {  	_ =	swait.ge [sflag:s31], $0x3200  }
0x1f1: {  	[sflag:s31] =	ssyncset.done $0x0  }
0x1f2: {  	s3 =	simm.s32 $0x0;
	[sflag:s31] =	ssyncadd.s32 $0xFFFFCE00  }
0x1f3: {  	v4 =	vld [tilespmem:s3+$0x1BB0]  }
0x1f4: {  	v5 =	vld [tilespmem:s3+$0x1B80]  }
0x1f5: {  	v8 =	vimm.f32 $0.0e+00;
	v6 =	vld [tilespmem:s3+$0x1B90]  }
0x1f6: {  	s17 =	simm.s32 $0x100;
	v3 =	vimm.f32 $0.0e+00;
	v9 =	vimm.f32 $0.0e+00;
	v10 =	vimm.f32 $0.0e+00;
	v7 =	vld [tilespmem:s3+$0x1BA0]  }
.LBB2_50:
0x1f7: {  	p0 =	sne.s32 s17, $0x3100  }
.Ltmp24:
0x1f8: {  	s3 =	sshra.s32 s17, $0x2;
	s17 =	sadd.s32 $0x100, s17;
	v3 =	vadd.f32 v4, v3;
	(pc) =	sbr.rel @p0 .LBB2_50-.Ltmp24, $4  }
0x1f9: {  	v4 =	vld [tilespmem:s3+$0x1BB0];
	v8 =	vadd.f32 v5, v8  }
0x1fa: {  	v5 =	vld [tilespmem:s3+$0x1B80];
	v9 =	vadd.f32 v6, v9  }
0x1fb: {  	v6 =	vld [tilespmem:s3+$0x1B90];
	v10 =	vadd.f32 v7, v10  }
0x1fc: {  	v7 =	vld [tilespmem:s3+$0x1BA0]  }
0x1fd: {  	_ = 	snop  }
0x1fe: {  	v3 =	vadd.f32 v4, v3  }
0x1ff: {  	v5 =	vadd.f32 v5, v8  }
0x200: {  	v6 =	vadd.f32 v6, v9;
	[tilespmem:$0x117B0] =	vst v3  }
0x201: {  	v7 =	vadd.f32 v7, v10;
	[tilespmem:$0x11780] =	vst v5  }
0x202: {  	[tilespmem:$0x11790] =	vst v6  }
0x203: {  	s3 =	simm.s32 $0x0;
	[tilespmem:$0x117A0] =	vst v7  }
0x204: {  	v4 =	vld [tilespmem:s3+$0x2830]  }
0x205: {  	v5 =	vld [tilespmem:s3+$0x2800]  }
0x206: {  	v8 =	vimm.f32 $0.0e+00;
	v6 =	vld [tilespmem:s3+$0x2810]  }
0x207: {  	s17 =	simm.s32 $0x100;
	v3 =	vimm.f32 $0.0e+00;
	v9 =	vimm.f32 $0.0e+00;
	v10 =	vimm.f32 $0.0e+00;
	v7 =	vld [tilespmem:s3+$0x2820]  }
.LBB2_52:
0x208: {  	p0 =	sne.s32 s17, $0x3100  }
.Ltmp25:
0x209: {  	s3 =	sshra.s32 s17, $0x2;
	s17 =	sadd.s32 $0x100, s17;
	v3 =	vadd.f32 v4, v3;
	(pc) =	sbr.rel @p0 .LBB2_52-.Ltmp25, $4  }
0x20a: {  	v4 =	vld [tilespmem:s3+$0x2830];
	v8 =	vadd.f32 v5, v8  }
0x20b: {  	v5 =	vld [tilespmem:s3+$0x2800];
	v9 =	vadd.f32 v6, v9  }
0x20c: {  	v6 =	vld [tilespmem:s3+$0x2810];
	v10 =	vadd.f32 v7, v10  }
0x20d: {  	v7 =	vld [tilespmem:s3+$0x2820]  }
0x20e: {  	_ = 	snop  }
0x20f: {  	v3 =	vadd.f32 v4, v3  }
0x210: {  	v5 =	vadd.f32 v5, v8  }
0x211: {  	v6 =	vadd.f32 v6, v9;
	[tilespmem:$0x117F0] =	vst v3  }
0x212: {  	v7 =	vadd.f32 v7, v10;
	[tilespmem:$0x117C0] =	vst v5  }
0x213: {  	[tilespmem:$0x117D0] =	vst v6  }
0x214: {  	s3 =	simm.s32 $0x0;
	[tilespmem:$0x117E0] =	vst v7  }
0x215: {  	v4 =	vld [tilespmem:s3+$0x34B0]  }
0x216: {  	v5 =	vld [tilespmem:s3+$0x3480]  }
0x217: {  	v8 =	vimm.f32 $0.0e+00;
	v6 =	vld [tilespmem:s3+$0x3490]  }
0x218: {  	s17 =	simm.s32 $0x100;
	v3 =	vimm.f32 $0.0e+00;
	v9 =	vimm.f32 $0.0e+00;
	v10 =	vimm.f32 $0.0e+00;
	v7 =	vld [tilespmem:s3+$0x34A0]  }
.LBB2_54:
0x219: {  	p0 =	sne.s32 s17, $0x3100  }
.Ltmp26:
0x21a: {  	s3 =	sshra.s32 s17, $0x2;
	s17 =	sadd.s32 $0x100, s17;
	v3 =	vadd.f32 v4, v3;
	(pc) =	sbr.rel @p0 .LBB2_54-.Ltmp26, $4  }
0x21b: {  	v4 =	vld [tilespmem:s3+$0x34B0];
	v8 =	vadd.f32 v5, v8  }
0x21c: {  	v5 =	vld [tilespmem:s3+$0x3480];
	v9 =	vadd.f32 v6, v9  }
0x21d: {  	v6 =	vld [tilespmem:s3+$0x3490];
	v10 =	vadd.f32 v7, v10  }
0x21e: {  	v7 =	vld [tilespmem:s3+$0x34A0]  }
0x21f: {  	_ = 	snop  }
0x220: {  	v3 =	vadd.f32 v4, v3  }
0x221: {  	v5 =	vadd.f32 v5, v8  }
0x222: {  	v6 =	vadd.f32 v6, v9;
	[tilespmem:$0x11830] =	vst v3  }
0x223: {  	v7 =	vadd.f32 v7, v10;
	[tilespmem:$0x11800] =	vst v5  }
0x224: {  	[tilespmem:$0x11810] =	vst v6  }
0x225: {  	s3 =	simm.s32 $0x0;
	[tilespmem:$0x11820] =	vst v7  }
0x226: {  	v4 =	vld [tilespmem:s3+$0x4130]  }
0x227: {  	v5 =	vld [tilespmem:s3+$0x4100]  }
0x228: {  	v8 =	vimm.f32 $0.0e+00;
	v6 =	vld [tilespmem:s3+$0x4110]  }
0x229: {  	s17 =	simm.s32 $0x100;
	v3 =	vimm.f32 $0.0e+00;
	v9 =	vimm.f32 $0.0e+00;
	v10 =	vimm.f32 $0.0e+00;
	v7 =	vld [tilespmem:s3+$0x4120]  }
.LBB2_56:
0x22a: {  	p0 =	sne.s32 s17, $0x3100  }
.Ltmp27:
0x22b: {  	s3 =	sshra.s32 s17, $0x2;
	s17 =	sadd.s32 $0x100, s17;
	v3 =	vadd.f32 v4, v3;
	(pc) =	sbr.rel @p0 .LBB2_56-.Ltmp27, $4  }
0x22c: {  	v4 =	vld [tilespmem:s3+$0x4130];
	v8 =	vadd.f32 v5, v8  }
0x22d: {  	v5 =	vld [tilespmem:s3+$0x4100];
	v9 =	vadd.f32 v6, v9  }
0x22e: {  	v6 =	vld [tilespmem:s3+$0x4110];
	v10 =	vadd.f32 v7, v10  }
0x22f: {  	v7 =	vld [tilespmem:s3+$0x4120]  }
0x230: {  	_ = 	snop  }
0x231: {  	v3 =	vadd.f32 v4, v3  }
0x232: {  	v5 =	vadd.f32 v5, v8  }
0x233: {  	v6 =	vadd.f32 v6, v9;
	[tilespmem:$0x11870] =	vst v3  }
0x234: {  	v7 =	vadd.f32 v7, v10;
	[tilespmem:$0x11840] =	vst v5  }
0x235: {  	[tilespmem:$0x11850] =	vst v6  }
0x236: {  	s3 =	simm.s32 $0x708;
	[tilespmem:$0x11860] =	vst v7  }
0x237: {  	[tilespmem:s26], [sflag:$0x4] =	stream.indirect.gather [hbm4b:s4+s25], $0x40, s3, s25, $0xb8;
	[tilespmem:$0x132C0] =	vst v63  }
0x238: {  	_ =	swait.ge [sflag:s0], $0x3200  }
0x239: {  	[sflag:s0] =	ssyncset.done $0x0  }
0x23a: {  	s3 =	simm.s32 $0x0;
	[sflag:s0] =	ssyncadd.s32 $0xFFFFCE00  }
0x23b: {  	v4 =	vld [tilespmem:s3+$0x4DB0]  }
0x23c: {  	v5 =	vld [tilespmem:s3+$0x4D80]  }
0x23d: {  	v8 =	vimm.f32 $0.0e+00;
	v6 =	vld [tilespmem:s3+$0x4D90]  }
0x23e: {  	s17 =	simm.s32 $0x100;
	v3 =	vimm.f32 $0.0e+00;
	v9 =	vimm.f32 $0.0e+00;
	v10 =	vimm.f32 $0.0e+00;
	v7 =	vld [tilespmem:s3+$0x4DA0]  }
.LBB2_58:
0x23f: {  	p0 =	sne.s32 s17, $0x3100  }
.Ltmp28:
0x240: {  	s3 =	sshra.s32 s17, $0x2;
	s17 =	sadd.s32 $0x100, s17;
	v3 =	vadd.f32 v4, v3;
	(pc) =	sbr.rel @p0 .LBB2_58-.Ltmp28, $4  }
0x241: {  	v4 =	vld [tilespmem:s3+$0x4DB0];
	v8 =	vadd.f32 v5, v8  }
0x242: {  	v5 =	vld [tilespmem:s3+$0x4D80];
	v9 =	vadd.f32 v6, v9  }
0x243: {  	v6 =	vld [tilespmem:s3+$0x4D90];
	v10 =	vadd.f32 v7, v10  }
0x244: {  	v7 =	vld [tilespmem:s3+$0x4DA0]  }
0x245: {  	_ = 	snop  }
0x246: {  	v3 =	vadd.f32 v4, v3  }
0x247: {  	v5 =	vadd.f32 v5, v8  }
0x248: {  	v6 =	vadd.f32 v6, v9;
	[tilespmem:$0x118B0] =	vst v3  }
0x249: {  	v7 =	vadd.f32 v7, v10;
	[tilespmem:$0x11880] =	vst v5  }
0x24a: {  	[tilespmem:$0x11890] =	vst v6  }
0x24b: {  	s3 =	simm.s32 $0x0;
	[tilespmem:$0x118A0] =	vst v7  }
0x24c: {  	v4 =	vld [tilespmem:s3+$0x5A30]  }
0x24d: {  	v5 =	vld [tilespmem:s3+$0x5A00]  }
0x24e: {  	v8 =	vimm.f32 $0.0e+00;
	v6 =	vld [tilespmem:s3+$0x5A10]  }
0x24f: {  	s17 =	simm.s32 $0x100;
	v3 =	vimm.f32 $0.0e+00;
	v9 =	vimm.f32 $0.0e+00;
	v10 =	vimm.f32 $0.0e+00;
	v7 =	vld [tilespmem:s3+$0x5A20]  }
.LBB2_60:
0x250: {  	p0 =	sne.s32 s17, $0x3100  }
.Ltmp29:
0x251: {  	s3 =	sshra.s32 s17, $0x2;
	s17 =	sadd.s32 $0x100, s17;
	v3 =	vadd.f32 v4, v3;
	(pc) =	sbr.rel @p0 .LBB2_60-.Ltmp29, $4  }
0x252: {  	v4 =	vld [tilespmem:s3+$0x5A30];
	v8 =	vadd.f32 v5, v8  }
0x253: {  	v5 =	vld [tilespmem:s3+$0x5A00];
	v9 =	vadd.f32 v6, v9  }
0x254: {  	v6 =	vld [tilespmem:s3+$0x5A10];
	v10 =	vadd.f32 v7, v10  }
0x255: {  	v7 =	vld [tilespmem:s3+$0x5A20]  }
0x256: {  	_ = 	snop  }
0x257: {  	v3 =	vadd.f32 v4, v3  }
0x258: {  	v5 =	vadd.f32 v5, v8  }
0x259: {  	v6 =	vadd.f32 v6, v9;
	[tilespmem:$0x118F0] =	vst v3  }
0x25a: {  	v7 =	vadd.f32 v7, v10;
	[tilespmem:$0x118C0] =	vst v5  }
0x25b: {  	[tilespmem:$0x118D0] =	vst v6  }
0x25c: {  	s3 =	simm.s32 $0x0;
	[tilespmem:$0x118E0] =	vst v7  }
0x25d: {  	v4 =	vld [tilespmem:s3+$0x66B0]  }
0x25e: {  	v5 =	vld [tilespmem:s3+$0x6680]  }
0x25f: {  	v8 =	vimm.f32 $0.0e+00;
	v6 =	vld [tilespmem:s3+$0x6690]  }
0x260: {  	s17 =	simm.s32 $0x100;
	v3 =	vimm.f32 $0.0e+00;
	v9 =	vimm.f32 $0.0e+00;
	v10 =	vimm.f32 $0.0e+00;
	v7 =	vld [tilespmem:s3+$0x66A0]  }
.LBB2_62:
0x261: {  	p0 =	sne.s32 s17, $0x3100  }
.Ltmp30:
0x262: {  	s3 =	sshra.s32 s17, $0x2;
	s17 =	sadd.s32 $0x100, s17;
	v3 =	vadd.f32 v4, v3;
	(pc) =	sbr.rel @p0 .LBB2_62-.Ltmp30, $4  }
0x263: {  	v4 =	vld [tilespmem:s3+$0x66B0];
	v8 =	vadd.f32 v5, v8  }
0x264: {  	v5 =	vld [tilespmem:s3+$0x6680];
	v9 =	vadd.f32 v6, v9  }
0x265: {  	v6 =	vld [tilespmem:s3+$0x6690];
	v10 =	vadd.f32 v7, v10  }
0x266: {  	v7 =	vld [tilespmem:s3+$0x66A0]  }
0x267: {  	_ = 	snop  }
0x268: {  	v3 =	vadd.f32 v4, v3  }
0x269: {  	v5 =	vadd.f32 v5, v8  }
0x26a: {  	v6 =	vadd.f32 v6, v9;
	[tilespmem:$0x11930] =	vst v3  }
0x26b: {  	v7 =	vadd.f32 v7, v10;
	[tilespmem:$0x11900] =	vst v5  }
0x26c: {  	[tilespmem:$0x11910] =	vst v6  }
0x26d: {  	s3 =	simm.s32 $0x0;
	[tilespmem:$0x11920] =	vst v7  }
0x26e: {  	v4 =	vld [tilespmem:s3+$0x7330]  }
0x26f: {  	v5 =	vld [tilespmem:s3+$0x7300]  }
0x270: {  	v8 =	vimm.f32 $0.0e+00;
	v6 =	vld [tilespmem:s3+$0x7310]  }
0x271: {  	s17 =	simm.s32 $0x100;
	v3 =	vimm.f32 $0.0e+00;
	v9 =	vimm.f32 $0.0e+00;
	v10 =	vimm.f32 $0.0e+00;
	v7 =	vld [tilespmem:s3+$0x7320]  }
.LBB2_64:
0x272: {  	p0 =	sne.s32 s17, $0x3100  }
.Ltmp31:
0x273: {  	s3 =	sshra.s32 s17, $0x2;
	s17 =	sadd.s32 $0x100, s17;
	v3 =	vadd.f32 v4, v3;
	(pc) =	sbr.rel @p0 .LBB2_64-.Ltmp31, $4  }
0x274: {  	v4 =	vld [tilespmem:s3+$0x7330];
	v8 =	vadd.f32 v5, v8  }
0x275: {  	v5 =	vld [tilespmem:s3+$0x7300];
	v9 =	vadd.f32 v6, v9  }
0x276: {  	v6 =	vld [tilespmem:s3+$0x7310];
	v10 =	vadd.f32 v7, v10  }
0x277: {  	v7 =	vld [tilespmem:s3+$0x7320]  }
0x278: {  	_ = 	snop  }
0x279: {  	v3 =	vadd.f32 v4, v3  }
0x27a: {  	v5 =	vadd.f32 v5, v8  }
0x27b: {  	v6 =	vadd.f32 v6, v9;
	[tilespmem:$0x11970] =	vst v3  }
0x27c: {  	v7 =	vadd.f32 v7, v10;
	[tilespmem:$0x11940] =	vst v5  }
0x27d: {  	[tilespmem:$0x11950] =	vst v6  }
0x27e: {  	s3 =	simm.s32 $0x7D0;
	[tilespmem:$0x11960] =	vst v7  }
0x27f: {  	[tilespmem:s28], [sflag:$0x5] =	stream.indirect.gather [hbm4b:s4+s25], $0x40, s3, s25, $0xb8;
	[tilespmem:$0x132C0] =	vst v63  }
0x280: {  	_ =	swait.ge [sflag:s19], $0x3200  }
0x281: {  	[sflag:s19] =	ssyncset.done $0x0  }
0x282: {  	s3 =	simm.s32 $0x0;
	[sflag:s19] =	ssyncadd.s32 $0xFFFFCE00  }
0x283: {  	v4 =	vld [tilespmem:s3+$0x7FB0]  }
0x284: {  	v5 =	vld [tilespmem:s3+$0x7F80]  }
0x285: {  	v8 =	vimm.f32 $0.0e+00;
	v6 =	vld [tilespmem:s3+$0x7F90]  }
0x286: {  	s17 =	simm.s32 $0x100;
	v3 =	vimm.f32 $0.0e+00;
	v9 =	vimm.f32 $0.0e+00;
	v10 =	vimm.f32 $0.0e+00;
	v7 =	vld [tilespmem:s3+$0x7FA0]  }
.LBB2_66:
0x287: {  	p0 =	sne.s32 s17, $0x3100  }
.Ltmp32:
0x288: {  	s3 =	sshra.s32 s17, $0x2;
	s17 =	sadd.s32 $0x100, s17;
	v3 =	vadd.f32 v4, v3;
	(pc) =	sbr.rel @p0 .LBB2_66-.Ltmp32, $4  }
0x289: {  	v4 =	vld [tilespmem:s3+$0x7FB0];
	v8 =	vadd.f32 v5, v8  }
0x28a: {  	v5 =	vld [tilespmem:s3+$0x7F80];
	v9 =	vadd.f32 v6, v9  }
0x28b: {  	v6 =	vld [tilespmem:s3+$0x7F90];
	v10 =	vadd.f32 v7, v10  }
0x28c: {  	v7 =	vld [tilespmem:s3+$0x7FA0]  }
0x28d: {  	_ = 	snop  }
0x28e: {  	v3 =	vadd.f32 v4, v3  }
0x28f: {  	v5 =	vadd.f32 v5, v8  }
0x290: {  	v6 =	vadd.f32 v6, v9;
	[tilespmem:$0x119B0] =	vst v3  }
0x291: {  	v7 =	vadd.f32 v7, v10;
	[tilespmem:$0x11980] =	vst v5  }
0x292: {  	[tilespmem:$0x11990] =	vst v6  }
0x293: {  	s3 =	simm.s32 $0x0;
	[tilespmem:$0x119A0] =	vst v7  }
0x294: {  	v4 =	vld [tilespmem:s3+$0x8C30]  }
0x295: {  	v5 =	vld [tilespmem:s3+$0x8C00]  }
0x296: {  	v8 =	vimm.f32 $0.0e+00;
	v6 =	vld [tilespmem:s3+$0x8C10]  }
0x297: {  	s17 =	simm.s32 $0x100;
	v3 =	vimm.f32 $0.0e+00;
	v9 =	vimm.f32 $0.0e+00;
	v10 =	vimm.f32 $0.0e+00;
	v7 =	vld [tilespmem:s3+$0x8C20]  }
.LBB2_68:
0x298: {  	p0 =	sne.s32 s17, $0x3100  }
.Ltmp33:
0x299: {  	s3 =	sshra.s32 s17, $0x2;
	s17 =	sadd.s32 $0x100, s17;
	v3 =	vadd.f32 v4, v3;
	(pc) =	sbr.rel @p0 .LBB2_68-.Ltmp33, $4  }
0x29a: {  	v4 =	vld [tilespmem:s3+$0x8C30];
	v8 =	vadd.f32 v5, v8  }
0x29b: {  	v5 =	vld [tilespmem:s3+$0x8C00];
	v9 =	vadd.f32 v6, v9  }
0x29c: {  	v6 =	vld [tilespmem:s3+$0x8C10];
	v10 =	vadd.f32 v7, v10  }
0x29d: {  	v7 =	vld [tilespmem:s3+$0x8C20]  }
0x29e: {  	_ = 	snop  }
0x29f: {  	v3 =	vadd.f32 v4, v3  }
0x2a0: {  	v5 =	vadd.f32 v5, v8  }
0x2a1: {  	v6 =	vadd.f32 v6, v9;
	[tilespmem:$0x119F0] =	vst v3  }
0x2a2: {  	v7 =	vadd.f32 v7, v10;
	[tilespmem:$0x119C0] =	vst v5  }
0x2a3: {  	[tilespmem:$0x119D0] =	vst v6  }
0x2a4: {  	s3 =	simm.s32 $0x0;
	[tilespmem:$0x119E0] =	vst v7  }
0x2a5: {  	v4 =	vld [tilespmem:s3+$0x98B0]  }
0x2a6: {  	v5 =	vld [tilespmem:s3+$0x9880]  }
0x2a7: {  	v8 =	vimm.f32 $0.0e+00;
	v6 =	vld [tilespmem:s3+$0x9890]  }
0x2a8: {  	s17 =	simm.s32 $0x100;
	v3 =	vimm.f32 $0.0e+00;
	v9 =	vimm.f32 $0.0e+00;
	v10 =	vimm.f32 $0.0e+00;
	v7 =	vld [tilespmem:s3+$0x98A0]  }
.LBB2_70:
0x2a9: {  	p0 =	sne.s32 s17, $0x3100  }
.Ltmp34:
0x2aa: {  	s3 =	sshra.s32 s17, $0x2;
	s17 =	sadd.s32 $0x100, s17;
	v3 =	vadd.f32 v4, v3;
	(pc) =	sbr.rel @p0 .LBB2_70-.Ltmp34, $4  }
0x2ab: {  	v4 =	vld [tilespmem:s3+$0x98B0];
	v8 =	vadd.f32 v5, v8  }
0x2ac: {  	v5 =	vld [tilespmem:s3+$0x9880];
	v9 =	vadd.f32 v6, v9  }
0x2ad: {  	v6 =	vld [tilespmem:s3+$0x9890];
	v10 =	vadd.f32 v7, v10  }
0x2ae: {  	v7 =	vld [tilespmem:s3+$0x98A0]  }
0x2af: {  	_ = 	snop  }
0x2b0: {  	v3 =	vadd.f32 v4, v3  }
0x2b1: {  	v5 =	vadd.f32 v5, v8  }
0x2b2: {  	v6 =	vadd.f32 v6, v9;
	[tilespmem:$0x11A30] =	vst v3  }
0x2b3: {  	v7 =	vadd.f32 v7, v10;
	[tilespmem:$0x11A00] =	vst v5  }
0x2b4: {  	[tilespmem:$0x11A10] =	vst v6  }
0x2b5: {  	s3 =	simm.s32 $0x0;
	[tilespmem:$0x11A20] =	vst v7  }
0x2b6: {  	v4 =	vld [tilespmem:s3+$0xA530]  }
0x2b7: {  	v5 =	vld [tilespmem:s3+$0xA500]  }
0x2b8: {  	v8 =	vimm.f32 $0.0e+00;
	v6 =	vld [tilespmem:s3+$0xA510]  }
0x2b9: {  	s17 =	simm.s32 $0x100;
	v3 =	vimm.f32 $0.0e+00;
	v9 =	vimm.f32 $0.0e+00;
	v10 =	vimm.f32 $0.0e+00;
	v7 =	vld [tilespmem:s3+$0xA520]  }
.LBB2_72:
0x2ba: {  	p0 =	sne.s32 s17, $0x3100  }
.Ltmp35:
0x2bb: {  	s3 =	sshra.s32 s17, $0x2;
	s17 =	sadd.s32 $0x100, s17;
	v3 =	vadd.f32 v4, v3;
	(pc) =	sbr.rel @p0 .LBB2_72-.Ltmp35, $4  }
0x2bc: {  	v4 =	vld [tilespmem:s3+$0xA530];
	v8 =	vadd.f32 v5, v8  }
0x2bd: {  	v5 =	vld [tilespmem:s3+$0xA500];
	v9 =	vadd.f32 v6, v9  }
0x2be: {  	v6 =	vld [tilespmem:s3+$0xA510];
	v10 =	vadd.f32 v7, v10  }
0x2bf: {  	v7 =	vld [tilespmem:s3+$0xA520]  }
0x2c0: {  	_ = 	snop  }
0x2c1: {  	v3 =	vadd.f32 v4, v3  }
0x2c2: {  	v5 =	vadd.f32 v5, v8  }
0x2c3: {  	v6 =	vadd.f32 v6, v9;
	[tilespmem:$0x11A70] =	vst v3  }
0x2c4: {  	v7 =	vadd.f32 v7, v10;
	[tilespmem:$0x11A40] =	vst v5  }
0x2c5: {  	[tilespmem:$0x11A50] =	vst v6  }
0x2c6: {  	s3 =	simm.s32 $0x898;
	[tilespmem:$0x11A60] =	vst v7  }
0x2c7: {  	[tilespmem:s30], [sflag:$0x6] =	stream.indirect.gather [hbm4b:s4+s25], $0x40, s3, s25, $0xb8;
	[tilespmem:$0x132C0] =	vst v63  }
0x2c8: {  	_ =	swait.ge [sflag:s31], $0x3200  }
0x2c9: {  	[sflag:s31] =	ssyncset.done $0x0  }
0x2ca: {  	s3 =	simm.s32 $0x0;
	[sflag:s31] =	ssyncadd.s32 $0xFFFFCE00  }
0x2cb: {  	v4 =	vld [tilespmem:s3+$0x1BB0]  }
0x2cc: {  	v5 =	vld [tilespmem:s3+$0x1B80]  }
0x2cd: {  	v8 =	vimm.f32 $0.0e+00;
	v6 =	vld [tilespmem:s3+$0x1B90]  }
0x2ce: {  	s17 =	simm.s32 $0x100;
	v3 =	vimm.f32 $0.0e+00;
	v9 =	vimm.f32 $0.0e+00;
	v10 =	vimm.f32 $0.0e+00;
	v7 =	vld [tilespmem:s3+$0x1BA0]  }
.LBB2_74:
0x2cf: {  	p0 =	sne.s32 s17, $0x3100  }
.Ltmp36:
0x2d0: {  	s3 =	sshra.s32 s17, $0x2;
	s17 =	sadd.s32 $0x100, s17;
	v3 =	vadd.f32 v4, v3;
	(pc) =	sbr.rel @p0 .LBB2_74-.Ltmp36, $4  }
0x2d1: {  	v4 =	vld [tilespmem:s3+$0x1BB0];
	v8 =	vadd.f32 v5, v8  }
0x2d2: {  	v5 =	vld [tilespmem:s3+$0x1B80];
	v9 =	vadd.f32 v6, v9  }
0x2d3: {  	v6 =	vld [tilespmem:s3+$0x1B90];
	v10 =	vadd.f32 v7, v10  }
0x2d4: {  	v7 =	vld [tilespmem:s3+$0x1BA0]  }
0x2d5: {  	_ = 	snop  }
0x2d6: {  	v3 =	vadd.f32 v4, v3  }
0x2d7: {  	v5 =	vadd.f32 v5, v8  }
0x2d8: {  	v6 =	vadd.f32 v6, v9;
	[tilespmem:$0x11AB0] =	vst v3  }
0x2d9: {  	v7 =	vadd.f32 v7, v10;
	[tilespmem:$0x11A80] =	vst v5  }
0x2da: {  	[tilespmem:$0x11A90] =	vst v6  }
0x2db: {  	s3 =	simm.s32 $0x0;
	[tilespmem:$0x11AA0] =	vst v7  }
0x2dc: {  	v4 =	vld [tilespmem:s3+$0x2830]  }
0x2dd: {  	v5 =	vld [tilespmem:s3+$0x2800]  }
0x2de: {  	v8 =	vimm.f32 $0.0e+00;
	v6 =	vld [tilespmem:s3+$0x2810]  }
0x2df: {  	s17 =	simm.s32 $0x100;
	v3 =	vimm.f32 $0.0e+00;
	v9 =	vimm.f32 $0.0e+00;
	v10 =	vimm.f32 $0.0e+00;
	v7 =	vld [tilespmem:s3+$0x2820]  }
.LBB2_76:
0x2e0: {  	p0 =	sne.s32 s17, $0x3100  }
.Ltmp37:
0x2e1: {  	s3 =	sshra.s32 s17, $0x2;
	s17 =	sadd.s32 $0x100, s17;
	v3 =	vadd.f32 v4, v3;
	(pc) =	sbr.rel @p0 .LBB2_76-.Ltmp37, $4  }
0x2e2: {  	v4 =	vld [tilespmem:s3+$0x2830];
	v8 =	vadd.f32 v5, v8  }
0x2e3: {  	v5 =	vld [tilespmem:s3+$0x2800];
	v9 =	vadd.f32 v6, v9  }
0x2e4: {  	v6 =	vld [tilespmem:s3+$0x2810];
	v10 =	vadd.f32 v7, v10  }
0x2e5: {  	v7 =	vld [tilespmem:s3+$0x2820]  }
0x2e6: {  	_ = 	snop  }
0x2e7: {  	v3 =	vadd.f32 v4, v3  }
0x2e8: {  	v5 =	vadd.f32 v5, v8  }
0x2e9: {  	v6 =	vadd.f32 v6, v9;
	[tilespmem:$0x11AF0] =	vst v3  }
0x2ea: {  	v7 =	vadd.f32 v7, v10;
	[tilespmem:$0x11AC0] =	vst v5  }
0x2eb: {  	[tilespmem:$0x11AD0] =	vst v6  }
0x2ec: {  	s3 =	simm.s32 $0x0;
	[tilespmem:$0x11AE0] =	vst v7  }
0x2ed: {  	v4 =	vld [tilespmem:s3+$0x34B0]  }
0x2ee: {  	v5 =	vld [tilespmem:s3+$0x3480]  }
0x2ef: {  	v8 =	vimm.f32 $0.0e+00;
	v6 =	vld [tilespmem:s3+$0x3490]  }
0x2f0: {  	s17 =	simm.s32 $0x100;
	v3 =	vimm.f32 $0.0e+00;
	v9 =	vimm.f32 $0.0e+00;
	v10 =	vimm.f32 $0.0e+00;
	v7 =	vld [tilespmem:s3+$0x34A0]  }
.LBB2_78:
0x2f1: {  	p0 =	sne.s32 s17, $0x3100  }
.Ltmp38:
0x2f2: {  	s3 =	sshra.s32 s17, $0x2;
	s17 =	sadd.s32 $0x100, s17;
	v3 =	vadd.f32 v4, v3;
	(pc) =	sbr.rel @p0 .LBB2_78-.Ltmp38, $4  }
0x2f3: {  	v4 =	vld [tilespmem:s3+$0x34B0];
	v8 =	vadd.f32 v5, v8  }
0x2f4: {  	v5 =	vld [tilespmem:s3+$0x3480];
	v9 =	vadd.f32 v6, v9  }
0x2f5: {  	v6 =	vld [tilespmem:s3+$0x3490];
	v10 =	vadd.f32 v7, v10  }
0x2f6: {  	v7 =	vld [tilespmem:s3+$0x34A0]  }
0x2f7: {  	_ = 	snop  }
0x2f8: {  	v3 =	vadd.f32 v4, v3  }
0x2f9: {  	v5 =	vadd.f32 v5, v8  }
0x2fa: {  	v6 =	vadd.f32 v6, v9;
	[tilespmem:$0x11B30] =	vst v3  }
0x2fb: {  	v7 =	vadd.f32 v7, v10;
	[tilespmem:$0x11B00] =	vst v5  }
0x2fc: {  	[tilespmem:$0x11B10] =	vst v6  }
0x2fd: {  	s3 =	simm.s32 $0x0;
	[tilespmem:$0x11B20] =	vst v7  }
0x2fe: {  	v4 =	vld [tilespmem:s3+$0x4130]  }
0x2ff: {  	v5 =	vld [tilespmem:s3+$0x4100]  }
0x300: {  	v8 =	vimm.f32 $0.0e+00;
	v6 =	vld [tilespmem:s3+$0x4110]  }
0x301: {  	s17 =	simm.s32 $0x100;
	v3 =	vimm.f32 $0.0e+00;
	v9 =	vimm.f32 $0.0e+00;
	v10 =	vimm.f32 $0.0e+00;
	v7 =	vld [tilespmem:s3+$0x4120]  }
.LBB2_80:
0x302: {  	p0 =	sne.s32 s17, $0x3100  }
.Ltmp39:
0x303: {  	s3 =	sshra.s32 s17, $0x2;
	s17 =	sadd.s32 $0x100, s17;
	v3 =	vadd.f32 v4, v3;
	(pc) =	sbr.rel @p0 .LBB2_80-.Ltmp39, $4  }
0x304: {  	v4 =	vld [tilespmem:s3+$0x4130];
	v8 =	vadd.f32 v5, v8  }
0x305: {  	v5 =	vld [tilespmem:s3+$0x4100];
	v9 =	vadd.f32 v6, v9  }
0x306: {  	v6 =	vld [tilespmem:s3+$0x4110];
	v10 =	vadd.f32 v7, v10  }
0x307: {  	v7 =	vld [tilespmem:s3+$0x4120]  }
0x308: {  	_ = 	snop  }
0x309: {  	v3 =	vadd.f32 v4, v3  }
0x30a: {  	v5 =	vadd.f32 v5, v8  }
0x30b: {  	v6 =	vadd.f32 v6, v9;
	[tilespmem:$0x11B70] =	vst v3  }
0x30c: {  	v7 =	vadd.f32 v7, v10;
	[tilespmem:$0x11B40] =	vst v5  }
0x30d: {  	[tilespmem:$0x11B50] =	vst v6  }
0x30e: {  	s3 =	simm.s32 $0x960;
	[tilespmem:$0x11B60] =	vst v7  }
0x30f: {  	[tilespmem:s26], [sflag:$0x4] =	stream.indirect.gather [hbm4b:s4+s25], $0x40, s3, s25, $0xb8;
	[tilespmem:$0x132C0] =	vst v63  }
0x310: {  	_ =	swait.ge [sflag:s0], $0x3200  }
0x311: {  	[sflag:s0] =	ssyncset.done $0x0  }
0x312: {  	s3 =	simm.s32 $0x0;
	[sflag:s0] =	ssyncadd.s32 $0xFFFFCE00  }
0x313: {  	v4 =	vld [tilespmem:s3+$0x4DB0]  }
0x314: {  	v5 =	vld [tilespmem:s3+$0x4D80]  }
0x315: {  	v8 =	vimm.f32 $0.0e+00;
	v6 =	vld [tilespmem:s3+$0x4D90]  }
0x316: {  	s17 =	simm.s32 $0x100;
	v3 =	vimm.f32 $0.0e+00;
	v9 =	vimm.f32 $0.0e+00;
	v10 =	vimm.f32 $0.0e+00;
	v7 =	vld [tilespmem:s3+$0x4DA0]  }
.LBB2_82:
0x317: {  	p0 =	sne.s32 s17, $0x3100  }
.Ltmp40:
0x318: {  	s3 =	sshra.s32 s17, $0x2;
	s17 =	sadd.s32 $0x100, s17;
	v3 =	vadd.f32 v4, v3;
	(pc) =	sbr.rel @p0 .LBB2_82-.Ltmp40, $4  }
0x319: {  	v4 =	vld [tilespmem:s3+$0x4DB0];
	v8 =	vadd.f32 v5, v8  }
0x31a: {  	v5 =	vld [tilespmem:s3+$0x4D80];
	v9 =	vadd.f32 v6, v9  }
0x31b: {  	v6 =	vld [tilespmem:s3+$0x4D90];
	v10 =	vadd.f32 v7, v10  }
0x31c: {  	v7 =	vld [tilespmem:s3+$0x4DA0]  }
0x31d: {  	_ = 	snop  }
0x31e: {  	v3 =	vadd.f32 v4, v3  }
0x31f: {  	v5 =	vadd.f32 v5, v8  }
0x320: {  	v6 =	vadd.f32 v6, v9;
	[tilespmem:$0x11BB0] =	vst v3  }
0x321: {  	v7 =	vadd.f32 v7, v10;
	[tilespmem:$0x11B80] =	vst v5  }
0x322: {  	[tilespmem:$0x11B90] =	vst v6  }
0x323: {  	s3 =	simm.s32 $0x0;
	[tilespmem:$0x11BA0] =	vst v7  }
0x324: {  	v4 =	vld [tilespmem:s3+$0x5A30]  }
0x325: {  	v5 =	vld [tilespmem:s3+$0x5A00]  }
0x326: {  	v8 =	vimm.f32 $0.0e+00;
	v6 =	vld [tilespmem:s3+$0x5A10]  }
0x327: {  	s17 =	simm.s32 $0x100;
	v3 =	vimm.f32 $0.0e+00;
	v9 =	vimm.f32 $0.0e+00;
	v10 =	vimm.f32 $0.0e+00;
	v7 =	vld [tilespmem:s3+$0x5A20]  }
.LBB2_84:
0x328: {  	p0 =	sne.s32 s17, $0x3100  }
.Ltmp41:
0x329: {  	s3 =	sshra.s32 s17, $0x2;
	s17 =	sadd.s32 $0x100, s17;
	v3 =	vadd.f32 v4, v3;
	(pc) =	sbr.rel @p0 .LBB2_84-.Ltmp41, $4  }
0x32a: {  	v4 =	vld [tilespmem:s3+$0x5A30];
	v8 =	vadd.f32 v5, v8  }
0x32b: {  	v5 =	vld [tilespmem:s3+$0x5A00];
	v9 =	vadd.f32 v6, v9  }
0x32c: {  	v6 =	vld [tilespmem:s3+$0x5A10];
	v10 =	vadd.f32 v7, v10  }
0x32d: {  	v7 =	vld [tilespmem:s3+$0x5A20]  }
0x32e: {  	_ = 	snop  }
0x32f: {  	v3 =	vadd.f32 v4, v3  }
0x330: {  	v5 =	vadd.f32 v5, v8  }
0x331: {  	v6 =	vadd.f32 v6, v9;
	[tilespmem:$0x11BF0] =	vst v3  }
0x332: {  	v7 =	vadd.f32 v7, v10;
	[tilespmem:$0x11BC0] =	vst v5  }
0x333: {  	[tilespmem:$0x11BD0] =	vst v6  }
0x334: {  	s3 =	simm.s32 $0x0;
	[tilespmem:$0x11BE0] =	vst v7  }
0x335: {  	v4 =	vld [tilespmem:s3+$0x66B0]  }
0x336: {  	v5 =	vld [tilespmem:s3+$0x6680]  }
0x337: {  	v8 =	vimm.f32 $0.0e+00;
	v6 =	vld [tilespmem:s3+$0x6690]  }
0x338: {  	s17 =	simm.s32 $0x100;
	v3 =	vimm.f32 $0.0e+00;
	v9 =	vimm.f32 $0.0e+00;
	v10 =	vimm.f32 $0.0e+00;
	v7 =	vld [tilespmem:s3+$0x66A0]  }
.LBB2_86:
0x339: {  	p0 =	sne.s32 s17, $0x3100  }
.Ltmp42:
0x33a: {  	s3 =	sshra.s32 s17, $0x2;
	s17 =	sadd.s32 $0x100, s17;
	v3 =	vadd.f32 v4, v3;
	(pc) =	sbr.rel @p0 .LBB2_86-.Ltmp42, $4  }
0x33b: {  	v4 =	vld [tilespmem:s3+$0x66B0];
	v8 =	vadd.f32 v5, v8  }
0x33c: {  	v5 =	vld [tilespmem:s3+$0x6680];
	v9 =	vadd.f32 v6, v9  }
0x33d: {  	v6 =	vld [tilespmem:s3+$0x6690];
	v10 =	vadd.f32 v7, v10  }
0x33e: {  	v7 =	vld [tilespmem:s3+$0x66A0]  }
0x33f: {  	_ = 	snop  }
0x340: {  	v3 =	vadd.f32 v4, v3  }
0x341: {  	v5 =	vadd.f32 v5, v8  }
0x342: {  	v6 =	vadd.f32 v6, v9;
	[tilespmem:$0x11C30] =	vst v3  }
0x343: {  	v7 =	vadd.f32 v7, v10;
	[tilespmem:$0x11C00] =	vst v5  }
0x344: {  	[tilespmem:$0x11C10] =	vst v6  }
0x345: {  	s3 =	simm.s32 $0x0;
	[tilespmem:$0x11C20] =	vst v7  }
0x346: {  	v4 =	vld [tilespmem:s3+$0x7330]  }
0x347: {  	v5 =	vld [tilespmem:s3+$0x7300]  }
0x348: {  	v8 =	vimm.f32 $0.0e+00;
	v6 =	vld [tilespmem:s3+$0x7310]  }
0x349: {  	s17 =	simm.s32 $0x100;
	v3 =	vimm.f32 $0.0e+00;
	v9 =	vimm.f32 $0.0e+00;
	v10 =	vimm.f32 $0.0e+00;
	v7 =	vld [tilespmem:s3+$0x7320]  }
.LBB2_88:
0x34a: {  	p0 =	sne.s32 s17, $0x3100  }
.Ltmp43:
0x34b: {  	s3 =	sshra.s32 s17, $0x2;
	s17 =	sadd.s32 $0x100, s17;
	v3 =	vadd.f32 v4, v3;
	(pc) =	sbr.rel @p0 .LBB2_88-.Ltmp43, $4  }
0x34c: {  	v4 =	vld [tilespmem:s3+$0x7330];
	v8 =	vadd.f32 v5, v8  }
0x34d: {  	v5 =	vld [tilespmem:s3+$0x7300];
	v9 =	vadd.f32 v6, v9  }
0x34e: {  	v6 =	vld [tilespmem:s3+$0x7310];
	v10 =	vadd.f32 v7, v10  }
0x34f: {  	v7 =	vld [tilespmem:s3+$0x7320]  }
0x350: {  	_ = 	snop  }
0x351: {  	v3 =	vadd.f32 v4, v3  }
0x352: {  	v5 =	vadd.f32 v5, v8  }
0x353: {  	v6 =	vadd.f32 v6, v9;
	[tilespmem:$0x11C70] =	vst v3  }
0x354: {  	v7 =	vadd.f32 v7, v10;
	[tilespmem:$0x11C40] =	vst v5  }
0x355: {  	[tilespmem:$0x11C50] =	vst v6  }
0x356: {  	s3 =	simm.s32 $0xA28;
	[tilespmem:$0x11C60] =	vst v7  }
0x357: {  	[tilespmem:s28], [sflag:$0x5] =	stream.indirect.gather [hbm4b:s4+s25], $0x40, s3, s25, $0xb8;
	[tilespmem:$0x132C0] =	vst v63  }
0x358: {  	_ =	swait.ge [sflag:s19], $0x3200  }
0x359: {  	[sflag:s19] =	ssyncset.done $0x0  }
0x35a: {  	s3 =	simm.s32 $0x0;
	[sflag:s19] =	ssyncadd.s32 $0xFFFFCE00  }
0x35b: {  	v4 =	vld [tilespmem:s3+$0x7FB0]  }
0x35c: {  	v5 =	vld [tilespmem:s3+$0x7F80]  }
0x35d: {  	v8 =	vimm.f32 $0.0e+00;
	v6 =	vld [tilespmem:s3+$0x7F90]  }
0x35e: {  	s17 =	simm.s32 $0x100;
	v3 =	vimm.f32 $0.0e+00;
	v9 =	vimm.f32 $0.0e+00;
	v10 =	vimm.f32 $0.0e+00;
	v7 =	vld [tilespmem:s3+$0x7FA0]  }
.LBB2_90:
0x35f: {  	p0 =	sne.s32 s17, $0x3100  }
.Ltmp44:
0x360: {  	s3 =	sshra.s32 s17, $0x2;
	s17 =	sadd.s32 $0x100, s17;
	v3 =	vadd.f32 v4, v3;
	(pc) =	sbr.rel @p0 .LBB2_90-.Ltmp44, $4  }
0x361: {  	v4 =	vld [tilespmem:s3+$0x7FB0];
	v8 =	vadd.f32 v5, v8  }
0x362: {  	v5 =	vld [tilespmem:s3+$0x7F80];
	v9 =	vadd.f32 v6, v9  }
0x363: {  	v6 =	vld [tilespmem:s3+$0x7F90];
	v10 =	vadd.f32 v7, v10  }
0x364: {  	v7 =	vld [tilespmem:s3+$0x7FA0]  }
0x365: {  	_ = 	snop  }
0x366: {  	v3 =	vadd.f32 v4, v3  }
0x367: {  	v5 =	vadd.f32 v5, v8  }
0x368: {  	v6 =	vadd.f32 v6, v9;
	[tilespmem:$0x11CB0] =	vst v3  }
0x369: {  	v7 =	vadd.f32 v7, v10;
	[tilespmem:$0x11C80] =	vst v5  }
0x36a: {  	[tilespmem:$0x11C90] =	vst v6  }
0x36b: {  	s3 =	simm.s32 $0x0;
	[tilespmem:$0x11CA0] =	vst v7  }
0x36c: {  	v4 =	vld [tilespmem:s3+$0x8C30]  }
0x36d: {  	v5 =	vld [tilespmem:s3+$0x8C00]  }
0x36e: {  	v8 =	vimm.f32 $0.0e+00;
	v6 =	vld [tilespmem:s3+$0x8C10]  }
0x36f: {  	s17 =	simm.s32 $0x100;
	v3 =	vimm.f32 $0.0e+00;
	v9 =	vimm.f32 $0.0e+00;
	v10 =	vimm.f32 $0.0e+00;
	v7 =	vld [tilespmem:s3+$0x8C20]  }
.LBB2_92:
0x370: {  	p0 =	sne.s32 s17, $0x3100  }
.Ltmp45:
0x371: {  	s3 =	sshra.s32 s17, $0x2;
	s17 =	sadd.s32 $0x100, s17;
	v3 =	vadd.f32 v4, v3;
	(pc) =	sbr.rel @p0 .LBB2_92-.Ltmp45, $4  }
0x372: {  	v4 =	vld [tilespmem:s3+$0x8C30];
	v8 =	vadd.f32 v5, v8  }
0x373: {  	v5 =	vld [tilespmem:s3+$0x8C00];
	v9 =	vadd.f32 v6, v9  }
0x374: {  	v6 =	vld [tilespmem:s3+$0x8C10];
	v10 =	vadd.f32 v7, v10  }
0x375: {  	v7 =	vld [tilespmem:s3+$0x8C20]  }
0x376: {  	_ = 	snop  }
0x377: {  	v3 =	vadd.f32 v4, v3  }
0x378: {  	v5 =	vadd.f32 v5, v8  }
0x379: {  	v6 =	vadd.f32 v6, v9;
	[tilespmem:$0x11CF0] =	vst v3  }
0x37a: {  	v7 =	vadd.f32 v7, v10;
	[tilespmem:$0x11CC0] =	vst v5  }
0x37b: {  	[tilespmem:$0x11CD0] =	vst v6  }
0x37c: {  	s3 =	simm.s32 $0x0;
	[tilespmem:$0x11CE0] =	vst v7  }
0x37d: {  	v4 =	vld [tilespmem:s3+$0x98B0]  }
0x37e: {  	v5 =	vld [tilespmem:s3+$0x9880]  }
0x37f: {  	v8 =	vimm.f32 $0.0e+00;
	v6 =	vld [tilespmem:s3+$0x9890]  }
0x380: {  	s17 =	simm.s32 $0x100;
	v3 =	vimm.f32 $0.0e+00;
	v9 =	vimm.f32 $0.0e+00;
	v10 =	vimm.f32 $0.0e+00;
	v7 =	vld [tilespmem:s3+$0x98A0]  }
.LBB2_94:
0x381: {  	p0 =	sne.s32 s17, $0x3100  }
.Ltmp46:
0x382: {  	s3 =	sshra.s32 s17, $0x2;
	s17 =	sadd.s32 $0x100, s17;
	v3 =	vadd.f32 v4, v3;
	(pc) =	sbr.rel @p0 .LBB2_94-.Ltmp46, $4  }
0x383: {  	v4 =	vld [tilespmem:s3+$0x98B0];
	v8 =	vadd.f32 v5, v8  }
0x384: {  	v5 =	vld [tilespmem:s3+$0x9880];
	v9 =	vadd.f32 v6, v9  }
0x385: {  	v6 =	vld [tilespmem:s3+$0x9890];
	v10 =	vadd.f32 v7, v10  }
0x386: {  	v7 =	vld [tilespmem:s3+$0x98A0]  }
0x387: {  	_ = 	snop  }
0x388: {  	v3 =	vadd.f32 v4, v3  }
0x389: {  	v5 =	vadd.f32 v5, v8  }
0x38a: {  	v6 =	vadd.f32 v6, v9;
	[tilespmem:$0x11D30] =	vst v3  }
0x38b: {  	v7 =	vadd.f32 v7, v10;
	[tilespmem:$0x11D00] =	vst v5  }
0x38c: {  	[tilespmem:$0x11D10] =	vst v6  }
0x38d: {  	s3 =	simm.s32 $0x0;
	[tilespmem:$0x11D20] =	vst v7  }
0x38e: {  	v4 =	vld [tilespmem:s3+$0xA530]  }
0x38f: {  	v5 =	vld [tilespmem:s3+$0xA500]  }
0x390: {  	v8 =	vimm.f32 $0.0e+00;
	v6 =	vld [tilespmem:s3+$0xA510]  }
0x391: {  	s17 =	simm.s32 $0x100;
	v3 =	vimm.f32 $0.0e+00;
	v9 =	vimm.f32 $0.0e+00;
	v10 =	vimm.f32 $0.0e+00;
	v7 =	vld [tilespmem:s3+$0xA520]  }
.LBB2_96:
0x392: {  	p0 =	sne.s32 s17, $0x3100  }
.Ltmp47:
0x393: {  	s3 =	sshra.s32 s17, $0x2;
	s17 =	sadd.s32 $0x100, s17;
	v3 =	vadd.f32 v4, v3;
	(pc) =	sbr.rel @p0 .LBB2_96-.Ltmp47, $4  }
0x394: {  	v4 =	vld [tilespmem:s3+$0xA530];
	v8 =	vadd.f32 v5, v8  }
0x395: {  	v5 =	vld [tilespmem:s3+$0xA500];
	v9 =	vadd.f32 v6, v9  }
0x396: {  	v6 =	vld [tilespmem:s3+$0xA510];
	v10 =	vadd.f32 v7, v10  }
0x397: {  	v7 =	vld [tilespmem:s3+$0xA520]  }
0x398: {  	_ = 	snop  }
0x399: {  	v3 =	vadd.f32 v4, v3  }
0x39a: {  	v5 =	vadd.f32 v5, v8  }
0x39b: {  	v6 =	vadd.f32 v6, v9;
	[tilespmem:$0x11D70] =	vst v3  }
0x39c: {  	v7 =	vadd.f32 v7, v10;
	[tilespmem:$0x11D40] =	vst v5  }
0x39d: {  	[tilespmem:$0x11D50] =	vst v6  }
0x39e: {  	s3 =	simm.s32 $0xAF0;
	[tilespmem:$0x11D60] =	vst v7  }
0x39f: {  	[tilespmem:s30], [sflag:$0x6] =	stream.indirect.gather [hbm4b:s4+s25], $0x40, s3, s25, $0xb8;
	[tilespmem:$0x132C0] =	vst v63  }
0x3a0: {  	_ =	swait.ge [sflag:s31], $0x3200  }
0x3a1: {  	[sflag:s31] =	ssyncset.done $0x0  }
0x3a2: {  	s3 =	simm.s32 $0x0;
	[sflag:s31] =	ssyncadd.s32 $0xFFFFCE00  }
0x3a3: {  	v4 =	vld [tilespmem:s3+$0x1BB0]  }
0x3a4: {  	v5 =	vld [tilespmem:s3+$0x1B80]  }
0x3a5: {  	v8 =	vimm.f32 $0.0e+00;
	v6 =	vld [tilespmem:s3+$0x1B90]  }
0x3a6: {  	s17 =	simm.s32 $0x100;
	v3 =	vimm.f32 $0.0e+00;
	v9 =	vimm.f32 $0.0e+00;
	v10 =	vimm.f32 $0.0e+00;
	v7 =	vld [tilespmem:s3+$0x1BA0]  }
.LBB2_98:
0x3a7: {  	p0 =	sne.s32 s17, $0x3100  }
.Ltmp48:
0x3a8: {  	s3 =	sshra.s32 s17, $0x2;
	s17 =	sadd.s32 $0x100, s17;
	v3 =	vadd.f32 v4, v3;
	(pc) =	sbr.rel @p0 .LBB2_98-.Ltmp48, $4  }
0x3a9: {  	v4 =	vld [tilespmem:s3+$0x1BB0];
	v8 =	vadd.f32 v5, v8  }
0x3aa: {  	v5 =	vld [tilespmem:s3+$0x1B80];
	v9 =	vadd.f32 v6, v9  }
0x3ab: {  	v6 =	vld [tilespmem:s3+$0x1B90];
	v10 =	vadd.f32 v7, v10  }
0x3ac: {  	v7 =	vld [tilespmem:s3+$0x1BA0]  }
0x3ad: {  	_ = 	snop  }
0x3ae: {  	v3 =	vadd.f32 v4, v3  }
0x3af: {  	v5 =	vadd.f32 v5, v8  }
0x3b0: {  	v6 =	vadd.f32 v6, v9;
	[tilespmem:$0x11DB0] =	vst v3  }
0x3b1: {  	v7 =	vadd.f32 v7, v10;
	[tilespmem:$0x11D80] =	vst v5  }
0x3b2: {  	[tilespmem:$0x11D90] =	vst v6  }
0x3b3: {  	s3 =	simm.s32 $0x0;
	[tilespmem:$0x11DA0] =	vst v7  }
0x3b4: {  	v4 =	vld [tilespmem:s3+$0x2830]  }
0x3b5: {  	v5 =	vld [tilespmem:s3+$0x2800]  }
0x3b6: {  	v8 =	vimm.f32 $0.0e+00;
	v6 =	vld [tilespmem:s3+$0x2810]  }
0x3b7: {  	s17 =	simm.s32 $0x100;
	v3 =	vimm.f32 $0.0e+00;
	v9 =	vimm.f32 $0.0e+00;
	v10 =	vimm.f32 $0.0e+00;
	v7 =	vld [tilespmem:s3+$0x2820]  }
.LBB2_100:
0x3b8: {  	p0 =	sne.s32 s17, $0x3100  }
.Ltmp49:
0x3b9: {  	s3 =	sshra.s32 s17, $0x2;
	s17 =	sadd.s32 $0x100, s17;
	v3 =	vadd.f32 v4, v3;
	(pc) =	sbr.rel @p0 .LBB2_100-.Ltmp49, $4  }
0x3ba: {  	v4 =	vld [tilespmem:s3+$0x2830];
	v8 =	vadd.f32 v5, v8  }
0x3bb: {  	v5 =	vld [tilespmem:s3+$0x2800];
	v9 =	vadd.f32 v6, v9  }
0x3bc: {  	v6 =	vld [tilespmem:s3+$0x2810];
	v10 =	vadd.f32 v7, v10  }
0x3bd: {  	v7 =	vld [tilespmem:s3+$0x2820]  }
0x3be: {  	_ = 	snop  }
0x3bf: {  	v3 =	vadd.f32 v4, v3  }
0x3c0: {  	v5 =	vadd.f32 v5, v8  }
0x3c1: {  	v6 =	vadd.f32 v6, v9;
	[tilespmem:$0x11DF0] =	vst v3  }
0x3c2: {  	v7 =	vadd.f32 v7, v10;
	[tilespmem:$0x11DC0] =	vst v5  }
0x3c3: {  	[tilespmem:$0x11DD0] =	vst v6  }
0x3c4: {  	s3 =	simm.s32 $0x0;
	[tilespmem:$0x11DE0] =	vst v7  }
0x3c5: {  	v4 =	vld [tilespmem:s3+$0x34B0]  }
0x3c6: {  	v5 =	vld [tilespmem:s3+$0x3480]  }
0x3c7: {  	v8 =	vimm.f32 $0.0e+00;
	v6 =	vld [tilespmem:s3+$0x3490]  }
0x3c8: {  	s17 =	simm.s32 $0x100;
	v3 =	vimm.f32 $0.0e+00;
	v9 =	vimm.f32 $0.0e+00;
	v10 =	vimm.f32 $0.0e+00;
	v7 =	vld [tilespmem:s3+$0x34A0]  }
.LBB2_102:
0x3c9: {  	p0 =	sne.s32 s17, $0x3100  }
.Ltmp50:
0x3ca: {  	s3 =	sshra.s32 s17, $0x2;
	s17 =	sadd.s32 $0x100, s17;
	v3 =	vadd.f32 v4, v3;
	(pc) =	sbr.rel @p0 .LBB2_102-.Ltmp50, $4  }
0x3cb: {  	v4 =	vld [tilespmem:s3+$0x34B0];
	v8 =	vadd.f32 v5, v8  }
0x3cc: {  	v5 =	vld [tilespmem:s3+$0x3480];
	v9 =	vadd.f32 v6, v9  }
0x3cd: {  	v6 =	vld [tilespmem:s3+$0x3490];
	v10 =	vadd.f32 v7, v10  }
0x3ce: {  	v7 =	vld [tilespmem:s3+$0x34A0]  }
0x3cf: {  	_ = 	snop  }
0x3d0: {  	v3 =	vadd.f32 v4, v3  }
0x3d1: {  	v5 =	vadd.f32 v5, v8  }
0x3d2: {  	v6 =	vadd.f32 v6, v9;
	[tilespmem:$0x11E30] =	vst v3  }
0x3d3: {  	v7 =	vadd.f32 v7, v10;
	[tilespmem:$0x11E00] =	vst v5  }
0x3d4: {  	[tilespmem:$0x11E10] =	vst v6  }
0x3d5: {  	s3 =	simm.s32 $0x0;
	[tilespmem:$0x11E20] =	vst v7  }
0x3d6: {  	v4 =	vld [tilespmem:s3+$0x4130]  }
0x3d7: {  	v5 =	vld [tilespmem:s3+$0x4100]  }
0x3d8: {  	v8 =	vimm.f32 $0.0e+00;
	v6 =	vld [tilespmem:s3+$0x4110]  }
0x3d9: {  	s17 =	simm.s32 $0x100;
	v3 =	vimm.f32 $0.0e+00;
	v9 =	vimm.f32 $0.0e+00;
	v10 =	vimm.f32 $0.0e+00;
	v7 =	vld [tilespmem:s3+$0x4120]  }
.LBB2_104:
0x3da: {  	p0 =	sne.s32 s17, $0x3100  }
.Ltmp51:
0x3db: {  	s3 =	sshra.s32 s17, $0x2;
	s17 =	sadd.s32 $0x100, s17;
	v3 =	vadd.f32 v4, v3;
	(pc) =	sbr.rel @p0 .LBB2_104-.Ltmp51, $4  }
0x3dc: {  	v4 =	vld [tilespmem:s3+$0x4130];
	v8 =	vadd.f32 v5, v8  }
0x3dd: {  	v5 =	vld [tilespmem:s3+$0x4100];
	v9 =	vadd.f32 v6, v9  }
0x3de: {  	v6 =	vld [tilespmem:s3+$0x4110];
	v10 =	vadd.f32 v7, v10  }
0x3df: {  	v7 =	vld [tilespmem:s3+$0x4120]  }
0x3e0: {  	_ = 	snop  }
0x3e1: {  	v3 =	vadd.f32 v4, v3  }
0x3e2: {  	v5 =	vadd.f32 v5, v8  }
0x3e3: {  	v6 =	vadd.f32 v6, v9;
	[tilespmem:$0x11E70] =	vst v3  }
0x3e4: {  	v7 =	vadd.f32 v7, v10;
	[tilespmem:$0x11E40] =	vst v5  }
0x3e5: {  	[tilespmem:$0x11E50] =	vst v6  }
0x3e6: {  	s3 =	simm.s32 $0xBB8;
	[tilespmem:$0x11E60] =	vst v7  }
0x3e7: {  	[tilespmem:s26], [sflag:$0x4] =	stream.indirect.gather [hbm4b:s4+s25], $0x40, s3, s25, $0xb8;
	[tilespmem:$0x132C0] =	vst v63  }
0x3e8: {  	_ =	swait.ge [sflag:s0], $0x3200  }
0x3e9: {  	[sflag:s0] =	ssyncset.done $0x0  }
0x3ea: {  	s3 =	simm.s32 $0x0;
	[sflag:s0] =	ssyncadd.s32 $0xFFFFCE00  }
0x3eb: {  	v4 =	vld [tilespmem:s3+$0x4DB0]  }
0x3ec: {  	v5 =	vld [tilespmem:s3+$0x4D80]  }
0x3ed: {  	v8 =	vimm.f32 $0.0e+00;
	v6 =	vld [tilespmem:s3+$0x4D90]  }
0x3ee: {  	s17 =	simm.s32 $0x100;
	v3 =	vimm.f32 $0.0e+00;
	v9 =	vimm.f32 $0.0e+00;
	v10 =	vimm.f32 $0.0e+00;
	v7 =	vld [tilespmem:s3+$0x4DA0]  }
.LBB2_106:
0x3ef: {  	p0 =	sne.s32 s17, $0x3100  }
.Ltmp52:
0x3f0: {  	s3 =	sshra.s32 s17, $0x2;
	s17 =	sadd.s32 $0x100, s17;
	v3 =	vadd.f32 v4, v3;
	(pc) =	sbr.rel @p0 .LBB2_106-.Ltmp52, $4  }
0x3f1: {  	v4 =	vld [tilespmem:s3+$0x4DB0];
	v8 =	vadd.f32 v5, v8  }
0x3f2: {  	v5 =	vld [tilespmem:s3+$0x4D80];
	v9 =	vadd.f32 v6, v9  }
0x3f3: {  	v6 =	vld [tilespmem:s3+$0x4D90];
	v10 =	vadd.f32 v7, v10  }
0x3f4: {  	v7 =	vld [tilespmem:s3+$0x4DA0]  }
0x3f5: {  	_ = 	snop  }
0x3f6: {  	v3 =	vadd.f32 v4, v3  }
0x3f7: {  	v5 =	vadd.f32 v5, v8  }
0x3f8: {  	v6 =	vadd.f32 v6, v9;
	[tilespmem:$0x11EB0] =	vst v3  }
0x3f9: {  	v7 =	vadd.f32 v7, v10;
	[tilespmem:$0x11E80] =	vst v5  }
0x3fa: {  	[tilespmem:$0x11E90] =	vst v6  }
0x3fb: {  	s3 =	simm.s32 $0x0;
	[tilespmem:$0x11EA0] =	vst v7  }
0x3fc: {  	v4 =	vld [tilespmem:s3+$0x5A30]  }
0x3fd: {  	v5 =	vld [tilespmem:s3+$0x5A00]  }
0x3fe: {  	v8 =	vimm.f32 $0.0e+00;
	v6 =	vld [tilespmem:s3+$0x5A10]  }
0x3ff: {  	s17 =	simm.s32 $0x100;
	v3 =	vimm.f32 $0.0e+00;
	v9 =	vimm.f32 $0.0e+00;
	v10 =	vimm.f32 $0.0e+00;
	v7 =	vld [tilespmem:s3+$0x5A20]  }
.LBB2_108:
0x400: {  	p0 =	sne.s32 s17, $0x3100  }
.Ltmp53:
0x401: {  	s3 =	sshra.s32 s17, $0x2;
	s17 =	sadd.s32 $0x100, s17;
	v3 =	vadd.f32 v4, v3;
	(pc) =	sbr.rel @p0 .LBB2_108-.Ltmp53, $4  }
0x402: {  	v4 =	vld [tilespmem:s3+$0x5A30];
	v8 =	vadd.f32 v5, v8  }
0x403: {  	v5 =	vld [tilespmem:s3+$0x5A00];
	v9 =	vadd.f32 v6, v9  }
0x404: {  	v6 =	vld [tilespmem:s3+$0x5A10];
	v10 =	vadd.f32 v7, v10  }
0x405: {  	v7 =	vld [tilespmem:s3+$0x5A20]  }
0x406: {  	_ = 	snop  }
0x407: {  	v3 =	vadd.f32 v4, v3  }
0x408: {  	v5 =	vadd.f32 v5, v8  }
0x409: {  	v6 =	vadd.f32 v6, v9;
	[tilespmem:$0x11EF0] =	vst v3  }
0x40a: {  	v7 =	vadd.f32 v7, v10;
	[tilespmem:$0x11EC0] =	vst v5  }
0x40b: {  	[tilespmem:$0x11ED0] =	vst v6  }
0x40c: {  	s3 =	simm.s32 $0x0;
	[tilespmem:$0x11EE0] =	vst v7  }
0x40d: {  	v4 =	vld [tilespmem:s3+$0x66B0]  }
0x40e: {  	v5 =	vld [tilespmem:s3+$0x6680]  }
0x40f: {  	v8 =	vimm.f32 $0.0e+00;
	v6 =	vld [tilespmem:s3+$0x6690]  }
0x410: {  	s17 =	simm.s32 $0x100;
	v3 =	vimm.f32 $0.0e+00;
	v9 =	vimm.f32 $0.0e+00;
	v10 =	vimm.f32 $0.0e+00;
	v7 =	vld [tilespmem:s3+$0x66A0]  }
.LBB2_110:
0x411: {  	p0 =	sne.s32 s17, $0x3100  }
.Ltmp54:
0x412: {  	s3 =	sshra.s32 s17, $0x2;
	s17 =	sadd.s32 $0x100, s17;
	v3 =	vadd.f32 v4, v3;
	(pc) =	sbr.rel @p0 .LBB2_110-.Ltmp54, $4  }
0x413: {  	v4 =	vld [tilespmem:s3+$0x66B0];
	v8 =	vadd.f32 v5, v8  }
0x414: {  	v5 =	vld [tilespmem:s3+$0x6680];
	v9 =	vadd.f32 v6, v9  }
0x415: {  	v6 =	vld [tilespmem:s3+$0x6690];
	v10 =	vadd.f32 v7, v10  }
0x416: {  	v7 =	vld [tilespmem:s3+$0x66A0]  }
0x417: {  	_ = 	snop  }
0x418: {  	v3 =	vadd.f32 v4, v3  }
0x419: {  	v5 =	vadd.f32 v5, v8  }
0x41a: {  	v6 =	vadd.f32 v6, v9;
	[tilespmem:$0x11F30] =	vst v3  }
0x41b: {  	v7 =	vadd.f32 v7, v10;
	[tilespmem:$0x11F00] =	vst v5  }
0x41c: {  	[tilespmem:$0x11F10] =	vst v6  }
0x41d: {  	s3 =	simm.s32 $0x0;
	[tilespmem:$0x11F20] =	vst v7  }
0x41e: {  	v4 =	vld [tilespmem:s3+$0x7330]  }
0x41f: {  	v5 =	vld [tilespmem:s3+$0x7300]  }
0x420: {  	v8 =	vimm.f32 $0.0e+00;
	v6 =	vld [tilespmem:s3+$0x7310]  }
0x421: {  	s17 =	simm.s32 $0x100;
	v3 =	vimm.f32 $0.0e+00;
	v9 =	vimm.f32 $0.0e+00;
	v10 =	vimm.f32 $0.0e+00;
	v7 =	vld [tilespmem:s3+$0x7320]  }
.LBB2_112:
0x422: {  	p0 =	sne.s32 s17, $0x3100  }
.Ltmp55:
0x423: {  	s3 =	sshra.s32 s17, $0x2;
	s17 =	sadd.s32 $0x100, s17;
	v3 =	vadd.f32 v4, v3;
	(pc) =	sbr.rel @p0 .LBB2_112-.Ltmp55, $4  }
0x424: {  	v4 =	vld [tilespmem:s3+$0x7330];
	v8 =	vadd.f32 v5, v8  }
0x425: {  	v5 =	vld [tilespmem:s3+$0x7300];
	v9 =	vadd.f32 v6, v9  }
0x426: {  	v6 =	vld [tilespmem:s3+$0x7310];
	v10 =	vadd.f32 v7, v10  }
0x427: {  	v7 =	vld [tilespmem:s3+$0x7320]  }
0x428: {  	_ = 	snop  }
0x429: {  	v3 =	vadd.f32 v4, v3  }
0x42a: {  	v5 =	vadd.f32 v5, v8  }
0x42b: {  	v6 =	vadd.f32 v6, v9;
	[tilespmem:$0x11F70] =	vst v3  }
0x42c: {  	v7 =	vadd.f32 v7, v10;
	[tilespmem:$0x11F40] =	vst v5  }
0x42d: {  	[tilespmem:$0x11F50] =	vst v6  }
0x42e: {  	s3 =	simm.s32 $0xC80;
	[tilespmem:$0x11F60] =	vst v7  }
0x42f: {  	[tilespmem:s28], [sflag:$0x5] =	stream.indirect.gather [hbm4b:s4+s25], $0x40, s3, s25, $0xb8;
	[tilespmem:$0x132C0] =	vst v63  }
0x430: {  	_ =	swait.ge [sflag:s19], $0x3200  }
0x431: {  	[sflag:s19] =	ssyncset.done $0x0  }
0x432: {  	s3 =	simm.s32 $0x0;
	[sflag:s19] =	ssyncadd.s32 $0xFFFFCE00  }
0x433: {  	v4 =	vld [tilespmem:s3+$0x7FB0]  }
0x434: {  	v5 =	vld [tilespmem:s3+$0x7F80]  }
0x435: {  	v8 =	vimm.f32 $0.0e+00;
	v6 =	vld [tilespmem:s3+$0x7F90]  }
0x436: {  	s17 =	simm.s32 $0x100;
	v3 =	vimm.f32 $0.0e+00;
	v9 =	vimm.f32 $0.0e+00;
	v10 =	vimm.f32 $0.0e+00;
	v7 =	vld [tilespmem:s3+$0x7FA0]  }
.LBB2_114:
0x437: {  	p0 =	sne.s32 s17, $0x3100  }
.Ltmp56:
0x438: {  	s3 =	sshra.s32 s17, $0x2;
	s17 =	sadd.s32 $0x100, s17;
	v3 =	vadd.f32 v4, v3;
	(pc) =	sbr.rel @p0 .LBB2_114-.Ltmp56, $4  }
0x439: {  	v4 =	vld [tilespmem:s3+$0x7FB0];
	v8 =	vadd.f32 v5, v8  }
0x43a: {  	v5 =	vld [tilespmem:s3+$0x7F80];
	v9 =	vadd.f32 v6, v9  }
0x43b: {  	v6 =	vld [tilespmem:s3+$0x7F90];
	v10 =	vadd.f32 v7, v10  }
0x43c: {  	v7 =	vld [tilespmem:s3+$0x7FA0]  }
0x43d: {  	_ = 	snop  }
0x43e: {  	v3 =	vadd.f32 v4, v3  }
0x43f: {  	v5 =	vadd.f32 v5, v8  }
0x440: {  	v6 =	vadd.f32 v6, v9;
	[tilespmem:$0x11FB0] =	vst v3  }
0x441: {  	v7 =	vadd.f32 v7, v10;
	[tilespmem:$0x11F80] =	vst v5  }
0x442: {  	[tilespmem:$0x11F90] =	vst v6  }
0x443: {  	s3 =	simm.s32 $0x0;
	[tilespmem:$0x11FA0] =	vst v7  }
0x444: {  	v4 =	vld [tilespmem:s3+$0x8C30]  }
0x445: {  	v5 =	vld [tilespmem:s3+$0x8C00]  }
0x446: {  	v8 =	vimm.f32 $0.0e+00;
	v6 =	vld [tilespmem:s3+$0x8C10]  }
0x447: {  	s17 =	simm.s32 $0x100;
	v3 =	vimm.f32 $0.0e+00;
	v9 =	vimm.f32 $0.0e+00;
	v10 =	vimm.f32 $0.0e+00;
	v7 =	vld [tilespmem:s3+$0x8C20]  }
.LBB2_116:
0x448: {  	p0 =	sne.s32 s17, $0x3100  }
.Ltmp57:
0x449: {  	s3 =	sshra.s32 s17, $0x2;
	s17 =	sadd.s32 $0x100, s17;
	v3 =	vadd.f32 v4, v3;
	(pc) =	sbr.rel @p0 .LBB2_116-.Ltmp57, $4  }
0x44a: {  	v4 =	vld [tilespmem:s3+$0x8C30];
	v8 =	vadd.f32 v5, v8  }
0x44b: {  	v5 =	vld [tilespmem:s3+$0x8C00];
	v9 =	vadd.f32 v6, v9  }
0x44c: {  	v6 =	vld [tilespmem:s3+$0x8C10];
	v10 =	vadd.f32 v7, v10  }
0x44d: {  	v7 =	vld [tilespmem:s3+$0x8C20]  }
0x44e: {  	_ = 	snop  }
0x44f: {  	v3 =	vadd.f32 v4, v3  }
0x450: {  	v5 =	vadd.f32 v5, v8  }
0x451: {  	v6 =	vadd.f32 v6, v9;
	[tilespmem:$0x11FF0] =	vst v3  }
0x452: {  	v7 =	vadd.f32 v7, v10;
	[tilespmem:$0x11FC0] =	vst v5  }
0x453: {  	[tilespmem:$0x11FD0] =	vst v6  }
0x454: {  	s3 =	simm.s32 $0x0;
	[tilespmem:$0x11FE0] =	vst v7  }
0x455: {  	v4 =	vld [tilespmem:s3+$0x98B0]  }
0x456: {  	v5 =	vld [tilespmem:s3+$0x9880]  }
0x457: {  	v8 =	vimm.f32 $0.0e+00;
	v6 =	vld [tilespmem:s3+$0x9890]  }
0x458: {  	s17 =	simm.s32 $0x100;
	v3 =	vimm.f32 $0.0e+00;
	v9 =	vimm.f32 $0.0e+00;
	v10 =	vimm.f32 $0.0e+00;
	v7 =	vld [tilespmem:s3+$0x98A0]  }
.LBB2_118:
0x459: {  	p0 =	sne.s32 s17, $0x3100  }
.Ltmp58:
0x45a: {  	s3 =	sshra.s32 s17, $0x2;
	s17 =	sadd.s32 $0x100, s17;
	v3 =	vadd.f32 v4, v3;
	(pc) =	sbr.rel @p0 .LBB2_118-.Ltmp58, $4  }
0x45b: {  	v4 =	vld [tilespmem:s3+$0x98B0];
	v8 =	vadd.f32 v5, v8  }
0x45c: {  	v5 =	vld [tilespmem:s3+$0x9880];
	v9 =	vadd.f32 v6, v9  }
0x45d: {  	v6 =	vld [tilespmem:s3+$0x9890];
	v10 =	vadd.f32 v7, v10  }
0x45e: {  	v7 =	vld [tilespmem:s3+$0x98A0]  }
0x45f: {  	_ = 	snop  }
0x460: {  	v3 =	vadd.f32 v4, v3  }
0x461: {  	v5 =	vadd.f32 v5, v8  }
0x462: {  	v6 =	vadd.f32 v6, v9;
	[tilespmem:$0x12030] =	vst v3  }
0x463: {  	v7 =	vadd.f32 v7, v10;
	[tilespmem:$0x12000] =	vst v5  }
0x464: {  	[tilespmem:$0x12010] =	vst v6  }
0x465: {  	s3 =	simm.s32 $0x0;
	[tilespmem:$0x12020] =	vst v7  }
0x466: {  	v4 =	vld [tilespmem:s3+$0xA530]  }
0x467: {  	v5 =	vld [tilespmem:s3+$0xA500]  }
0x468: {  	v8 =	vimm.f32 $0.0e+00;
	v6 =	vld [tilespmem:s3+$0xA510]  }
0x469: {  	s17 =	simm.s32 $0x100;
	v3 =	vimm.f32 $0.0e+00;
	v9 =	vimm.f32 $0.0e+00;
	v10 =	vimm.f32 $0.0e+00;
	v7 =	vld [tilespmem:s3+$0xA520]  }
.LBB2_120:
0x46a: {  	p0 =	sne.s32 s17, $0x3100  }
.Ltmp59:
0x46b: {  	s3 =	sshra.s32 s17, $0x2;
	s17 =	sadd.s32 $0x100, s17;
	v3 =	vadd.f32 v4, v3;
	(pc) =	sbr.rel @p0 .LBB2_120-.Ltmp59, $4  }
0x46c: {  	v4 =	vld [tilespmem:s3+$0xA530];
	v8 =	vadd.f32 v5, v8  }
0x46d: {  	v5 =	vld [tilespmem:s3+$0xA500];
	v9 =	vadd.f32 v6, v9  }
0x46e: {  	v6 =	vld [tilespmem:s3+$0xA510];
	v10 =	vadd.f32 v7, v10  }
0x46f: {  	v7 =	vld [tilespmem:s3+$0xA520]  }
0x470: {  	_ = 	snop  }
0x471: {  	v3 =	vadd.f32 v4, v3  }
0x472: {  	v5 =	vadd.f32 v5, v8  }
0x473: {  	v6 =	vadd.f32 v6, v9;
	[tilespmem:$0x12070] =	vst v3  }
0x474: {  	v7 =	vadd.f32 v7, v10;
	[tilespmem:$0x12040] =	vst v5  }
0x475: {  	[tilespmem:$0x12050] =	vst v6  }
0x476: {  	s3 =	simm.s32 $0xD48;
	[tilespmem:$0x12060] =	vst v7  }
0x477: {  	[tilespmem:s30], [sflag:$0x6] =	stream.indirect.gather [hbm4b:s4+s25], $0x40, s3, s25, $0xb8;
	[tilespmem:$0x132C0] =	vst v63  }
0x478: {  	_ =	swait.ge [sflag:s31], $0x3200  }
0x479: {  	[sflag:s31] =	ssyncset.done $0x0  }
0x47a: {  	s3 =	simm.s32 $0x0;
	[sflag:s31] =	ssyncadd.s32 $0xFFFFCE00  }
0x47b: {  	v4 =	vld [tilespmem:s3+$0x1BB0]  }
0x47c: {  	v5 =	vld [tilespmem:s3+$0x1B80]  }
0x47d: {  	v8 =	vimm.f32 $0.0e+00;
	v6 =	vld [tilespmem:s3+$0x1B90]  }
0x47e: {  	s17 =	simm.s32 $0x100;
	v3 =	vimm.f32 $0.0e+00;
	v9 =	vimm.f32 $0.0e+00;
	v10 =	vimm.f32 $0.0e+00;
	v7 =	vld [tilespmem:s3+$0x1BA0]  }
.LBB2_122:
0x47f: {  	p0 =	sne.s32 s17, $0x3100  }
.Ltmp60:
0x480: {  	s3 =	sshra.s32 s17, $0x2;
	s17 =	sadd.s32 $0x100, s17;
	v3 =	vadd.f32 v4, v3;
	(pc) =	sbr.rel @p0 .LBB2_122-.Ltmp60, $4  }
0x481: {  	v4 =	vld [tilespmem:s3+$0x1BB0];
	v8 =	vadd.f32 v5, v8  }
0x482: {  	v5 =	vld [tilespmem:s3+$0x1B80];
	v9 =	vadd.f32 v6, v9  }
0x483: {  	v6 =	vld [tilespmem:s3+$0x1B90];
	v10 =	vadd.f32 v7, v10  }
0x484: {  	v7 =	vld [tilespmem:s3+$0x1BA0]  }
0x485: {  	_ = 	snop  }
0x486: {  	v3 =	vadd.f32 v4, v3  }
0x487: {  	v5 =	vadd.f32 v5, v8  }
0x488: {  	v6 =	vadd.f32 v6, v9;
	[tilespmem:$0x120B0] =	vst v3  }
0x489: {  	v7 =	vadd.f32 v7, v10;
	[tilespmem:$0x12080] =	vst v5  }
0x48a: {  	[tilespmem:$0x12090] =	vst v6  }
0x48b: {  	s3 =	simm.s32 $0x0;
	[tilespmem:$0x120A0] =	vst v7  }
0x48c: {  	v4 =	vld [tilespmem:s3+$0x2830]  }
0x48d: {  	v5 =	vld [tilespmem:s3+$0x2800]  }
0x48e: {  	v8 =	vimm.f32 $0.0e+00;
	v6 =	vld [tilespmem:s3+$0x2810]  }
0x48f: {  	s17 =	simm.s32 $0x100;
	v3 =	vimm.f32 $0.0e+00;
	v9 =	vimm.f32 $0.0e+00;
	v10 =	vimm.f32 $0.0e+00;
	v7 =	vld [tilespmem:s3+$0x2820]  }
.LBB2_124:
0x490: {  	p0 =	sne.s32 s17, $0x3100  }
.Ltmp61:
0x491: {  	s3 =	sshra.s32 s17, $0x2;
	s17 =	sadd.s32 $0x100, s17;
	v3 =	vadd.f32 v4, v3;
	(pc) =	sbr.rel @p0 .LBB2_124-.Ltmp61, $4  }
0x492: {  	v4 =	vld [tilespmem:s3+$0x2830];
	v8 =	vadd.f32 v5, v8  }
0x493: {  	v5 =	vld [tilespmem:s3+$0x2800];
	v9 =	vadd.f32 v6, v9  }
0x494: {  	v6 =	vld [tilespmem:s3+$0x2810];
	v10 =	vadd.f32 v7, v10  }
0x495: {  	v7 =	vld [tilespmem:s3+$0x2820]  }
0x496: {  	_ = 	snop  }
0x497: {  	v3 =	vadd.f32 v4, v3  }
0x498: {  	v5 =	vadd.f32 v5, v8  }
0x499: {  	v6 =	vadd.f32 v6, v9;
	[tilespmem:$0x120F0] =	vst v3  }
0x49a: {  	v7 =	vadd.f32 v7, v10;
	[tilespmem:$0x120C0] =	vst v5  }
0x49b: {  	[tilespmem:$0x120D0] =	vst v6  }
0x49c: {  	s3 =	simm.s32 $0x0;
	[tilespmem:$0x120E0] =	vst v7  }
0x49d: {  	v4 =	vld [tilespmem:s3+$0x34B0]  }
0x49e: {  	v5 =	vld [tilespmem:s3+$0x3480]  }
0x49f: {  	v8 =	vimm.f32 $0.0e+00;
	v6 =	vld [tilespmem:s3+$0x3490]  }
0x4a0: {  	s17 =	simm.s32 $0x100;
	v3 =	vimm.f32 $0.0e+00;
	v9 =	vimm.f32 $0.0e+00;
	v10 =	vimm.f32 $0.0e+00;
	v7 =	vld [tilespmem:s3+$0x34A0]  }
.LBB2_126:
0x4a1: {  	p0 =	sne.s32 s17, $0x3100  }
.Ltmp62:
0x4a2: {  	s3 =	sshra.s32 s17, $0x2;
	s17 =	sadd.s32 $0x100, s17;
	v3 =	vadd.f32 v4, v3;
	(pc) =	sbr.rel @p0 .LBB2_126-.Ltmp62, $4  }
0x4a3: {  	v4 =	vld [tilespmem:s3+$0x34B0];
	v8 =	vadd.f32 v5, v8  }
0x4a4: {  	v5 =	vld [tilespmem:s3+$0x3480];
	v9 =	vadd.f32 v6, v9  }
0x4a5: {  	v6 =	vld [tilespmem:s3+$0x3490];
	v10 =	vadd.f32 v7, v10  }
0x4a6: {  	v7 =	vld [tilespmem:s3+$0x34A0]  }
0x4a7: {  	_ = 	snop  }
0x4a8: {  	v3 =	vadd.f32 v4, v3  }
0x4a9: {  	v5 =	vadd.f32 v5, v8  }
0x4aa: {  	v6 =	vadd.f32 v6, v9;
	[tilespmem:$0x12130] =	vst v3  }
0x4ab: {  	v7 =	vadd.f32 v7, v10;
	[tilespmem:$0x12100] =	vst v5  }
0x4ac: {  	[tilespmem:$0x12110] =	vst v6  }
0x4ad: {  	s3 =	simm.s32 $0x0;
	[tilespmem:$0x12120] =	vst v7  }
0x4ae: {  	v4 =	vld [tilespmem:s3+$0x4130]  }
0x4af: {  	v5 =	vld [tilespmem:s3+$0x4100]  }
0x4b0: {  	v8 =	vimm.f32 $0.0e+00;
	v6 =	vld [tilespmem:s3+$0x4110]  }
0x4b1: {  	s17 =	simm.s32 $0x100;
	v3 =	vimm.f32 $0.0e+00;
	v9 =	vimm.f32 $0.0e+00;
	v10 =	vimm.f32 $0.0e+00;
	v7 =	vld [tilespmem:s3+$0x4120]  }
.LBB2_128:
0x4b2: {  	p0 =	sne.s32 s17, $0x3100  }
.Ltmp63:
0x4b3: {  	s3 =	sshra.s32 s17, $0x2;
	s17 =	sadd.s32 $0x100, s17;
	v3 =	vadd.f32 v4, v3;
	(pc) =	sbr.rel @p0 .LBB2_128-.Ltmp63, $4  }
0x4b4: {  	v4 =	vld [tilespmem:s3+$0x4130];
	v8 =	vadd.f32 v5, v8  }
0x4b5: {  	v5 =	vld [tilespmem:s3+$0x4100];
	v9 =	vadd.f32 v6, v9  }
0x4b6: {  	v6 =	vld [tilespmem:s3+$0x4110];
	v10 =	vadd.f32 v7, v10  }
0x4b7: {  	v7 =	vld [tilespmem:s3+$0x4120]  }
0x4b8: {  	_ = 	snop  }
0x4b9: {  	v3 =	vadd.f32 v4, v3  }
0x4ba: {  	v5 =	vadd.f32 v5, v8  }
0x4bb: {  	v6 =	vadd.f32 v6, v9;
	[tilespmem:$0x12170] =	vst v3  }
0x4bc: {  	v7 =	vadd.f32 v7, v10;
	[tilespmem:$0x12140] =	vst v5  }
0x4bd: {  	[tilespmem:$0x12150] =	vst v6  }
0x4be: {  	s3 =	simm.s32 $0xE10;
	[tilespmem:$0x12160] =	vst v7  }
0x4bf: {  	[tilespmem:s26], [sflag:$0x4] =	stream.indirect.gather [hbm4b:s4+s25], $0x40, s3, s25, $0xb8;
	[tilespmem:$0x132C0] =	vst v63  }
0x4c0: {  	_ =	swait.ge [sflag:s0], $0x3200  }
0x4c1: {  	[sflag:s0] =	ssyncset.done $0x0  }
0x4c2: {  	s3 =	simm.s32 $0x0;
	[sflag:s0] =	ssyncadd.s32 $0xFFFFCE00  }
0x4c3: {  	v4 =	vld [tilespmem:s3+$0x4DB0]  }
0x4c4: {  	v5 =	vld [tilespmem:s3+$0x4D80]  }
0x4c5: {  	v8 =	vimm.f32 $0.0e+00;
	v6 =	vld [tilespmem:s3+$0x4D90]  }
0x4c6: {  	s17 =	simm.s32 $0x100;
	v3 =	vimm.f32 $0.0e+00;
	v9 =	vimm.f32 $0.0e+00;
	v10 =	vimm.f32 $0.0e+00;
	v7 =	vld [tilespmem:s3+$0x4DA0]  }
.LBB2_130:
0x4c7: {  	p0 =	sne.s32 s17, $0x3100  }
.Ltmp64:
0x4c8: {  	s3 =	sshra.s32 s17, $0x2;
	s17 =	sadd.s32 $0x100, s17;
	v3 =	vadd.f32 v4, v3;
	(pc) =	sbr.rel @p0 .LBB2_130-.Ltmp64, $4  }
0x4c9: {  	v4 =	vld [tilespmem:s3+$0x4DB0];
	v8 =	vadd.f32 v5, v8  }
0x4ca: {  	v5 =	vld [tilespmem:s3+$0x4D80];
	v9 =	vadd.f32 v6, v9  }
0x4cb: {  	v6 =	vld [tilespmem:s3+$0x4D90];
	v10 =	vadd.f32 v7, v10  }
0x4cc: {  	v7 =	vld [tilespmem:s3+$0x4DA0]  }
0x4cd: {  	_ = 	snop  }
0x4ce: {  	v3 =	vadd.f32 v4, v3  }
0x4cf: {  	v5 =	vadd.f32 v5, v8  }
0x4d0: {  	v6 =	vadd.f32 v6, v9;
	[tilespmem:$0x121B0] =	vst v3  }
0x4d1: {  	v7 =	vadd.f32 v7, v10;
	[tilespmem:$0x12180] =	vst v5  }
0x4d2: {  	[tilespmem:$0x12190] =	vst v6  }
0x4d3: {  	s3 =	simm.s32 $0x0;
	[tilespmem:$0x121A0] =	vst v7  }
0x4d4: {  	v4 =	vld [tilespmem:s3+$0x5A30]  }
0x4d5: {  	v5 =	vld [tilespmem:s3+$0x5A00]  }
0x4d6: {  	v8 =	vimm.f32 $0.0e+00;
	v6 =	vld [tilespmem:s3+$0x5A10]  }
0x4d7: {  	s17 =	simm.s32 $0x100;
	v3 =	vimm.f32 $0.0e+00;
	v9 =	vimm.f32 $0.0e+00;
	v10 =	vimm.f32 $0.0e+00;
	v7 =	vld [tilespmem:s3+$0x5A20]  }
.LBB2_132:
0x4d8: {  	p0 =	sne.s32 s17, $0x3100  }
.Ltmp65:
0x4d9: {  	s3 =	sshra.s32 s17, $0x2;
	s17 =	sadd.s32 $0x100, s17;
	v3 =	vadd.f32 v4, v3;
	(pc) =	sbr.rel @p0 .LBB2_132-.Ltmp65, $4  }
0x4da: {  	v4 =	vld [tilespmem:s3+$0x5A30];
	v8 =	vadd.f32 v5, v8  }
0x4db: {  	v5 =	vld [tilespmem:s3+$0x5A00];
	v9 =	vadd.f32 v6, v9  }
0x4dc: {  	v6 =	vld [tilespmem:s3+$0x5A10];
	v10 =	vadd.f32 v7, v10  }
0x4dd: {  	v7 =	vld [tilespmem:s3+$0x5A20]  }
0x4de: {  	_ = 	snop  }
0x4df: {  	v3 =	vadd.f32 v4, v3  }
0x4e0: {  	v5 =	vadd.f32 v5, v8  }
0x4e1: {  	v6 =	vadd.f32 v6, v9;
	[tilespmem:$0x121F0] =	vst v3  }
0x4e2: {  	v7 =	vadd.f32 v7, v10;
	[tilespmem:$0x121C0] =	vst v5  }
0x4e3: {  	[tilespmem:$0x121D0] =	vst v6  }
0x4e4: {  	s3 =	simm.s32 $0x0;
	[tilespmem:$0x121E0] =	vst v7  }
0x4e5: {  	v4 =	vld [tilespmem:s3+$0x66B0]  }
0x4e6: {  	v5 =	vld [tilespmem:s3+$0x6680]  }
0x4e7: {  	v8 =	vimm.f32 $0.0e+00;
	v6 =	vld [tilespmem:s3+$0x6690]  }
0x4e8: {  	s17 =	simm.s32 $0x100;
	v3 =	vimm.f32 $0.0e+00;
	v9 =	vimm.f32 $0.0e+00;
	v10 =	vimm.f32 $0.0e+00;
	v7 =	vld [tilespmem:s3+$0x66A0]  }
.LBB2_134:
0x4e9: {  	p0 =	sne.s32 s17, $0x3100  }
.Ltmp66:
0x4ea: {  	s3 =	sshra.s32 s17, $0x2;
	s17 =	sadd.s32 $0x100, s17;
	v3 =	vadd.f32 v4, v3;
	(pc) =	sbr.rel @p0 .LBB2_134-.Ltmp66, $4  }
0x4eb: {  	v4 =	vld [tilespmem:s3+$0x66B0];
	v8 =	vadd.f32 v5, v8  }
0x4ec: {  	v5 =	vld [tilespmem:s3+$0x6680];
	v9 =	vadd.f32 v6, v9  }
0x4ed: {  	v6 =	vld [tilespmem:s3+$0x6690];
	v10 =	vadd.f32 v7, v10  }
0x4ee: {  	v7 =	vld [tilespmem:s3+$0x66A0]  }
0x4ef: {  	_ = 	snop  }
0x4f0: {  	v3 =	vadd.f32 v4, v3  }
0x4f1: {  	v5 =	vadd.f32 v5, v8  }
0x4f2: {  	v6 =	vadd.f32 v6, v9;
	[tilespmem:$0x12230] =	vst v3  }
0x4f3: {  	v7 =	vadd.f32 v7, v10;
	[tilespmem:$0x12200] =	vst v5  }
0x4f4: {  	[tilespmem:$0x12210] =	vst v6  }
0x4f5: {  	s3 =	simm.s32 $0x0;
	[tilespmem:$0x12220] =	vst v7  }
0x4f6: {  	v4 =	vld [tilespmem:s3+$0x7330]  }
0x4f7: {  	v5 =	vld [tilespmem:s3+$0x7300]  }
0x4f8: {  	v8 =	vimm.f32 $0.0e+00;
	v6 =	vld [tilespmem:s3+$0x7310]  }
0x4f9: {  	s17 =	simm.s32 $0x100;
	v3 =	vimm.f32 $0.0e+00;
	v9 =	vimm.f32 $0.0e+00;
	v10 =	vimm.f32 $0.0e+00;
	v7 =	vld [tilespmem:s3+$0x7320]  }
.LBB2_136:
0x4fa: {  	p0 =	sne.s32 s17, $0x3100  }
.Ltmp67:
0x4fb: {  	s3 =	sshra.s32 s17, $0x2;
	s17 =	sadd.s32 $0x100, s17;
	v3 =	vadd.f32 v4, v3;
	(pc) =	sbr.rel @p0 .LBB2_136-.Ltmp67, $4  }
0x4fc: {  	v4 =	vld [tilespmem:s3+$0x7330];
	v8 =	vadd.f32 v5, v8  }
0x4fd: {  	v5 =	vld [tilespmem:s3+$0x7300];
	v9 =	vadd.f32 v6, v9  }
0x4fe: {  	v6 =	vld [tilespmem:s3+$0x7310];
	v10 =	vadd.f32 v7, v10  }
0x4ff: {  	v7 =	vld [tilespmem:s3+$0x7320]  }
0x500: {  	_ = 	snop  }
0x501: {  	v3 =	vadd.f32 v4, v3  }
0x502: {  	v5 =	vadd.f32 v5, v8  }
0x503: {  	v6 =	vadd.f32 v6, v9;
	[tilespmem:$0x12270] =	vst v3  }
0x504: {  	v7 =	vadd.f32 v7, v10;
	[tilespmem:$0x12240] =	vst v5  }
0x505: {  	[tilespmem:$0x12250] =	vst v6  }
0x506: {  	s3 =	simm.s32 $0xED8;
	[tilespmem:$0x12260] =	vst v7  }
0x507: {  	[tilespmem:s28], [sflag:$0x5] =	stream.indirect.gather [hbm4b:s4+s25], $0x40, s3, s25, $0xb8;
	[tilespmem:$0x132C0] =	vst v63  }
0x508: {  	_ =	swait.ge [sflag:s19], $0x3200  }
0x509: {  	[sflag:s19] =	ssyncset.done $0x0  }
0x50a: {  	s3 =	simm.s32 $0x0;
	[sflag:s19] =	ssyncadd.s32 $0xFFFFCE00  }
0x50b: {  	v4 =	vld [tilespmem:s3+$0x7FB0]  }
0x50c: {  	v5 =	vld [tilespmem:s3+$0x7F80]  }
0x50d: {  	v8 =	vimm.f32 $0.0e+00;
	v6 =	vld [tilespmem:s3+$0x7F90]  }
0x50e: {  	s17 =	simm.s32 $0x100;
	v3 =	vimm.f32 $0.0e+00;
	v9 =	vimm.f32 $0.0e+00;
	v10 =	vimm.f32 $0.0e+00;
	v7 =	vld [tilespmem:s3+$0x7FA0]  }
.LBB2_138:
0x50f: {  	p0 =	sne.s32 s17, $0x3100  }
.Ltmp68:
0x510: {  	s3 =	sshra.s32 s17, $0x2;
	s17 =	sadd.s32 $0x100, s17;
	v3 =	vadd.f32 v4, v3;
	(pc) =	sbr.rel @p0 .LBB2_138-.Ltmp68, $4  }
0x511: {  	v4 =	vld [tilespmem:s3+$0x7FB0];
	v8 =	vadd.f32 v5, v8  }
0x512: {  	v5 =	vld [tilespmem:s3+$0x7F80];
	v9 =	vadd.f32 v6, v9  }
0x513: {  	v6 =	vld [tilespmem:s3+$0x7F90];
	v10 =	vadd.f32 v7, v10  }
0x514: {  	v7 =	vld [tilespmem:s3+$0x7FA0]  }
0x515: {  	_ = 	snop  }
0x516: {  	v3 =	vadd.f32 v4, v3  }
0x517: {  	v5 =	vadd.f32 v5, v8  }
0x518: {  	v6 =	vadd.f32 v6, v9;
	[tilespmem:$0x122B0] =	vst v3  }
0x519: {  	v7 =	vadd.f32 v7, v10;
	[tilespmem:$0x12280] =	vst v5  }
0x51a: {  	[tilespmem:$0x12290] =	vst v6  }
0x51b: {  	s3 =	simm.s32 $0x0;
	[tilespmem:$0x122A0] =	vst v7  }
0x51c: {  	v4 =	vld [tilespmem:s3+$0x8C30]  }
0x51d: {  	v5 =	vld [tilespmem:s3+$0x8C00]  }
0x51e: {  	v8 =	vimm.f32 $0.0e+00;
	v6 =	vld [tilespmem:s3+$0x8C10]  }
0x51f: {  	s17 =	simm.s32 $0x100;
	v3 =	vimm.f32 $0.0e+00;
	v9 =	vimm.f32 $0.0e+00;
	v10 =	vimm.f32 $0.0e+00;
	v7 =	vld [tilespmem:s3+$0x8C20]  }
.LBB2_140:
0x520: {  	p0 =	sne.s32 s17, $0x3100  }
.Ltmp69:
0x521: {  	s3 =	sshra.s32 s17, $0x2;
	s17 =	sadd.s32 $0x100, s17;
	v3 =	vadd.f32 v4, v3;
	(pc) =	sbr.rel @p0 .LBB2_140-.Ltmp69, $4  }
0x522: {  	v4 =	vld [tilespmem:s3+$0x8C30];
	v8 =	vadd.f32 v5, v8  }
0x523: {  	v5 =	vld [tilespmem:s3+$0x8C00];
	v9 =	vadd.f32 v6, v9  }
0x524: {  	v6 =	vld [tilespmem:s3+$0x8C10];
	v10 =	vadd.f32 v7, v10  }
0x525: {  	v7 =	vld [tilespmem:s3+$0x8C20]  }
0x526: {  	_ = 	snop  }
0x527: {  	v3 =	vadd.f32 v4, v3  }
0x528: {  	v5 =	vadd.f32 v5, v8  }
0x529: {  	v6 =	vadd.f32 v6, v9;
	[tilespmem:$0x122F0] =	vst v3  }
0x52a: {  	v7 =	vadd.f32 v7, v10;
	[tilespmem:$0x122C0] =	vst v5  }
0x52b: {  	[tilespmem:$0x122D0] =	vst v6  }
0x52c: {  	s3 =	simm.s32 $0x0;
	[tilespmem:$0x122E0] =	vst v7  }
0x52d: {  	v4 =	vld [tilespmem:s3+$0x98B0]  }
0x52e: {  	v5 =	vld [tilespmem:s3+$0x9880]  }
0x52f: {  	v8 =	vimm.f32 $0.0e+00;
	v6 =	vld [tilespmem:s3+$0x9890]  }
0x530: {  	s17 =	simm.s32 $0x100;
	v3 =	vimm.f32 $0.0e+00;
	v9 =	vimm.f32 $0.0e+00;
	v10 =	vimm.f32 $0.0e+00;
	v7 =	vld [tilespmem:s3+$0x98A0]  }
.LBB2_142:
0x531: {  	p0 =	sne.s32 s17, $0x3100  }
.Ltmp70:
0x532: {  	s3 =	sshra.s32 s17, $0x2;
	s17 =	sadd.s32 $0x100, s17;
	v3 =	vadd.f32 v4, v3;
	(pc) =	sbr.rel @p0 .LBB2_142-.Ltmp70, $4  }
0x533: {  	v4 =	vld [tilespmem:s3+$0x98B0];
	v8 =	vadd.f32 v5, v8  }
0x534: {  	v5 =	vld [tilespmem:s3+$0x9880];
	v9 =	vadd.f32 v6, v9  }
0x535: {  	v6 =	vld [tilespmem:s3+$0x9890];
	v10 =	vadd.f32 v7, v10  }
0x536: {  	v7 =	vld [tilespmem:s3+$0x98A0]  }
0x537: {  	_ = 	snop  }
0x538: {  	v3 =	vadd.f32 v4, v3  }
0x539: {  	v5 =	vadd.f32 v5, v8  }
0x53a: {  	v6 =	vadd.f32 v6, v9;
	[tilespmem:$0x12330] =	vst v3  }
0x53b: {  	v7 =	vadd.f32 v7, v10;
	[tilespmem:$0x12300] =	vst v5  }
0x53c: {  	[tilespmem:$0x12310] =	vst v6  }
0x53d: {  	s3 =	simm.s32 $0x0;
	[tilespmem:$0x12320] =	vst v7  }
0x53e: {  	v4 =	vld [tilespmem:s3+$0xA530]  }
0x53f: {  	v5 =	vld [tilespmem:s3+$0xA500]  }
0x540: {  	v8 =	vimm.f32 $0.0e+00;
	v6 =	vld [tilespmem:s3+$0xA510]  }
0x541: {  	s17 =	simm.s32 $0x100;
	v3 =	vimm.f32 $0.0e+00;
	v9 =	vimm.f32 $0.0e+00;
	v10 =	vimm.f32 $0.0e+00;
	v7 =	vld [tilespmem:s3+$0xA520]  }
.LBB2_144:
0x542: {  	p0 =	sne.s32 s17, $0x3100  }
.Ltmp71:
0x543: {  	s3 =	sshra.s32 s17, $0x2;
	s17 =	sadd.s32 $0x100, s17;
	v3 =	vadd.f32 v4, v3;
	(pc) =	sbr.rel @p0 .LBB2_144-.Ltmp71, $4  }
0x544: {  	v4 =	vld [tilespmem:s3+$0xA530];
	v8 =	vadd.f32 v5, v8  }
0x545: {  	v5 =	vld [tilespmem:s3+$0xA500];
	v9 =	vadd.f32 v6, v9  }
0x546: {  	v6 =	vld [tilespmem:s3+$0xA510];
	v10 =	vadd.f32 v7, v10  }
0x547: {  	v7 =	vld [tilespmem:s3+$0xA520]  }
0x548: {  	_ = 	snop  }
0x549: {  	v3 =	vadd.f32 v4, v3  }
0x54a: {  	v5 =	vadd.f32 v5, v8  }
0x54b: {  	v6 =	vadd.f32 v6, v9;
	[tilespmem:$0x12370] =	vst v3  }
0x54c: {  	v7 =	vadd.f32 v7, v10;
	[tilespmem:$0x12340] =	vst v5  }
0x54d: {  	[tilespmem:$0x12350] =	vst v6  }
0x54e: {  	s3 =	simm.s32 $0xFA0;
	[tilespmem:$0x12360] =	vst v7  }
0x54f: {  	[tilespmem:s30], [sflag:$0x6] =	stream.indirect.gather [hbm4b:s4+s25], $0x40, s3, s25, $0xb8;
	[tilespmem:$0x132C0] =	vst v63  }
0x550: {  	_ =	swait.ge [sflag:s31], $0x3200  }
0x551: {  	[sflag:s31] =	ssyncset.done $0x0  }
0x552: {  	s3 =	simm.s32 $0x0;
	[sflag:s31] =	ssyncadd.s32 $0xFFFFCE00  }
0x553: {  	v4 =	vld [tilespmem:s3+$0x1BB0]  }
0x554: {  	v5 =	vld [tilespmem:s3+$0x1B80]  }
0x555: {  	v8 =	vimm.f32 $0.0e+00;
	v6 =	vld [tilespmem:s3+$0x1B90]  }
0x556: {  	s17 =	simm.s32 $0x100;
	v3 =	vimm.f32 $0.0e+00;
	v9 =	vimm.f32 $0.0e+00;
	v10 =	vimm.f32 $0.0e+00;
	v7 =	vld [tilespmem:s3+$0x1BA0]  }
.LBB2_146:
0x557: {  	p0 =	sne.s32 s17, $0x3100  }
.Ltmp72:
0x558: {  	s3 =	sshra.s32 s17, $0x2;
	s17 =	sadd.s32 $0x100, s17;
	v3 =	vadd.f32 v4, v3;
	(pc) =	sbr.rel @p0 .LBB2_146-.Ltmp72, $4  }
0x559: {  	v4 =	vld [tilespmem:s3+$0x1BB0];
	v8 =	vadd.f32 v5, v8  }
0x55a: {  	v5 =	vld [tilespmem:s3+$0x1B80];
	v9 =	vadd.f32 v6, v9  }
0x55b: {  	v6 =	vld [tilespmem:s3+$0x1B90];
	v10 =	vadd.f32 v7, v10  }
0x55c: {  	v7 =	vld [tilespmem:s3+$0x1BA0]  }
0x55d: {  	_ = 	snop  }
0x55e: {  	v3 =	vadd.f32 v4, v3  }
0x55f: {  	v5 =	vadd.f32 v5, v8  }
0x560: {  	v6 =	vadd.f32 v6, v9;
	[tilespmem:$0x123B0] =	vst v3  }
0x561: {  	v7 =	vadd.f32 v7, v10;
	[tilespmem:$0x12380] =	vst v5  }
0x562: {  	[tilespmem:$0x12390] =	vst v6  }
0x563: {  	s3 =	simm.s32 $0x0;
	[tilespmem:$0x123A0] =	vst v7  }
0x564: {  	v4 =	vld [tilespmem:s3+$0x2830]  }
0x565: {  	v5 =	vld [tilespmem:s3+$0x2800]  }
0x566: {  	v8 =	vimm.f32 $0.0e+00;
	v6 =	vld [tilespmem:s3+$0x2810]  }
0x567: {  	s17 =	simm.s32 $0x100;
	v3 =	vimm.f32 $0.0e+00;
	v9 =	vimm.f32 $0.0e+00;
	v10 =	vimm.f32 $0.0e+00;
	v7 =	vld [tilespmem:s3+$0x2820]  }
.LBB2_148:
0x568: {  	p0 =	sne.s32 s17, $0x3100  }
.Ltmp73:
0x569: {  	s3 =	sshra.s32 s17, $0x2;
	s17 =	sadd.s32 $0x100, s17;
	v3 =	vadd.f32 v4, v3;
	(pc) =	sbr.rel @p0 .LBB2_148-.Ltmp73, $4  }
0x56a: {  	v4 =	vld [tilespmem:s3+$0x2830];
	v8 =	vadd.f32 v5, v8  }
0x56b: {  	v5 =	vld [tilespmem:s3+$0x2800];
	v9 =	vadd.f32 v6, v9  }
0x56c: {  	v6 =	vld [tilespmem:s3+$0x2810];
	v10 =	vadd.f32 v7, v10  }
0x56d: {  	v7 =	vld [tilespmem:s3+$0x2820]  }
0x56e: {  	_ = 	snop  }
0x56f: {  	v3 =	vadd.f32 v4, v3  }
0x570: {  	v5 =	vadd.f32 v5, v8  }
0x571: {  	v6 =	vadd.f32 v6, v9;
	[tilespmem:$0x123F0] =	vst v3  }
0x572: {  	v7 =	vadd.f32 v7, v10;
	[tilespmem:$0x123C0] =	vst v5  }
0x573: {  	[tilespmem:$0x123D0] =	vst v6  }
0x574: {  	s3 =	simm.s32 $0x0;
	[tilespmem:$0x123E0] =	vst v7  }
0x575: {  	v4 =	vld [tilespmem:s3+$0x34B0]  }
0x576: {  	v5 =	vld [tilespmem:s3+$0x3480]  }
0x577: {  	v8 =	vimm.f32 $0.0e+00;
	v6 =	vld [tilespmem:s3+$0x3490]  }
0x578: {  	s17 =	simm.s32 $0x100;
	v3 =	vimm.f32 $0.0e+00;
	v9 =	vimm.f32 $0.0e+00;
	v10 =	vimm.f32 $0.0e+00;
	v7 =	vld [tilespmem:s3+$0x34A0]  }
.LBB2_150:
0x579: {  	p0 =	sne.s32 s17, $0x3100  }
.Ltmp74:
0x57a: {  	s3 =	sshra.s32 s17, $0x2;
	s17 =	sadd.s32 $0x100, s17;
	v3 =	vadd.f32 v4, v3;
	(pc) =	sbr.rel @p0 .LBB2_150-.Ltmp74, $4  }
0x57b: {  	v4 =	vld [tilespmem:s3+$0x34B0];
	v8 =	vadd.f32 v5, v8  }
0x57c: {  	v5 =	vld [tilespmem:s3+$0x3480];
	v9 =	vadd.f32 v6, v9  }
0x57d: {  	v6 =	vld [tilespmem:s3+$0x3490];
	v10 =	vadd.f32 v7, v10  }
0x57e: {  	v7 =	vld [tilespmem:s3+$0x34A0]  }
0x57f: {  	_ = 	snop  }
0x580: {  	v3 =	vadd.f32 v4, v3  }
0x581: {  	v5 =	vadd.f32 v5, v8  }
0x582: {  	v6 =	vadd.f32 v6, v9;
	[tilespmem:$0x12430] =	vst v3  }
0x583: {  	v7 =	vadd.f32 v7, v10;
	[tilespmem:$0x12400] =	vst v5  }
0x584: {  	[tilespmem:$0x12410] =	vst v6  }
0x585: {  	s3 =	simm.s32 $0x0;
	[tilespmem:$0x12420] =	vst v7  }
0x586: {  	v4 =	vld [tilespmem:s3+$0x4130]  }
0x587: {  	v5 =	vld [tilespmem:s3+$0x4100]  }
0x588: {  	v8 =	vimm.f32 $0.0e+00;
	v6 =	vld [tilespmem:s3+$0x4110]  }
0x589: {  	s17 =	simm.s32 $0x100;
	v3 =	vimm.f32 $0.0e+00;
	v9 =	vimm.f32 $0.0e+00;
	v10 =	vimm.f32 $0.0e+00;
	v7 =	vld [tilespmem:s3+$0x4120]  }
.LBB2_152:
0x58a: {  	p0 =	sne.s32 s17, $0x3100  }
.Ltmp75:
0x58b: {  	s3 =	sshra.s32 s17, $0x2;
	s17 =	sadd.s32 $0x100, s17;
	v3 =	vadd.f32 v4, v3;
	(pc) =	sbr.rel @p0 .LBB2_152-.Ltmp75, $4  }
0x58c: {  	v4 =	vld [tilespmem:s3+$0x4130];
	v8 =	vadd.f32 v5, v8  }
0x58d: {  	v5 =	vld [tilespmem:s3+$0x4100];
	v9 =	vadd.f32 v6, v9  }
0x58e: {  	v6 =	vld [tilespmem:s3+$0x4110];
	v10 =	vadd.f32 v7, v10  }
0x58f: {  	v7 =	vld [tilespmem:s3+$0x4120]  }
0x590: {  	_ = 	snop  }
0x591: {  	v3 =	vadd.f32 v4, v3  }
0x592: {  	v5 =	vadd.f32 v5, v8  }
0x593: {  	v6 =	vadd.f32 v6, v9;
	[tilespmem:$0x12470] =	vst v3  }
0x594: {  	v7 =	vadd.f32 v7, v10;
	[tilespmem:$0x12440] =	vst v5  }
0x595: {  	[tilespmem:$0x12450] =	vst v6  }
0x596: {  	s3 =	simm.s32 $0x1068;
	[tilespmem:$0x12460] =	vst v7  }
0x597: {  	[tilespmem:s26], [sflag:$0x4] =	stream.indirect.gather [hbm4b:s4+s25], $0x40, s3, s25, $0xb8;
	[tilespmem:$0x132C0] =	vst v63  }
0x598: {  	_ =	swait.ge [sflag:s0], $0x3200  }
0x599: {  	[sflag:s0] =	ssyncset.done $0x0  }
0x59a: {  	s3 =	simm.s32 $0x0;
	[sflag:s0] =	ssyncadd.s32 $0xFFFFCE00  }
0x59b: {  	v4 =	vld [tilespmem:s3+$0x4DB0]  }
0x59c: {  	v5 =	vld [tilespmem:s3+$0x4D80]  }
0x59d: {  	v8 =	vimm.f32 $0.0e+00;
	v6 =	vld [tilespmem:s3+$0x4D90]  }
0x59e: {  	s17 =	simm.s32 $0x100;
	v3 =	vimm.f32 $0.0e+00;
	v9 =	vimm.f32 $0.0e+00;
	v10 =	vimm.f32 $0.0e+00;
	v7 =	vld [tilespmem:s3+$0x4DA0]  }
.LBB2_154:
0x59f: {  	p0 =	sne.s32 s17, $0x3100  }
.Ltmp76:
0x5a0: {  	s3 =	sshra.s32 s17, $0x2;
	s17 =	sadd.s32 $0x100, s17;
	v3 =	vadd.f32 v4, v3;
	(pc) =	sbr.rel @p0 .LBB2_154-.Ltmp76, $4  }
0x5a1: {  	v4 =	vld [tilespmem:s3+$0x4DB0];
	v8 =	vadd.f32 v5, v8  }
0x5a2: {  	v5 =	vld [tilespmem:s3+$0x4D80];
	v9 =	vadd.f32 v6, v9  }
0x5a3: {  	v6 =	vld [tilespmem:s3+$0x4D90];
	v10 =	vadd.f32 v7, v10  }
0x5a4: {  	v7 =	vld [tilespmem:s3+$0x4DA0]  }
0x5a5: {  	_ = 	snop  }
0x5a6: {  	v3 =	vadd.f32 v4, v3  }
0x5a7: {  	v5 =	vadd.f32 v5, v8  }
0x5a8: {  	v6 =	vadd.f32 v6, v9;
	[tilespmem:$0x124B0] =	vst v3  }
0x5a9: {  	v7 =	vadd.f32 v7, v10;
	[tilespmem:$0x12480] =	vst v5  }
0x5aa: {  	[tilespmem:$0x12490] =	vst v6  }
0x5ab: {  	s3 =	simm.s32 $0x0;
	[tilespmem:$0x124A0] =	vst v7  }
0x5ac: {  	v4 =	vld [tilespmem:s3+$0x5A30]  }
0x5ad: {  	v5 =	vld [tilespmem:s3+$0x5A00]  }
0x5ae: {  	v8 =	vimm.f32 $0.0e+00;
	v6 =	vld [tilespmem:s3+$0x5A10]  }
0x5af: {  	s17 =	simm.s32 $0x100;
	v3 =	vimm.f32 $0.0e+00;
	v9 =	vimm.f32 $0.0e+00;
	v10 =	vimm.f32 $0.0e+00;
	v7 =	vld [tilespmem:s3+$0x5A20]  }
.LBB2_156:
0x5b0: {  	p0 =	sne.s32 s17, $0x3100  }
.Ltmp77:
0x5b1: {  	s3 =	sshra.s32 s17, $0x2;
	s17 =	sadd.s32 $0x100, s17;
	v3 =	vadd.f32 v4, v3;
	(pc) =	sbr.rel @p0 .LBB2_156-.Ltmp77, $4  }
0x5b2: {  	v4 =	vld [tilespmem:s3+$0x5A30];
	v8 =	vadd.f32 v5, v8  }
0x5b3: {  	v5 =	vld [tilespmem:s3+$0x5A00];
	v9 =	vadd.f32 v6, v9  }
0x5b4: {  	v6 =	vld [tilespmem:s3+$0x5A10];
	v10 =	vadd.f32 v7, v10  }
0x5b5: {  	v7 =	vld [tilespmem:s3+$0x5A20]  }
0x5b6: {  	_ = 	snop  }
0x5b7: {  	v3 =	vadd.f32 v4, v3  }
0x5b8: {  	v5 =	vadd.f32 v5, v8  }
0x5b9: {  	v6 =	vadd.f32 v6, v9;
	[tilespmem:$0x124F0] =	vst v3  }
0x5ba: {  	v7 =	vadd.f32 v7, v10;
	[tilespmem:$0x124C0] =	vst v5  }
0x5bb: {  	[tilespmem:$0x124D0] =	vst v6  }
0x5bc: {  	s3 =	simm.s32 $0x0;
	[tilespmem:$0x124E0] =	vst v7  }
0x5bd: {  	v4 =	vld [tilespmem:s3+$0x66B0]  }
0x5be: {  	v5 =	vld [tilespmem:s3+$0x6680]  }
0x5bf: {  	v8 =	vimm.f32 $0.0e+00;
	v6 =	vld [tilespmem:s3+$0x6690]  }
0x5c0: {  	s17 =	simm.s32 $0x100;
	v3 =	vimm.f32 $0.0e+00;
	v9 =	vimm.f32 $0.0e+00;
	v10 =	vimm.f32 $0.0e+00;
	v7 =	vld [tilespmem:s3+$0x66A0]  }
.LBB2_158:
0x5c1: {  	p0 =	sne.s32 s17, $0x3100  }
.Ltmp78:
0x5c2: {  	s3 =	sshra.s32 s17, $0x2;
	s17 =	sadd.s32 $0x100, s17;
	v3 =	vadd.f32 v4, v3;
	(pc) =	sbr.rel @p0 .LBB2_158-.Ltmp78, $4  }
0x5c3: {  	v4 =	vld [tilespmem:s3+$0x66B0];
	v8 =	vadd.f32 v5, v8  }
0x5c4: {  	v5 =	vld [tilespmem:s3+$0x6680];
	v9 =	vadd.f32 v6, v9  }
0x5c5: {  	v6 =	vld [tilespmem:s3+$0x6690];
	v10 =	vadd.f32 v7, v10  }
0x5c6: {  	v7 =	vld [tilespmem:s3+$0x66A0]  }
0x5c7: {  	_ = 	snop  }
0x5c8: {  	v3 =	vadd.f32 v4, v3  }
0x5c9: {  	v5 =	vadd.f32 v5, v8  }
0x5ca: {  	v6 =	vadd.f32 v6, v9;
	[tilespmem:$0x12530] =	vst v3  }
0x5cb: {  	v7 =	vadd.f32 v7, v10;
	[tilespmem:$0x12500] =	vst v5  }
0x5cc: {  	[tilespmem:$0x12510] =	vst v6  }
0x5cd: {  	s3 =	simm.s32 $0x0;
	[tilespmem:$0x12520] =	vst v7  }
0x5ce: {  	v4 =	vld [tilespmem:s3+$0x7330]  }
0x5cf: {  	v5 =	vld [tilespmem:s3+$0x7300]  }
0x5d0: {  	v8 =	vimm.f32 $0.0e+00;
	v6 =	vld [tilespmem:s3+$0x7310]  }
0x5d1: {  	s17 =	simm.s32 $0x100;
	v3 =	vimm.f32 $0.0e+00;
	v9 =	vimm.f32 $0.0e+00;
	v10 =	vimm.f32 $0.0e+00;
	v7 =	vld [tilespmem:s3+$0x7320]  }
.LBB2_160:
0x5d2: {  	p0 =	sne.s32 s17, $0x3100  }
.Ltmp79:
0x5d3: {  	s3 =	sshra.s32 s17, $0x2;
	s17 =	sadd.s32 $0x100, s17;
	v3 =	vadd.f32 v4, v3;
	(pc) =	sbr.rel @p0 .LBB2_160-.Ltmp79, $4  }
0x5d4: {  	v4 =	vld [tilespmem:s3+$0x7330];
	v8 =	vadd.f32 v5, v8  }
0x5d5: {  	v5 =	vld [tilespmem:s3+$0x7300];
	v9 =	vadd.f32 v6, v9  }
0x5d6: {  	v6 =	vld [tilespmem:s3+$0x7310];
	v10 =	vadd.f32 v7, v10  }
0x5d7: {  	v7 =	vld [tilespmem:s3+$0x7320]  }
0x5d8: {  	_ = 	snop  }
0x5d9: {  	v3 =	vadd.f32 v4, v3  }
0x5da: {  	v5 =	vadd.f32 v5, v8  }
0x5db: {  	v6 =	vadd.f32 v6, v9;
	[tilespmem:$0x12570] =	vst v3  }
0x5dc: {  	v7 =	vadd.f32 v7, v10;
	[tilespmem:$0x12540] =	vst v5  }
0x5dd: {  	[tilespmem:$0x12550] =	vst v6  }
0x5de: {  	s3 =	simm.s32 $0x1130;
	[tilespmem:$0x12560] =	vst v7  }
0x5df: {  	[tilespmem:s28], [sflag:$0x5] =	stream.indirect.gather [hbm4b:s4+s25], $0x40, s3, s25, $0xb8;
	[tilespmem:$0x132C0] =	vst v63  }
0x5e0: {  	_ =	swait.ge [sflag:s19], $0x3200  }
0x5e1: {  	[sflag:s19] =	ssyncset.done $0x0  }
0x5e2: {  	s3 =	simm.s32 $0x0;
	[sflag:s19] =	ssyncadd.s32 $0xFFFFCE00  }
0x5e3: {  	v4 =	vld [tilespmem:s3+$0x7FB0]  }
0x5e4: {  	v5 =	vld [tilespmem:s3+$0x7F80]  }
0x5e5: {  	v8 =	vimm.f32 $0.0e+00;
	v6 =	vld [tilespmem:s3+$0x7F90]  }
0x5e6: {  	s17 =	simm.s32 $0x100;
	v3 =	vimm.f32 $0.0e+00;
	v9 =	vimm.f32 $0.0e+00;
	v10 =	vimm.f32 $0.0e+00;
	v7 =	vld [tilespmem:s3+$0x7FA0]  }
.LBB2_162:
0x5e7: {  	p0 =	sne.s32 s17, $0x3100  }
.Ltmp80:
0x5e8: {  	s3 =	sshra.s32 s17, $0x2;
	s17 =	sadd.s32 $0x100, s17;
	v3 =	vadd.f32 v4, v3;
	(pc) =	sbr.rel @p0 .LBB2_162-.Ltmp80, $4  }
0x5e9: {  	v4 =	vld [tilespmem:s3+$0x7FB0];
	v8 =	vadd.f32 v5, v8  }
0x5ea: {  	v5 =	vld [tilespmem:s3+$0x7F80];
	v9 =	vadd.f32 v6, v9  }
0x5eb: {  	v6 =	vld [tilespmem:s3+$0x7F90];
	v10 =	vadd.f32 v7, v10  }
0x5ec: {  	v7 =	vld [tilespmem:s3+$0x7FA0]  }
0x5ed: {  	_ = 	snop  }
0x5ee: {  	v3 =	vadd.f32 v4, v3  }
0x5ef: {  	v5 =	vadd.f32 v5, v8  }
0x5f0: {  	v6 =	vadd.f32 v6, v9;
	[tilespmem:$0x125B0] =	vst v3  }
0x5f1: {  	v7 =	vadd.f32 v7, v10;
	[tilespmem:$0x12580] =	vst v5  }
0x5f2: {  	[tilespmem:$0x12590] =	vst v6  }
0x5f3: {  	s3 =	simm.s32 $0x0;
	[tilespmem:$0x125A0] =	vst v7  }
0x5f4: {  	v4 =	vld [tilespmem:s3+$0x8C30]  }
0x5f5: {  	v5 =	vld [tilespmem:s3+$0x8C00]  }
0x5f6: {  	v8 =	vimm.f32 $0.0e+00;
	v6 =	vld [tilespmem:s3+$0x8C10]  }
0x5f7: {  	s17 =	simm.s32 $0x100;
	v3 =	vimm.f32 $0.0e+00;
	v9 =	vimm.f32 $0.0e+00;
	v10 =	vimm.f32 $0.0e+00;
	v7 =	vld [tilespmem:s3+$0x8C20]  }
.LBB2_164:
0x5f8: {  	p0 =	sne.s32 s17, $0x3100  }
.Ltmp81:
0x5f9: {  	s3 =	sshra.s32 s17, $0x2;
	s17 =	sadd.s32 $0x100, s17;
	v3 =	vadd.f32 v4, v3;
	(pc) =	sbr.rel @p0 .LBB2_164-.Ltmp81, $4  }
0x5fa: {  	v4 =	vld [tilespmem:s3+$0x8C30];
	v8 =	vadd.f32 v5, v8  }
0x5fb: {  	v5 =	vld [tilespmem:s3+$0x8C00];
	v9 =	vadd.f32 v6, v9  }
0x5fc: {  	v6 =	vld [tilespmem:s3+$0x8C10];
	v10 =	vadd.f32 v7, v10  }
0x5fd: {  	v7 =	vld [tilespmem:s3+$0x8C20]  }
0x5fe: {  	_ = 	snop  }
0x5ff: {  	v3 =	vadd.f32 v4, v3  }
0x600: {  	v5 =	vadd.f32 v5, v8  }
0x601: {  	v6 =	vadd.f32 v6, v9;
	[tilespmem:$0x125F0] =	vst v3  }
0x602: {  	v7 =	vadd.f32 v7, v10;
	[tilespmem:$0x125C0] =	vst v5  }
0x603: {  	[tilespmem:$0x125D0] =	vst v6  }
0x604: {  	s3 =	simm.s32 $0x0;
	[tilespmem:$0x125E0] =	vst v7  }
0x605: {  	v4 =	vld [tilespmem:s3+$0x98B0]  }
0x606: {  	v5 =	vld [tilespmem:s3+$0x9880]  }
0x607: {  	v8 =	vimm.f32 $0.0e+00;
	v6 =	vld [tilespmem:s3+$0x9890]  }
0x608: {  	s17 =	simm.s32 $0x100;
	v3 =	vimm.f32 $0.0e+00;
	v9 =	vimm.f32 $0.0e+00;
	v10 =	vimm.f32 $0.0e+00;
	v7 =	vld [tilespmem:s3+$0x98A0]  }
.LBB2_166:
0x609: {  	p0 =	sne.s32 s17, $0x3100  }
.Ltmp82:
0x60a: {  	s3 =	sshra.s32 s17, $0x2;
	s17 =	sadd.s32 $0x100, s17;
	v3 =	vadd.f32 v4, v3;
	(pc) =	sbr.rel @p0 .LBB2_166-.Ltmp82, $4  }
0x60b: {  	v4 =	vld [tilespmem:s3+$0x98B0];
	v8 =	vadd.f32 v5, v8  }
0x60c: {  	v5 =	vld [tilespmem:s3+$0x9880];
	v9 =	vadd.f32 v6, v9  }
0x60d: {  	v6 =	vld [tilespmem:s3+$0x9890];
	v10 =	vadd.f32 v7, v10  }
0x60e: {  	v7 =	vld [tilespmem:s3+$0x98A0]  }
0x60f: {  	_ = 	snop  }
0x610: {  	v3 =	vadd.f32 v4, v3  }
0x611: {  	v5 =	vadd.f32 v5, v8  }
0x612: {  	v6 =	vadd.f32 v6, v9;
	[tilespmem:$0x12630] =	vst v3  }
0x613: {  	v7 =	vadd.f32 v7, v10;
	[tilespmem:$0x12600] =	vst v5  }
0x614: {  	[tilespmem:$0x12610] =	vst v6  }
0x615: {  	s3 =	simm.s32 $0x0;
	[tilespmem:$0x12620] =	vst v7  }
0x616: {  	v4 =	vld [tilespmem:s3+$0xA530]  }
0x617: {  	v5 =	vld [tilespmem:s3+$0xA500]  }
0x618: {  	v8 =	vimm.f32 $0.0e+00;
	v6 =	vld [tilespmem:s3+$0xA510]  }
0x619: {  	s17 =	simm.s32 $0x100;
	v3 =	vimm.f32 $0.0e+00;
	v9 =	vimm.f32 $0.0e+00;
	v10 =	vimm.f32 $0.0e+00;
	v7 =	vld [tilespmem:s3+$0xA520]  }
.LBB2_168:
0x61a: {  	p0 =	sne.s32 s17, $0x3100  }
.Ltmp83:
0x61b: {  	s3 =	sshra.s32 s17, $0x2;
	s17 =	sadd.s32 $0x100, s17;
	v3 =	vadd.f32 v4, v3;
	(pc) =	sbr.rel @p0 .LBB2_168-.Ltmp83, $4  }
0x61c: {  	v4 =	vld [tilespmem:s3+$0xA530];
	v8 =	vadd.f32 v5, v8  }
0x61d: {  	v5 =	vld [tilespmem:s3+$0xA500];
	v9 =	vadd.f32 v6, v9  }
0x61e: {  	v6 =	vld [tilespmem:s3+$0xA510];
	v10 =	vadd.f32 v7, v10  }
0x61f: {  	v7 =	vld [tilespmem:s3+$0xA520]  }
0x620: {  	_ = 	snop  }
0x621: {  	v3 =	vadd.f32 v4, v3  }
0x622: {  	v5 =	vadd.f32 v5, v8  }
0x623: {  	v6 =	vadd.f32 v6, v9;
	[tilespmem:$0x12670] =	vst v3  }
0x624: {  	v7 =	vadd.f32 v7, v10;
	[tilespmem:$0x12640] =	vst v5  }
0x625: {  	[tilespmem:$0x12650] =	vst v6  }
0x626: {  	s3 =	simm.s32 $0x11F8;
	[tilespmem:$0x12660] =	vst v7  }
0x627: {  	[tilespmem:s30], [sflag:$0x6] =	stream.indirect.gather [hbm4b:s4+s25], $0x40, s3, s25, $0xb8;
	[tilespmem:$0x132C0] =	vst v63  }
0x628: {  	_ =	swait.ge [sflag:s31], $0x3200  }
0x629: {  	[sflag:s31] =	ssyncset.done $0x0  }
0x62a: {  	s3 =	simm.s32 $0x0;
	[sflag:s31] =	ssyncadd.s32 $0xFFFFCE00  }
0x62b: {  	v4 =	vld [tilespmem:s3+$0x1BB0]  }
0x62c: {  	v5 =	vld [tilespmem:s3+$0x1B80]  }
0x62d: {  	v8 =	vimm.f32 $0.0e+00;
	v6 =	vld [tilespmem:s3+$0x1B90]  }
0x62e: {  	s17 =	simm.s32 $0x100;
	v3 =	vimm.f32 $0.0e+00;
	v9 =	vimm.f32 $0.0e+00;
	v10 =	vimm.f32 $0.0e+00;
	v7 =	vld [tilespmem:s3+$0x1BA0]  }
.LBB2_170:
0x62f: {  	p0 =	sne.s32 s17, $0x3100  }
.Ltmp84:
0x630: {  	s3 =	sshra.s32 s17, $0x2;
	s17 =	sadd.s32 $0x100, s17;
	v3 =	vadd.f32 v4, v3;
	(pc) =	sbr.rel @p0 .LBB2_170-.Ltmp84, $4  }
0x631: {  	v4 =	vld [tilespmem:s3+$0x1BB0];
	v8 =	vadd.f32 v5, v8  }
0x632: {  	v5 =	vld [tilespmem:s3+$0x1B80];
	v9 =	vadd.f32 v6, v9  }
0x633: {  	v6 =	vld [tilespmem:s3+$0x1B90];
	v10 =	vadd.f32 v7, v10  }
0x634: {  	v7 =	vld [tilespmem:s3+$0x1BA0]  }
0x635: {  	_ = 	snop  }
0x636: {  	v3 =	vadd.f32 v4, v3  }
0x637: {  	v5 =	vadd.f32 v5, v8  }
0x638: {  	v6 =	vadd.f32 v6, v9;
	[tilespmem:$0x126B0] =	vst v3  }
0x639: {  	v7 =	vadd.f32 v7, v10;
	[tilespmem:$0x12680] =	vst v5  }
0x63a: {  	[tilespmem:$0x12690] =	vst v6  }
0x63b: {  	s3 =	simm.s32 $0x0;
	[tilespmem:$0x126A0] =	vst v7  }
0x63c: {  	v4 =	vld [tilespmem:s3+$0x2830]  }
0x63d: {  	v5 =	vld [tilespmem:s3+$0x2800]  }
0x63e: {  	v8 =	vimm.f32 $0.0e+00;
	v6 =	vld [tilespmem:s3+$0x2810]  }
0x63f: {  	s17 =	simm.s32 $0x100;
	v3 =	vimm.f32 $0.0e+00;
	v9 =	vimm.f32 $0.0e+00;
	v10 =	vimm.f32 $0.0e+00;
	v7 =	vld [tilespmem:s3+$0x2820]  }
.LBB2_172:
0x640: {  	p0 =	sne.s32 s17, $0x3100  }
.Ltmp85:
0x641: {  	s3 =	sshra.s32 s17, $0x2;
	s17 =	sadd.s32 $0x100, s17;
	v3 =	vadd.f32 v4, v3;
	(pc) =	sbr.rel @p0 .LBB2_172-.Ltmp85, $4  }
0x642: {  	v4 =	vld [tilespmem:s3+$0x2830];
	v8 =	vadd.f32 v5, v8  }
0x643: {  	v5 =	vld [tilespmem:s3+$0x2800];
	v9 =	vadd.f32 v6, v9  }
0x644: {  	v6 =	vld [tilespmem:s3+$0x2810];
	v10 =	vadd.f32 v7, v10  }
0x645: {  	v7 =	vld [tilespmem:s3+$0x2820]  }
0x646: {  	_ = 	snop  }
0x647: {  	v3 =	vadd.f32 v4, v3  }
0x648: {  	v5 =	vadd.f32 v5, v8  }
0x649: {  	v6 =	vadd.f32 v6, v9;
	[tilespmem:$0x126F0] =	vst v3  }
0x64a: {  	v7 =	vadd.f32 v7, v10;
	[tilespmem:$0x126C0] =	vst v5  }
0x64b: {  	[tilespmem:$0x126D0] =	vst v6  }
0x64c: {  	s3 =	simm.s32 $0x0;
	[tilespmem:$0x126E0] =	vst v7  }
0x64d: {  	v4 =	vld [tilespmem:s3+$0x34B0]  }
0x64e: {  	v5 =	vld [tilespmem:s3+$0x3480]  }
0x64f: {  	v8 =	vimm.f32 $0.0e+00;
	v6 =	vld [tilespmem:s3+$0x3490]  }
0x650: {  	s17 =	simm.s32 $0x100;
	v3 =	vimm.f32 $0.0e+00;
	v9 =	vimm.f32 $0.0e+00;
	v10 =	vimm.f32 $0.0e+00;
	v7 =	vld [tilespmem:s3+$0x34A0]  }
.LBB2_174:
0x651: {  	p0 =	sne.s32 s17, $0x3100  }
.Ltmp86:
0x652: {  	s3 =	sshra.s32 s17, $0x2;
	s17 =	sadd.s32 $0x100, s17;
	v3 =	vadd.f32 v4, v3;
	(pc) =	sbr.rel @p0 .LBB2_174-.Ltmp86, $4  }
0x653: {  	v4 =	vld [tilespmem:s3+$0x34B0];
	v8 =	vadd.f32 v5, v8  }
0x654: {  	v5 =	vld [tilespmem:s3+$0x3480];
	v9 =	vadd.f32 v6, v9  }
0x655: {  	v6 =	vld [tilespmem:s3+$0x3490];
	v10 =	vadd.f32 v7, v10  }
0x656: {  	v7 =	vld [tilespmem:s3+$0x34A0]  }
0x657: {  	_ = 	snop  }
0x658: {  	v3 =	vadd.f32 v4, v3  }
0x659: {  	v5 =	vadd.f32 v5, v8  }
0x65a: {  	v6 =	vadd.f32 v6, v9;
	[tilespmem:$0x12730] =	vst v3  }
0x65b: {  	v7 =	vadd.f32 v7, v10;
	[tilespmem:$0x12700] =	vst v5  }
0x65c: {  	[tilespmem:$0x12710] =	vst v6  }
0x65d: {  	s3 =	simm.s32 $0x0;
	[tilespmem:$0x12720] =	vst v7  }
0x65e: {  	v4 =	vld [tilespmem:s3+$0x4130]  }
0x65f: {  	v5 =	vld [tilespmem:s3+$0x4100]  }
0x660: {  	v8 =	vimm.f32 $0.0e+00;
	v6 =	vld [tilespmem:s3+$0x4110]  }
0x661: {  	s17 =	simm.s32 $0x100;
	v3 =	vimm.f32 $0.0e+00;
	v9 =	vimm.f32 $0.0e+00;
	v10 =	vimm.f32 $0.0e+00;
	v7 =	vld [tilespmem:s3+$0x4120]  }
.LBB2_176:
0x662: {  	p0 =	sne.s32 s17, $0x3100  }
.Ltmp87:
0x663: {  	s3 =	sshra.s32 s17, $0x2;
	s17 =	sadd.s32 $0x100, s17;
	v3 =	vadd.f32 v4, v3;
	(pc) =	sbr.rel @p0 .LBB2_176-.Ltmp87, $4  }
0x664: {  	v4 =	vld [tilespmem:s3+$0x4130];
	v8 =	vadd.f32 v5, v8  }
0x665: {  	v5 =	vld [tilespmem:s3+$0x4100];
	v9 =	vadd.f32 v6, v9  }
0x666: {  	v6 =	vld [tilespmem:s3+$0x4110];
	v10 =	vadd.f32 v7, v10  }
0x667: {  	v7 =	vld [tilespmem:s3+$0x4120]  }
0x668: {  	_ = 	snop  }
0x669: {  	v3 =	vadd.f32 v4, v3  }
0x66a: {  	v5 =	vadd.f32 v5, v8  }
0x66b: {  	v6 =	vadd.f32 v6, v9;
	[tilespmem:$0x12770] =	vst v3  }
0x66c: {  	v7 =	vadd.f32 v7, v10;
	[tilespmem:$0x12740] =	vst v5  }
0x66d: {  	[tilespmem:$0x12750] =	vst v6  }
0x66e: {  	s3 =	simm.s32 $0x12C0;
	[tilespmem:$0x12760] =	vst v7  }
0x66f: {  	[tilespmem:s26], [sflag:$0x4] =	stream.indirect.gather [hbm4b:s4+s25], $0x40, s3, s25, $0xb8;
	[tilespmem:$0x132C0] =	vst v63  }
0x670: {  	_ =	swait.ge [sflag:s0], $0x3200  }
0x671: {  	[sflag:s0] =	ssyncset.done $0x0  }
0x672: {  	s3 =	simm.s32 $0x0;
	[sflag:s0] =	ssyncadd.s32 $0xFFFFCE00  }
0x673: {  	v4 =	vld [tilespmem:s3+$0x4DB0]  }
0x674: {  	v5 =	vld [tilespmem:s3+$0x4D80]  }
0x675: {  	v8 =	vimm.f32 $0.0e+00;
	v6 =	vld [tilespmem:s3+$0x4D90]  }
0x676: {  	s17 =	simm.s32 $0x100;
	v3 =	vimm.f32 $0.0e+00;
	v9 =	vimm.f32 $0.0e+00;
	v10 =	vimm.f32 $0.0e+00;
	v7 =	vld [tilespmem:s3+$0x4DA0]  }
.LBB2_178:
0x677: {  	p0 =	sne.s32 s17, $0x3100  }
.Ltmp88:
0x678: {  	s3 =	sshra.s32 s17, $0x2;
	s17 =	sadd.s32 $0x100, s17;
	v3 =	vadd.f32 v4, v3;
	(pc) =	sbr.rel @p0 .LBB2_178-.Ltmp88, $4  }
0x679: {  	v4 =	vld [tilespmem:s3+$0x4DB0];
	v8 =	vadd.f32 v5, v8  }
0x67a: {  	v5 =	vld [tilespmem:s3+$0x4D80];
	v9 =	vadd.f32 v6, v9  }
0x67b: {  	v6 =	vld [tilespmem:s3+$0x4D90];
	v10 =	vadd.f32 v7, v10  }
0x67c: {  	v7 =	vld [tilespmem:s3+$0x4DA0]  }
0x67d: {  	_ = 	snop  }
0x67e: {  	v3 =	vadd.f32 v4, v3  }
0x67f: {  	v5 =	vadd.f32 v5, v8  }
0x680: {  	v6 =	vadd.f32 v6, v9;
	[tilespmem:$0x127B0] =	vst v3  }
0x681: {  	v7 =	vadd.f32 v7, v10;
	[tilespmem:$0x12780] =	vst v5  }
0x682: {  	[tilespmem:$0x12790] =	vst v6  }
0x683: {  	s3 =	simm.s32 $0x0;
	[tilespmem:$0x127A0] =	vst v7  }
0x684: {  	v4 =	vld [tilespmem:s3+$0x5A30]  }
0x685: {  	v5 =	vld [tilespmem:s3+$0x5A00]  }
0x686: {  	v8 =	vimm.f32 $0.0e+00;
	v6 =	vld [tilespmem:s3+$0x5A10]  }
0x687: {  	s17 =	simm.s32 $0x100;
	v3 =	vimm.f32 $0.0e+00;
	v9 =	vimm.f32 $0.0e+00;
	v10 =	vimm.f32 $0.0e+00;
	v7 =	vld [tilespmem:s3+$0x5A20]  }
.LBB2_180:
0x688: {  	p0 =	sne.s32 s17, $0x3100  }
.Ltmp89:
0x689: {  	s3 =	sshra.s32 s17, $0x2;
	s17 =	sadd.s32 $0x100, s17;
	v3 =	vadd.f32 v4, v3;
	(pc) =	sbr.rel @p0 .LBB2_180-.Ltmp89, $4  }
0x68a: {  	v4 =	vld [tilespmem:s3+$0x5A30];
	v8 =	vadd.f32 v5, v8  }
0x68b: {  	v5 =	vld [tilespmem:s3+$0x5A00];
	v9 =	vadd.f32 v6, v9  }
0x68c: {  	v6 =	vld [tilespmem:s3+$0x5A10];
	v10 =	vadd.f32 v7, v10  }
0x68d: {  	v7 =	vld [tilespmem:s3+$0x5A20]  }
0x68e: {  	_ = 	snop  }
0x68f: {  	v3 =	vadd.f32 v4, v3  }
0x690: {  	v5 =	vadd.f32 v5, v8  }
0x691: {  	v6 =	vadd.f32 v6, v9;
	[tilespmem:$0x127F0] =	vst v3  }
0x692: {  	v7 =	vadd.f32 v7, v10;
	[tilespmem:$0x127C0] =	vst v5  }
0x693: {  	[tilespmem:$0x127D0] =	vst v6  }
0x694: {  	s3 =	simm.s32 $0x0;
	[tilespmem:$0x127E0] =	vst v7  }
0x695: {  	v4 =	vld [tilespmem:s3+$0x66B0]  }
0x696: {  	v5 =	vld [tilespmem:s3+$0x6680]  }
0x697: {  	v8 =	vimm.f32 $0.0e+00;
	v6 =	vld [tilespmem:s3+$0x6690]  }
0x698: {  	s17 =	simm.s32 $0x100;
	v3 =	vimm.f32 $0.0e+00;
	v9 =	vimm.f32 $0.0e+00;
	v10 =	vimm.f32 $0.0e+00;
	v7 =	vld [tilespmem:s3+$0x66A0]  }
.LBB2_182:
0x699: {  	p0 =	sne.s32 s17, $0x3100  }
.Ltmp90:
0x69a: {  	s3 =	sshra.s32 s17, $0x2;
	s17 =	sadd.s32 $0x100, s17;
	v3 =	vadd.f32 v4, v3;
	(pc) =	sbr.rel @p0 .LBB2_182-.Ltmp90, $4  }
0x69b: {  	v4 =	vld [tilespmem:s3+$0x66B0];
	v8 =	vadd.f32 v5, v8  }
0x69c: {  	v5 =	vld [tilespmem:s3+$0x6680];
	v9 =	vadd.f32 v6, v9  }
0x69d: {  	v6 =	vld [tilespmem:s3+$0x6690];
	v10 =	vadd.f32 v7, v10  }
0x69e: {  	v7 =	vld [tilespmem:s3+$0x66A0]  }
0x69f: {  	_ = 	snop  }
0x6a0: {  	v3 =	vadd.f32 v4, v3  }
0x6a1: {  	v5 =	vadd.f32 v5, v8  }
0x6a2: {  	v6 =	vadd.f32 v6, v9;
	[tilespmem:$0x12830] =	vst v3  }
0x6a3: {  	v7 =	vadd.f32 v7, v10;
	[tilespmem:$0x12800] =	vst v5  }
0x6a4: {  	[tilespmem:$0x12810] =	vst v6  }
0x6a5: {  	s3 =	simm.s32 $0x0;
	[tilespmem:$0x12820] =	vst v7  }
0x6a6: {  	v4 =	vld [tilespmem:s3+$0x7330]  }
0x6a7: {  	v5 =	vld [tilespmem:s3+$0x7300]  }
0x6a8: {  	v8 =	vimm.f32 $0.0e+00;
	v6 =	vld [tilespmem:s3+$0x7310]  }
0x6a9: {  	s17 =	simm.s32 $0x100;
	v3 =	vimm.f32 $0.0e+00;
	v9 =	vimm.f32 $0.0e+00;
	v10 =	vimm.f32 $0.0e+00;
	v7 =	vld [tilespmem:s3+$0x7320]  }
.LBB2_184:
0x6aa: {  	p0 =	sne.s32 s17, $0x3100  }
.Ltmp91:
0x6ab: {  	s3 =	sshra.s32 s17, $0x2;
	s17 =	sadd.s32 $0x100, s17;
	v3 =	vadd.f32 v4, v3;
	(pc) =	sbr.rel @p0 .LBB2_184-.Ltmp91, $4  }
0x6ac: {  	v4 =	vld [tilespmem:s3+$0x7330];
	v8 =	vadd.f32 v5, v8  }
0x6ad: {  	v5 =	vld [tilespmem:s3+$0x7300];
	v9 =	vadd.f32 v6, v9  }
0x6ae: {  	v6 =	vld [tilespmem:s3+$0x7310];
	v10 =	vadd.f32 v7, v10  }
0x6af: {  	v7 =	vld [tilespmem:s3+$0x7320]  }
0x6b0: {  	_ = 	snop  }
0x6b1: {  	v3 =	vadd.f32 v4, v3  }
0x6b2: {  	v5 =	vadd.f32 v5, v8  }
0x6b3: {  	v6 =	vadd.f32 v6, v9;
	[tilespmem:$0x12870] =	vst v3  }
0x6b4: {  	v7 =	vadd.f32 v7, v10;
	[tilespmem:$0x12840] =	vst v5  }
0x6b5: {  	[tilespmem:$0x12850] =	vst v6  }
0x6b6: {  	s3 =	simm.s32 $0x1388;
	[tilespmem:$0x12860] =	vst v7  }
0x6b7: {  	[tilespmem:s28], [sflag:$0x5] =	stream.indirect.gather [hbm4b:s4+s25], $0x40, s3, s25, $0xb8;
	[tilespmem:$0x132C0] =	vst v63  }
0x6b8: {  	_ =	swait.ge [sflag:s19], $0x3200  }
0x6b9: {  	[sflag:s19] =	ssyncset.done $0x0  }
0x6ba: {  	s3 =	simm.s32 $0x0;
	[sflag:s19] =	ssyncadd.s32 $0xFFFFCE00  }
0x6bb: {  	v4 =	vld [tilespmem:s3+$0x7FB0]  }
0x6bc: {  	v5 =	vld [tilespmem:s3+$0x7F80]  }
0x6bd: {  	v8 =	vimm.f32 $0.0e+00;
	v6 =	vld [tilespmem:s3+$0x7F90]  }
0x6be: {  	s17 =	simm.s32 $0x100;
	v3 =	vimm.f32 $0.0e+00;
	v9 =	vimm.f32 $0.0e+00;
	v10 =	vimm.f32 $0.0e+00;
	v7 =	vld [tilespmem:s3+$0x7FA0]  }
.LBB2_186:
0x6bf: {  	p0 =	sne.s32 s17, $0x3100  }
.Ltmp92:
0x6c0: {  	s3 =	sshra.s32 s17, $0x2;
	s17 =	sadd.s32 $0x100, s17;
	v3 =	vadd.f32 v4, v3;
	(pc) =	sbr.rel @p0 .LBB2_186-.Ltmp92, $4  }
0x6c1: {  	v4 =	vld [tilespmem:s3+$0x7FB0];
	v8 =	vadd.f32 v5, v8  }
0x6c2: {  	v5 =	vld [tilespmem:s3+$0x7F80];
	v9 =	vadd.f32 v6, v9  }
0x6c3: {  	v6 =	vld [tilespmem:s3+$0x7F90];
	v10 =	vadd.f32 v7, v10  }
0x6c4: {  	v7 =	vld [tilespmem:s3+$0x7FA0]  }
0x6c5: {  	_ = 	snop  }
0x6c6: {  	v3 =	vadd.f32 v4, v3  }
0x6c7: {  	v5 =	vadd.f32 v5, v8  }
0x6c8: {  	v6 =	vadd.f32 v6, v9;
	[tilespmem:$0x128B0] =	vst v3  }
0x6c9: {  	v7 =	vadd.f32 v7, v10;
	[tilespmem:$0x12880] =	vst v5  }
0x6ca: {  	[tilespmem:$0x12890] =	vst v6  }
0x6cb: {  	s3 =	simm.s32 $0x0;
	[tilespmem:$0x128A0] =	vst v7  }
0x6cc: {  	v4 =	vld [tilespmem:s3+$0x8C30]  }
0x6cd: {  	v5 =	vld [tilespmem:s3+$0x8C00]  }
0x6ce: {  	v8 =	vimm.f32 $0.0e+00;
	v6 =	vld [tilespmem:s3+$0x8C10]  }
0x6cf: {  	s17 =	simm.s32 $0x100;
	v3 =	vimm.f32 $0.0e+00;
	v9 =	vimm.f32 $0.0e+00;
	v10 =	vimm.f32 $0.0e+00;
	v7 =	vld [tilespmem:s3+$0x8C20]  }
.LBB2_188:
0x6d0: {  	p0 =	sne.s32 s17, $0x3100  }
.Ltmp93:
0x6d1: {  	s3 =	sshra.s32 s17, $0x2;
	s17 =	sadd.s32 $0x100, s17;
	v3 =	vadd.f32 v4, v3;
	(pc) =	sbr.rel @p0 .LBB2_188-.Ltmp93, $4  }
0x6d2: {  	v4 =	vld [tilespmem:s3+$0x8C30];
	v8 =	vadd.f32 v5, v8  }
0x6d3: {  	v5 =	vld [tilespmem:s3+$0x8C00];
	v9 =	vadd.f32 v6, v9  }
0x6d4: {  	v6 =	vld [tilespmem:s3+$0x8C10];
	v10 =	vadd.f32 v7, v10  }
0x6d5: {  	v7 =	vld [tilespmem:s3+$0x8C20]  }
0x6d6: {  	_ = 	snop  }
0x6d7: {  	v3 =	vadd.f32 v4, v3  }
0x6d8: {  	v5 =	vadd.f32 v5, v8  }
0x6d9: {  	v6 =	vadd.f32 v6, v9;
	[tilespmem:$0x128F0] =	vst v3  }
0x6da: {  	v7 =	vadd.f32 v7, v10;
	[tilespmem:$0x128C0] =	vst v5  }
0x6db: {  	[tilespmem:$0x128D0] =	vst v6  }
0x6dc: {  	s3 =	simm.s32 $0x0;
	[tilespmem:$0x128E0] =	vst v7  }
0x6dd: {  	v4 =	vld [tilespmem:s3+$0x98B0]  }
0x6de: {  	v5 =	vld [tilespmem:s3+$0x9880]  }
0x6df: {  	v8 =	vimm.f32 $0.0e+00;
	v6 =	vld [tilespmem:s3+$0x9890]  }
0x6e0: {  	s17 =	simm.s32 $0x100;
	v3 =	vimm.f32 $0.0e+00;
	v9 =	vimm.f32 $0.0e+00;
	v10 =	vimm.f32 $0.0e+00;
	v7 =	vld [tilespmem:s3+$0x98A0]  }
.LBB2_190:
0x6e1: {  	p0 =	sne.s32 s17, $0x3100  }
.Ltmp94:
0x6e2: {  	s3 =	sshra.s32 s17, $0x2;
	s17 =	sadd.s32 $0x100, s17;
	v3 =	vadd.f32 v4, v3;
	(pc) =	sbr.rel @p0 .LBB2_190-.Ltmp94, $4  }
0x6e3: {  	v4 =	vld [tilespmem:s3+$0x98B0];
	v8 =	vadd.f32 v5, v8  }
0x6e4: {  	v5 =	vld [tilespmem:s3+$0x9880];
	v9 =	vadd.f32 v6, v9  }
0x6e5: {  	v6 =	vld [tilespmem:s3+$0x9890];
	v10 =	vadd.f32 v7, v10  }
0x6e6: {  	v7 =	vld [tilespmem:s3+$0x98A0]  }
0x6e7: {  	_ = 	snop  }
0x6e8: {  	v3 =	vadd.f32 v4, v3  }
0x6e9: {  	v5 =	vadd.f32 v5, v8  }
0x6ea: {  	v6 =	vadd.f32 v6, v9;
	[tilespmem:$0x12930] =	vst v3  }
0x6eb: {  	v7 =	vadd.f32 v7, v10;
	[tilespmem:$0x12900] =	vst v5  }
0x6ec: {  	[tilespmem:$0x12910] =	vst v6  }
0x6ed: {  	s3 =	simm.s32 $0x0;
	[tilespmem:$0x12920] =	vst v7  }
0x6ee: {  	v4 =	vld [tilespmem:s3+$0xA530]  }
0x6ef: {  	v5 =	vld [tilespmem:s3+$0xA500]  }
0x6f0: {  	v8 =	vimm.f32 $0.0e+00;
	v6 =	vld [tilespmem:s3+$0xA510]  }
0x6f1: {  	s17 =	simm.s32 $0x100;
	v3 =	vimm.f32 $0.0e+00;
	v9 =	vimm.f32 $0.0e+00;
	v10 =	vimm.f32 $0.0e+00;
	v7 =	vld [tilespmem:s3+$0xA520]  }
.LBB2_192:
0x6f2: {  	p0 =	sne.s32 s17, $0x3100  }
.Ltmp95:
0x6f3: {  	s3 =	sshra.s32 s17, $0x2;
	s17 =	sadd.s32 $0x100, s17;
	v3 =	vadd.f32 v4, v3;
	(pc) =	sbr.rel @p0 .LBB2_192-.Ltmp95, $4  }
0x6f4: {  	v4 =	vld [tilespmem:s3+$0xA530];
	v8 =	vadd.f32 v5, v8  }
0x6f5: {  	v5 =	vld [tilespmem:s3+$0xA500];
	v9 =	vadd.f32 v6, v9  }
0x6f6: {  	v6 =	vld [tilespmem:s3+$0xA510];
	v10 =	vadd.f32 v7, v10  }
0x6f7: {  	v7 =	vld [tilespmem:s3+$0xA520]  }
0x6f8: {  	_ = 	snop  }
0x6f9: {  	v3 =	vadd.f32 v4, v3  }
0x6fa: {  	v5 =	vadd.f32 v5, v8  }
0x6fb: {  	v6 =	vadd.f32 v6, v9;
	[tilespmem:$0x12970] =	vst v3  }
0x6fc: {  	v7 =	vadd.f32 v7, v10;
	[tilespmem:$0x12940] =	vst v5  }
0x6fd: {  	[tilespmem:$0x12950] =	vst v6  }
0x6fe: {  	s3 =	simm.s32 $0x1450;
	[tilespmem:$0x12960] =	vst v7  }
0x6ff: {  	[tilespmem:s30], [sflag:$0x6] =	stream.indirect.gather [hbm4b:s4+s25], $0x40, s3, s25, $0xb8;
	[tilespmem:$0x132C0] =	vst v63  }
0x700: {  	_ =	swait.ge [sflag:s31], $0x3200  }
0x701: {  	[sflag:s31] =	ssyncset.done $0x0  }
0x702: {  	s3 =	simm.s32 $0x0;
	[sflag:s31] =	ssyncadd.s32 $0xFFFFCE00  }
0x703: {  	v4 =	vld [tilespmem:s3+$0x1BB0]  }
0x704: {  	v5 =	vld [tilespmem:s3+$0x1B80]  }
0x705: {  	v8 =	vimm.f32 $0.0e+00;
	v6 =	vld [tilespmem:s3+$0x1B90]  }
0x706: {  	s17 =	simm.s32 $0x100;
	v3 =	vimm.f32 $0.0e+00;
	v9 =	vimm.f32 $0.0e+00;
	v10 =	vimm.f32 $0.0e+00;
	v7 =	vld [tilespmem:s3+$0x1BA0]  }
.LBB2_194:
0x707: {  	p0 =	sne.s32 s17, $0x3100  }
.Ltmp96:
0x708: {  	s3 =	sshra.s32 s17, $0x2;
	s17 =	sadd.s32 $0x100, s17;
	v3 =	vadd.f32 v4, v3;
	(pc) =	sbr.rel @p0 .LBB2_194-.Ltmp96, $4  }
0x709: {  	v4 =	vld [tilespmem:s3+$0x1BB0];
	v8 =	vadd.f32 v5, v8  }
0x70a: {  	v5 =	vld [tilespmem:s3+$0x1B80];
	v9 =	vadd.f32 v6, v9  }
0x70b: {  	v6 =	vld [tilespmem:s3+$0x1B90];
	v10 =	vadd.f32 v7, v10  }
0x70c: {  	v7 =	vld [tilespmem:s3+$0x1BA0]  }
0x70d: {  	_ = 	snop  }
0x70e: {  	v3 =	vadd.f32 v4, v3  }
0x70f: {  	v5 =	vadd.f32 v5, v8  }
0x710: {  	v6 =	vadd.f32 v6, v9;
	[tilespmem:$0x129B0] =	vst v3  }
0x711: {  	v7 =	vadd.f32 v7, v10;
	[tilespmem:$0x12980] =	vst v5  }
0x712: {  	[tilespmem:$0x12990] =	vst v6  }
0x713: {  	s3 =	simm.s32 $0x0;
	[tilespmem:$0x129A0] =	vst v7  }
0x714: {  	v4 =	vld [tilespmem:s3+$0x2830]  }
0x715: {  	v5 =	vld [tilespmem:s3+$0x2800]  }
0x716: {  	v8 =	vimm.f32 $0.0e+00;
	v6 =	vld [tilespmem:s3+$0x2810]  }
0x717: {  	s17 =	simm.s32 $0x100;
	v3 =	vimm.f32 $0.0e+00;
	v9 =	vimm.f32 $0.0e+00;
	v10 =	vimm.f32 $0.0e+00;
	v7 =	vld [tilespmem:s3+$0x2820]  }
.LBB2_196:
0x718: {  	p0 =	sne.s32 s17, $0x3100  }
.Ltmp97:
0x719: {  	s3 =	sshra.s32 s17, $0x2;
	s17 =	sadd.s32 $0x100, s17;
	v3 =	vadd.f32 v4, v3;
	(pc) =	sbr.rel @p0 .LBB2_196-.Ltmp97, $4  }
0x71a: {  	v4 =	vld [tilespmem:s3+$0x2830];
	v8 =	vadd.f32 v5, v8  }
0x71b: {  	v5 =	vld [tilespmem:s3+$0x2800];
	v9 =	vadd.f32 v6, v9  }
0x71c: {  	v6 =	vld [tilespmem:s3+$0x2810];
	v10 =	vadd.f32 v7, v10  }
0x71d: {  	v7 =	vld [tilespmem:s3+$0x2820]  }
0x71e: {  	_ = 	snop  }
0x71f: {  	v3 =	vadd.f32 v4, v3  }
0x720: {  	v5 =	vadd.f32 v5, v8  }
0x721: {  	v6 =	vadd.f32 v6, v9;
	[tilespmem:$0x129F0] =	vst v3  }
0x722: {  	v7 =	vadd.f32 v7, v10;
	[tilespmem:$0x129C0] =	vst v5  }
0x723: {  	[tilespmem:$0x129D0] =	vst v6  }
0x724: {  	s3 =	simm.s32 $0x0;
	[tilespmem:$0x129E0] =	vst v7  }
0x725: {  	v4 =	vld [tilespmem:s3+$0x34B0]  }
0x726: {  	v5 =	vld [tilespmem:s3+$0x3480]  }
0x727: {  	v8 =	vimm.f32 $0.0e+00;
	v6 =	vld [tilespmem:s3+$0x3490]  }
0x728: {  	s17 =	simm.s32 $0x100;
	v3 =	vimm.f32 $0.0e+00;
	v9 =	vimm.f32 $0.0e+00;
	v10 =	vimm.f32 $0.0e+00;
	v7 =	vld [tilespmem:s3+$0x34A0]  }
.LBB2_198:
0x729: {  	p0 =	sne.s32 s17, $0x3100  }
.Ltmp98:
0x72a: {  	s3 =	sshra.s32 s17, $0x2;
	s17 =	sadd.s32 $0x100, s17;
	v3 =	vadd.f32 v4, v3;
	(pc) =	sbr.rel @p0 .LBB2_198-.Ltmp98, $4  }
0x72b: {  	v4 =	vld [tilespmem:s3+$0x34B0];
	v8 =	vadd.f32 v5, v8  }
0x72c: {  	v5 =	vld [tilespmem:s3+$0x3480];
	v9 =	vadd.f32 v6, v9  }
0x72d: {  	v6 =	vld [tilespmem:s3+$0x3490];
	v10 =	vadd.f32 v7, v10  }
0x72e: {  	v7 =	vld [tilespmem:s3+$0x34A0]  }
0x72f: {  	_ = 	snop  }
0x730: {  	v3 =	vadd.f32 v4, v3  }
0x731: {  	v5 =	vadd.f32 v5, v8  }
0x732: {  	v6 =	vadd.f32 v6, v9;
	[tilespmem:$0x12A30] =	vst v3  }
0x733: {  	v7 =	vadd.f32 v7, v10;
	[tilespmem:$0x12A00] =	vst v5  }
0x734: {  	[tilespmem:$0x12A10] =	vst v6  }
0x735: {  	s3 =	simm.s32 $0x0;
	[tilespmem:$0x12A20] =	vst v7  }
0x736: {  	v4 =	vld [tilespmem:s3+$0x4130]  }
0x737: {  	v5 =	vld [tilespmem:s3+$0x4100]  }
0x738: {  	v8 =	vimm.f32 $0.0e+00;
	v6 =	vld [tilespmem:s3+$0x4110]  }
0x739: {  	s17 =	simm.s32 $0x100;
	v3 =	vimm.f32 $0.0e+00;
	v9 =	vimm.f32 $0.0e+00;
	v10 =	vimm.f32 $0.0e+00;
	v7 =	vld [tilespmem:s3+$0x4120]  }
.LBB2_200:
0x73a: {  	p0 =	sne.s32 s17, $0x3100  }
.Ltmp99:
0x73b: {  	s3 =	sshra.s32 s17, $0x2;
	s17 =	sadd.s32 $0x100, s17;
	v3 =	vadd.f32 v4, v3;
	(pc) =	sbr.rel @p0 .LBB2_200-.Ltmp99, $4  }
0x73c: {  	v4 =	vld [tilespmem:s3+$0x4130];
	v8 =	vadd.f32 v5, v8  }
0x73d: {  	v5 =	vld [tilespmem:s3+$0x4100];
	v9 =	vadd.f32 v6, v9  }
0x73e: {  	v6 =	vld [tilespmem:s3+$0x4110];
	v10 =	vadd.f32 v7, v10  }
0x73f: {  	v7 =	vld [tilespmem:s3+$0x4120]  }
0x740: {  	_ = 	snop  }
0x741: {  	v3 =	vadd.f32 v4, v3  }
0x742: {  	v5 =	vadd.f32 v5, v8  }
0x743: {  	v6 =	vadd.f32 v6, v9;
	[tilespmem:$0x12A70] =	vst v3  }
0x744: {  	v7 =	vadd.f32 v7, v10;
	[tilespmem:$0x12A40] =	vst v5  }
0x745: {  	[tilespmem:$0x12A50] =	vst v6  }
0x746: {  	s3 =	simm.s32 $0x1518;
	[tilespmem:$0x12A60] =	vst v7  }
0x747: {  	[tilespmem:s26], [sflag:$0x4] =	stream.indirect.gather [hbm4b:s4+s25], $0x40, s3, s25, $0xb8;
	[tilespmem:$0x132C0] =	vst v63  }
0x748: {  	_ =	swait.ge [sflag:s0], $0x3200  }
0x749: {  	[sflag:s0] =	ssyncset.done $0x0  }
0x74a: {  	s3 =	simm.s32 $0x0;
	[sflag:s0] =	ssyncadd.s32 $0xFFFFCE00  }
0x74b: {  	v4 =	vld [tilespmem:s3+$0x4DB0]  }
0x74c: {  	v5 =	vld [tilespmem:s3+$0x4D80]  }
0x74d: {  	v8 =	vimm.f32 $0.0e+00;
	v6 =	vld [tilespmem:s3+$0x4D90]  }
0x74e: {  	s17 =	simm.s32 $0x100;
	v3 =	vimm.f32 $0.0e+00;
	v9 =	vimm.f32 $0.0e+00;
	v10 =	vimm.f32 $0.0e+00;
	v7 =	vld [tilespmem:s3+$0x4DA0]  }
.LBB2_202:
0x74f: {  	p0 =	sne.s32 s17, $0x3100  }
.Ltmp100:
0x750: {  	s3 =	sshra.s32 s17, $0x2;
	s17 =	sadd.s32 $0x100, s17;
	v3 =	vadd.f32 v4, v3;
	(pc) =	sbr.rel @p0 .LBB2_202-.Ltmp100, $4  }
0x751: {  	v4 =	vld [tilespmem:s3+$0x4DB0];
	v8 =	vadd.f32 v5, v8  }
0x752: {  	v5 =	vld [tilespmem:s3+$0x4D80];
	v9 =	vadd.f32 v6, v9  }
0x753: {  	v6 =	vld [tilespmem:s3+$0x4D90];
	v10 =	vadd.f32 v7, v10  }
0x754: {  	v7 =	vld [tilespmem:s3+$0x4DA0]  }
0x755: {  	_ = 	snop  }
0x756: {  	v3 =	vadd.f32 v4, v3  }
0x757: {  	v5 =	vadd.f32 v5, v8  }
0x758: {  	v6 =	vadd.f32 v6, v9;
	[tilespmem:$0x12AB0] =	vst v3  }
0x759: {  	v7 =	vadd.f32 v7, v10;
	[tilespmem:$0x12A80] =	vst v5  }
0x75a: {  	[tilespmem:$0x12A90] =	vst v6  }
0x75b: {  	s3 =	simm.s32 $0x0;
	[tilespmem:$0x12AA0] =	vst v7  }
0x75c: {  	v4 =	vld [tilespmem:s3+$0x5A30]  }
0x75d: {  	v5 =	vld [tilespmem:s3+$0x5A00]  }
0x75e: {  	v8 =	vimm.f32 $0.0e+00;
	v6 =	vld [tilespmem:s3+$0x5A10]  }
0x75f: {  	s17 =	simm.s32 $0x100;
	v3 =	vimm.f32 $0.0e+00;
	v9 =	vimm.f32 $0.0e+00;
	v10 =	vimm.f32 $0.0e+00;
	v7 =	vld [tilespmem:s3+$0x5A20]  }
.LBB2_204:
0x760: {  	p0 =	sne.s32 s17, $0x3100  }
.Ltmp101:
0x761: {  	s3 =	sshra.s32 s17, $0x2;
	s17 =	sadd.s32 $0x100, s17;
	v3 =	vadd.f32 v4, v3;
	(pc) =	sbr.rel @p0 .LBB2_204-.Ltmp101, $4  }
0x762: {  	v4 =	vld [tilespmem:s3+$0x5A30];
	v8 =	vadd.f32 v5, v8  }
0x763: {  	v5 =	vld [tilespmem:s3+$0x5A00];
	v9 =	vadd.f32 v6, v9  }
0x764: {  	v6 =	vld [tilespmem:s3+$0x5A10];
	v10 =	vadd.f32 v7, v10  }
0x765: {  	v7 =	vld [tilespmem:s3+$0x5A20]  }
0x766: {  	_ = 	snop  }
0x767: {  	v3 =	vadd.f32 v4, v3  }
0x768: {  	v5 =	vadd.f32 v5, v8  }
0x769: {  	v6 =	vadd.f32 v6, v9;
	[tilespmem:$0x12AF0] =	vst v3  }
0x76a: {  	v7 =	vadd.f32 v7, v10;
	[tilespmem:$0x12AC0] =	vst v5  }
0x76b: {  	[tilespmem:$0x12AD0] =	vst v6  }
0x76c: {  	s3 =	simm.s32 $0x0;
	[tilespmem:$0x12AE0] =	vst v7  }
0x76d: {  	v4 =	vld [tilespmem:s3+$0x66B0]  }
0x76e: {  	v5 =	vld [tilespmem:s3+$0x6680]  }
0x76f: {  	v8 =	vimm.f32 $0.0e+00;
	v6 =	vld [tilespmem:s3+$0x6690]  }
0x770: {  	s17 =	simm.s32 $0x100;
	v3 =	vimm.f32 $0.0e+00;
	v9 =	vimm.f32 $0.0e+00;
	v10 =	vimm.f32 $0.0e+00;
	v7 =	vld [tilespmem:s3+$0x66A0]  }
.LBB2_206:
0x771: {  	p0 =	sne.s32 s17, $0x3100  }
.Ltmp102:
0x772: {  	s3 =	sshra.s32 s17, $0x2;
	s17 =	sadd.s32 $0x100, s17;
	v3 =	vadd.f32 v4, v3;
	(pc) =	sbr.rel @p0 .LBB2_206-.Ltmp102, $4  }
0x773: {  	v4 =	vld [tilespmem:s3+$0x66B0];
	v8 =	vadd.f32 v5, v8  }
0x774: {  	v5 =	vld [tilespmem:s3+$0x6680];
	v9 =	vadd.f32 v6, v9  }
0x775: {  	v6 =	vld [tilespmem:s3+$0x6690];
	v10 =	vadd.f32 v7, v10  }
0x776: {  	v7 =	vld [tilespmem:s3+$0x66A0]  }
0x777: {  	_ = 	snop  }
0x778: {  	v3 =	vadd.f32 v4, v3  }
0x779: {  	v5 =	vadd.f32 v5, v8  }
0x77a: {  	v6 =	vadd.f32 v6, v9;
	[tilespmem:$0x12B30] =	vst v3  }
0x77b: {  	v7 =	vadd.f32 v7, v10;
	[tilespmem:$0x12B00] =	vst v5  }
0x77c: {  	[tilespmem:$0x12B10] =	vst v6  }
0x77d: {  	s3 =	simm.s32 $0x0;
	[tilespmem:$0x12B20] =	vst v7  }
0x77e: {  	v4 =	vld [tilespmem:s3+$0x7330]  }
0x77f: {  	v5 =	vld [tilespmem:s3+$0x7300]  }
0x780: {  	v8 =	vimm.f32 $0.0e+00;
	v6 =	vld [tilespmem:s3+$0x7310]  }
0x781: {  	s17 =	simm.s32 $0x100;
	v3 =	vimm.f32 $0.0e+00;
	v9 =	vimm.f32 $0.0e+00;
	v10 =	vimm.f32 $0.0e+00;
	v7 =	vld [tilespmem:s3+$0x7320]  }
.LBB2_208:
0x782: {  	p0 =	sne.s32 s17, $0x3100  }
.Ltmp103:
0x783: {  	s3 =	sshra.s32 s17, $0x2;
	s17 =	sadd.s32 $0x100, s17;
	v3 =	vadd.f32 v4, v3;
	(pc) =	sbr.rel @p0 .LBB2_208-.Ltmp103, $4  }
0x784: {  	v4 =	vld [tilespmem:s3+$0x7330];
	v8 =	vadd.f32 v5, v8  }
0x785: {  	v5 =	vld [tilespmem:s3+$0x7300];
	v9 =	vadd.f32 v6, v9  }
0x786: {  	v6 =	vld [tilespmem:s3+$0x7310];
	v10 =	vadd.f32 v7, v10  }
0x787: {  	v7 =	vld [tilespmem:s3+$0x7320]  }
0x788: {  	_ = 	snop  }
0x789: {  	v3 =	vadd.f32 v4, v3  }
0x78a: {  	v5 =	vadd.f32 v5, v8  }
0x78b: {  	v6 =	vadd.f32 v6, v9;
	[tilespmem:$0x12B70] =	vst v3  }
0x78c: {  	v7 =	vadd.f32 v7, v10;
	[tilespmem:$0x12B40] =	vst v5  }
0x78d: {  	[tilespmem:$0x12B50] =	vst v6  }
0x78e: {  	s3 =	simm.s32 $0x15E0;
	[tilespmem:$0x12B60] =	vst v7  }
0x78f: {  	[tilespmem:s28], [sflag:$0x5] =	stream.indirect.gather [hbm4b:s4+s25], $0x40, s3, s25, $0xb8;
	[tilespmem:$0x132C0] =	vst v63  }
0x790: {  	_ =	swait.ge [sflag:s19], $0x3200  }
0x791: {  	[sflag:s19] =	ssyncset.done $0x0  }
0x792: {  	s3 =	simm.s32 $0x0;
	[sflag:s19] =	ssyncadd.s32 $0xFFFFCE00  }
0x793: {  	v4 =	vld [tilespmem:s3+$0x7FB0]  }
0x794: {  	v5 =	vld [tilespmem:s3+$0x7F80]  }
0x795: {  	v8 =	vimm.f32 $0.0e+00;
	v6 =	vld [tilespmem:s3+$0x7F90]  }
0x796: {  	s17 =	simm.s32 $0x100;
	v3 =	vimm.f32 $0.0e+00;
	v9 =	vimm.f32 $0.0e+00;
	v10 =	vimm.f32 $0.0e+00;
	v7 =	vld [tilespmem:s3+$0x7FA0]  }
.LBB2_210:
0x797: {  	p0 =	sne.s32 s17, $0x3100  }
.Ltmp104:
0x798: {  	s3 =	sshra.s32 s17, $0x2;
	s17 =	sadd.s32 $0x100, s17;
	v3 =	vadd.f32 v4, v3;
	(pc) =	sbr.rel @p0 .LBB2_210-.Ltmp104, $4  }
0x799: {  	v4 =	vld [tilespmem:s3+$0x7FB0];
	v8 =	vadd.f32 v5, v8  }
0x79a: {  	v5 =	vld [tilespmem:s3+$0x7F80];
	v9 =	vadd.f32 v6, v9  }
0x79b: {  	v6 =	vld [tilespmem:s3+$0x7F90];
	v10 =	vadd.f32 v7, v10  }
0x79c: {  	v7 =	vld [tilespmem:s3+$0x7FA0]  }
0x79d: {  	_ = 	snop  }
0x79e: {  	v3 =	vadd.f32 v4, v3  }
0x79f: {  	v5 =	vadd.f32 v5, v8  }
0x7a0: {  	v6 =	vadd.f32 v6, v9;
	[tilespmem:$0x12BB0] =	vst v3  }
0x7a1: {  	v7 =	vadd.f32 v7, v10;
	[tilespmem:$0x12B80] =	vst v5  }
0x7a2: {  	[tilespmem:$0x12B90] =	vst v6  }
0x7a3: {  	s3 =	simm.s32 $0x0;
	[tilespmem:$0x12BA0] =	vst v7  }
0x7a4: {  	v4 =	vld [tilespmem:s3+$0x8C30]  }
0x7a5: {  	v5 =	vld [tilespmem:s3+$0x8C00]  }
0x7a6: {  	v8 =	vimm.f32 $0.0e+00;
	v6 =	vld [tilespmem:s3+$0x8C10]  }
0x7a7: {  	s17 =	simm.s32 $0x100;
	v3 =	vimm.f32 $0.0e+00;
	v9 =	vimm.f32 $0.0e+00;
	v10 =	vimm.f32 $0.0e+00;
	v7 =	vld [tilespmem:s3+$0x8C20]  }
.LBB2_212:
0x7a8: {  	p0 =	sne.s32 s17, $0x3100  }
.Ltmp105:
0x7a9: {  	s3 =	sshra.s32 s17, $0x2;
	s17 =	sadd.s32 $0x100, s17;
	v3 =	vadd.f32 v4, v3;
	(pc) =	sbr.rel @p0 .LBB2_212-.Ltmp105, $4  }
0x7aa: {  	v4 =	vld [tilespmem:s3+$0x8C30];
	v8 =	vadd.f32 v5, v8  }
0x7ab: {  	v5 =	vld [tilespmem:s3+$0x8C00];
	v9 =	vadd.f32 v6, v9  }
0x7ac: {  	v6 =	vld [tilespmem:s3+$0x8C10];
	v10 =	vadd.f32 v7, v10  }
0x7ad: {  	v7 =	vld [tilespmem:s3+$0x8C20]  }
0x7ae: {  	_ = 	snop  }
0x7af: {  	v3 =	vadd.f32 v4, v3  }
0x7b0: {  	v5 =	vadd.f32 v5, v8  }
0x7b1: {  	v6 =	vadd.f32 v6, v9;
	[tilespmem:$0x12BF0] =	vst v3  }
0x7b2: {  	v7 =	vadd.f32 v7, v10;
	[tilespmem:$0x12BC0] =	vst v5  }
0x7b3: {  	[tilespmem:$0x12BD0] =	vst v6  }
0x7b4: {  	s3 =	simm.s32 $0x0;
	[tilespmem:$0x12BE0] =	vst v7  }
0x7b5: {  	v4 =	vld [tilespmem:s3+$0x98B0]  }
0x7b6: {  	v5 =	vld [tilespmem:s3+$0x9880]  }
0x7b7: {  	v8 =	vimm.f32 $0.0e+00;
	v6 =	vld [tilespmem:s3+$0x9890]  }
0x7b8: {  	s17 =	simm.s32 $0x100;
	v3 =	vimm.f32 $0.0e+00;
	v9 =	vimm.f32 $0.0e+00;
	v10 =	vimm.f32 $0.0e+00;
	v7 =	vld [tilespmem:s3+$0x98A0]  }
.LBB2_214:
0x7b9: {  	p0 =	sne.s32 s17, $0x3100  }
.Ltmp106:
0x7ba: {  	s3 =	sshra.s32 s17, $0x2;
	s17 =	sadd.s32 $0x100, s17;
	v3 =	vadd.f32 v4, v3;
	(pc) =	sbr.rel @p0 .LBB2_214-.Ltmp106, $4  }
0x7bb: {  	v4 =	vld [tilespmem:s3+$0x98B0];
	v8 =	vadd.f32 v5, v8  }
0x7bc: {  	v5 =	vld [tilespmem:s3+$0x9880];
	v9 =	vadd.f32 v6, v9  }
0x7bd: {  	v6 =	vld [tilespmem:s3+$0x9890];
	v10 =	vadd.f32 v7, v10  }
0x7be: {  	v7 =	vld [tilespmem:s3+$0x98A0]  }
0x7bf: {  	_ = 	snop  }
0x7c0: {  	v3 =	vadd.f32 v4, v3  }
0x7c1: {  	v5 =	vadd.f32 v5, v8  }
0x7c2: {  	v6 =	vadd.f32 v6, v9;
	[tilespmem:$0x12C30] =	vst v3  }
0x7c3: {  	v7 =	vadd.f32 v7, v10;
	[tilespmem:$0x12C00] =	vst v5  }
0x7c4: {  	[tilespmem:$0x12C10] =	vst v6  }
0x7c5: {  	s3 =	simm.s32 $0x0;
	[tilespmem:$0x12C20] =	vst v7  }
0x7c6: {  	v4 =	vld [tilespmem:s3+$0xA530]  }
0x7c7: {  	v5 =	vld [tilespmem:s3+$0xA500]  }
0x7c8: {  	v8 =	vimm.f32 $0.0e+00;
	v6 =	vld [tilespmem:s3+$0xA510]  }
0x7c9: {  	s17 =	simm.s32 $0x100;
	v3 =	vimm.f32 $0.0e+00;
	v9 =	vimm.f32 $0.0e+00;
	v10 =	vimm.f32 $0.0e+00;
	v7 =	vld [tilespmem:s3+$0xA520]  }
.LBB2_216:
0x7ca: {  	p0 =	sne.s32 s17, $0x3100  }
.Ltmp107:
0x7cb: {  	s3 =	sshra.s32 s17, $0x2;
	s17 =	sadd.s32 $0x100, s17;
	v3 =	vadd.f32 v4, v3;
	(pc) =	sbr.rel @p0 .LBB2_216-.Ltmp107, $4  }
0x7cc: {  	v4 =	vld [tilespmem:s3+$0xA530];
	v8 =	vadd.f32 v5, v8  }
0x7cd: {  	v5 =	vld [tilespmem:s3+$0xA500];
	v9 =	vadd.f32 v6, v9  }
0x7ce: {  	v6 =	vld [tilespmem:s3+$0xA510];
	v10 =	vadd.f32 v7, v10  }
0x7cf: {  	v7 =	vld [tilespmem:s3+$0xA520]  }
0x7d0: {  	_ = 	snop  }
0x7d1: {  	v3 =	vadd.f32 v4, v3  }
0x7d2: {  	v5 =	vadd.f32 v5, v8  }
0x7d3: {  	v6 =	vadd.f32 v6, v9;
	[tilespmem:$0x12C70] =	vst v3  }
0x7d4: {  	v7 =	vadd.f32 v7, v10;
	[tilespmem:$0x12C40] =	vst v5  }
0x7d5: {  	[tilespmem:$0x12C50] =	vst v6  }
0x7d6: {  	s3 =	simm.s32 $0x16A8;
	[tilespmem:$0x12C60] =	vst v7  }
0x7d7: {  	[tilespmem:s30], [sflag:$0x6] =	stream.indirect.gather [hbm4b:s4+s25], $0x40, s3, s25, $0xb8;
	[tilespmem:$0x132C0] =	vst v63  }
0x7d8: {  	_ =	swait.ge [sflag:s31], $0x3200  }
0x7d9: {  	[sflag:s31] =	ssyncset.done $0x0  }
0x7da: {  	s3 =	simm.s32 $0x0;
	[sflag:s31] =	ssyncadd.s32 $0xFFFFCE00  }
0x7db: {  	v4 =	vld [tilespmem:s3+$0x1BB0]  }
0x7dc: {  	v5 =	vld [tilespmem:s3+$0x1B80]  }
0x7dd: {  	v8 =	vimm.f32 $0.0e+00;
	v6 =	vld [tilespmem:s3+$0x1B90]  }
0x7de: {  	s17 =	simm.s32 $0x100;
	v3 =	vimm.f32 $0.0e+00;
	v9 =	vimm.f32 $0.0e+00;
	v10 =	vimm.f32 $0.0e+00;
	v7 =	vld [tilespmem:s3+$0x1BA0]  }
.LBB2_218:
0x7df: {  	p0 =	sne.s32 s17, $0x3100  }
.Ltmp108:
0x7e0: {  	s3 =	sshra.s32 s17, $0x2;
	s17 =	sadd.s32 $0x100, s17;
	v3 =	vadd.f32 v4, v3;
	(pc) =	sbr.rel @p0 .LBB2_218-.Ltmp108, $4  }
0x7e1: {  	v4 =	vld [tilespmem:s3+$0x1BB0];
	v8 =	vadd.f32 v5, v8  }
0x7e2: {  	v5 =	vld [tilespmem:s3+$0x1B80];
	v9 =	vadd.f32 v6, v9  }
0x7e3: {  	v6 =	vld [tilespmem:s3+$0x1B90];
	v10 =	vadd.f32 v7, v10  }
0x7e4: {  	v7 =	vld [tilespmem:s3+$0x1BA0]  }
0x7e5: {  	_ = 	snop  }
0x7e6: {  	v3 =	vadd.f32 v4, v3  }
0x7e7: {  	v5 =	vadd.f32 v5, v8  }
0x7e8: {  	v6 =	vadd.f32 v6, v9;
	[tilespmem:$0x12CB0] =	vst v3  }
0x7e9: {  	v7 =	vadd.f32 v7, v10;
	[tilespmem:$0x12C80] =	vst v5  }
0x7ea: {  	[tilespmem:$0x12C90] =	vst v6  }
0x7eb: {  	s3 =	simm.s32 $0x0;
	[tilespmem:$0x12CA0] =	vst v7  }
0x7ec: {  	v4 =	vld [tilespmem:s3+$0x2830]  }
0x7ed: {  	v5 =	vld [tilespmem:s3+$0x2800]  }
0x7ee: {  	v8 =	vimm.f32 $0.0e+00;
	v6 =	vld [tilespmem:s3+$0x2810]  }
0x7ef: {  	s17 =	simm.s32 $0x100;
	v3 =	vimm.f32 $0.0e+00;
	v9 =	vimm.f32 $0.0e+00;
	v10 =	vimm.f32 $0.0e+00;
	v7 =	vld [tilespmem:s3+$0x2820]  }
.LBB2_220:
0x7f0: {  	p0 =	sne.s32 s17, $0x3100  }
.Ltmp109:
0x7f1: {  	s3 =	sshra.s32 s17, $0x2;
	s17 =	sadd.s32 $0x100, s17;
	v3 =	vadd.f32 v4, v3;
	(pc) =	sbr.rel @p0 .LBB2_220-.Ltmp109, $4  }
0x7f2: {  	v4 =	vld [tilespmem:s3+$0x2830];
	v8 =	vadd.f32 v5, v8  }
0x7f3: {  	v5 =	vld [tilespmem:s3+$0x2800];
	v9 =	vadd.f32 v6, v9  }
0x7f4: {  	v6 =	vld [tilespmem:s3+$0x2810];
	v10 =	vadd.f32 v7, v10  }
0x7f5: {  	v7 =	vld [tilespmem:s3+$0x2820]  }
0x7f6: {  	_ = 	snop  }
0x7f7: {  	v3 =	vadd.f32 v4, v3  }
0x7f8: {  	v5 =	vadd.f32 v5, v8  }
0x7f9: {  	v6 =	vadd.f32 v6, v9;
	[tilespmem:$0x12CF0] =	vst v3  }
0x7fa: {  	v7 =	vadd.f32 v7, v10;
	[tilespmem:$0x12CC0] =	vst v5  }
0x7fb: {  	[tilespmem:$0x12CD0] =	vst v6  }
0x7fc: {  	s3 =	simm.s32 $0x0;
	[tilespmem:$0x12CE0] =	vst v7  }
0x7fd: {  	v4 =	vld [tilespmem:s3+$0x34B0]  }
0x7fe: {  	v5 =	vld [tilespmem:s3+$0x3480]  }
0x7ff: {  	v8 =	vimm.f32 $0.0e+00;
	v6 =	vld [tilespmem:s3+$0x3490]  }
0x800: {  	s17 =	simm.s32 $0x100;
	v3 =	vimm.f32 $0.0e+00;
	v9 =	vimm.f32 $0.0e+00;
	v10 =	vimm.f32 $0.0e+00;
	v7 =	vld [tilespmem:s3+$0x34A0]  }
.LBB2_222:
0x801: {  	p0 =	sne.s32 s17, $0x3100  }
.Ltmp110:
0x802: {  	s3 =	sshra.s32 s17, $0x2;
	s17 =	sadd.s32 $0x100, s17;
	v3 =	vadd.f32 v4, v3;
	(pc) =	sbr.rel @p0 .LBB2_222-.Ltmp110, $4  }
0x803: {  	v4 =	vld [tilespmem:s3+$0x34B0];
	v8 =	vadd.f32 v5, v8  }
0x804: {  	v5 =	vld [tilespmem:s3+$0x3480];
	v9 =	vadd.f32 v6, v9  }
0x805: {  	v6 =	vld [tilespmem:s3+$0x3490];
	v10 =	vadd.f32 v7, v10  }
0x806: {  	v7 =	vld [tilespmem:s3+$0x34A0]  }
0x807: {  	_ = 	snop  }
0x808: {  	v3 =	vadd.f32 v4, v3  }
0x809: {  	v5 =	vadd.f32 v5, v8  }
0x80a: {  	v6 =	vadd.f32 v6, v9;
	[tilespmem:$0x12D30] =	vst v3  }
0x80b: {  	v7 =	vadd.f32 v7, v10;
	[tilespmem:$0x12D00] =	vst v5  }
0x80c: {  	[tilespmem:$0x12D10] =	vst v6  }
0x80d: {  	s3 =	simm.s32 $0x0;
	[tilespmem:$0x12D20] =	vst v7  }
0x80e: {  	v4 =	vld [tilespmem:s3+$0x4130]  }
0x80f: {  	v5 =	vld [tilespmem:s3+$0x4100]  }
0x810: {  	v8 =	vimm.f32 $0.0e+00;
	v6 =	vld [tilespmem:s3+$0x4110]  }
0x811: {  	s17 =	simm.s32 $0x100;
	v3 =	vimm.f32 $0.0e+00;
	v9 =	vimm.f32 $0.0e+00;
	v10 =	vimm.f32 $0.0e+00;
	v7 =	vld [tilespmem:s3+$0x4120]  }
.LBB2_224:
0x812: {  	p0 =	sne.s32 s17, $0x3100  }
.Ltmp111:
0x813: {  	s3 =	sshra.s32 s17, $0x2;
	s17 =	sadd.s32 $0x100, s17;
	v3 =	vadd.f32 v4, v3;
	(pc) =	sbr.rel @p0 .LBB2_224-.Ltmp111, $4  }
0x814: {  	v4 =	vld [tilespmem:s3+$0x4130];
	v8 =	vadd.f32 v5, v8  }
0x815: {  	v5 =	vld [tilespmem:s3+$0x4100];
	v9 =	vadd.f32 v6, v9  }
0x816: {  	v6 =	vld [tilespmem:s3+$0x4110];
	v10 =	vadd.f32 v7, v10  }
0x817: {  	v7 =	vld [tilespmem:s3+$0x4120]  }
0x818: {  	_ = 	snop  }
0x819: {  	v3 =	vadd.f32 v4, v3  }
0x81a: {  	v5 =	vadd.f32 v5, v8  }
0x81b: {  	v6 =	vadd.f32 v6, v9;
	[tilespmem:$0x12D70] =	vst v3  }
0x81c: {  	v7 =	vadd.f32 v7, v10;
	[tilespmem:$0x12D40] =	vst v5  }
0x81d: {  	[tilespmem:$0x12D50] =	vst v6  }
0x81e: {  	s3 =	simm.s32 $0x1770;
	[tilespmem:$0x12D60] =	vst v7  }
0x81f: {  	[tilespmem:s26], [sflag:$0x4] =	stream.indirect.gather [hbm4b:s4+s25], $0x40, s3, s25, $0xb8;
	[tilespmem:$0x132C0] =	vst v63  }
0x820: {  	_ =	swait.ge [sflag:s0], $0x3200  }
0x821: {  	[sflag:s0] =	ssyncset.done $0x0  }
0x822: {  	s3 =	simm.s32 $0x0;
	[sflag:s0] =	ssyncadd.s32 $0xFFFFCE00  }
0x823: {  	v4 =	vld [tilespmem:s3+$0x4DB0]  }
0x824: {  	v5 =	vld [tilespmem:s3+$0x4D80]  }
0x825: {  	v8 =	vimm.f32 $0.0e+00;
	v6 =	vld [tilespmem:s3+$0x4D90]  }
0x826: {  	s17 =	simm.s32 $0x100;
	v3 =	vimm.f32 $0.0e+00;
	v9 =	vimm.f32 $0.0e+00;
	v10 =	vimm.f32 $0.0e+00;
	v7 =	vld [tilespmem:s3+$0x4DA0]  }
.LBB2_226:
0x827: {  	p0 =	sne.s32 s17, $0x3100  }
.Ltmp112:
0x828: {  	s3 =	sshra.s32 s17, $0x2;
	s17 =	sadd.s32 $0x100, s17;
	v3 =	vadd.f32 v4, v3;
	(pc) =	sbr.rel @p0 .LBB2_226-.Ltmp112, $4  }
0x829: {  	v4 =	vld [tilespmem:s3+$0x4DB0];
	v8 =	vadd.f32 v5, v8  }
0x82a: {  	v5 =	vld [tilespmem:s3+$0x4D80];
	v9 =	vadd.f32 v6, v9  }
0x82b: {  	v6 =	vld [tilespmem:s3+$0x4D90];
	v10 =	vadd.f32 v7, v10  }
0x82c: {  	v7 =	vld [tilespmem:s3+$0x4DA0]  }
0x82d: {  	_ = 	snop  }
0x82e: {  	v3 =	vadd.f32 v4, v3  }
0x82f: {  	v5 =	vadd.f32 v5, v8  }
0x830: {  	v6 =	vadd.f32 v6, v9;
	[tilespmem:$0x12DB0] =	vst v3  }
0x831: {  	v7 =	vadd.f32 v7, v10;
	[tilespmem:$0x12D80] =	vst v5  }
0x832: {  	[tilespmem:$0x12D90] =	vst v6  }
0x833: {  	s3 =	simm.s32 $0x0;
	[tilespmem:$0x12DA0] =	vst v7  }
0x834: {  	v4 =	vld [tilespmem:s3+$0x5A30]  }
0x835: {  	v5 =	vld [tilespmem:s3+$0x5A00]  }
0x836: {  	v8 =	vimm.f32 $0.0e+00;
	v6 =	vld [tilespmem:s3+$0x5A10]  }
0x837: {  	s17 =	simm.s32 $0x100;
	v3 =	vimm.f32 $0.0e+00;
	v9 =	vimm.f32 $0.0e+00;
	v10 =	vimm.f32 $0.0e+00;
	v7 =	vld [tilespmem:s3+$0x5A20]  }
.LBB2_228:
0x838: {  	p0 =	sne.s32 s17, $0x3100  }
.Ltmp113:
0x839: {  	s3 =	sshra.s32 s17, $0x2;
	s17 =	sadd.s32 $0x100, s17;
	v3 =	vadd.f32 v4, v3;
	(pc) =	sbr.rel @p0 .LBB2_228-.Ltmp113, $4  }
0x83a: {  	v4 =	vld [tilespmem:s3+$0x5A30];
	v8 =	vadd.f32 v5, v8  }
0x83b: {  	v5 =	vld [tilespmem:s3+$0x5A00];
	v9 =	vadd.f32 v6, v9  }
0x83c: {  	v6 =	vld [tilespmem:s3+$0x5A10];
	v10 =	vadd.f32 v7, v10  }
0x83d: {  	v7 =	vld [tilespmem:s3+$0x5A20]  }
0x83e: {  	_ = 	snop  }
0x83f: {  	v3 =	vadd.f32 v4, v3  }
0x840: {  	v5 =	vadd.f32 v5, v8  }
0x841: {  	v6 =	vadd.f32 v6, v9;
	[tilespmem:$0x12DF0] =	vst v3  }
0x842: {  	v7 =	vadd.f32 v7, v10;
	[tilespmem:$0x12DC0] =	vst v5  }
0x843: {  	[tilespmem:$0x12DD0] =	vst v6  }
0x844: {  	s3 =	simm.s32 $0x0;
	[tilespmem:$0x12DE0] =	vst v7  }
0x845: {  	v4 =	vld [tilespmem:s3+$0x66B0]  }
0x846: {  	v5 =	vld [tilespmem:s3+$0x6680]  }
0x847: {  	v8 =	vimm.f32 $0.0e+00;
	v6 =	vld [tilespmem:s3+$0x6690]  }
0x848: {  	s17 =	simm.s32 $0x100;
	v3 =	vimm.f32 $0.0e+00;
	v9 =	vimm.f32 $0.0e+00;
	v10 =	vimm.f32 $0.0e+00;
	v7 =	vld [tilespmem:s3+$0x66A0]  }
.LBB2_230:
0x849: {  	p0 =	sne.s32 s17, $0x3100  }
.Ltmp114:
0x84a: {  	s3 =	sshra.s32 s17, $0x2;
	s17 =	sadd.s32 $0x100, s17;
	v3 =	vadd.f32 v4, v3;
	(pc) =	sbr.rel @p0 .LBB2_230-.Ltmp114, $4  }
0x84b: {  	v4 =	vld [tilespmem:s3+$0x66B0];
	v8 =	vadd.f32 v5, v8  }
0x84c: {  	v5 =	vld [tilespmem:s3+$0x6680];
	v9 =	vadd.f32 v6, v9  }
0x84d: {  	v6 =	vld [tilespmem:s3+$0x6690];
	v10 =	vadd.f32 v7, v10  }
0x84e: {  	v7 =	vld [tilespmem:s3+$0x66A0]  }
0x84f: {  	_ = 	snop  }
0x850: {  	v3 =	vadd.f32 v4, v3  }
0x851: {  	v5 =	vadd.f32 v5, v8  }
0x852: {  	v6 =	vadd.f32 v6, v9;
	[tilespmem:$0x12E30] =	vst v3  }
0x853: {  	v7 =	vadd.f32 v7, v10;
	[tilespmem:$0x12E00] =	vst v5  }
0x854: {  	[tilespmem:$0x12E10] =	vst v6  }
0x855: {  	s3 =	simm.s32 $0x0;
	[tilespmem:$0x12E20] =	vst v7  }
0x856: {  	v4 =	vld [tilespmem:s3+$0x7330]  }
0x857: {  	v5 =	vld [tilespmem:s3+$0x7300]  }
0x858: {  	v8 =	vimm.f32 $0.0e+00;
	v6 =	vld [tilespmem:s3+$0x7310]  }
0x859: {  	s17 =	simm.s32 $0x100;
	v3 =	vimm.f32 $0.0e+00;
	v9 =	vimm.f32 $0.0e+00;
	v10 =	vimm.f32 $0.0e+00;
	v7 =	vld [tilespmem:s3+$0x7320]  }
.LBB2_232:
0x85a: {  	p0 =	sne.s32 s17, $0x3100  }
.Ltmp115:
0x85b: {  	s3 =	sshra.s32 s17, $0x2;
	s17 =	sadd.s32 $0x100, s17;
	v3 =	vadd.f32 v4, v3;
	(pc) =	sbr.rel @p0 .LBB2_232-.Ltmp115, $4  }
0x85c: {  	v4 =	vld [tilespmem:s3+$0x7330];
	v8 =	vadd.f32 v5, v8  }
0x85d: {  	v5 =	vld [tilespmem:s3+$0x7300];
	v9 =	vadd.f32 v6, v9  }
0x85e: {  	v6 =	vld [tilespmem:s3+$0x7310];
	v10 =	vadd.f32 v7, v10  }
0x85f: {  	v7 =	vld [tilespmem:s3+$0x7320]  }
0x860: {  	_ = 	snop  }
0x861: {  	v3 =	vadd.f32 v4, v3  }
0x862: {  	v5 =	vadd.f32 v5, v8  }
0x863: {  	v6 =	vadd.f32 v6, v9;
	[tilespmem:$0x12E70] =	vst v3  }
0x864: {  	v7 =	vadd.f32 v7, v10;
	[tilespmem:$0x12E40] =	vst v5  }
0x865: {  	[tilespmem:$0x12E50] =	vst v6  }
0x866: {  	s3 =	simm.s32 $0x1838;
	[tilespmem:$0x12E60] =	vst v7  }
0x867: {  	[tilespmem:s28], [sflag:$0x5] =	stream.indirect.gather [hbm4b:s4+s25], $0x40, s3, s25, $0xb8;
	[tilespmem:$0x132C0] =	vst v63  }
0x868: {  	_ =	swait.ge [sflag:s19], $0x3200  }
0x869: {  	[sflag:s19] =	ssyncset.done $0x0  }
0x86a: {  	s3 =	simm.s32 $0x0;
	[sflag:s19] =	ssyncadd.s32 $0xFFFFCE00  }
0x86b: {  	v4 =	vld [tilespmem:s3+$0x7FB0]  }
0x86c: {  	v5 =	vld [tilespmem:s3+$0x7F80]  }
0x86d: {  	v8 =	vimm.f32 $0.0e+00;
	v6 =	vld [tilespmem:s3+$0x7F90]  }
0x86e: {  	s17 =	simm.s32 $0x100;
	v3 =	vimm.f32 $0.0e+00;
	v9 =	vimm.f32 $0.0e+00;
	v10 =	vimm.f32 $0.0e+00;
	v7 =	vld [tilespmem:s3+$0x7FA0]  }
.LBB2_234:
0x86f: {  	p0 =	sne.s32 s17, $0x3100  }
.Ltmp116:
0x870: {  	s3 =	sshra.s32 s17, $0x2;
	s17 =	sadd.s32 $0x100, s17;
	v3 =	vadd.f32 v4, v3;
	(pc) =	sbr.rel @p0 .LBB2_234-.Ltmp116, $4  }
0x871: {  	v4 =	vld [tilespmem:s3+$0x7FB0];
	v8 =	vadd.f32 v5, v8  }
0x872: {  	v5 =	vld [tilespmem:s3+$0x7F80];
	v9 =	vadd.f32 v6, v9  }
0x873: {  	v6 =	vld [tilespmem:s3+$0x7F90];
	v10 =	vadd.f32 v7, v10  }
0x874: {  	v7 =	vld [tilespmem:s3+$0x7FA0]  }
0x875: {  	_ = 	snop  }
0x876: {  	v3 =	vadd.f32 v4, v3  }
0x877: {  	v5 =	vadd.f32 v5, v8  }
0x878: {  	v6 =	vadd.f32 v6, v9;
	[tilespmem:$0x12EB0] =	vst v3  }
0x879: {  	v7 =	vadd.f32 v7, v10;
	[tilespmem:$0x12E80] =	vst v5  }
0x87a: {  	[tilespmem:$0x12E90] =	vst v6  }
0x87b: {  	s3 =	simm.s32 $0x0;
	[tilespmem:$0x12EA0] =	vst v7  }
0x87c: {  	v4 =	vld [tilespmem:s3+$0x8C30]  }
0x87d: {  	v5 =	vld [tilespmem:s3+$0x8C00]  }
0x87e: {  	v8 =	vimm.f32 $0.0e+00;
	v6 =	vld [tilespmem:s3+$0x8C10]  }
0x87f: {  	s17 =	simm.s32 $0x100;
	v3 =	vimm.f32 $0.0e+00;
	v9 =	vimm.f32 $0.0e+00;
	v10 =	vimm.f32 $0.0e+00;
	v7 =	vld [tilespmem:s3+$0x8C20]  }
.LBB2_236:
0x880: {  	p0 =	sne.s32 s17, $0x3100  }
.Ltmp117:
0x881: {  	s3 =	sshra.s32 s17, $0x2;
	s17 =	sadd.s32 $0x100, s17;
	v3 =	vadd.f32 v4, v3;
	(pc) =	sbr.rel @p0 .LBB2_236-.Ltmp117, $4  }
0x882: {  	v4 =	vld [tilespmem:s3+$0x8C30];
	v8 =	vadd.f32 v5, v8  }
0x883: {  	v5 =	vld [tilespmem:s3+$0x8C00];
	v9 =	vadd.f32 v6, v9  }
0x884: {  	v6 =	vld [tilespmem:s3+$0x8C10];
	v10 =	vadd.f32 v7, v10  }
0x885: {  	v7 =	vld [tilespmem:s3+$0x8C20]  }
0x886: {  	_ = 	snop  }
0x887: {  	v3 =	vadd.f32 v4, v3  }
0x888: {  	v5 =	vadd.f32 v5, v8  }
0x889: {  	v6 =	vadd.f32 v6, v9;
	[tilespmem:$0x12EF0] =	vst v3  }
0x88a: {  	v7 =	vadd.f32 v7, v10;
	[tilespmem:$0x12EC0] =	vst v5  }
0x88b: {  	[tilespmem:$0x12ED0] =	vst v6  }
0x88c: {  	s3 =	simm.s32 $0x0;
	[tilespmem:$0x12EE0] =	vst v7  }
0x88d: {  	v4 =	vld [tilespmem:s3+$0x98B0]  }
0x88e: {  	v5 =	vld [tilespmem:s3+$0x9880]  }
0x88f: {  	v8 =	vimm.f32 $0.0e+00;
	v6 =	vld [tilespmem:s3+$0x9890]  }
0x890: {  	s17 =	simm.s32 $0x100;
	v3 =	vimm.f32 $0.0e+00;
	v9 =	vimm.f32 $0.0e+00;
	v10 =	vimm.f32 $0.0e+00;
	v7 =	vld [tilespmem:s3+$0x98A0]  }
.LBB2_238:
0x891: {  	p0 =	sne.s32 s17, $0x3100  }
.Ltmp118:
0x892: {  	s3 =	sshra.s32 s17, $0x2;
	s17 =	sadd.s32 $0x100, s17;
	v3 =	vadd.f32 v4, v3;
	(pc) =	sbr.rel @p0 .LBB2_238-.Ltmp118, $4  }
0x893: {  	v4 =	vld [tilespmem:s3+$0x98B0];
	v8 =	vadd.f32 v5, v8  }
0x894: {  	v5 =	vld [tilespmem:s3+$0x9880];
	v9 =	vadd.f32 v6, v9  }
0x895: {  	v6 =	vld [tilespmem:s3+$0x9890];
	v10 =	vadd.f32 v7, v10  }
0x896: {  	v7 =	vld [tilespmem:s3+$0x98A0]  }
0x897: {  	_ = 	snop  }
0x898: {  	v3 =	vadd.f32 v4, v3  }
0x899: {  	v5 =	vadd.f32 v5, v8  }
0x89a: {  	v6 =	vadd.f32 v6, v9;
	[tilespmem:$0x12F30] =	vst v3  }
0x89b: {  	v7 =	vadd.f32 v7, v10;
	[tilespmem:$0x12F00] =	vst v5  }
0x89c: {  	[tilespmem:$0x12F10] =	vst v6  }
0x89d: {  	s3 =	simm.s32 $0x0;
	[tilespmem:$0x12F20] =	vst v7  }
0x89e: {  	v4 =	vld [tilespmem:s3+$0xA530]  }
0x89f: {  	v5 =	vld [tilespmem:s3+$0xA500]  }
0x8a0: {  	v8 =	vimm.f32 $0.0e+00;
	v6 =	vld [tilespmem:s3+$0xA510]  }
0x8a1: {  	s17 =	simm.s32 $0x100;
	v3 =	vimm.f32 $0.0e+00;
	v9 =	vimm.f32 $0.0e+00;
	v10 =	vimm.f32 $0.0e+00;
	v7 =	vld [tilespmem:s3+$0xA520]  }
.LBB2_240:
0x8a2: {  	p0 =	sne.s32 s17, $0x3100  }
.Ltmp119:
0x8a3: {  	s3 =	sshra.s32 s17, $0x2;
	s17 =	sadd.s32 $0x100, s17;
	v3 =	vadd.f32 v4, v3;
	(pc) =	sbr.rel @p0 .LBB2_240-.Ltmp119, $4  }
0x8a4: {  	v4 =	vld [tilespmem:s3+$0xA530];
	v8 =	vadd.f32 v5, v8  }
0x8a5: {  	v5 =	vld [tilespmem:s3+$0xA500];
	v9 =	vadd.f32 v6, v9  }
0x8a6: {  	v6 =	vld [tilespmem:s3+$0xA510];
	v10 =	vadd.f32 v7, v10  }
0x8a7: {  	v7 =	vld [tilespmem:s3+$0xA520]  }
0x8a8: {  	_ = 	snop  }
0x8a9: {  	v3 =	vadd.f32 v4, v3  }
0x8aa: {  	v5 =	vadd.f32 v5, v8  }
0x8ab: {  	v6 =	vadd.f32 v6, v9;
	[tilespmem:$0x12F70] =	vst v3  }
0x8ac: {  	v7 =	vadd.f32 v7, v10;
	[tilespmem:$0x12F40] =	vst v5  }
0x8ad: {  	[tilespmem:$0x12F50] =	vst v6  }
0x8ae: {  	[tilespmem:$0x12F60] =	vst v7  }
0x8af: {  	_ =	swait.ge [sflag:s31], $0x3200  }
0x8b0: {  	[sflag:s31] =	ssyncset.done $0x0  }
0x8b1: {  	s3 =	simm.s32 $0x0;
	[sflag:s31] =	ssyncadd.s32 $0xFFFFCE00  }
0x8b2: {  	v4 =	vld [tilespmem:s3+$0x1BB0]  }
0x8b3: {  	v5 =	vld [tilespmem:s3+$0x1B80]  }
0x8b4: {  	v8 =	vimm.f32 $0.0e+00;
	v6 =	vld [tilespmem:s3+$0x1B90]  }
0x8b5: {  	s17 =	simm.s32 $0x100;
	v3 =	vimm.f32 $0.0e+00;
	v9 =	vimm.f32 $0.0e+00;
	v10 =	vimm.f32 $0.0e+00;
	v7 =	vld [tilespmem:s3+$0x1BA0]  }
.LBB2_242:
0x8b6: {  	p0 =	sne.s32 s17, $0x3100  }
.Ltmp120:
0x8b7: {  	s3 =	sshra.s32 s17, $0x2;
	s17 =	sadd.s32 $0x100, s17;
	v3 =	vadd.f32 v4, v3;
	(pc) =	sbr.rel @p0 .LBB2_242-.Ltmp120, $4  }
0x8b8: {  	v4 =	vld [tilespmem:s3+$0x1BB0];
	v8 =	vadd.f32 v5, v8  }
0x8b9: {  	v5 =	vld [tilespmem:s3+$0x1B80];
	v9 =	vadd.f32 v6, v9  }
0x8ba: {  	v6 =	vld [tilespmem:s3+$0x1B90];
	v10 =	vadd.f32 v7, v10  }
0x8bb: {  	v7 =	vld [tilespmem:s3+$0x1BA0]  }
0x8bc: {  	_ = 	snop  }
0x8bd: {  	v3 =	vadd.f32 v4, v3  }
0x8be: {  	v5 =	vadd.f32 v5, v8  }
0x8bf: {  	v6 =	vadd.f32 v6, v9;
	[tilespmem:$0x12FB0] =	vst v3  }
0x8c0: {  	v7 =	vadd.f32 v7, v10;
	[tilespmem:$0x12F80] =	vst v5  }
0x8c1: {  	[tilespmem:$0x12F90] =	vst v6  }
0x8c2: {  	s3 =	simm.s32 $0x0;
	[tilespmem:$0x12FA0] =	vst v7  }
0x8c3: {  	v4 =	vld [tilespmem:s3+$0x2830]  }
0x8c4: {  	v5 =	vld [tilespmem:s3+$0x2800]  }
0x8c5: {  	v8 =	vimm.f32 $0.0e+00;
	v6 =	vld [tilespmem:s3+$0x2810]  }
0x8c6: {  	s17 =	simm.s32 $0x100;
	v3 =	vimm.f32 $0.0e+00;
	v9 =	vimm.f32 $0.0e+00;
	v10 =	vimm.f32 $0.0e+00;
	v7 =	vld [tilespmem:s3+$0x2820]  }
.LBB2_244:
0x8c7: {  	p0 =	sne.s32 s17, $0x3100  }
.Ltmp121:
0x8c8: {  	s3 =	sshra.s32 s17, $0x2;
	s17 =	sadd.s32 $0x100, s17;
	v3 =	vadd.f32 v4, v3;
	(pc) =	sbr.rel @p0 .LBB2_244-.Ltmp121, $4  }
0x8c9: {  	v4 =	vld [tilespmem:s3+$0x2830];
	v8 =	vadd.f32 v5, v8  }
0x8ca: {  	v5 =	vld [tilespmem:s3+$0x2800];
	v9 =	vadd.f32 v6, v9  }
0x8cb: {  	v6 =	vld [tilespmem:s3+$0x2810];
	v10 =	vadd.f32 v7, v10  }
0x8cc: {  	v7 =	vld [tilespmem:s3+$0x2820]  }
0x8cd: {  	_ = 	snop  }
0x8ce: {  	v3 =	vadd.f32 v4, v3  }
0x8cf: {  	v5 =	vadd.f32 v5, v8  }
0x8d0: {  	v6 =	vadd.f32 v6, v9;
	[tilespmem:$0x12FF0] =	vst v3  }
0x8d1: {  	v7 =	vadd.f32 v7, v10;
	[tilespmem:$0x12FC0] =	vst v5  }
0x8d2: {  	[tilespmem:$0x12FD0] =	vst v6  }
0x8d3: {  	s3 =	simm.s32 $0x0;
	[tilespmem:$0x12FE0] =	vst v7  }
0x8d4: {  	v4 =	vld [tilespmem:s3+$0x34B0]  }
0x8d5: {  	v5 =	vld [tilespmem:s3+$0x3480]  }
0x8d6: {  	v8 =	vimm.f32 $0.0e+00;
	v6 =	vld [tilespmem:s3+$0x3490]  }
0x8d7: {  	s17 =	simm.s32 $0x100;
	v3 =	vimm.f32 $0.0e+00;
	v9 =	vimm.f32 $0.0e+00;
	v10 =	vimm.f32 $0.0e+00;
	v7 =	vld [tilespmem:s3+$0x34A0]  }
.LBB2_246:
0x8d8: {  	p0 =	sne.s32 s17, $0x3100  }
.Ltmp122:
0x8d9: {  	s3 =	sshra.s32 s17, $0x2;
	s17 =	sadd.s32 $0x100, s17;
	v3 =	vadd.f32 v4, v3;
	(pc) =	sbr.rel @p0 .LBB2_246-.Ltmp122, $4  }
0x8da: {  	v4 =	vld [tilespmem:s3+$0x34B0];
	v8 =	vadd.f32 v5, v8  }
0x8db: {  	v5 =	vld [tilespmem:s3+$0x3480];
	v9 =	vadd.f32 v6, v9  }
0x8dc: {  	v6 =	vld [tilespmem:s3+$0x3490];
	v10 =	vadd.f32 v7, v10  }
0x8dd: {  	v7 =	vld [tilespmem:s3+$0x34A0]  }
0x8de: {  	_ = 	snop  }
0x8df: {  	v3 =	vadd.f32 v4, v3  }
0x8e0: {  	v5 =	vadd.f32 v5, v8  }
0x8e1: {  	v6 =	vadd.f32 v6, v9;
	[tilespmem:$0x13030] =	vst v3  }
0x8e2: {  	v7 =	vadd.f32 v7, v10;
	[tilespmem:$0x13000] =	vst v5  }
0x8e3: {  	[tilespmem:$0x13010] =	vst v6  }
0x8e4: {  	s3 =	simm.s32 $0x0;
	[tilespmem:$0x13020] =	vst v7  }
0x8e5: {  	v4 =	vld [tilespmem:s3+$0x4130]  }
0x8e6: {  	v5 =	vld [tilespmem:s3+$0x4100]  }
0x8e7: {  	v8 =	vimm.f32 $0.0e+00;
	v6 =	vld [tilespmem:s3+$0x4110]  }
0x8e8: {  	s17 =	simm.s32 $0x100;
	v3 =	vimm.f32 $0.0e+00;
	v9 =	vimm.f32 $0.0e+00;
	v10 =	vimm.f32 $0.0e+00;
	v7 =	vld [tilespmem:s3+$0x4120]  }
.LBB2_248:
0x8e9: {  	p0 =	sne.s32 s17, $0x3100  }
.Ltmp123:
0x8ea: {  	s3 =	sshra.s32 s17, $0x2;
	s17 =	sadd.s32 $0x100, s17;
	v3 =	vadd.f32 v4, v3;
	(pc) =	sbr.rel @p0 .LBB2_248-.Ltmp123, $4  }
0x8eb: {  	v4 =	vld [tilespmem:s3+$0x4130];
	v8 =	vadd.f32 v5, v8  }
0x8ec: {  	v5 =	vld [tilespmem:s3+$0x4100];
	v9 =	vadd.f32 v6, v9  }
0x8ed: {  	v6 =	vld [tilespmem:s3+$0x4110];
	v10 =	vadd.f32 v7, v10  }
0x8ee: {  	v7 =	vld [tilespmem:s3+$0x4120]  }
0x8ef: {  	_ = 	snop  }
0x8f0: {  	v3 =	vadd.f32 v4, v3  }
0x8f1: {  	v5 =	vadd.f32 v5, v8  }
0x8f2: {  	v6 =	vadd.f32 v6, v9;
	[tilespmem:$0x13070] =	vst v3  }
0x8f3: {  	v7 =	vadd.f32 v7, v10;
	[tilespmem:$0x13040] =	vst v5  }
0x8f4: {  	[tilespmem:$0x13050] =	vst v6  }
0x8f5: {  	[tilespmem:$0x13060] =	vst v7  }
0x8f6: {  	_ =	swait.ge [sflag:s0], $0x3200  }
0x8f7: {  	[sflag:s0] =	ssyncset.done $0x0  }
0x8f8: {  	s3 =	simm.s32 $0x0;
	[sflag:s0] =	ssyncadd.s32 $0xFFFFCE00  }
0x8f9: {  	v4 =	vld [tilespmem:s3+$0x4DB0]  }
0x8fa: {  	v5 =	vld [tilespmem:s3+$0x4D80]  }
0x8fb: {  	v8 =	vimm.f32 $0.0e+00;
	v6 =	vld [tilespmem:s3+$0x4D90]  }
0x8fc: {  	s17 =	simm.s32 $0x100;
	v3 =	vimm.f32 $0.0e+00;
	v9 =	vimm.f32 $0.0e+00;
	v10 =	vimm.f32 $0.0e+00;
	v7 =	vld [tilespmem:s3+$0x4DA0]  }
.LBB2_250:
0x8fd: {  	p0 =	sne.s32 s17, $0x3100  }
.Ltmp124:
0x8fe: {  	s3 =	sshra.s32 s17, $0x2;
	s17 =	sadd.s32 $0x100, s17;
	v3 =	vadd.f32 v4, v3;
	(pc) =	sbr.rel @p0 .LBB2_250-.Ltmp124, $4  }
0x8ff: {  	v4 =	vld [tilespmem:s3+$0x4DB0];
	v8 =	vadd.f32 v5, v8  }
0x900: {  	v5 =	vld [tilespmem:s3+$0x4D80];
	v9 =	vadd.f32 v6, v9  }
0x901: {  	v6 =	vld [tilespmem:s3+$0x4D90];
	v10 =	vadd.f32 v7, v10  }
0x902: {  	v7 =	vld [tilespmem:s3+$0x4DA0]  }
0x903: {  	_ = 	snop  }
0x904: {  	v3 =	vadd.f32 v4, v3  }
0x905: {  	v5 =	vadd.f32 v5, v8  }
0x906: {  	v6 =	vadd.f32 v6, v9;
	[tilespmem:$0x130B0] =	vst v3  }
0x907: {  	v7 =	vadd.f32 v7, v10;
	[tilespmem:$0x13080] =	vst v5  }
0x908: {  	[tilespmem:$0x13090] =	vst v6  }
0x909: {  	s3 =	simm.s32 $0x0;
	[tilespmem:$0x130A0] =	vst v7  }
0x90a: {  	v4 =	vld [tilespmem:s3+$0x5A30]  }
0x90b: {  	v5 =	vld [tilespmem:s3+$0x5A00]  }
0x90c: {  	v8 =	vimm.f32 $0.0e+00;
	v6 =	vld [tilespmem:s3+$0x5A10]  }
0x90d: {  	s17 =	simm.s32 $0x100;
	v3 =	vimm.f32 $0.0e+00;
	v9 =	vimm.f32 $0.0e+00;
	v10 =	vimm.f32 $0.0e+00;
	v7 =	vld [tilespmem:s3+$0x5A20]  }
.LBB2_252:
0x90e: {  	p0 =	sne.s32 s17, $0x3100  }
.Ltmp125:
0x90f: {  	s3 =	sshra.s32 s17, $0x2;
	s17 =	sadd.s32 $0x100, s17;
	v3 =	vadd.f32 v4, v3;
	(pc) =	sbr.rel @p0 .LBB2_252-.Ltmp125, $4  }
0x910: {  	v4 =	vld [tilespmem:s3+$0x5A30];
	v8 =	vadd.f32 v5, v8  }
0x911: {  	v5 =	vld [tilespmem:s3+$0x5A00];
	v9 =	vadd.f32 v6, v9  }
0x912: {  	v6 =	vld [tilespmem:s3+$0x5A10];
	v10 =	vadd.f32 v7, v10  }
0x913: {  	v7 =	vld [tilespmem:s3+$0x5A20]  }
0x914: {  	_ = 	snop  }
0x915: {  	v3 =	vadd.f32 v4, v3  }
0x916: {  	v5 =	vadd.f32 v5, v8  }
0x917: {  	v6 =	vadd.f32 v6, v9;
	[tilespmem:$0x130F0] =	vst v3  }
0x918: {  	v7 =	vadd.f32 v7, v10;
	[tilespmem:$0x130C0] =	vst v5  }
0x919: {  	[tilespmem:$0x130D0] =	vst v6  }
0x91a: {  	s3 =	simm.s32 $0x0;
	[tilespmem:$0x130E0] =	vst v7  }
0x91b: {  	v4 =	vld [tilespmem:s3+$0x66B0]  }
0x91c: {  	v5 =	vld [tilespmem:s3+$0x6680]  }
0x91d: {  	v8 =	vimm.f32 $0.0e+00;
	v6 =	vld [tilespmem:s3+$0x6690]  }
0x91e: {  	s17 =	simm.s32 $0x100;
	v3 =	vimm.f32 $0.0e+00;
	v9 =	vimm.f32 $0.0e+00;
	v10 =	vimm.f32 $0.0e+00;
	v7 =	vld [tilespmem:s3+$0x66A0]  }
.LBB2_254:
0x91f: {  	p0 =	sne.s32 s17, $0x3100  }
.Ltmp126:
0x920: {  	s3 =	sshra.s32 s17, $0x2;
	s17 =	sadd.s32 $0x100, s17;
	v3 =	vadd.f32 v4, v3;
	(pc) =	sbr.rel @p0 .LBB2_254-.Ltmp126, $4  }
0x921: {  	v4 =	vld [tilespmem:s3+$0x66B0];
	v8 =	vadd.f32 v5, v8  }
0x922: {  	v5 =	vld [tilespmem:s3+$0x6680];
	v9 =	vadd.f32 v6, v9  }
0x923: {  	v6 =	vld [tilespmem:s3+$0x6690];
	v10 =	vadd.f32 v7, v10  }
0x924: {  	v7 =	vld [tilespmem:s3+$0x66A0]  }
0x925: {  	_ = 	snop  }
0x926: {  	v3 =	vadd.f32 v4, v3  }
0x927: {  	v5 =	vadd.f32 v5, v8  }
0x928: {  	v6 =	vadd.f32 v6, v9;
	[tilespmem:$0x13130] =	vst v3  }
0x929: {  	v7 =	vadd.f32 v7, v10;
	[tilespmem:$0x13100] =	vst v5  }
0x92a: {  	[tilespmem:$0x13110] =	vst v6  }
0x92b: {  	s3 =	simm.s32 $0x0;
	[tilespmem:$0x13120] =	vst v7  }
0x92c: {  	v4 =	vld [tilespmem:s3+$0x7330]  }
0x92d: {  	v5 =	vld [tilespmem:s3+$0x7300]  }
0x92e: {  	v8 =	vimm.f32 $0.0e+00;
	v6 =	vld [tilespmem:s3+$0x7310]  }
0x92f: {  	s17 =	simm.s32 $0x100;
	v3 =	vimm.f32 $0.0e+00;
	v9 =	vimm.f32 $0.0e+00;
	v10 =	vimm.f32 $0.0e+00;
	v7 =	vld [tilespmem:s3+$0x7320]  }
.LBB2_256:
0x930: {  	p0 =	sne.s32 s17, $0x3100  }
.Ltmp127:
0x931: {  	s3 =	sshra.s32 s17, $0x2;
	s17 =	sadd.s32 $0x100, s17;
	v3 =	vadd.f32 v4, v3;
	(pc) =	sbr.rel @p0 .LBB2_256-.Ltmp127, $4  }
0x932: {  	v4 =	vld [tilespmem:s3+$0x7330];
	v8 =	vadd.f32 v5, v8  }
0x933: {  	v5 =	vld [tilespmem:s3+$0x7300];
	v9 =	vadd.f32 v6, v9  }
0x934: {  	v6 =	vld [tilespmem:s3+$0x7310];
	v10 =	vadd.f32 v7, v10  }
0x935: {  	v7 =	vld [tilespmem:s3+$0x7320]  }
0x936: {  	_ = 	snop  }
0x937: {  	v3 =	vadd.f32 v4, v3  }
0x938: {  	v5 =	vadd.f32 v5, v8  }
0x939: {  	v6 =	vadd.f32 v6, v9;
	[tilespmem:$0x13170] =	vst v3  }
0x93a: {  	v7 =	vadd.f32 v7, v10;
	[tilespmem:$0x13140] =	vst v5  }
0x93b: {  	[tilespmem:$0x13150] =	vst v6  }
0x93c: {  	[tilespmem:$0x13160] =	vst v7  }
0x93d: {  	_ =	swait.ge [sflag:s29], $0x2000  }
0x93e: {  	[sflag:s29] =	ssyncset.done $0x0  }
0x93f: {  	[sflag:s29] =	ssyncadd.s32 $0xFFFFE000  }
0x940: {  	s3 =	simm.s32 $0x0;
	_ =	swait.ge [sflag:s1], $0x2000  }
0x941: {  	v3 =	vadd.s32 s3, v1;
	[sflag:s1] =	ssyncset.done $0x0  }
0x942: {  	[sflag:s1] =	ssyncadd.s32 $0xFFFFE000  }
0x943: {  	_ =	swait.ge [sflag:s18], $0x2000  }
0x944: {  	[sflag:s18] =	ssyncset.done $0x0  }
0x945: {  	s17 =	simm.s32 $0x1;
	[sflag:s18] =	ssyncadd.s32 $0xFFFFE000  }
0x946: {  	v4 =	vadd.s32 s17, v1;
	v5 =	vld.idx.msk [tilespmem:v3+s2+$0x0], $0xffff;
	_ =	sdelay $0x4  }
0x947: {  	s17 =	simm.s32 $0x2;
	v3 =	vimm.f32 $0.0e+00;
	v4 =	vld.idx.msk [tilespmem:v4+s2+$0x0], $0xffff;
	vm0 =	veq.s32 v5, $0x0  }
.LBB2_258:
0x948: {  	v5 =	vadd.s32 s17, v1;
	p0 =	sne.s32 s17, $0x31;
	s17 =	sadd.s32 $0x1, s17;
	v6 =	vsel vm0, $0x3F800000, v2  }
.Ltmp128:
0x949: {  	v3 =	vadd.f32 v6, v3;
	(pc) =	sbr.rel @p0 .LBB2_258-.Ltmp128, $2  }
0x94a: {  	_ =	sdelay $0x2  }
0x94b: {  	vm0 =	veq.s32 v4, $0x0;
	v4 =	vld.idx.msk [tilespmem:v5+s2+$0x0], $0xffff  }
0x94c: {  	_ =	sdelay $0x2  }
0x94d: {  	v5 =	vsel vm0, $0x3F800000, v2  }
0x94e: {  	v3 =	vadd.f32 v5, v3;
	vm15 =	veq.s32 v4, $0x0  }
0x94f: {  	v4 =	vsel vm15, $0x3F800000, v2  }
0x950: {  	s3 =	simm.s32 $0x0;
	v4 =	vadd.f32 v4, v3  }
0x951: {  	v6 =	vmov s3  }
0x952: {  	v3 =	vmul.u32 $0x40, v0;
	v5 =	vsub.f32 $5.000000000e+01, v4;
	_ =	sdelay $0x1  }
0x953: {  	v8 =	vor.u32 s3, v3;
	v5 =	vadd.f32 $9.999999710e-10, v5;
	_ =	sdelay $0x1  }
0x954: {  	v9 =	vld.idx.msk [tilespmem:v6+s20+$0x0], $0xffff;
	(erf) = vrcp.f32 v5  }
0x955: {  	s17 =	simm.s32 $0x1  }
0x956: {  	v5 =	vmov s17  }
0x957: {  	v10 =	vld.idx.msk [tilespmem:v8+s15+$0x0], $0xffff  }
0x958: {  	v6 =	vor.u32 s17, v3  }
0x959: {  	s3 =	simm.s32 $0x2;
	v9 =	vmul.f32 v9, v4;
	v7 =	vld.idx.msk [tilespmem:v8+s23+$0x0], $0xffff  }
0x95a: {  	v11 =	vmov s3;
	v12 =	vld.idx.msk [tilespmem:v8+s22+$0x0], $0xffff  }
0x95b: {  	v16 =	vld.idx.msk [tilespmem:v5+s20+$0x0], $0xffff  }
0x95c: {  	v5 =	vld.idx.msk [tilespmem:v8+s24+$0x0], $0xffff;
	v15 =	vsub.f32 v10, v9  }
0x95d: {  	v14 =	vld.idx.msk [tilespmem:v6+s15+$0x0], $0xffff;
	v9 =	vpop (erf)  }
0x95e: {  	v10 =	vld.idx.msk [tilespmem:v6+s23+$0x0], $0xffff;
	v17 =	vmul.f32 v15, v9  }
0x95f: {  	v13 =	vor.u32 s3, v3;
	s17 =	simm.s32 $0x3;
	v8 =	vimm.f32 $0.0e+00;
	v15 =	vld.idx.msk [tilespmem:v11+s20+$0x0], $0xffff;
	v11 =	vimm.f32 $0.0e+00  }
.LBB2_260:
0x960: {  	v18 =	vmov s17;
	v16 =	vmul.f32 v16, v4;
	v17 =	vadd.f32 v17, v12;
	v12 =	vld.idx.msk [tilespmem:v6+s22+$0x0], $0xffff;
	s3 =	smov.u32 s17;
	p0 =	sne.s32 s17, $0x3F  }
.Ltmp129:
0x961: {  	s17 =	sadd.s32 $0x1, s17;
	v19 =	vmov v5;
	v5 =	vld.idx.msk [tilespmem:v6+s24+$0x0], $0xffff;
	v6 =	vmov v13;
	(pc) =	sbr.rel @p0 .LBB2_260-.Ltmp129, $4  }
0x962: {  	v21 =	vsub.f32 v14, v16;
	v14 =	vld.idx.msk [tilespmem:v13+s15+$0x0], $0xffff;
	v20 =	vmul.f32 v17, v7;
	v19 =	vmul.f32 v19, v17  }
0x963: {  	v7 =	vmov v10;
	v10 =	vld.idx.msk [tilespmem:v13+s23+$0x0], $0xffff;
	v13 =	vor.u32 s3, v3  }
0x964: {  	v17 =	vmul.f32 v21, v9;
	v8 =	vadd.f32 v20, v8;
	v11 =	vadd.f32 v19, v11  }
0x965: {  	v16 =	vmov v15;
	v15 =	vld.idx.msk [tilespmem:v18+s20+$0x0], $0xffff  }
0x966: {  	_ =	sdelay $0x3  }
0x967: {  	v18 =	vld.idx.msk [tilespmem:v13+s15+$0x0], $0xffff  }
0x968: {  	v16 =	vmul.f32 v16, v4  }
0x969: {  	v19 =	vld.idx.msk [tilespmem:v6+s22+$0x0], $0xffff  }
0x96a: {  	v14 =	vsub.f32 v14, v16;
	v4 =	vmul.f32 v15, v4  }
0x96b: {  	v59 =	vld.idx.msk [tilespmem:v13+s22+$0x0], $0xffff  }
0x96c: {  	v12 =	vadd.f32 v17, v12;
	v6 =	vld.idx.msk [tilespmem:v6+s24+$0x0], $0xffff;
	v14 =	vmul.f32 v14, v9;
	v4 =	vsub.f32 v18, v4  }
0x96d: {  	v60 =	vld.idx.msk [tilespmem:v13+s23+$0x0], $0xffff  }
0x96e: {  	v61 =	vld.idx.msk [tilespmem:v13+s24+$0x0], $0xffff;
	v7 =	vmul.f32 v12, v7;
	v14 =	vadd.f32 v14, v19;
	v4 =	vmul.f32 v4, v9  }
0x96f: {  	v5 =	vmul.f32 v5, v12  }
0x970: {  	v7 =	vadd.f32 v7, v8;
	v8 =	vmul.f32 v14, v10;
	v4 =	vadd.f32 v4, v59  }
0x971: {  	v62 =	vld [tilespmem:$0x1A80];
	v5 =	vadd.f32 v5, v11;
	v6 =	vmul.f32 v6, v14  }
0x972: {  	v63 =	vld [tilespmem:$0x1B00];
	v7 =	vadd.f32 v8, v7;
	v8 =	vmul.f32 v4, v60  }
0x973: {  	v5 =	vadd.f32 v6, v5;
	v6 =	vmul.f32 v61, v4  }
0x974: {  	s3 =	simm.s32 $0x0;
	v4 =	vadd.s32 $0x320, v1;
	v7 =	vadd.f32 v8, v7  }
0x975: {  	v5 =	vadd.f32 v6, v5;
	v6 =	vadd.s32 s3, v4  }
0x976: {  	v7 =	vsub.f32 v7, v62  }
0x977: {  	v5 =	vsub.f32 v5, v63  }
0x978: {  	[tilespmem:$0x13180] =	vst v7  }
0x979: {  	s3 =	simm.s32 $0x1;
	[tilespmem:$0x13200] =	vst v5  }
0x97a: {  	v7 =	vadd.s32 s3, v4;
	v6 =	vld.idx.msk [tilespmem:v6+s2+$0x0], $0xffff  }
0x97b: {  	s17 =	simm.s32 $0x2;
	v5 =	vimm.f32 $0.0e+00  }
.LBB2_262:
0x97c: {  	p0 =	sne.s32 s17, $0x31  }
.Ltmp130:
0x97d: {  	_ = 	snop;
	(pc) =	sbr.rel @p0 .LBB2_262-.Ltmp130, $4  }
0x97e: {  	_ = 	snop  }
0x97f: {  	s3 =	smov.u32 s17;
	s17 =	sadd.s32 $0x1, s17;
	vm0 =	veq.s32 v6, $0x0;
	v6 =	vld.idx.msk [tilespmem:v7+s2+$0x0], $0xffff  }
0x980: {  	v7 =	vadd.s32 s3, v4;
	v8 =	vsel vm0, $0x3F800000, v2  }
0x981: {  	v5 =	vadd.f32 v8, v5  }
0x982: {  	_ =	sdelay $0x3  }
0x983: {  	v4 =	vld.idx.msk [tilespmem:v7+s2+$0x0], $0xffff;
	_ =	sdelay $0x2  }
0x984: {  	vm0 =	veq.s32 v6, $0x0  }
0x985: {  	v6 =	vsel vm0, $0x3F800000, v2  }
0x986: {  	v5 =	vadd.f32 v6, v5;
	vm15 =	veq.s32 v4, $0x0  }
0x987: {  	v4 =	vsel vm15, $0x3F800000, v2  }
0x988: {  	v4 =	vadd.f32 v4, v5  }
0x989: {  	s3 =	simm.s32 $0x0  }
0x98a: {  	v6 =	vmov s3;
	v5 =	vsub.f32 $5.000000000e+01, v4  }
0x98b: {  	v8 =	vor.u32 $0x400, v3  }
0x98c: {  	v7 =	vor.u32 s3, v8;
	v5 =	vadd.f32 $9.999999710e-10, v5  }
0x98d: {  	s17 =	simm.s32 $0x1  }
0x98e: {  	v10 =	vmov s17;
	(erf) = vrcp.f32 v5  }
0x98f: {  	v6 =	vld.idx.msk [tilespmem:v6+s20+$0x0], $0xffff;
	_ =	sdelay $0x1  }
0x990: {  	v11 =	vld.idx.msk [tilespmem:v7+s15+$0x0], $0xffff  }
0x991: {  	v9 =	vor.u32 s17, v8  }
0x992: {  	s3 =	simm.s32 $0x2;
	v17 =	vld.idx.msk [tilespmem:v10+s20+$0x0], $0xffff  }
0x993: {  	v13 =	vmov s3;
	v12 =	vld.idx.msk [tilespmem:v7+s22+$0x0], $0xffff;
	v6 =	vmul.f32 v6, v4  }
0x994: {  	v5 =	vld.idx.msk [tilespmem:v7+s23+$0x0], $0xffff  }
0x995: {  	v7 =	vld.idx.msk [tilespmem:v7+s24+$0x0], $0xffff;
	v16 =	vsub.f32 v11, v6  }
0x996: {  	v15 =	vld.idx.msk [tilespmem:v9+s15+$0x0], $0xffff;
	v10 =	vpop (erf)  }
0x997: {  	v11 =	vld.idx.msk [tilespmem:v9+s23+$0x0], $0xffff;
	v18 =	vmul.f32 v16, v10  }
0x998: {  	s17 =	simm.s32 $0x3;
	v14 =	vor.u32 s3, v8;
	v6 =	vimm.f32 $0.0e+00;
	v16 =	vld.idx.msk [tilespmem:v13+s20+$0x0], $0xffff;
	v13 =	vimm.f32 $0.0e+00  }
.LBB2_264:
0x999: {  	v19 =	vmov s17;
	v17 =	vmul.f32 v17, v4;
	v18 =	vadd.f32 v18, v12;
	v12 =	vld.idx.msk [tilespmem:v9+s22+$0x0], $0xffff;
	s3 =	smov.u32 s17;
	p0 =	sne.s32 s17, $0x3F  }
.Ltmp131:
0x99a: {  	s17 =	sadd.s32 $0x1, s17;
	v20 =	vmov v7;
	v7 =	vld.idx.msk [tilespmem:v9+s24+$0x0], $0xffff;
	v9 =	vmov v14;
	(pc) =	sbr.rel @p0 .LBB2_264-.Ltmp131, $4  }
0x99b: {  	v22 =	vsub.f32 v15, v17;
	v15 =	vld.idx.msk [tilespmem:v14+s15+$0x0], $0xffff;
	v20 =	vmul.f32 v20, v18  }
0x99c: {  	v21 =	vmul.f32 v18, v5;
	v5 =	vmov v11;
	v11 =	vld.idx.msk [tilespmem:v14+s23+$0x0], $0xffff;
	v14 =	vor.u32 s3, v8  }
0x99d: {  	v18 =	vmul.f32 v22, v10;
	v6 =	vadd.f32 v20, v6  }
0x99e: {  	v13 =	vadd.f32 v21, v13;
	v17 =	vmov v16;
	v16 =	vld.idx.msk [tilespmem:v19+s20+$0x0], $0xffff  }
0x99f: {  	_ =	sdelay $0x3  }
0x9a0: {  	v8 =	vld.idx.msk [tilespmem:v14+s15+$0x0], $0xffff  }
0x9a1: {  	v17 =	vmul.f32 v17, v4  }
0x9a2: {  	v19 =	vld.idx.msk [tilespmem:v9+s22+$0x0], $0xffff  }
0x9a3: {  	v15 =	vsub.f32 v15, v17;
	v4 =	vmul.f32 v16, v4  }
0x9a4: {  	v58 =	vld.idx.msk [tilespmem:v14+s22+$0x0], $0xffff  }
0x9a5: {  	v12 =	vadd.f32 v18, v12;
	v59 =	vld.idx.msk [tilespmem:v9+s24+$0x0], $0xffff;
	v15 =	vmul.f32 v15, v10;
	v4 =	vsub.f32 v8, v4  }
0x9a6: {  	v8 =	vld.idx.msk [tilespmem:v14+s23+$0x0], $0xffff  }
0x9a7: {  	v60 =	vld.idx.msk [tilespmem:v14+s24+$0x0], $0xffff;
	v5 =	vmul.f32 v12, v5;
	v15 =	vadd.f32 v15, v19;
	v4 =	vmul.f32 v4, v10  }
0x9a8: {  	v7 =	vmul.f32 v7, v12  }
0x9a9: {  	v5 =	vadd.f32 v5, v13;
	v61 =	vmul.f32 v15, v11;
	v4 =	vadd.f32 v4, v58  }
0x9aa: {  	v62 =	vld [tilespmem:$0x1A90];
	v6 =	vadd.f32 v7, v6;
	v7 =	vmul.f32 v59, v15  }
0x9ab: {  	v63 =	vld [tilespmem:$0x1B10];
	v5 =	vadd.f32 v61, v5;
	v8 =	vmul.f32 v4, v8  }
0x9ac: {  	v6 =	vadd.f32 v7, v6;
	v7 =	vmul.f32 v60, v4  }
0x9ad: {  	s3 =	simm.s32 $0x0;
	v4 =	vadd.s32 $0x640, v1;
	v5 =	vadd.f32 v8, v5  }
0x9ae: {  	v6 =	vadd.f32 v7, v6;
	v7 =	vadd.s32 s3, v4  }
0x9af: {  	v5 =	vsub.f32 v5, v62  }
0x9b0: {  	v6 =	vsub.f32 v6, v63  }
0x9b1: {  	[tilespmem:$0x13190] =	vst v5  }
0x9b2: {  	s3 =	simm.s32 $0x1;
	[tilespmem:$0x13210] =	vst v6  }
0x9b3: {  	v6 =	vld.idx.msk [tilespmem:v7+s2+$0x0], $0xffff;
	v7 =	vadd.s32 s3, v4  }
0x9b4: {  	s17 =	simm.s32 $0x2;
	v5 =	vimm.f32 $0.0e+00  }
.LBB2_266:
0x9b5: {  	p0 =	sne.s32 s17, $0x31  }
.Ltmp132:
0x9b6: {  	_ = 	snop;
	(pc) =	sbr.rel @p0 .LBB2_266-.Ltmp132, $4  }
0x9b7: {  	_ = 	snop  }
0x9b8: {  	s3 =	smov.u32 s17;
	s17 =	sadd.s32 $0x1, s17;
	vm0 =	veq.s32 v6, $0x0;
	v6 =	vld.idx.msk [tilespmem:v7+s2+$0x0], $0xffff  }
0x9b9: {  	v7 =	vadd.s32 s3, v4;
	v8 =	vsel vm0, $0x3F800000, v2  }
0x9ba: {  	v5 =	vadd.f32 v8, v5  }
0x9bb: {  	_ =	sdelay $0x3  }
0x9bc: {  	v4 =	vld.idx.msk [tilespmem:v7+s2+$0x0], $0xffff;
	_ =	sdelay $0x2  }
0x9bd: {  	vm0 =	veq.s32 v6, $0x0  }
0x9be: {  	v6 =	vsel vm0, $0x3F800000, v2  }
0x9bf: {  	v5 =	vadd.f32 v6, v5;
	vm15 =	veq.s32 v4, $0x0  }
0x9c0: {  	v4 =	vsel vm15, $0x3F800000, v2  }
0x9c1: {  	v4 =	vadd.f32 v4, v5  }
0x9c2: {  	s3 =	simm.s32 $0x0  }
0x9c3: {  	v6 =	vmov s3;
	v5 =	vsub.f32 $5.000000000e+01, v4  }
0x9c4: {  	v8 =	vor.u32 $0x800, v3  }
0x9c5: {  	v7 =	vor.u32 s3, v8;
	v5 =	vadd.f32 $9.999999710e-10, v5  }
0x9c6: {  	s17 =	simm.s32 $0x1  }
0x9c7: {  	v10 =	vmov s17;
	(erf) = vrcp.f32 v5  }
0x9c8: {  	v6 =	vld.idx.msk [tilespmem:v6+s20+$0x0], $0xffff;
	_ =	sdelay $0x1  }
0x9c9: {  	v11 =	vld.idx.msk [tilespmem:v7+s15+$0x0], $0xffff  }
0x9ca: {  	v9 =	vor.u32 s17, v8  }
0x9cb: {  	s3 =	simm.s32 $0x2;
	v17 =	vld.idx.msk [tilespmem:v10+s20+$0x0], $0xffff  }
0x9cc: {  	v13 =	vmov s3;
	v12 =	vld.idx.msk [tilespmem:v7+s22+$0x0], $0xffff;
	v6 =	vmul.f32 v6, v4  }
0x9cd: {  	v5 =	vld.idx.msk [tilespmem:v7+s23+$0x0], $0xffff  }
0x9ce: {  	v7 =	vld.idx.msk [tilespmem:v7+s24+$0x0], $0xffff;
	v16 =	vsub.f32 v11, v6  }
0x9cf: {  	v15 =	vld.idx.msk [tilespmem:v9+s15+$0x0], $0xffff;
	v10 =	vpop (erf)  }
0x9d0: {  	v11 =	vld.idx.msk [tilespmem:v9+s23+$0x0], $0xffff;
	v18 =	vmul.f32 v16, v10  }
0x9d1: {  	s17 =	simm.s32 $0x3;
	v14 =	vor.u32 s3, v8;
	v6 =	vimm.f32 $0.0e+00;
	v16 =	vld.idx.msk [tilespmem:v13+s20+$0x0], $0xffff;
	v13 =	vimm.f32 $0.0e+00  }
.LBB2_268:
0x9d2: {  	v19 =	vmov s17;
	v17 =	vmul.f32 v17, v4;
	v18 =	vadd.f32 v18, v12;
	v12 =	vld.idx.msk [tilespmem:v9+s22+$0x0], $0xffff;
	s3 =	smov.u32 s17;
	p0 =	sne.s32 s17, $0x3F  }
.Ltmp133:
0x9d3: {  	s17 =	sadd.s32 $0x1, s17;
	v20 =	vmov v7;
	v7 =	vld.idx.msk [tilespmem:v9+s24+$0x0], $0xffff;
	v9 =	vmov v14;
	(pc) =	sbr.rel @p0 .LBB2_268-.Ltmp133, $4  }
0x9d4: {  	v22 =	vsub.f32 v15, v17;
	v15 =	vld.idx.msk [tilespmem:v14+s15+$0x0], $0xffff;
	v20 =	vmul.f32 v20, v18  }
0x9d5: {  	v21 =	vmul.f32 v18, v5;
	v5 =	vmov v11;
	v11 =	vld.idx.msk [tilespmem:v14+s23+$0x0], $0xffff;
	v14 =	vor.u32 s3, v8  }
0x9d6: {  	v18 =	vmul.f32 v22, v10;
	v6 =	vadd.f32 v20, v6  }
0x9d7: {  	v13 =	vadd.f32 v21, v13;
	v17 =	vmov v16;
	v16 =	vld.idx.msk [tilespmem:v19+s20+$0x0], $0xffff  }
0x9d8: {  	_ =	sdelay $0x3  }
0x9d9: {  	v8 =	vld.idx.msk [tilespmem:v14+s15+$0x0], $0xffff  }
0x9da: {  	v17 =	vmul.f32 v17, v4  }
0x9db: {  	v19 =	vld.idx.msk [tilespmem:v9+s22+$0x0], $0xffff  }
0x9dc: {  	v15 =	vsub.f32 v15, v17;
	v4 =	vmul.f32 v16, v4  }
0x9dd: {  	v58 =	vld.idx.msk [tilespmem:v14+s22+$0x0], $0xffff  }
0x9de: {  	v12 =	vadd.f32 v18, v12;
	v59 =	vld.idx.msk [tilespmem:v9+s24+$0x0], $0xffff;
	v15 =	vmul.f32 v15, v10;
	v4 =	vsub.f32 v8, v4  }
0x9df: {  	v8 =	vld.idx.msk [tilespmem:v14+s23+$0x0], $0xffff  }
0x9e0: {  	v60 =	vld.idx.msk [tilespmem:v14+s24+$0x0], $0xffff;
	v5 =	vmul.f32 v12, v5;
	v15 =	vadd.f32 v15, v19;
	v4 =	vmul.f32 v4, v10  }
0x9e1: {  	v7 =	vmul.f32 v7, v12  }
0x9e2: {  	v5 =	vadd.f32 v5, v13;
	v61 =	vmul.f32 v15, v11;
	v4 =	vadd.f32 v4, v58  }
0x9e3: {  	v62 =	vld [tilespmem:$0x1AA0];
	v6 =	vadd.f32 v7, v6;
	v7 =	vmul.f32 v59, v15  }
0x9e4: {  	v63 =	vld [tilespmem:$0x1B20];
	v5 =	vadd.f32 v61, v5;
	v8 =	vmul.f32 v4, v8  }
0x9e5: {  	v6 =	vadd.f32 v7, v6;
	v7 =	vmul.f32 v60, v4  }
0x9e6: {  	s3 =	simm.s32 $0x0;
	v4 =	vadd.s32 $0x960, v1;
	v5 =	vadd.f32 v8, v5  }
0x9e7: {  	v6 =	vadd.f32 v7, v6;
	v7 =	vadd.s32 s3, v4  }
0x9e8: {  	v5 =	vsub.f32 v5, v62  }
0x9e9: {  	v6 =	vsub.f32 v6, v63  }
0x9ea: {  	[tilespmem:$0x131A0] =	vst v5  }
0x9eb: {  	s3 =	simm.s32 $0x1;
	[tilespmem:$0x13220] =	vst v6  }
0x9ec: {  	v6 =	vld.idx.msk [tilespmem:v7+s2+$0x0], $0xffff;
	v7 =	vadd.s32 s3, v4  }
0x9ed: {  	s17 =	simm.s32 $0x2;
	v5 =	vimm.f32 $0.0e+00  }
.LBB2_270:
0x9ee: {  	p0 =	sne.s32 s17, $0x31  }
.Ltmp134:
0x9ef: {  	_ = 	snop;
	(pc) =	sbr.rel @p0 .LBB2_270-.Ltmp134, $4  }
0x9f0: {  	_ = 	snop  }
0x9f1: {  	s3 =	smov.u32 s17;
	s17 =	sadd.s32 $0x1, s17;
	vm0 =	veq.s32 v6, $0x0;
	v6 =	vld.idx.msk [tilespmem:v7+s2+$0x0], $0xffff  }
0x9f2: {  	v7 =	vadd.s32 s3, v4;
	v8 =	vsel vm0, $0x3F800000, v2  }
0x9f3: {  	v5 =	vadd.f32 v8, v5  }
0x9f4: {  	_ =	sdelay $0x3  }
0x9f5: {  	v4 =	vld.idx.msk [tilespmem:v7+s2+$0x0], $0xffff;
	_ =	sdelay $0x2  }
0x9f6: {  	vm0 =	veq.s32 v6, $0x0  }
0x9f7: {  	v6 =	vsel vm0, $0x3F800000, v2  }
0x9f8: {  	v5 =	vadd.f32 v6, v5;
	vm15 =	veq.s32 v4, $0x0  }
0x9f9: {  	v4 =	vsel vm15, $0x3F800000, v2  }
0x9fa: {  	v4 =	vadd.f32 v4, v5  }
0x9fb: {  	s3 =	simm.s32 $0x0  }
0x9fc: {  	v6 =	vmov s3;
	v5 =	vsub.f32 $5.000000000e+01, v4  }
0x9fd: {  	v8 =	vor.u32 $0xC00, v3  }
0x9fe: {  	v7 =	vor.u32 s3, v8;
	v5 =	vadd.f32 $9.999999710e-10, v5  }
0x9ff: {  	s17 =	simm.s32 $0x1  }
0xa00: {  	v10 =	vmov s17;
	(erf) = vrcp.f32 v5  }
0xa01: {  	v6 =	vld.idx.msk [tilespmem:v6+s20+$0x0], $0xffff;
	_ =	sdelay $0x1  }
0xa02: {  	v11 =	vld.idx.msk [tilespmem:v7+s15+$0x0], $0xffff  }
0xa03: {  	v9 =	vor.u32 s17, v8  }
0xa04: {  	s3 =	simm.s32 $0x2;
	v17 =	vld.idx.msk [tilespmem:v10+s20+$0x0], $0xffff  }
0xa05: {  	v13 =	vmov s3;
	v12 =	vld.idx.msk [tilespmem:v7+s22+$0x0], $0xffff;
	v6 =	vmul.f32 v6, v4  }
0xa06: {  	v5 =	vld.idx.msk [tilespmem:v7+s23+$0x0], $0xffff  }
0xa07: {  	v7 =	vld.idx.msk [tilespmem:v7+s24+$0x0], $0xffff;
	v16 =	vsub.f32 v11, v6  }
0xa08: {  	v15 =	vld.idx.msk [tilespmem:v9+s15+$0x0], $0xffff;
	v10 =	vpop (erf)  }
0xa09: {  	v11 =	vld.idx.msk [tilespmem:v9+s23+$0x0], $0xffff;
	v18 =	vmul.f32 v16, v10  }
0xa0a: {  	s17 =	simm.s32 $0x3;
	v14 =	vor.u32 s3, v8;
	v6 =	vimm.f32 $0.0e+00;
	v16 =	vld.idx.msk [tilespmem:v13+s20+$0x0], $0xffff;
	v13 =	vimm.f32 $0.0e+00  }
.LBB2_272:
0xa0b: {  	v19 =	vmov s17;
	v17 =	vmul.f32 v17, v4;
	v18 =	vadd.f32 v18, v12;
	v12 =	vld.idx.msk [tilespmem:v9+s22+$0x0], $0xffff;
	s3 =	smov.u32 s17;
	p0 =	sne.s32 s17, $0x3F  }
.Ltmp135:
0xa0c: {  	s17 =	sadd.s32 $0x1, s17;
	v20 =	vmov v7;
	v7 =	vld.idx.msk [tilespmem:v9+s24+$0x0], $0xffff;
	v9 =	vmov v14;
	(pc) =	sbr.rel @p0 .LBB2_272-.Ltmp135, $4  }
0xa0d: {  	v22 =	vsub.f32 v15, v17;
	v15 =	vld.idx.msk [tilespmem:v14+s15+$0x0], $0xffff;
	v20 =	vmul.f32 v20, v18  }
0xa0e: {  	v21 =	vmul.f32 v18, v5;
	v5 =	vmov v11;
	v11 =	vld.idx.msk [tilespmem:v14+s23+$0x0], $0xffff;
	v14 =	vor.u32 s3, v8  }
0xa0f: {  	v18 =	vmul.f32 v22, v10;
	v6 =	vadd.f32 v20, v6  }
0xa10: {  	v13 =	vadd.f32 v21, v13;
	v17 =	vmov v16;
	v16 =	vld.idx.msk [tilespmem:v19+s20+$0x0], $0xffff  }
0xa11: {  	_ =	sdelay $0x3  }
0xa12: {  	v8 =	vld.idx.msk [tilespmem:v14+s15+$0x0], $0xffff  }
0xa13: {  	v17 =	vmul.f32 v17, v4  }
0xa14: {  	v19 =	vld.idx.msk [tilespmem:v9+s22+$0x0], $0xffff  }
0xa15: {  	v15 =	vsub.f32 v15, v17;
	v4 =	vmul.f32 v16, v4  }
0xa16: {  	v58 =	vld.idx.msk [tilespmem:v14+s22+$0x0], $0xffff  }
0xa17: {  	v12 =	vadd.f32 v18, v12;
	v59 =	vld.idx.msk [tilespmem:v9+s24+$0x0], $0xffff;
	v15 =	vmul.f32 v15, v10;
	v4 =	vsub.f32 v8, v4  }
0xa18: {  	v8 =	vld.idx.msk [tilespmem:v14+s23+$0x0], $0xffff  }
0xa19: {  	v60 =	vld.idx.msk [tilespmem:v14+s24+$0x0], $0xffff;
	v5 =	vmul.f32 v12, v5;
	v15 =	vadd.f32 v15, v19;
	v4 =	vmul.f32 v4, v10  }
0xa1a: {  	v7 =	vmul.f32 v7, v12  }
0xa1b: {  	v5 =	vadd.f32 v5, v13;
	v61 =	vmul.f32 v15, v11;
	v4 =	vadd.f32 v4, v58  }
0xa1c: {  	v62 =	vld [tilespmem:$0x1AB0];
	v6 =	vadd.f32 v7, v6;
	v7 =	vmul.f32 v59, v15  }
0xa1d: {  	v63 =	vld [tilespmem:$0x1B30];
	v5 =	vadd.f32 v61, v5;
	v8 =	vmul.f32 v4, v8  }
0xa1e: {  	v6 =	vadd.f32 v7, v6;
	v7 =	vmul.f32 v60, v4  }
0xa1f: {  	s3 =	simm.s32 $0x0;
	v4 =	vadd.s32 $0xC80, v1;
	v5 =	vadd.f32 v8, v5  }
0xa20: {  	v6 =	vadd.f32 v7, v6;
	v7 =	vadd.s32 s3, v4  }
0xa21: {  	v5 =	vsub.f32 v5, v62  }
0xa22: {  	v6 =	vsub.f32 v6, v63  }
0xa23: {  	[tilespmem:$0x131B0] =	vst v5  }
0xa24: {  	s3 =	simm.s32 $0x1;
	[tilespmem:$0x13230] =	vst v6  }
0xa25: {  	v6 =	vld.idx.msk [tilespmem:v7+s2+$0x0], $0xffff;
	v7 =	vadd.s32 s3, v4  }
0xa26: {  	s17 =	simm.s32 $0x2;
	v5 =	vimm.f32 $0.0e+00  }
.LBB2_274:
0xa27: {  	p0 =	sne.s32 s17, $0x31  }
.Ltmp136:
0xa28: {  	_ = 	snop;
	(pc) =	sbr.rel @p0 .LBB2_274-.Ltmp136, $4  }
0xa29: {  	_ = 	snop  }
0xa2a: {  	s3 =	smov.u32 s17;
	s17 =	sadd.s32 $0x1, s17;
	vm0 =	veq.s32 v6, $0x0;
	v6 =	vld.idx.msk [tilespmem:v7+s2+$0x0], $0xffff  }
0xa2b: {  	v7 =	vadd.s32 s3, v4;
	v8 =	vsel vm0, $0x3F800000, v2  }
0xa2c: {  	v5 =	vadd.f32 v8, v5  }
0xa2d: {  	_ =	sdelay $0x3  }
0xa2e: {  	v4 =	vld.idx.msk [tilespmem:v7+s2+$0x0], $0xffff;
	_ =	sdelay $0x2  }
0xa2f: {  	vm0 =	veq.s32 v6, $0x0  }
0xa30: {  	v6 =	vsel vm0, $0x3F800000, v2  }
0xa31: {  	v5 =	vadd.f32 v6, v5;
	vm15 =	veq.s32 v4, $0x0  }
0xa32: {  	v4 =	vsel vm15, $0x3F800000, v2  }
0xa33: {  	v4 =	vadd.f32 v4, v5  }
0xa34: {  	s3 =	simm.s32 $0x0  }
0xa35: {  	v6 =	vmov s3;
	v5 =	vsub.f32 $5.000000000e+01, v4  }
0xa36: {  	v8 =	vor.u32 $0x1000, v3  }
0xa37: {  	v7 =	vor.u32 s3, v8;
	v5 =	vadd.f32 $9.999999710e-10, v5  }
0xa38: {  	s17 =	simm.s32 $0x1  }
0xa39: {  	v10 =	vmov s17;
	(erf) = vrcp.f32 v5  }
0xa3a: {  	v6 =	vld.idx.msk [tilespmem:v6+s20+$0x0], $0xffff;
	_ =	sdelay $0x1  }
0xa3b: {  	v11 =	vld.idx.msk [tilespmem:v7+s15+$0x0], $0xffff  }
0xa3c: {  	v9 =	vor.u32 s17, v8  }
0xa3d: {  	s3 =	simm.s32 $0x2;
	v17 =	vld.idx.msk [tilespmem:v10+s20+$0x0], $0xffff  }
0xa3e: {  	v13 =	vmov s3;
	v12 =	vld.idx.msk [tilespmem:v7+s22+$0x0], $0xffff;
	v6 =	vmul.f32 v6, v4  }
0xa3f: {  	v5 =	vld.idx.msk [tilespmem:v7+s23+$0x0], $0xffff  }
0xa40: {  	v7 =	vld.idx.msk [tilespmem:v7+s24+$0x0], $0xffff;
	v16 =	vsub.f32 v11, v6  }
0xa41: {  	v15 =	vld.idx.msk [tilespmem:v9+s15+$0x0], $0xffff;
	v10 =	vpop (erf)  }
0xa42: {  	v11 =	vld.idx.msk [tilespmem:v9+s23+$0x0], $0xffff;
	v18 =	vmul.f32 v16, v10  }
0xa43: {  	s17 =	simm.s32 $0x3;
	v14 =	vor.u32 s3, v8;
	v6 =	vimm.f32 $0.0e+00;
	v16 =	vld.idx.msk [tilespmem:v13+s20+$0x0], $0xffff;
	v13 =	vimm.f32 $0.0e+00  }
.LBB2_276:
0xa44: {  	v19 =	vmov s17;
	v17 =	vmul.f32 v17, v4;
	v18 =	vadd.f32 v18, v12;
	v12 =	vld.idx.msk [tilespmem:v9+s22+$0x0], $0xffff;
	s3 =	smov.u32 s17;
	p0 =	sne.s32 s17, $0x3F  }
.Ltmp137:
0xa45: {  	s17 =	sadd.s32 $0x1, s17;
	v20 =	vmov v7;
	v7 =	vld.idx.msk [tilespmem:v9+s24+$0x0], $0xffff;
	v9 =	vmov v14;
	(pc) =	sbr.rel @p0 .LBB2_276-.Ltmp137, $4  }
0xa46: {  	v22 =	vsub.f32 v15, v17;
	v15 =	vld.idx.msk [tilespmem:v14+s15+$0x0], $0xffff;
	v20 =	vmul.f32 v20, v18  }
0xa47: {  	v21 =	vmul.f32 v18, v5;
	v5 =	vmov v11;
	v11 =	vld.idx.msk [tilespmem:v14+s23+$0x0], $0xffff;
	v14 =	vor.u32 s3, v8  }
0xa48: {  	v18 =	vmul.f32 v22, v10;
	v6 =	vadd.f32 v20, v6  }
0xa49: {  	v13 =	vadd.f32 v21, v13;
	v17 =	vmov v16;
	v16 =	vld.idx.msk [tilespmem:v19+s20+$0x0], $0xffff  }
0xa4a: {  	_ =	sdelay $0x3  }
0xa4b: {  	v8 =	vld.idx.msk [tilespmem:v14+s15+$0x0], $0xffff  }
0xa4c: {  	v17 =	vmul.f32 v17, v4  }
0xa4d: {  	v19 =	vld.idx.msk [tilespmem:v9+s22+$0x0], $0xffff  }
0xa4e: {  	v15 =	vsub.f32 v15, v17;
	v4 =	vmul.f32 v16, v4  }
0xa4f: {  	v58 =	vld.idx.msk [tilespmem:v14+s22+$0x0], $0xffff  }
0xa50: {  	v12 =	vadd.f32 v18, v12;
	v59 =	vld.idx.msk [tilespmem:v9+s24+$0x0], $0xffff;
	v15 =	vmul.f32 v15, v10;
	v4 =	vsub.f32 v8, v4  }
0xa51: {  	v8 =	vld.idx.msk [tilespmem:v14+s23+$0x0], $0xffff  }
0xa52: {  	v60 =	vld.idx.msk [tilespmem:v14+s24+$0x0], $0xffff;
	v5 =	vmul.f32 v12, v5;
	v15 =	vadd.f32 v15, v19;
	v4 =	vmul.f32 v4, v10  }
0xa53: {  	v7 =	vmul.f32 v7, v12  }
0xa54: {  	v5 =	vadd.f32 v5, v13;
	v61 =	vmul.f32 v15, v11;
	v4 =	vadd.f32 v4, v58  }
0xa55: {  	v62 =	vld [tilespmem:$0x1AC0];
	v6 =	vadd.f32 v7, v6;
	v7 =	vmul.f32 v59, v15  }
0xa56: {  	v63 =	vld [tilespmem:$0x1B40];
	v5 =	vadd.f32 v61, v5;
	v8 =	vmul.f32 v4, v8  }
0xa57: {  	v6 =	vadd.f32 v7, v6;
	v7 =	vmul.f32 v60, v4  }
0xa58: {  	s3 =	simm.s32 $0x0;
	v4 =	vadd.s32 $0xFA0, v1;
	v5 =	vadd.f32 v8, v5  }
0xa59: {  	v6 =	vadd.f32 v7, v6;
	v7 =	vadd.s32 s3, v4  }
0xa5a: {  	v5 =	vsub.f32 v5, v62  }
0xa5b: {  	v6 =	vsub.f32 v6, v63  }
0xa5c: {  	[tilespmem:$0x131C0] =	vst v5  }
0xa5d: {  	s3 =	simm.s32 $0x1;
	[tilespmem:$0x13240] =	vst v6  }
0xa5e: {  	v6 =	vld.idx.msk [tilespmem:v7+s2+$0x0], $0xffff;
	v7 =	vadd.s32 s3, v4  }
0xa5f: {  	s17 =	simm.s32 $0x2;
	v5 =	vimm.f32 $0.0e+00  }
.LBB2_278:
0xa60: {  	p0 =	sne.s32 s17, $0x31  }
.Ltmp138:
0xa61: {  	_ = 	snop;
	(pc) =	sbr.rel @p0 .LBB2_278-.Ltmp138, $4  }
0xa62: {  	_ = 	snop  }
0xa63: {  	s3 =	smov.u32 s17;
	s17 =	sadd.s32 $0x1, s17;
	vm0 =	veq.s32 v6, $0x0;
	v6 =	vld.idx.msk [tilespmem:v7+s2+$0x0], $0xffff  }
0xa64: {  	v7 =	vadd.s32 s3, v4;
	v8 =	vsel vm0, $0x3F800000, v2  }
0xa65: {  	v5 =	vadd.f32 v8, v5  }
0xa66: {  	_ =	sdelay $0x3  }
0xa67: {  	v4 =	vld.idx.msk [tilespmem:v7+s2+$0x0], $0xffff;
	_ =	sdelay $0x2  }
0xa68: {  	vm0 =	veq.s32 v6, $0x0  }
0xa69: {  	v6 =	vsel vm0, $0x3F800000, v2  }
0xa6a: {  	v5 =	vadd.f32 v6, v5;
	vm15 =	veq.s32 v4, $0x0  }
0xa6b: {  	v4 =	vsel vm15, $0x3F800000, v2  }
0xa6c: {  	v4 =	vadd.f32 v4, v5  }
0xa6d: {  	s3 =	simm.s32 $0x0  }
0xa6e: {  	v6 =	vmov s3;
	v5 =	vsub.f32 $5.000000000e+01, v4  }
0xa6f: {  	v8 =	vor.u32 $0x1400, v3  }
0xa70: {  	v7 =	vor.u32 s3, v8;
	v5 =	vadd.f32 $9.999999710e-10, v5  }
0xa71: {  	s17 =	simm.s32 $0x1  }
0xa72: {  	v10 =	vmov s17;
	(erf) = vrcp.f32 v5  }
0xa73: {  	v6 =	vld.idx.msk [tilespmem:v6+s20+$0x0], $0xffff;
	_ =	sdelay $0x1  }
0xa74: {  	v11 =	vld.idx.msk [tilespmem:v7+s15+$0x0], $0xffff  }
0xa75: {  	v9 =	vor.u32 s17, v8  }
0xa76: {  	s3 =	simm.s32 $0x2;
	v17 =	vld.idx.msk [tilespmem:v10+s20+$0x0], $0xffff  }
0xa77: {  	v13 =	vmov s3;
	v12 =	vld.idx.msk [tilespmem:v7+s22+$0x0], $0xffff;
	v6 =	vmul.f32 v6, v4  }
0xa78: {  	v5 =	vld.idx.msk [tilespmem:v7+s23+$0x0], $0xffff  }
0xa79: {  	v7 =	vld.idx.msk [tilespmem:v7+s24+$0x0], $0xffff;
	v16 =	vsub.f32 v11, v6  }
0xa7a: {  	v15 =	vld.idx.msk [tilespmem:v9+s15+$0x0], $0xffff;
	v10 =	vpop (erf)  }
0xa7b: {  	v11 =	vld.idx.msk [tilespmem:v9+s23+$0x0], $0xffff;
	v18 =	vmul.f32 v16, v10  }
0xa7c: {  	s17 =	simm.s32 $0x3;
	v14 =	vor.u32 s3, v8;
	v6 =	vimm.f32 $0.0e+00;
	v16 =	vld.idx.msk [tilespmem:v13+s20+$0x0], $0xffff;
	v13 =	vimm.f32 $0.0e+00  }
.LBB2_280:
0xa7d: {  	v19 =	vmov s17;
	v17 =	vmul.f32 v17, v4;
	v18 =	vadd.f32 v18, v12;
	v12 =	vld.idx.msk [tilespmem:v9+s22+$0x0], $0xffff;
	s3 =	smov.u32 s17;
	p0 =	sne.s32 s17, $0x3F  }
.Ltmp139:
0xa7e: {  	s17 =	sadd.s32 $0x1, s17;
	v20 =	vmov v7;
	v7 =	vld.idx.msk [tilespmem:v9+s24+$0x0], $0xffff;
	v9 =	vmov v14;
	(pc) =	sbr.rel @p0 .LBB2_280-.Ltmp139, $4  }
0xa7f: {  	v22 =	vsub.f32 v15, v17;
	v15 =	vld.idx.msk [tilespmem:v14+s15+$0x0], $0xffff;
	v20 =	vmul.f32 v20, v18  }
0xa80: {  	v21 =	vmul.f32 v18, v5;
	v5 =	vmov v11;
	v11 =	vld.idx.msk [tilespmem:v14+s23+$0x0], $0xffff;
	v14 =	vor.u32 s3, v8  }
0xa81: {  	v18 =	vmul.f32 v22, v10;
	v6 =	vadd.f32 v20, v6  }
0xa82: {  	v13 =	vadd.f32 v21, v13;
	v17 =	vmov v16;
	v16 =	vld.idx.msk [tilespmem:v19+s20+$0x0], $0xffff  }
0xa83: {  	_ =	sdelay $0x3  }
0xa84: {  	v8 =	vld.idx.msk [tilespmem:v14+s15+$0x0], $0xffff  }
0xa85: {  	v17 =	vmul.f32 v17, v4  }
0xa86: {  	v19 =	vld.idx.msk [tilespmem:v9+s22+$0x0], $0xffff  }
0xa87: {  	v15 =	vsub.f32 v15, v17;
	v4 =	vmul.f32 v16, v4  }
0xa88: {  	v58 =	vld.idx.msk [tilespmem:v14+s22+$0x0], $0xffff  }
0xa89: {  	v12 =	vadd.f32 v18, v12;
	v59 =	vld.idx.msk [tilespmem:v9+s24+$0x0], $0xffff;
	v15 =	vmul.f32 v15, v10;
	v4 =	vsub.f32 v8, v4  }
0xa8a: {  	v8 =	vld.idx.msk [tilespmem:v14+s23+$0x0], $0xffff  }
0xa8b: {  	v60 =	vld.idx.msk [tilespmem:v14+s24+$0x0], $0xffff;
	v5 =	vmul.f32 v12, v5;
	v15 =	vadd.f32 v15, v19;
	v4 =	vmul.f32 v4, v10  }
0xa8c: {  	v7 =	vmul.f32 v7, v12  }
0xa8d: {  	v5 =	vadd.f32 v5, v13;
	v61 =	vmul.f32 v15, v11;
	v4 =	vadd.f32 v4, v58  }
0xa8e: {  	v62 =	vld [tilespmem:$0x1AD0];
	v6 =	vadd.f32 v7, v6;
	v7 =	vmul.f32 v59, v15  }
0xa8f: {  	v63 =	vld [tilespmem:$0x1B50];
	v5 =	vadd.f32 v61, v5;
	v8 =	vmul.f32 v4, v8  }
0xa90: {  	v6 =	vadd.f32 v7, v6;
	v7 =	vmul.f32 v60, v4  }
0xa91: {  	s3 =	simm.s32 $0x0;
	v4 =	vadd.s32 $0x12C0, v1;
	v5 =	vadd.f32 v8, v5  }
0xa92: {  	v6 =	vadd.f32 v7, v6;
	v7 =	vadd.s32 s3, v4  }
0xa93: {  	v5 =	vsub.f32 v5, v62  }
0xa94: {  	v6 =	vsub.f32 v6, v63  }
0xa95: {  	[tilespmem:$0x131D0] =	vst v5  }
0xa96: {  	s3 =	simm.s32 $0x1;
	[tilespmem:$0x13250] =	vst v6  }
0xa97: {  	v6 =	vld.idx.msk [tilespmem:v7+s2+$0x0], $0xffff;
	v7 =	vadd.s32 s3, v4  }
0xa98: {  	s17 =	simm.s32 $0x2;
	v5 =	vimm.f32 $0.0e+00  }
.LBB2_282:
0xa99: {  	p0 =	sne.s32 s17, $0x31  }
.Ltmp140:
0xa9a: {  	_ = 	snop;
	(pc) =	sbr.rel @p0 .LBB2_282-.Ltmp140, $4  }
0xa9b: {  	_ = 	snop  }
0xa9c: {  	s3 =	smov.u32 s17;
	s17 =	sadd.s32 $0x1, s17;
	vm0 =	veq.s32 v6, $0x0;
	v6 =	vld.idx.msk [tilespmem:v7+s2+$0x0], $0xffff  }
0xa9d: {  	v7 =	vadd.s32 s3, v4;
	v8 =	vsel vm0, $0x3F800000, v2  }
0xa9e: {  	v5 =	vadd.f32 v8, v5  }
0xa9f: {  	_ =	sdelay $0x3  }
0xaa0: {  	v4 =	vld.idx.msk [tilespmem:v7+s2+$0x0], $0xffff;
	_ =	sdelay $0x2  }
0xaa1: {  	vm0 =	veq.s32 v6, $0x0  }
0xaa2: {  	v6 =	vsel vm0, $0x3F800000, v2  }
0xaa3: {  	v5 =	vadd.f32 v6, v5;
	vm15 =	veq.s32 v4, $0x0  }
0xaa4: {  	v4 =	vsel vm15, $0x3F800000, v2  }
0xaa5: {  	v4 =	vadd.f32 v4, v5  }
0xaa6: {  	s3 =	simm.s32 $0x0  }
0xaa7: {  	v6 =	vmov s3;
	v5 =	vsub.f32 $5.000000000e+01, v4  }
0xaa8: {  	v8 =	vor.u32 $0x1800, v3  }
0xaa9: {  	v7 =	vor.u32 s3, v8;
	v5 =	vadd.f32 $9.999999710e-10, v5  }
0xaaa: {  	s17 =	simm.s32 $0x1  }
0xaab: {  	v10 =	vmov s17;
	(erf) = vrcp.f32 v5  }
0xaac: {  	v6 =	vld.idx.msk [tilespmem:v6+s20+$0x0], $0xffff;
	_ =	sdelay $0x1  }
0xaad: {  	v11 =	vld.idx.msk [tilespmem:v7+s15+$0x0], $0xffff  }
0xaae: {  	v9 =	vor.u32 s17, v8  }
0xaaf: {  	s3 =	simm.s32 $0x2;
	v17 =	vld.idx.msk [tilespmem:v10+s20+$0x0], $0xffff  }
0xab0: {  	v13 =	vmov s3;
	v12 =	vld.idx.msk [tilespmem:v7+s22+$0x0], $0xffff;
	v6 =	vmul.f32 v6, v4  }
0xab1: {  	v5 =	vld.idx.msk [tilespmem:v7+s23+$0x0], $0xffff  }
0xab2: {  	v7 =	vld.idx.msk [tilespmem:v7+s24+$0x0], $0xffff;
	v16 =	vsub.f32 v11, v6  }
0xab3: {  	v15 =	vld.idx.msk [tilespmem:v9+s15+$0x0], $0xffff;
	v10 =	vpop (erf)  }
0xab4: {  	v11 =	vld.idx.msk [tilespmem:v9+s23+$0x0], $0xffff;
	v18 =	vmul.f32 v16, v10  }
0xab5: {  	s17 =	simm.s32 $0x3;
	v14 =	vor.u32 s3, v8;
	v6 =	vimm.f32 $0.0e+00;
	v16 =	vld.idx.msk [tilespmem:v13+s20+$0x0], $0xffff;
	v13 =	vimm.f32 $0.0e+00  }
.LBB2_284:
0xab6: {  	v19 =	vmov s17;
	v17 =	vmul.f32 v17, v4;
	v18 =	vadd.f32 v18, v12;
	v12 =	vld.idx.msk [tilespmem:v9+s22+$0x0], $0xffff;
	s3 =	smov.u32 s17;
	p0 =	sne.s32 s17, $0x3F  }
.Ltmp141:
0xab7: {  	s17 =	sadd.s32 $0x1, s17;
	v20 =	vmov v7;
	v7 =	vld.idx.msk [tilespmem:v9+s24+$0x0], $0xffff;
	v9 =	vmov v14;
	(pc) =	sbr.rel @p0 .LBB2_284-.Ltmp141, $4  }
0xab8: {  	v22 =	vsub.f32 v15, v17;
	v15 =	vld.idx.msk [tilespmem:v14+s15+$0x0], $0xffff;
	v20 =	vmul.f32 v20, v18  }
0xab9: {  	v21 =	vmul.f32 v18, v5;
	v5 =	vmov v11;
	v11 =	vld.idx.msk [tilespmem:v14+s23+$0x0], $0xffff;
	v14 =	vor.u32 s3, v8  }
0xaba: {  	v18 =	vmul.f32 v22, v10;
	v6 =	vadd.f32 v20, v6  }
0xabb: {  	v13 =	vadd.f32 v21, v13;
	v17 =	vmov v16;
	v16 =	vld.idx.msk [tilespmem:v19+s20+$0x0], $0xffff  }
0xabc: {  	_ =	sdelay $0x3  }
0xabd: {  	v8 =	vld.idx.msk [tilespmem:v14+s15+$0x0], $0xffff  }
0xabe: {  	v17 =	vmul.f32 v17, v4  }
0xabf: {  	v19 =	vld.idx.msk [tilespmem:v9+s22+$0x0], $0xffff  }
0xac0: {  	v15 =	vsub.f32 v15, v17;
	v4 =	vmul.f32 v16, v4  }
0xac1: {  	v58 =	vld.idx.msk [tilespmem:v14+s22+$0x0], $0xffff  }
0xac2: {  	v12 =	vadd.f32 v18, v12;
	v59 =	vld.idx.msk [tilespmem:v9+s24+$0x0], $0xffff;
	v15 =	vmul.f32 v15, v10;
	v4 =	vsub.f32 v8, v4  }
0xac3: {  	v8 =	vld.idx.msk [tilespmem:v14+s23+$0x0], $0xffff  }
0xac4: {  	v60 =	vld.idx.msk [tilespmem:v14+s24+$0x0], $0xffff;
	v5 =	vmul.f32 v12, v5;
	v15 =	vadd.f32 v15, v19;
	v4 =	vmul.f32 v4, v10  }
0xac5: {  	v7 =	vmul.f32 v7, v12  }
0xac6: {  	v5 =	vadd.f32 v5, v13;
	v61 =	vmul.f32 v15, v11;
	v4 =	vadd.f32 v4, v58  }
0xac7: {  	v62 =	vld [tilespmem:$0x1AE0];
	v6 =	vadd.f32 v7, v6;
	v7 =	vmul.f32 v59, v15  }
0xac8: {  	v63 =	vld [tilespmem:$0x1B60];
	v5 =	vadd.f32 v61, v5;
	v8 =	vmul.f32 v4, v8  }
0xac9: {  	v6 =	vadd.f32 v7, v6;
	v7 =	vmul.f32 v60, v4  }
0xaca: {  	s3 =	simm.s32 $0x0;
	v4 =	vadd.s32 $0x15E0, v1;
	v5 =	vadd.f32 v8, v5  }
0xacb: {  	v6 =	vadd.f32 v7, v6;
	v7 =	vadd.s32 s3, v4  }
0xacc: {  	v5 =	vsub.f32 v5, v62  }
0xacd: {  	v6 =	vsub.f32 v6, v63  }
0xace: {  	[tilespmem:$0x131E0] =	vst v5  }
0xacf: {  	s3 =	simm.s32 $0x1;
	[tilespmem:$0x13260] =	vst v6  }
0xad0: {  	v6 =	vld.idx.msk [tilespmem:v7+s2+$0x0], $0xffff;
	v7 =	vadd.s32 s3, v4  }
0xad1: {  	s17 =	simm.s32 $0x2;
	v5 =	vimm.f32 $0.0e+00  }
.LBB2_286:
0xad2: {  	p0 =	sne.s32 s17, $0x31  }
.Ltmp142:
0xad3: {  	_ = 	snop;
	(pc) =	sbr.rel @p0 .LBB2_286-.Ltmp142, $4  }
0xad4: {  	_ = 	snop  }
0xad5: {  	s3 =	smov.u32 s17;
	s17 =	sadd.s32 $0x1, s17;
	vm0 =	veq.s32 v6, $0x0;
	v6 =	vld.idx.msk [tilespmem:v7+s2+$0x0], $0xffff  }
0xad6: {  	v7 =	vadd.s32 s3, v4;
	v8 =	vsel vm0, $0x3F800000, v2  }
0xad7: {  	v5 =	vadd.f32 v8, v5  }
0xad8: {  	_ =	sdelay $0x3  }
0xad9: {  	v4 =	vld.idx.msk [tilespmem:v7+s2+$0x0], $0xffff;
	_ =	sdelay $0x2  }
0xada: {  	vm0 =	veq.s32 v6, $0x0  }
0xadb: {  	v6 =	vsel vm0, $0x3F800000, v2  }
0xadc: {  	v5 =	vadd.f32 v6, v5;
	vm15 =	veq.s32 v4, $0x0  }
0xadd: {  	v4 =	vsel vm15, $0x3F800000, v2  }
0xade: {  	s3 =	simm.s32 $0x0;
	v4 =	vadd.f32 v4, v5  }
0xadf: {  	v6 =	vmov s3  }
0xae0: {  	v5 =	vsub.f32 $5.000000000e+01, v4  }
0xae1: {  	v7 =	vor.u32 $0x1C00, v3  }
0xae2: {  	v3 =	vadd.f32 $9.999999710e-10, v5;
	v5 =	vor.u32 s3, v7  }
0xae3: {  	s17 =	simm.s32 $0x1  }
0xae4: {  	v9 =	vmov s17;
	v6 =	vld.idx.msk [tilespmem:v6+s20+$0x0], $0xffff;
	(erf) = vrcp.f32 v3  }
0xae5: {  	v8 =	vor.u32 s17, v7;
	_ =	sdelay $0x1  }
0xae6: {  	v10 =	vld.idx.msk [tilespmem:v5+s15+$0x0], $0xffff;
	_ =	sdelay $0x1  }
0xae7: {  	v16 =	vld.idx.msk [tilespmem:v9+s20+$0x0], $0xffff;
	s3 =	simm.s32 $0x2;
	v9 =	vmul.f32 v6, v4  }
0xae8: {  	v14 =	vld.idx.msk [tilespmem:v8+s15+$0x0], $0xffff;
	v12 =	vmov s3  }
0xae9: {  	v11 =	vld.idx.msk [tilespmem:v5+s22+$0x0], $0xffff  }
0xaea: {  	v6 =	vld.idx.msk [tilespmem:v5+s24+$0x0], $0xffff;
	v15 =	vsub.f32 v10, v9  }
0xaeb: {  	v3 =	vld.idx.msk [tilespmem:v5+s23+$0x0], $0xffff;
	v9 =	vpop (erf)  }
0xaec: {  	v10 =	vld.idx.msk [tilespmem:v8+s23+$0x0], $0xffff;
	v17 =	vmul.f32 v15, v9  }
0xaed: {  	s17 =	simm.s32 $0x3;
	v13 =	vor.u32 s3, v7;
	v5 =	vimm.f32 $0.0e+00;
	v15 =	vld.idx.msk [tilespmem:v12+s20+$0x0], $0xffff;
	v12 =	vimm.f32 $0.0e+00  }
.LBB2_288:
0xaee: {  	v18 =	vmov s17;
	v16 =	vmul.f32 v16, v4;
	v17 =	vadd.f32 v17, v11;
	v11 =	vld.idx.msk [tilespmem:v8+s22+$0x0], $0xffff;
	s3 =	smov.u32 s17;
	p0 =	sne.s32 s17, $0x3F  }
.Ltmp143:
0xaef: {  	s17 =	sadd.s32 $0x1, s17;
	v19 =	vmov v6;
	v6 =	vld.idx.msk [tilespmem:v8+s24+$0x0], $0xffff;
	v8 =	vmov v13;
	(pc) =	sbr.rel @p0 .LBB2_288-.Ltmp143, $4  }
0xaf0: {  	v21 =	vsub.f32 v14, v16;
	v14 =	vld.idx.msk [tilespmem:v13+s15+$0x0], $0xffff;
	v19 =	vmul.f32 v19, v17  }
0xaf1: {  	v20 =	vmul.f32 v17, v3;
	v3 =	vmov v10;
	v10 =	vld.idx.msk [tilespmem:v13+s23+$0x0], $0xffff;
	v13 =	vor.u32 s3, v7  }
0xaf2: {  	v17 =	vmul.f32 v21, v9;
	v5 =	vadd.f32 v19, v5  }
0xaf3: {  	v12 =	vadd.f32 v20, v12;
	v16 =	vmov v15;
	v15 =	vld.idx.msk [tilespmem:v18+s20+$0x0], $0xffff  }
0xaf4: {  	_ =	sdelay $0x3  }
0xaf5: {  	v7 =	vld.idx.msk [tilespmem:v13+s15+$0x0], $0xffff  }
0xaf6: {  	v16 =	vmul.f32 v16, v4  }
0xaf7: {  	v18 =	vld.idx.msk [tilespmem:v8+s22+$0x0], $0xffff  }
0xaf8: {  	v14 =	vsub.f32 v14, v16;
	v55 =	vmul.f32 v15, v4  }
0xaf9: {  	v56 =	vld.idx.msk [tilespmem:v13+s22+$0x0], $0xffff  }
0xafa: {  	v11 =	vadd.f32 v17, v11;
	v57 =	vld.idx.msk [tilespmem:v8+s24+$0x0], $0xffff;
	v14 =	vmul.f32 v14, v9;
	v4 =	vsub.f32 v7, v55  }
0xafb: {  	v58 =	vld.idx.msk [tilespmem:v13+s23+$0x0], $0xffff  }
0xafc: {  	v59 =	vld.idx.msk [tilespmem:v13+s24+$0x0], $0xffff;
	v3 =	vmul.f32 v11, v3;
	v14 =	vadd.f32 v14, v18;
	v4 =	vmul.f32 v4, v9  }
0xafd: {  	v6 =	vmul.f32 v6, v11  }
0xafe: {  	v3 =	vadd.f32 v3, v12;
	v60 =	vmul.f32 v14, v10;
	v4 =	vadd.f32 v4, v56  }
0xaff: {  	v62 =	vld [tilespmem:$0x1AF0];
	v5 =	vadd.f32 v6, v5;
	v61 =	vmul.f32 v57, v14  }
0xb00: {  	v63 =	vld [tilespmem:$0x1B70];
	v3 =	vadd.f32 v60, v3;
	v7 =	vmul.f32 v4, v58  }
0xb01: {  	v5 =	vadd.f32 v61, v5;
	v4 =	vmul.f32 v59, v4  }
0xb02: {  	v3 =	vadd.f32 v7, v3  }
0xb03: {  	v4 =	vadd.f32 v4, v5  }
0xb04: {  	v3 =	vsub.f32 v3, v62  }
0xb05: {  	v4 =	vsub.f32 v4, v63  }
0xb06: {  	[tilespmem:$0x131F0] =	vst v3  }
0xb07: {  	s3 =	simm.s32 $0x13180;
	[tilespmem:$0x13270] =	vst v4  }
0xb08: {  	[hbm4b:s11+s2] =	stream.linear.scatter [tilespmem:s3], [sflag:$0x7], $0x80, $0x38;
	[tilespmem:$0x132C0] =	vst v63  }
0xb09: {  	s16 =	sadd.s32 $0x1, s16;
	_ =	swait.ge [sflag:s14], $0x80  }
0xb0a: {  	p0 =	sne.s32 s16, s13;
	[sflag:s14] =	ssyncset.done $0x0  }
.Ltmp144:
0xb0b: {  	s17 =	simm.s32 $0x13200;
	[sflag:s14] =	ssyncadd.s32 $0xFFFFFF80;
	(pc) =	sbr.rel @p0 .LBB2_1-.Ltmp144, $4  }
0xb0c: {  	[hbm4b:s12+s2] =	stream.linear.scatter [tilespmem:s17], [sflag:$0x7], $0x80, $0x38;
	[tilespmem:$0x132C0] =	vst v63  }
0xb0d: {  	_ =	swait.ge [sflag:s14], $0x80  }
0xb0e: {  	[sflag:s14] =	ssyncset.done $0x0  }
0xb0f: {  	[sflag:s14] =	ssyncadd.s32 $0xFFFFFF80  }
0xb10: {  	_ =	sfence.sel $0x180000  }
0xb11: {  	[bflag:$0x0] =	sbarrier.arrive $0xFFFF  }
0xb12: {  	_ =	strace $0x90000047  }
0xb13: {  	s0 =	stileid.u32;
	[bflag:$0x2] =	sbarrier.arrive $0xFFFF  }
0xb14: {  	p0 =	sne.s32 s0, $0x0;
	s0 =	rddreg [dreg:$0x8]  }
0xb15: {  	s0 =	sadd.s32 @!p0 $0x100000, s0  }
0xb16: {  	[sflag:s0] =	ssyncadd.tile.s32 @!p0 $0x1;
	_ =	shalt  }
.Lfunc_end2:
_tile_overlayer_lowered:
.L_overlay_start_2:
0xb17: {  	(tag) =	ssettag $0x2  }
0xb18: {  	s0 =	rddreg [dreg:$0x0];
	s2 =	stileid.u32  }
0xb19: {  	s1 =	rddreg [dreg:$0x1];
	p0 =	sne.s32 s2, $0x0  }
0xb1a: {  	s3 =	rddreg [dreg:$0x2];
	[bflag:$0x3] =	sbarrier.arrive $0xFFFF;
	s2 =	simm.s32 @!p0 $0x1C07  }
0xb1b: {  	[timem:s3], [sflag:s2] =	dma.local @!p0 [hbm:s0], s1  }
0xb1c: {  	s0 =	simm.s32 @!p0 $0x7  }
0xb1d: {  	_ =	swait.ge @!p0 [sflag:s0], s1  }
0xb1e: {  	s1 =	ssub.s32 @!p0 $0x0, s1;
	[sflag:s0] =	ssyncset.done @!p0 $0x0  }
0xb1f: {  	[sflag:s0] =	ssyncadd.s32 @!p0 s1  }
0xb20: {  	[bflag:$0x3] =	sbarrier.arrive $0xFFFF  }
0xb21: {  	_ =	shalt  }

</sc_bundles>
